<compile_context>
chip_gen: v7x
topology: tpu7x:2x2x1
jax: 0.10.2.dev20260603
libtpu: 0.0.44.dev20260713+nightly
codegen_flags: <defaults>
</compile_context>

<pallas_src>
import functools
import jax
import jax.numpy as jnp
from jax import lax
from jax.experimental import pallas as pl
from jax.experimental.pallas import tpu as pltpu
from jax.experimental.pallas import tpu_sc as plsc

N = 10000
NP = 10240
E = 320000
D = 128
DE = 16
T = 16
H = 128
NC, NS = 2, 16
C = 80
ROWS = E // C
RPW1 = ROWS // (NC * NS)
RPW = ROWS // NS
IB = 50
NB = RPW // IB
STRIPE = NP // NS
C1 = 100
R1 = (E // (NC * NS)) // C1
F32 = jnp.float32

_SC_PARAMS = pltpu.CompilerParams(use_tc_tiling_on_sc=False)


def _mesh():
    return plsc.VectorSubcoreMesh(core_axis_name="c", subcore_axis_name="s")


def _sc_small_segsums(te1, te2, efeat, idx1, z16, ones16):
    out_t = jax.ShapeDtypeStruct((2, NP, NC * 4 * DE), F32)
    scratch = [pltpu.VMEM_SHARED((NP, DE), F32) for _ in range(8)]
    scratch += [
        pltpu.VMEM((R1, C1), jnp.int32),
        pltpu.VMEM((R1, C1), jnp.int32),
        pltpu.VMEM((C1, DE), F32),
    ]
    scratch += [pltpu.VMEM((C1, DE), F32) for _ in range(6)]
    scratch += [pltpu.SemaphoreType.DMA for _ in range(8)]

    @functools.partial(pl.kernel, out_type=out_t, mesh=_mesh(),
                       scratch_types=scratch, compiler_params=_SC_PARAMS)
    def k(te1_h, te2_h, ef_h, idx_h, z_h, ones_h, out_h,
          a_efd, a_t1d, a_t2d, a_1d, a_efs, a_t1s, a_t2s, a_1s,
          idxd_v, idxs_v, one_v,
          ef0, t10, t20, ef1, t11, t21,
          sl0a, sl0b, sl0c, sl1a, sl1b, sl1c, sc0, sc1):
        c = lax.axis_index("c")
        s = lax.axis_index("s")
        accs = ((a_efd, a_t1d, a_t2d, a_1d), (a_efs, a_t1s, a_t2s, a_1s))
        for g in range(2):
            for a in range(4):
                pltpu.sync_copy(z_h, accs[g][a].at[pl.ds(s * STRIPE, STRIPE)])
        pltpu.sync_copy(ones_h, one_v)
        w = c * NS + s
        pltpu.sync_copy(idx_h.at[1, w], idxd_v)
        pltpu.sync_copy(idx_h.at[0, w], idxs_v)
        plsc.subcore_barrier()

        bufs = ((ef0, t10, t20), (ef1, t11, t21))
        lsems = ((sl0a, sl0b, sl0c), (sl1a, sl1b, sl1c))
        ssems = (sc0, sc1)

        def start_loads(j, slot):
            erow = (w * R1 + j) * C1
            b, sm = bufs[slot], lsems[slot]
            pltpu.make_async_copy(ef_h.at[pl.ds(erow, C1)], b[0], sm[0]).start()
            pltpu.make_async_copy(te1_h.at[pl.ds(erow, C1)], b[1], sm[1]).start()
            pltpu.make_async_copy(te2_h.at[pl.ds(erow, C1)], b[2], sm[2]).start()

        def wait_loads(slot):
            b, sm = bufs[slot], lsems[slot]
            for i in range(3):
                pltpu.make_async_copy(ef_h.at[pl.ds(0, C1)], b[i], sm[i]).wait()

        def start_scats(j, slot):
            b = bufs[slot]
            sm = ssems[slot]
            vd, vs = idxd_v.at[j], idxs_v.at[j]
            for val, acc_pair in ((b[0], (a_efd, a_efs)),
                                  (b[1], (a_t1d, a_t1s)),
                                  (b[2], (a_t2d, a_t2s)),
                                  (one_v, (a_1d, a_1s))):
                pltpu.make_async_copy(val, acc_pair[0].at[vd], sm).start(add=True)
                pltpu.make_async_copy(val, acc_pair[1].at[vs], sm).start(add=True)

        def wait_scats(slot):
            sm = ssems[slot]
            for _ in range(8):
                pltpu.make_async_copy(one_v, a_1d.at[idxd_v.at[0]], sm).wait()

        start_loads(0, 0)

        @pl.loop(0, R1 // 2)
        def _(kk):
            j0 = 2 * kk
            j1 = j0 + 1

            @pl.when(kk > 0)
            def _():
                wait_scats(1)

            start_loads(j1, 1)
            wait_loads(0)
            start_scats(j0, 0)

            @pl.when(kk < R1 // 2 - 1)
            def _():
                wait_scats(0)
                start_loads(j0 + 2, 0)

            wait_loads(1)
            start_scats(j1, 1)

        wait_scats(0)
        wait_scats(1)
        plsc.subcore_barrier()
        for g in range(2):
            for a in range(4):
                pltpu.sync_copy(
                    accs[g][a].at[pl.ds(s * STRIPE, STRIPE)],
                    out_h.at[g, pl.ds(s * STRIPE, STRIPE),
                             pl.ds((c * 4 + a) * DE, DE)])

    return k(te1, te2, efeat, idx1, z16, ones16)


def _sc_spmm(nfeat, idx2, z128):
    out_t = jax.ShapeDtypeStruct((NC, NP, D), F32)
    scratch = [
        pltpu.VMEM_SHARED((NP, D), F32),
        pltpu.VMEM((IB, C), jnp.int32),
        pltpu.VMEM((IB, C), jnp.int32),
        pltpu.VMEM((C, D), F32),
        pltpu.VMEM((C, D), F32),
        pltpu.SemaphoreType.DMA,
        pltpu.SemaphoreType.DMA,
        pltpu.SemaphoreType.DMA,
        pltpu.SemaphoreType.DMA,
    ]

    @functools.partial(pl.kernel, out_type=out_t, mesh=_mesh(),
                       scratch_types=scratch, compiler_params=_SC_PARAMS)
    def k(nf_h, idx_h, z_h, out_h, acc, gi_v, si_v, r0, r1,
          sg0, sg1, sa0, sa1):
        c = lax.axis_index("c")
        s = lax.axis_index("s")
        pltpu.sync_copy(z_h, acc.at[pl.ds(s * STRIPE, STRIPE)])
        plsc.subcore_barrier()
        rows = (r0, r1)
        sg = (sg0, sg1)
        sa = (sa0, sa1)

        def start_g(j, slot):
            pltpu.make_async_copy(nf_h.at[gi_v.at[j]], rows[slot],
                                  sg[slot]).start()

        def wait_g(slot):
            pltpu.make_async_copy(nf_h.at[gi_v.at[0]], rows[slot],
                                  sg[slot]).wait()

        def start_a(j, slot):
            pltpu.make_async_copy(rows[slot], acc.at[si_v.at[j]],
                                  sa[slot]).start(add=True)

        def wait_a(slot):
            pltpu.make_async_copy(rows[slot], acc.at[si_v.at[0]],
                                  sa[slot]).wait()

        @pl.loop(0, NB)
        def _(b):
            pltpu.sync_copy(idx_h.at[c, s, b], gi_v)
            pltpu.sync_copy(idx_h.at[1 - c, s, b], si_v)
            start_g(0, 0)

            @pl.loop(0, IB // 2)
            def _(kk):
                j0 = 2 * kk
                j1 = j0 + 1

                @pl.when(kk > 0)
                def _():
                    wait_a(1)

                start_g(j1, 1)
                wait_g(0)
                start_a(j0, 0)

                @pl.when(kk < IB // 2 - 1)
                def _():
                    wait_a(0)
                    start_g(j0 + 2, 0)

                wait_g(1)
                start_a(j1, 1)

            wait_a(0)
            wait_a(1)

        plsc.subcore_barrier()
        pltpu.sync_copy(acc.at[pl.ds(s * STRIPE, STRIPE)],
                        out_h.at[c, pl.ds(s * STRIPE, STRIPE)])

    return k(nfeat, idx2, z128)


def _sc_gather(tab, idx4):
    NSL = 10
    out_t = jax.ShapeDtypeStruct((NC, E, D), tab.dtype)
    scratch = [pltpu.VMEM((RPW, C), jnp.int32)]
    scratch += [pltpu.VMEM((C, D), tab.dtype) for _ in range(NSL)]
    scratch += [pltpu.SemaphoreType.DMA for _ in range(2 * NSL)]

    @functools.partial(pl.kernel, out_type=out_t, mesh=_mesh(),
                       scratch_types=scratch, compiler_params=_SC_PARAMS)
    def k(tab_h, idx_h, out_h, gi_v, *bufs_sems):
        rows = bufs_sems[:NSL]
        sg = bufs_sems[NSL:2 * NSL]
        so = bufs_sems[2 * NSL:]
        c = lax.axis_index("c")
        s = lax.axis_index("s")
        pltpu.sync_copy(idx_h.at[c, s], gi_v)
        for b in range(NSL):
            pltpu.make_async_copy(tab_h.at[c].at[gi_v.at[b]], rows[b],
                                  sg[b]).start()

        @pl.loop(0, RPW // NSL)
        def _(kk):
            for b in range(NSL):
                j = NSL * kk + b
                pltpu.make_async_copy(tab_h.at[c].at[gi_v.at[0]], rows[b],
                                      sg[b]).wait()
                pltpu.make_async_copy(
                    rows[b], out_h.at[c, pl.ds((s * RPW + j) * C, C)],
                    so[b]).start()

                @pl.when(kk < RPW // NSL - 1)
                def _():
                    pltpu.make_async_copy(
                        rows[b], out_h.at[c, pl.ds(0, C)], so[b]).wait()
                    pltpu.make_async_copy(tab_h.at[c].at[gi_v.at[j + NSL]],
                                          rows[b], sg[b]).start()

        for b in range(NSL):
            pltpu.make_async_copy(rows[b], out_h.at[c, pl.ds(0, C)],
                                  so[b]).wait()

    return k(tab, idx4)


def _sc_scatter_edges(vals, idx4, z128):
    out_t = jax.ShapeDtypeStruct((NC, NP, D), F32)
    scratch = [
        pltpu.VMEM_SHARED((NP, D), F32),
        pltpu.VMEM((RPW, C), jnp.int32),
        pltpu.VMEM((C, D), F32),
        pltpu.VMEM((C, D), F32),
        pltpu.SemaphoreType.DMA,
        pltpu.SemaphoreType.DMA,
        pltpu.SemaphoreType.DMA,
        pltpu.SemaphoreType.DMA,
    ]

    @functools.partial(pl.kernel, out_type=out_t, mesh=_mesh(),
                       scratch_types=scratch, compiler_params=_SC_PARAMS)
    def k(v_h, idx_h, z_h, out_h, acc, si_v, r0, r1, sg0, sg1, sa0, sa1):
        c = lax.axis_index("c")
        s = lax.axis_index("s")
        pltpu.sync_copy(z_h, acc.at[pl.ds(s * STRIPE, STRIPE)])
        pltpu.sync_copy(idx_h.at[1 - c, s], si_v)
        plsc.subcore_barrier()
        rows = (r0, r1)
        sg = (sg0, sg1)
        sa = (sa0, sa1)

        def start_g(j, slot):
            pltpu.make_async_copy(v_h.at[c, pl.ds((s * RPW + j) * C, C)],
                                  rows[slot], sg[slot]).start()

        def wait_g(slot):
            pltpu.make_async_copy(v_h.at[c, pl.ds(0, C)], rows[slot],
                                  sg[slot]).wait()

        def start_a(j, slot):
            pltpu.make_async_copy(rows[slot], acc.at[si_v.at[j]],
                                  sa[slot]).start(add=True)

        def wait_a(slot):
            pltpu.make_async_copy(rows[slot], acc.at[si_v.at[0]],
                                  sa[slot]).wait()

        start_g(0, 0)

        @pl.loop(0, RPW // 2)
        def _(kk):
            j0 = 2 * kk
            j1 = j0 + 1

            @pl.when(kk > 0)
            def _():
                wait_a(1)

            start_g(j1, 1)
            wait_g(0)
            start_a(j0, 0)

            @pl.when(kk < RPW // 2 - 1)
            def _():
                wait_a(0)
                start_g(j0 + 2, 0)

            wait_g(1)
            start_a(j1, 1)

        wait_a(0)
        wait_a(1)
        plsc.subcore_barrier()
        pltpu.sync_copy(acc.at[pl.ds(s * STRIPE, STRIPE)],
                        out_h.at[c, pl.ds(s * STRIPE, STRIPE)])

    return k(vals, idx4, z128)


def _dot(a, b):
    return jnp.dot(a, b, precision=jax.lax.Precision.HIGHEST,
                   preferred_element_type=F32)


def _dot_e(a, b):
    return jnp.dot(a, b, preferred_element_type=F32)


def _tc_te(tsx, w1t, b1t, w2t, b2t, interpret=False):
    ET8 = E * T // 128
    BR = 4000

    def body(ts_ref, w1_ref, b1_ref, w2_ref, b2_ref, o1, o2):
        t = ts_ref[...]
        o1[...] = jnp.cos(t * w1_ref[...] + b1_ref[...])
        o2[...] = jnp.cos(t * w2_ref[...] + b2_ref[...])

    wspec = pl.BlockSpec((1, 128), lambda i: (0, 0))
    return pl.pallas_call(
        body,
        grid=(ET8 // BR,),
        in_specs=[pl.BlockSpec((BR, 128), lambda i: (i, 0)),
                  wspec, wspec, wspec, wspec],
        out_specs=[pl.BlockSpec((BR, 128), lambda i: (i, 0))] * 2,
        out_shape=[jax.ShapeDtypeStruct((ET8, 128), F32)] * 2,
        compiler_params=pltpu.CompilerParams(
            dimension_semantics=("parallel",)),
        interpret=interpret,
    )(tsx, w1t, b1t, w2t, b2t)


def _tc_node1(nfeat, G, S, Ws1, Wn1, Wn2, interpret=False):

    def body(nf, g_ref, s_ref, ws1, wn1, wn2, p_out, t2n_out):
        sv = s_ref[0]
        ones_col = sv[:, 3 * DE:4 * DE] + sv[:, 7 * DE:8 * DE]
        inv = 1.0 / jnp.clip(ones_col[:, 0:1], 1.0, None)
        ef = (sv[:, 0:DE] + sv[:, 4 * DE:5 * DE]) * inv
        t1 = (sv[:, DE:2 * DE] + sv[:, 5 * DE:6 * DE]) * inv
        t2 = (sv[:, 2 * DE:3 * DE] + sv[:, 6 * DE:7 * DE]) * inv
        g = g_ref[0] * inv
        ws1v = ws1[...]
        wn1v = wn1[...]
        u = _dot(nf[...], ws1v[:D])
        p = (u + _dot(g, wn1v[:D]) + _dot(ef, wn1v[D:D + DE])
             + _dot(t1, wn1v[D + DE:]))
        p_out[...] = p[None]
        t2n_out[...] = _dot(t2, wn2[...][H:])[None]

    BN = 2048
    return pl.pallas_call(
        body,
        grid=(NC, NP // BN),
        in_specs=[
            pl.BlockSpec((BN, D), lambda c, i: (i, 0)),
            pl.BlockSpec((1, BN, D), lambda c, i: (1 - c, i, 0)),
            pl.BlockSpec((1, BN, NC * 4 * DE), lambda c, i: (1 - c, i, 0)),
            pl.BlockSpec((D + DE, H), lambda c, i: (0, 0)),
            pl.BlockSpec((D + DE + T, H), lambda c, i: (0, 0)),
            pl.BlockSpec((H + T, H), lambda c, i: (0, 0)),
        ],
        out_specs=[pl.BlockSpec((1, BN, D), lambda c, i: (c, i, 0))] * 2,
        out_shape=[jax.ShapeDtypeStruct((NC, NP, D), F32)] * 2,
        compiler_params=pltpu.CompilerParams(
            dimension_semantics=("parallel", "parallel")),
        interpret=interpret,
    )(nfeat, G, S, Ws1, Wn1, Wn2)


def _tc_combine(gp, efeat, Ws1, interpret=False):
    B = 2000

    def body(gp_ref, ef_ref, ws1, o_ref):
        efp = _dot_e(ef_ref[...], ws1[...][D:])
        o_ref[...] = jnp.maximum(gp_ref[...].astype(F32) + efp[None], 0.0)

    return pl.pallas_call(
        body,
        grid=(E // B,),
        in_specs=[
            pl.BlockSpec((NC, B, D), lambda i: (0, i, 0)),
            pl.BlockSpec((B, DE), lambda i: (i, 0)),
            pl.BlockSpec((D + DE, H), lambda i: (0, 0)),
        ],
        out_specs=pl.BlockSpec((NC, B, D), lambda i: (0, i, 0)),
        out_shape=jax.ShapeDtypeStruct((NC, E, D), F32),
        compiler_params=pltpu.CompilerParams(
            dimension_semantics=("parallel",)),
        interpret=interpret,
    )(gp, efeat, Ws1)


def _tc_node2(A, S, T2n, Wn2, interpret=False):

    def body(a_ref, s_ref, t2n_ref, wn2, q_out):
        sv = s_ref[0]
        ones_col = sv[:, 3 * DE:4 * DE] + sv[:, 7 * DE:8 * DE]
        inv = 1.0 / jnp.clip(ones_col[:, 0:1], 1.0, None)
        q = _dot(a_ref[0] * inv, wn2[...][:H]) + t2n_ref[0]
        q_out[...] = q[None]

    BN = 2048
    return pl.pallas_call(
        body,
        grid=(NC, NP // BN),
        in_specs=[
            pl.BlockSpec((1, BN, D), lambda c, i: (1 - c, i, 0)),
            pl.BlockSpec((1, BN, NC * 4 * DE), lambda c, i: (1 - c, i, 0)),
            pl.BlockSpec((1, BN, D), lambda c, i: (c, i, 0)),
            pl.BlockSpec((H + T, H), lambda c, i: (0, 0)),
        ],
        out_specs=pl.BlockSpec((1, BN, D), lambda c, i: (c, i, 0)),
        out_shape=jax.ShapeDtypeStruct((NC, NP, D), F32),
        compiler_params=pltpu.CompilerParams(
            dimension_semantics=("parallel", "parallel")),
        interpret=interpret,
    )(A, S, T2n, Wn2)


def _tc_final(v1, gq, Ws2, interpret=False):
    B = 2000

    def body(v_ref, gq_ref, ws2, s_ref, d_ref):
        w = ws2[...]
        s_ref[...] = jnp.maximum(
            _dot_e(v_ref[0], w) + gq_ref[0].astype(F32), 0.0)
        d_ref[...] = jnp.maximum(
            _dot_e(v_ref[1], w) + gq_ref[1].astype(F32), 0.0)

    return pl.pallas_call(
        body,
        grid=(E // B,),
        in_specs=[
            pl.BlockSpec((NC, B, D), lambda i: (0, i, 0)),
            pl.BlockSpec((NC, B, D), lambda i: (0, i, 0)),
            pl.BlockSpec((H, H), lambda i: (0, 0)),
        ],
        out_specs=[pl.BlockSpec((B, D), lambda i: (i, 0))] * 2,
        out_shape=[jax.ShapeDtypeStruct((E, D), F32)] * 2,
        compiler_params=pltpu.CompilerParams(
            dimension_semantics=("parallel",)),
        interpret=interpret,
    )(v1, gq, Ws2)


@jax.jit
def kernel(nfeat, efeat, edge_index, timestamps,
           W_self1, W_neigh1, wt1, bt1,
           W_self2, W_neigh2, wt2, bt2):
    idx = jnp.stack([edge_index[0], edge_index[1]])
    idx1 = idx.reshape(2, NC * NS, R1, C1)
    idx2 = idx.reshape(2, NS, NB, IB, C)
    idx4 = idx.reshape(2, NS, RPW, C)

    tsx = jnp.broadcast_to(timestamps[:, None], (E, T)).reshape(E * T // 128,
                                                                128)
    tile = lambda v: jnp.tile(v, 128 // T).reshape(1, 128)
    te1f, te2f = _tc_te(tsx, tile(wt1), tile(bt1), tile(wt2), tile(bt2))
    te1 = te1f.reshape(E, T)
    te2 = te2f.reshape(E, T)

    z16 = jnp.zeros((STRIPE, DE), F32)
    z128 = jnp.zeros((STRIPE, D), F32)
    ones16 = jnp.ones((C1, DE), F32)

    S = _sc_small_segsums(te1, te2, efeat, idx1, z16, ones16)
    G = _sc_spmm(nfeat, idx2, z128)

    nfeat_p = jnp.pad(nfeat, ((0, NP - N), (0, 0)))
    P, T2n = _tc_node1(nfeat_p, G, S, W_self1, W_neigh1, W_neigh2)

    gp = _sc_gather(P, idx4)
    v1 = _tc_combine(gp, efeat, W_self1)

    A = _sc_scatter_edges(v1, idx4, z128)
    Q = _tc_node2(A, S, T2n, W_neigh2)
    gq = _sc_gather(Q, idx4)

    s2, d2 = _tc_final(v1, gq, W_self2)
    return (s2, d2)

# --- scband reference (transcript-rebuilt; emitter-appended) ---
"""Pipeline reference for scband-tgraph-sage-12343736009440 (READ-ONLY COPY).

The authoritative reference and input builder live on the scoring server;
editing this copy changes nothing except your own understanding.
"""

import jax, jax.numpy as jnp
import numpy as np

N = 10000
E = 320000
D = 128
DE = 16
T = 16
H = 128
OUT = 128
D_IN1 = D + DE  # 144, first-layer edge feature dim (nfeat || efeat)


def setup_inputs(seed: int = 0) -> dict:
    key = jax.random.key(seed)
    ks = jax.random.split(key, 12)
    nfeat = jax.random.normal(ks[0], (N, D), dtype=jnp.float32)
    efeat = jax.random.normal(ks[1], (E, DE), dtype=jnp.float32)
    edge_index = jax.random.randint(ks[2], (2, E), 0, N, dtype=jnp.int32)
    timestamps = jax.random.uniform(ks[3], (E,), dtype=jnp.float32) * 100.0
    # layer 1: TSAGEConv(in=144 -> n_hidden=128)
    W_self1 = jax.random.normal(ks[4], (D_IN1, H), dtype=jnp.float32) / np.sqrt(D_IN1)
    W_neigh1 = jax.random.normal(ks[5], (D_IN1 + T, H), dtype=jnp.float32) / np.sqrt(D_IN1 + T)
    wt1 = jax.random.normal(ks[6], (T,), dtype=jnp.float32)
    bt1 = jax.random.normal(ks[7], (T,), dtype=jnp.float32)
    # layer 2: TSAGEConv(n_hidden=128 -> out_feats=128)
    W_self2 = jax.random.normal(ks[8], (H, OUT), dtype=jnp.float32) / np.sqrt(H)
    W_neigh2 = jax.random.normal(ks[9], (H + T, OUT), dtype=jnp.float32) / np.sqrt(H + T)
    wt2 = jax.random.normal(ks[10], (T,), dtype=jnp.float32)
    bt2 = jax.random.normal(ks[11], (T,), dtype=jnp.float32)
    return {
        "nfeat": nfeat, "efeat": efeat, "edge_index": edge_index, "timestamps": timestamps,
        "W_self1": W_self1, "W_neigh1": W_neigh1, "wt1": wt1, "bt1": bt1,
        "W_self2": W_self2, "W_neigh2": W_neigh2, "wt2": wt2, "bt2": bt2,
    }


def reference(nfeat, efeat, edge_index, timestamps,
              W_self1, W_neigh1, wt1, bt1,
              W_self2, W_neigh2, wt2, bt2):
    relu = jax.nn.relu
    src = edge_index[0]
    dst = edge_index[1]

    # apply_edges(combine_feats): edge-level features = nfeat[endpoint] || efeat
    src_f = jnp.concatenate([jnp.take(nfeat, src, axis=0), efeat], axis=1)
    dst_f = jnp.concatenate([jnp.take(nfeat, dst, axis=0), efeat], axis=1)

    ones = jnp.ones((E,), dtype=jnp.float32)
    deg_dst = jnp.clip(jax.ops.segment_sum(ones, dst, num_segments=N), 1.0)[:, None]
    deg_src = jnp.clip(jax.ops.segment_sum(ones, src, num_segments=N), 1.0)[:, None]

    def tsage_conv(sf, df, Ws, Wn, wt, bt):
        # cosine time encoding per edge
        te = jnp.cos(timestamps[:, None] * wt[None, :] + bt[None, :])
        msg_src = jnp.concatenate([sf, te], axis=1)  # message carried from src endpoint
        msg_dst = jnp.concatenate([df, te], axis=1)  # message carried from dst endpoint
        # mean aggregation of incident-edge messages per node (scatter-add + normalize)
        agg_dst = jax.ops.segment_sum(msg_src, dst, num_segments=N) / deg_dst
        agg_src = jax.ops.segment_sum(msg_dst, src, num_segments=N) / deg_src
        new_src = sf @ Ws + jnp.take(agg_src, src, axis=0) @ Wn
        new_dst = df @ Ws + jnp.take(agg_dst, dst, axis=0) @ Wn
        return new_src, new_dst

    # layer 1 (+ dropout p=0.0 identity, then activation)
    s1, d1 = tsage_conv(src_f, dst_f, W_self1, W_neigh1, wt1, bt1)
    s1, d1 = relu(s1), relu(d1)
    # layer 2
    s2, d2 = tsage_conv(s1, d1, W_self2, W_neigh2, wt2, bt2)
    s2, d2 = relu(s2), relu(d2)
    return (s2, d2)

if __name__ == "__main__":
    import jax
    _d = setup_inputs()
    print(jax.jit(kernel)(*tuple(_d.values())))

</pallas_src>

<mosaic_0001>
#map = affine_map<(d0, d1) -> (0, 0)>
#map1 = affine_map<(d0, d1) -> (0, 0, 0, 0, 0)>
#map2 = affine_map<(d0, d1) -> (0, 0, 0)>
module attributes {stable_mosaic.version = 14 : i64} {
  func.func @k(%arg0: i32, %arg1: i32, %arg2: memref<10000x128xf32, #tpu.memory_space<hbm>>, %arg3: memref<2x16x5x50x80xi32, #tpu.memory_space<hbm>>, %arg4: memref<640x128xf32, #tpu.memory_space<hbm>>, %arg5: memref<2x10240x128xf32, #tpu.memory_space<hbm>>, %arg6: memref<10240x128xf32, #tpu.memory_space<vmem_shared>>, %arg7: memref<50x80xi32, #tpu.memory_space<vmem>>, %arg8: memref<50x80xi32, #tpu.memory_space<vmem>>, %arg9: memref<80x128xf32, #tpu.memory_space<vmem>>, %arg10: memref<80x128xf32, #tpu.memory_space<vmem>>, %arg11: memref<!tpu.dma_semaphore, #tpu.memory_space<semaphore_mem>>, %arg12: memref<!tpu.dma_semaphore, #tpu.memory_space<semaphore_mem>>, %arg13: memref<!tpu.dma_semaphore, #tpu.memory_space<semaphore_mem>>, %arg14: memref<!tpu.dma_semaphore, #tpu.memory_space<semaphore_mem>>) attributes {dimension_semantics = [#tpu.dimension_semantics<core_parallel>, #tpu.dimension_semantics<subcore_parallel>], iteration_bounds = array<i64: 2, 16>, scalar_prefetch = 0 : i64, scratch_operands = 9 : i64, tpu.core_type = #tpu.core_type<sc_vector_subcore>, window_params = [{transform_indices = #map}, {transform_indices = #map1}, {transform_indices = #map}, {transform_indices = #map2}]} {
    %mul3A = arith.constant 640 : i32
    %mul3A_0 = arith.muli %arg1, %mul3A : i32
    "tpu.region"() ({
      %run_scoped3A = tpu.sem_alloc : memref<!tpu.dma_semaphore, #tpu.memory_space<semaphore_mem>>
      %dma_start3A = arith.constant 0 : i32
      %dma_start3A_10 = tpu.memref_slice %arg6[%mul3A_0, %dma_start3A] : memref<10240x128xf32, #tpu.memory_space<vmem_shared>> -> memref<640x128xf32, #tpu.memory_space<vmem_shared>>
      tpu.enqueue_dma source(%arg4 : memref<640x128xf32, #tpu.memory_space<hbm>>) target(%dma_start3A_10 : memref<640x128xf32, #tpu.memory_space<vmem_shared>>) target_semaphore(%run_scoped3A : memref<!tpu.dma_semaphore, #tpu.memory_space<semaphore_mem>>)
      %dma_wait3A = arith.constant 0 : i32
      %dma_wait3A_11 = tpu.memref_slice %arg6[%mul3A_0, %dma_wait3A] : memref<10240x128xf32, #tpu.memory_space<vmem_shared>> -> memref<640x128xf32, #tpu.memory_space<vmem_shared>>
      tpu.wait_dma2 semaphore(%run_scoped3A : memref<!tpu.dma_semaphore, #tpu.memory_space<semaphore_mem>>) src(%arg4 : memref<640x128xf32, #tpu.memory_space<hbm>>) dst(%dma_wait3A_11 : memref<640x128xf32, #tpu.memory_space<vmem_shared>>)
      tpu.yield
    }) : () -> ()
    %barrier3A = arith.constant 0 : index
    tpu.barrier barrier_id(%barrier3A)
    %scan3A = arith.constant 0 : i32
    %scan3A_1 = arith.constant 5 : i32
    %scan3A_2 = arith.addi %scan3A, %scan3A_1 : i32
    %scan3A_3 = arith.constant 1 : i32
    scf.for %scan3A_10 = %scan3A to %scan3A_2 step %scan3A_3  : i32 {
      %mul3A_11 = arith.constant 1 : i32
      %mul3A_12 = arith.muli %scan3A_10, %mul3A_11 : i32
      %add3A = arith.constant 0 : i32
      %add3A_13 = arith.addi %add3A, %mul3A_12 : i32
      "tpu.region"() ({
        %run_scoped3A = tpu.sem_alloc : memref<!tpu.dma_semaphore, #tpu.memory_space<semaphore_mem>>
        %dma_start3A_39 = arith.constant 0 : i32
        %dma_start3A_40 = arith.constant 0 : i32
        %dma_start3A_41 = tpu.memref_slice %arg3[%arg0, %arg1, %add3A_13, %dma_start3A_39, %dma_start3A_40] : memref<2x16x5x50x80xi32, #tpu.memory_space<hbm>> -> memref<1x1x1x50x80xi32, #tpu.memory_space<hbm>>
        %dma_start3A_42 = tpu.memref_squeeze %dma_start3A_41 : memref<1x1x1x50x80xi32, #tpu.memory_space<hbm>> -> memref<50x80xi32, #tpu.memory_space<hbm>>
        %dma_start3A_43 = arith.constant 0 : i32
        %dma_start3A_44 = arith.constant 0 : i32
        %dma_start3A_45 = tpu.memref_slice %arg3[%arg0, %arg1, %add3A_13, %dma_start3A_43, %dma_start3A_44] : memref<2x16x5x50x80xi32, #tpu.memory_space<hbm>> -> memref<1x1x1x50x80xi32, #tpu.memory_space<hbm>>
        %dma_start3A_46 = tpu.memref_squeeze %dma_start3A_45 : memref<1x1x1x50x80xi32, #tpu.memory_space<hbm>> -> memref<50x80xi32, #tpu.memory_space<hbm>>
        tpu.enqueue_dma source(%dma_start3A_46 : memref<50x80xi32, #tpu.memory_space<hbm>>) target(%arg7 : memref<50x80xi32, #tpu.memory_space<vmem>>) target_semaphore(%run_scoped3A : memref<!tpu.dma_semaphore, #tpu.memory_space<semaphore_mem>>)
        %dma_wait3A_47 = arith.constant 0 : i32
        %dma_wait3A_48 = arith.constant 0 : i32
        %dma_wait3A_49 = tpu.memref_slice %arg3[%arg0, %arg1, %add3A_13, %dma_wait3A_47, %dma_wait3A_48] : memref<2x16x5x50x80xi32, #tpu.memory_space<hbm>> -> memref<1x1x1x50x80xi32, #tpu.memory_space<hbm>>
        %dma_wait3A_50 = tpu.memref_squeeze %dma_wait3A_49 : memref<1x1x1x50x80xi32, #tpu.memory_space<hbm>> -> memref<50x80xi32, #tpu.memory_space<hbm>>
        %dma_wait3A_51 = arith.constant 0 : i32
        %dma_wait3A_52 = arith.constant 0 : i32
        %dma_wait3A_53 = tpu.memref_slice %arg3[%arg0, %arg1, %add3A_13, %dma_wait3A_51, %dma_wait3A_52] : memref<2x16x5x50x80xi32, #tpu.memory_space<hbm>> -> memref<1x1x1x50x80xi32, #tpu.memory_space<hbm>>
        %dma_wait3A_54 = tpu.memref_squeeze %dma_wait3A_53 : memref<1x1x1x50x80xi32, #tpu.memory_space<hbm>> -> memref<50x80xi32, #tpu.memory_space<hbm>>
        tpu.wait_dma2 semaphore(%run_scoped3A : memref<!tpu.dma_semaphore, #tpu.memory_space<semaphore_mem>>) src(%dma_wait3A_54 : memref<50x80xi32, #tpu.memory_space<hbm>>) dst(%arg7 : memref<50x80xi32, #tpu.memory_space<vmem>>)
        tpu.yield
      }) : () -> ()
      %sub3A = arith.constant 1 : i32
      %sub3A_14 = arith.subi %sub3A, %arg0 : i32
      "tpu.region"() ({
        %run_scoped3A = tpu.sem_alloc : memref<!tpu.dma_semaphore, #tpu.memory_space<semaphore_mem>>
        %dma_start3A_39 = arith.constant 0 : i32
        %dma_start3A_40 = arith.constant 0 : i32
        %dma_start3A_41 = tpu.memref_slice %arg3[%sub3A_14, %arg1, %add3A_13, %dma_start3A_39, %dma_start3A_40] : memref<2x16x5x50x80xi32, #tpu.memory_space<hbm>> -> memref<1x1x1x50x80xi32, #tpu.memory_space<hbm>>
        %dma_start3A_42 = tpu.memref_squeeze %dma_start3A_41 : memref<1x1x1x50x80xi32, #tpu.memory_space<hbm>> -> memref<50x80xi32, #tpu.memory_space<hbm>>
        %dma_start3A_43 = arith.constant 0 : i32
        %dma_start3A_44 = arith.constant 0 : i32
        %dma_start3A_45 = tpu.memref_slice %arg3[%sub3A_14, %arg1, %add3A_13, %dma_start3A_43, %dma_start3A_44] : memref<2x16x5x50x80xi32, #tpu.memory_space<hbm>> -> memref<1x1x1x50x80xi32, #tpu.memory_space<hbm>>
        %dma_start3A_46 = tpu.memref_squeeze %dma_start3A_45 : memref<1x1x1x50x80xi32, #tpu.memory_space<hbm>> -> memref<50x80xi32, #tpu.memory_space<hbm>>
        tpu.enqueue_dma source(%dma_start3A_46 : memref<50x80xi32, #tpu.memory_space<hbm>>) target(%arg8 : memref<50x80xi32, #tpu.memory_space<vmem>>) target_semaphore(%run_scoped3A : memref<!tpu.dma_semaphore, #tpu.memory_space<semaphore_mem>>)
        %dma_wait3A_47 = arith.constant 0 : i32
        %dma_wait3A_48 = arith.constant 0 : i32
        %dma_wait3A_49 = tpu.memref_slice %arg3[%sub3A_14, %arg1, %add3A_13, %dma_wait3A_47, %dma_wait3A_48] : memref<2x16x5x50x80xi32, #tpu.memory_space<hbm>> -> memref<1x1x1x50x80xi32, #tpu.memory_space<hbm>>
        %dma_wait3A_50 = tpu.memref_squeeze %dma_wait3A_49 : memref<1x1x1x50x80xi32, #tpu.memory_space<hbm>> -> memref<50x80xi32, #tpu.memory_space<hbm>>
        %dma_wait3A_51 = arith.constant 0 : i32
        %dma_wait3A_52 = arith.constant 0 : i32
        %dma_wait3A_53 = tpu.memref_slice %arg3[%sub3A_14, %arg1, %add3A_13, %dma_wait3A_51, %dma_wait3A_52] : memref<2x16x5x50x80xi32, #tpu.memory_space<hbm>> -> memref<1x1x1x50x80xi32, #tpu.memory_space<hbm>>
        %dma_wait3A_54 = tpu.memref_squeeze %dma_wait3A_53 : memref<1x1x1x50x80xi32, #tpu.memory_space<hbm>> -> memref<50x80xi32, #tpu.memory_space<hbm>>
        tpu.wait_dma2 semaphore(%run_scoped3A : memref<!tpu.dma_semaphore, #tpu.memory_space<semaphore_mem>>) src(%dma_wait3A_54 : memref<50x80xi32, #tpu.memory_space<hbm>>) dst(%arg8 : memref<50x80xi32, #tpu.memory_space<vmem>>)
        tpu.yield
      }) : () -> ()
      %dma_start3A = arith.constant 0 : i32
      %dma_start3A_15 = arith.constant 0 : i32
      %dma_start3A_16 = tpu.memref_slice %arg7[%dma_start3A, %dma_start3A_15] : memref<50x80xi32, #tpu.memory_space<vmem>> -> memref<1x80xi32, #tpu.memory_space<vmem>>
      %dma_start3A_17 = tpu.memref_squeeze %dma_start3A_16 : memref<1x80xi32, #tpu.memory_space<vmem>> -> memref<80xi32, #tpu.memory_space<vmem>>
      %dma_start3A_18 = arith.constant 0 : i32
      %dma_start3A_19 = arith.constant 0 : i32
      %dma_start3A_20 = tpu.memref_slice %arg2[%dma_start3A_18, %dma_start3A_19] : memref<10000x128xf32, #tpu.memory_space<hbm>> -> memref<10000x128xf32, #tpu.memory_space<hbm>>
      tpu.enqueue_indirect_dma source(%dma_start3A_20 : memref<10000x128xf32, #tpu.memory_space<hbm>>) target(%arg9 : memref<80x128xf32, #tpu.memory_space<vmem>>) offsets(%dma_start3A_17 : memref<80xi32, #tpu.memory_space<vmem>>) semaphore(%arg11 : memref<!tpu.dma_semaphore, #tpu.memory_space<semaphore_mem>>)
      %scan3A_21 = arith.constant 0 : i32
      %scan3A_22 = arith.constant 25 : i32
      %scan3A_23 = arith.addi %scan3A_21, %scan3A_22 : i32
      %scan3A_24 = arith.constant 1 : i32
      scf.for %scan3A_39 = %scan3A_21 to %scan3A_23 step %scan3A_24  : i32 {
        %mul3A_40 = arith.constant 1 : i32
        %mul3A_41 = arith.muli %scan3A_39, %mul3A_40 : i32
        %add3A_42 = arith.constant 0 : i32
        %add3A_43 = arith.addi %add3A_42, %mul3A_41 : i32
        %mul3A_44 = arith.constant 2 : i32
        %mul3A_45 = arith.muli %mul3A_44, %add3A_43 : i32
        %add3A_46 = arith.constant 1 : i32
        %add3A_47 = arith.addi %mul3A_45, %add3A_46 : i32
        %gt3A = arith.constant 0 : i32
        %gt3A_48 = arith.cmpi sgt, %add3A_43, %gt3A : i32
        %convert_element_type3A = arith.extui %gt3A_48 : i1 to i32
        %cond3A = arith.constant 0 : i32
        %cond3A_49 = arith.cmpi ne, %convert_element_type3A, %cond3A : i32
        scf.if %cond3A_49 {
          %dma_wait3A_86 = arith.constant 0 : i32
          %dma_wait3A_87 = arith.constant 0 : i32
          %dma_wait3A_88 = tpu.memref_slice %arg8[%dma_wait3A_86, %dma_wait3A_87] : memref<50x80xi32, #tpu.memory_space<vmem>> -> memref<1x80xi32, #tpu.memory_space<vmem>>
          %dma_wait3A_89 = tpu.memref_squeeze %dma_wait3A_88 : memref<1x80xi32, #tpu.memory_space<vmem>> -> memref<80xi32, #tpu.memory_space<vmem>>
          %dma_wait3A_90 = arith.constant 0 : i32
          %dma_wait3A_91 = arith.constant 0 : i32
          %dma_wait3A_92 = tpu.memref_slice %arg6[%dma_wait3A_90, %dma_wait3A_91] : memref<10240x128xf32, #tpu.memory_space<vmem_shared>> -> memref<10240x128xf32, #tpu.memory_space<vmem_shared>>
          tpu.wait_indirect_dma semaphore(%arg14 : memref<!tpu.dma_semaphore, #tpu.memory_space<semaphore_mem>>) src(%arg10 : memref<80x128xf32, #tpu.memory_space<vmem>>) dst(%dma_wait3A_92 : memref<10240x128xf32, #tpu.memory_space<vmem_shared>>)
        } else {
        }
        %dma_start3A_50 = arith.constant 0 : i32
        %dma_start3A_51 = tpu.memref_slice %arg7[%add3A_47, %dma_start3A_50] : memref<50x80xi32, #tpu.memory_space<vmem>> -> memref<1x80xi32, #tpu.memory_space<vmem>>
        %dma_start3A_52 = tpu.memref_squeeze %dma_start3A_51 : memref<1x80xi32, #tpu.memory_space<vmem>> -> memref<80xi32, #tpu.memory_space<vmem>>
        %dma_start3A_53 = arith.constant 0 : i32
        %dma_start3A_54 = arith.constant 0 : i32
        %dma_start3A_55 = tpu.memref_slice %arg2[%dma_start3A_53, %dma_start3A_54] : memref<10000x128xf32, #tpu.memory_space<hbm>> -> memref<10000x128xf32, #tpu.memory_space<hbm>>
        tpu.enqueue_indirect_dma source(%dma_start3A_55 : memref<10000x128xf32, #tpu.memory_space<hbm>>) target(%arg10 : memref<80x128xf32, #tpu.memory_space<vmem>>) offsets(%dma_start3A_52 : memref<80xi32, #tpu.memory_space<vmem>>) semaphore(%arg12 : memref<!tpu.dma_semaphore, #tpu.memory_space<semaphore_mem>>)
        %dma_wait3A_56 = arith.constant 0 : i32
        %dma_wait3A_57 = arith.constant 0 : i32
        %dma_wait3A_58 = tpu.memref_slice %arg7[%dma_wait3A_56, %dma_wait3A_57] : memref<50x80xi32, #tpu.memory_space<vmem>> -> memref<1x80xi32, #tpu.memory_space<vmem>>
        %dma_wait3A_59 = tpu.memref_squeeze %dma_wait3A_58 : memref<1x80xi32, #tpu.memory_space<vmem>> -> memref<80xi32, #tpu.memory_space<vmem>>
        %dma_wait3A_60 = arith.constant 0 : i32
        %dma_wait3A_61 = arith.constant 0 : i32
        %dma_wait3A_62 = tpu.memref_slice %arg2[%dma_wait3A_60, %dma_wait3A_61] : memref<10000x128xf32, #tpu.memory_space<hbm>> -> memref<10000x128xf32, #tpu.memory_space<hbm>>
        tpu.wait_indirect_dma semaphore(%arg11 : memref<!tpu.dma_semaphore, #tpu.memory_space<semaphore_mem>>) src(%dma_wait3A_62 : memref<10000x128xf32, #tpu.memory_space<hbm>>) dst(%arg9 : memref<80x128xf32, #tpu.memory_space<vmem>>)
        %dma_start3A_63 = arith.constant 0 : i32
        %dma_start3A_64 = tpu.memref_slice %arg8[%mul3A_45, %dma_start3A_63] : memref<50x80xi32, #tpu.memory_space<vmem>> -> memref<1x80xi32, #tpu.memory_space<vmem>>
        %dma_start3A_65 = tpu.memref_squeeze %dma_start3A_64 : memref<1x80xi32, #tpu.memory_space<vmem>> -> memref<80xi32, #tpu.memory_space<vmem>>
        %dma_start3A_66 = arith.constant 0 : i32
        %dma_start3A_67 = arith.constant 0 : i32
        %dma_start3A_68 = tpu.memref_slice %arg6[%dma_start3A_66, %dma_start3A_67] : memref<10240x128xf32, #tpu.memory_space<vmem_shared>> -> memref<10240x128xf32, #tpu.memory_space<vmem_shared>>
        tpu.enqueue_indirect_dma source(%arg9 : memref<80x128xf32, #tpu.memory_space<vmem>>) target(%dma_start3A_68 : memref<10240x128xf32, #tpu.memory_space<vmem_shared>>) offsets(%dma_start3A_65 : memref<80xi32, #tpu.memory_space<vmem>>) semaphore(%arg13 : memref<!tpu.dma_semaphore, #tpu.memory_space<semaphore_mem>>) {add = true}
        %lt3A = arith.constant 24 : i32
        %lt3A_69 = arith.cmpi slt, %add3A_43, %lt3A : i32
        %convert_element_type3A_70 = arith.extui %lt3A_69 : i1 to i32
        %cond3A_71 = arith.constant 0 : i32
        %cond3A_72 = arith.cmpi ne, %convert_element_type3A_70, %cond3A_71 : i32
        scf.if %cond3A_72 {
          %dma_wait3A_86 = arith.constant 0 : i32
          %dma_wait3A_87 = arith.constant 0 : i32
          %dma_wait3A_88 = tpu.memref_slice %arg8[%dma_wait3A_86, %dma_wait3A_87] : memref<50x80xi32, #tpu.memory_space<vmem>> -> memref<1x80xi32, #tpu.memory_space<vmem>>
          %dma_wait3A_89 = tpu.memref_squeeze %dma_wait3A_88 : memref<1x80xi32, #tpu.memory_space<vmem>> -> memref<80xi32, #tpu.memory_space<vmem>>
          %dma_wait3A_90 = arith.constant 0 : i32
          %dma_wait3A_91 = arith.constant 0 : i32
          %dma_wait3A_92 = tpu.memref_slice %arg6[%dma_wait3A_90, %dma_wait3A_91] : memref<10240x128xf32, #tpu.memory_space<vmem_shared>> -> memref<10240x128xf32, #tpu.memory_space<vmem_shared>>
          tpu.wait_indirect_dma semaphore(%arg13 : memref<!tpu.dma_semaphore, #tpu.memory_space<semaphore_mem>>) src(%arg9 : memref<80x128xf32, #tpu.memory_space<vmem>>) dst(%dma_wait3A_92 : memref<10240x128xf32, #tpu.memory_space<vmem_shared>>)
          %add3A_93 = arith.constant 2 : i32
          %add3A_94 = arith.addi %mul3A_45, %add3A_93 : i32
          %dma_start3A_95 = arith.constant 0 : i32
          %dma_start3A_96 = tpu.memref_slice %arg7[%add3A_94, %dma_start3A_95] : memref<50x80xi32, #tpu.memory_space<vmem>> -> memref<1x80xi32, #tpu.memory_space<vmem>>
          %dma_start3A_97 = tpu.memref_squeeze %dma_start3A_96 : memref<1x80xi32, #tpu.memory_space<vmem>> -> memref<80xi32, #tpu.memory_space<vmem>>
          %dma_start3A_98 = arith.constant 0 : i32
          %dma_start3A_99 = arith.constant 0 : i32
          %dma_start3A_100 = tpu.memref_slice %arg2[%dma_start3A_98, %dma_start3A_99] : memref<10000x128xf32, #tpu.memory_space<hbm>> -> memref<10000x128xf32, #tpu.memory_space<hbm>>
          tpu.enqueue_indirect_dma source(%dma_start3A_100 : memref<10000x128xf32, #tpu.memory_space<hbm>>) target(%arg9 : memref<80x128xf32, #tpu.memory_space<vmem>>) offsets(%dma_start3A_97 : memref<80xi32, #tpu.memory_space<vmem>>) semaphore(%arg11 : memref<!tpu.dma_semaphore, #tpu.memory_space<semaphore_mem>>)
        } else {
        }
        %dma_wait3A_73 = arith.constant 0 : i32
        %dma_wait3A_74 = arith.constant 0 : i32
        %dma_wait3A_75 = tpu.memref_slice %arg7[%dma_wait3A_73, %dma_wait3A_74] : memref<50x80xi32, #tpu.memory_space<vmem>> -> memref<1x80xi32, #tpu.memory_space<vmem>>
        %dma_wait3A_76 = tpu.memref_squeeze %dma_wait3A_75 : memref<1x80xi32, #tpu.memory_space<vmem>> -> memref<80xi32, #tpu.memory_space<vmem>>
        %dma_wait3A_77 = arith.constant 0 : i32
        %dma_wait3A_78 = arith.constant 0 : i32
        %dma_wait3A_79 = tpu.memref_slice %arg2[%dma_wait3A_77, %dma_wait3A_78] : memref<10000x128xf32, #tpu.memory_space<hbm>> -> memref<10000x128xf32, #tpu.memory_space<hbm>>
        tpu.wait_indirect_dma semaphore(%arg12 : memref<!tpu.dma_semaphore, #tpu.memory_space<semaphore_mem>>) src(%dma_wait3A_79 : memref<10000x128xf32, #tpu.memory_space<hbm>>) dst(%arg10 : memref<80x128xf32, #tpu.memory_space<vmem>>)
        %dma_start3A_80 = arith.constant 0 : i32
        %dma_start3A_81 = tpu.memref_slice %arg8[%add3A_47, %dma_start3A_80] : memref<50x80xi32, #tpu.memory_space<vmem>> -> memref<1x80xi32, #tpu.memory_space<vmem>>
        %dma_start3A_82 = tpu.memref_squeeze %dma_start3A_81 : memref<1x80xi32, #tpu.memory_space<vmem>> -> memref<80xi32, #tpu.memory_space<vmem>>
        %dma_start3A_83 = arith.constant 0 : i32
        %dma_start3A_84 = arith.constant 0 : i32
        %dma_start3A_85 = tpu.memref_slice %arg6[%dma_start3A_83, %dma_start3A_84] : memref<10240x128xf32, #tpu.memory_space<vmem_shared>> -> memref<10240x128xf32, #tpu.memory_space<vmem_shared>>
        tpu.enqueue_indirect_dma source(%arg10 : memref<80x128xf32, #tpu.memory_space<vmem>>) target(%dma_start3A_85 : memref<10240x128xf32, #tpu.memory_space<vmem_shared>>) offsets(%dma_start3A_82 : memref<80xi32, #tpu.memory_space<vmem>>) semaphore(%arg14 : memref<!tpu.dma_semaphore, #tpu.memory_space<semaphore_mem>>) {add = true}
      }
      %scan3A_25 = arith.constant 25 : i32
      %dma_wait3A = arith.constant 0 : i32
      %dma_wait3A_26 = arith.constant 0 : i32
      %dma_wait3A_27 = tpu.memref_slice %arg8[%dma_wait3A, %dma_wait3A_26] : memref<50x80xi32, #tpu.memory_space<vmem>> -> memref<1x80xi32, #tpu.memory_space<vmem>>
      %dma_wait3A_28 = tpu.memref_squeeze %dma_wait3A_27 : memref<1x80xi32, #tpu.memory_space<vmem>> -> memref<80xi32, #tpu.memory_space<vmem>>
      %dma_wait3A_29 = arith.constant 0 : i32
      %dma_wait3A_30 = arith.constant 0 : i32
      %dma_wait3A_31 = tpu.memref_slice %arg6[%dma_wait3A_29, %dma_wait3A_30] : memref<10240x128xf32, #tpu.memory_space<vmem_shared>> -> memref<10240x128xf32, #tpu.memory_space<vmem_shared>>
      tpu.wait_indirect_dma semaphore(%arg13 : memref<!tpu.dma_semaphore, #tpu.memory_space<semaphore_mem>>) src(%arg9 : memref<80x128xf32, #tpu.memory_space<vmem>>) dst(%dma_wait3A_31 : memref<10240x128xf32, #tpu.memory_space<vmem_shared>>)
      %dma_wait3A_32 = arith.constant 0 : i32
      %dma_wait3A_33 = arith.constant 0 : i32
      %dma_wait3A_34 = tpu.memref_slice %arg8[%dma_wait3A_32, %dma_wait3A_33] : memref<50x80xi32, #tpu.memory_space<vmem>> -> memref<1x80xi32, #tpu.memory_space<vmem>>
      %dma_wait3A_35 = tpu.memref_squeeze %dma_wait3A_34 : memref<1x80xi32, #tpu.memory_space<vmem>> -> memref<80xi32, #tpu.memory_space<vmem>>
      %dma_wait3A_36 = arith.constant 0 : i32
      %dma_wait3A_37 = arith.constant 0 : i32
      %dma_wait3A_38 = tpu.memref_slice %arg6[%dma_wait3A_36, %dma_wait3A_37] : memref<10240x128xf32, #tpu.memory_space<vmem_shared>> -> memref<10240x128xf32, #tpu.memory_space<vmem_shared>>
      tpu.wait_indirect_dma semaphore(%arg14 : memref<!tpu.dma_semaphore, #tpu.memory_space<semaphore_mem>>) src(%arg10 : memref<80x128xf32, #tpu.memory_space<vmem>>) dst(%dma_wait3A_38 : memref<10240x128xf32, #tpu.memory_space<vmem_shared>>)
    }
    %scan3A_4 = arith.constant 5 : i32
    %barrier3A_5 = arith.constant 0 : index
    tpu.barrier barrier_id(%barrier3A_5)
    %mul3A_6 = arith.constant 640 : i32
    %mul3A_7 = arith.muli %arg1, %mul3A_6 : i32
    %mul3A_8 = arith.constant 640 : i32
    %mul3A_9 = arith.muli %arg1, %mul3A_8 : i32
    "tpu.region"() ({
      %run_scoped3A = tpu.sem_alloc : memref<!tpu.dma_semaphore, #tpu.memory_space<semaphore_mem>>
      %dma_start3A = arith.constant 0 : i32
      %dma_start3A_10 = tpu.memref_slice %arg5[%arg0, %mul3A_9, %dma_start3A] : memref<2x10240x128xf32, #tpu.memory_space<hbm>> -> memref<1x640x128xf32, #tpu.memory_space<hbm>>
      %dma_start3A_11 = tpu.memref_squeeze %dma_start3A_10 : memref<1x640x128xf32, #tpu.memory_space<hbm>> -> memref<640x128xf32, #tpu.memory_space<hbm>>
      %dma_start3A_12 = arith.constant 0 : i32
      %dma_start3A_13 = tpu.memref_slice %arg6[%mul3A_7, %dma_start3A_12] : memref<10240x128xf32, #tpu.memory_space<vmem_shared>> -> memref<640x128xf32, #tpu.memory_space<vmem_shared>>
      tpu.enqueue_dma source(%dma_start3A_13 : memref<640x128xf32, #tpu.memory_space<vmem_shared>>) target(%dma_start3A_11 : memref<640x128xf32, #tpu.memory_space<hbm>>) target_semaphore(%run_scoped3A : memref<!tpu.dma_semaphore, #tpu.memory_space<semaphore_mem>>)
      %dma_wait3A = arith.constant 0 : i32
      %dma_wait3A_14 = tpu.memref_slice %arg5[%arg0, %mul3A_9, %dma_wait3A] : memref<2x10240x128xf32, #tpu.memory_space<hbm>> -> memref<1x640x128xf32, #tpu.memory_space<hbm>>
      %dma_wait3A_15 = tpu.memref_squeeze %dma_wait3A_14 : memref<1x640x128xf32, #tpu.memory_space<hbm>> -> memref<640x128xf32, #tpu.memory_space<hbm>>
      %dma_wait3A_16 = arith.constant 0 : i32
      %dma_wait3A_17 = tpu.memref_slice %arg6[%mul3A_7, %dma_wait3A_16] : memref<10240x128xf32, #tpu.memory_space<vmem_shared>> -> memref<640x128xf32, #tpu.memory_space<vmem_shared>>
      tpu.wait_dma2 semaphore(%run_scoped3A : memref<!tpu.dma_semaphore, #tpu.memory_space<semaphore_mem>>) src(%dma_wait3A_17 : memref<640x128xf32, #tpu.memory_space<vmem_shared>>) dst(%dma_wait3A_15 : memref<640x128xf32, #tpu.memory_space<hbm>>)
      tpu.yield
    }) : () -> ()
    return
  }
}

#map = affine_map<(d0, d1) -> (0, 0, 0)>
#map1 = affine_map<(d0, d1) -> (0, 0, 0, 0)>
#map2 = affine_map<(d0, d1) -> (0, 0)>
module attributes {stable_mosaic.version = 14 : i64} {
  func.func @k(%arg0: i32, %arg1: i32, %arg2: memref<2x320000x128xf32, #tpu.memory_space<hbm>>, %arg3: memref<2x16x250x80xi32, #tpu.memory_space<hbm>>, %arg4: memref<640x128xf32, #tpu.memory_space<hbm>>, %arg5: memref<2x10240x128xf32, #tpu.memory_space<hbm>>, %arg6: memref<10240x128xf32, #tpu.memory_space<vmem_shared>>, %arg7: memref<250x80xi32, #tpu.memory_space<vmem>>, %arg8: memref<80x128xf32, #tpu.memory_space<vmem>>, %arg9: memref<80x128xf32, #tpu.memory_space<vmem>>, %arg10: memref<!tpu.dma_semaphore, #tpu.memory_space<semaphore_mem>>, %arg11: memref<!tpu.dma_semaphore, #tpu.memory_space<semaphore_mem>>, %arg12: memref<!tpu.dma_semaphore, #tpu.memory_space<semaphore_mem>>, %arg13: memref<!tpu.dma_semaphore, #tpu.memory_space<semaphore_mem>>) attributes {dimension_semantics = [#tpu.dimension_semantics<core_parallel>, #tpu.dimension_semantics<subcore_parallel>], iteration_bounds = array<i64: 2, 16>, scalar_prefetch = 0 : i64, scratch_operands = 8 : i64, tpu.core_type = #tpu.core_type<sc_vector_subcore>, window_params = [{transform_indices = #map}, {transform_indices = #map1}, {transform_indices = #map2}, {transform_indices = #map}]} {
    %mul3A = arith.constant 640 : i32
    %mul3A_0 = arith.muli %arg1, %mul3A : i32
    "tpu.region"() ({
      %run_scoped3A = tpu.sem_alloc : memref<!tpu.dma_semaphore, #tpu.memory_space<semaphore_mem>>
      %dma_start3A_34 = arith.constant 0 : i32
      %dma_start3A_35 = tpu.memref_slice %arg6[%mul3A_0, %dma_start3A_34] : memref<10240x128xf32, #tpu.memory_space<vmem_shared>> -> memref<640x128xf32, #tpu.memory_space<vmem_shared>>
      tpu.enqueue_dma source(%arg4 : memref<640x128xf32, #tpu.memory_space<hbm>>) target(%dma_start3A_35 : memref<640x128xf32, #tpu.memory_space<vmem_shared>>) target_semaphore(%run_scoped3A : memref<!tpu.dma_semaphore, #tpu.memory_space<semaphore_mem>>)
      %dma_wait3A_36 = arith.constant 0 : i32
      %dma_wait3A_37 = tpu.memref_slice %arg6[%mul3A_0, %dma_wait3A_36] : memref<10240x128xf32, #tpu.memory_space<vmem_shared>> -> memref<640x128xf32, #tpu.memory_space<vmem_shared>>
      tpu.wait_dma2 semaphore(%run_scoped3A : memref<!tpu.dma_semaphore, #tpu.memory_space<semaphore_mem>>) src(%arg4 : memref<640x128xf32, #tpu.memory_space<hbm>>) dst(%dma_wait3A_37 : memref<640x128xf32, #tpu.memory_space<vmem_shared>>)
      tpu.yield
    }) : () -> ()
    %sub3A = arith.constant 1 : i32
    %sub3A_1 = arith.subi %sub3A, %arg0 : i32
    "tpu.region"() ({
      %run_scoped3A = tpu.sem_alloc : memref<!tpu.dma_semaphore, #tpu.memory_space<semaphore_mem>>
      %dma_start3A_34 = arith.constant 0 : i32
      %dma_start3A_35 = arith.constant 0 : i32
      %dma_start3A_36 = tpu.memref_slice %arg3[%sub3A_1, %arg1, %dma_start3A_34, %dma_start3A_35] : memref<2x16x250x80xi32, #tpu.memory_space<hbm>> -> memref<1x1x250x80xi32, #tpu.memory_space<hbm>>
      %dma_start3A_37 = tpu.memref_squeeze %dma_start3A_36 : memref<1x1x250x80xi32, #tpu.memory_space<hbm>> -> memref<250x80xi32, #tpu.memory_space<hbm>>
      %dma_start3A_38 = arith.constant 0 : i32
      %dma_start3A_39 = arith.constant 0 : i32
      %dma_start3A_40 = tpu.memref_slice %arg3[%sub3A_1, %arg1, %dma_start3A_38, %dma_start3A_39] : memref<2x16x250x80xi32, #tpu.memory_space<hbm>> -> memref<1x1x250x80xi32, #tpu.memory_space<hbm>>
      %dma_start3A_41 = tpu.memref_squeeze %dma_start3A_40 : memref<1x1x250x80xi32, #tpu.memory_space<hbm>> -> memref<250x80xi32, #tpu.memory_space<hbm>>
      tpu.enqueue_dma source(%dma_start3A_41 : memref<250x80xi32, #tpu.memory_space<hbm>>) target(%arg7 : memref<250x80xi32, #tpu.memory_space<vmem>>) target_semaphore(%run_scoped3A : memref<!tpu.dma_semaphore, #tpu.memory_space<semaphore_mem>>)
      %dma_wait3A_42 = arith.constant 0 : i32
      %dma_wait3A_43 = arith.constant 0 : i32
      %dma_wait3A_44 = tpu.memref_slice %arg3[%sub3A_1, %arg1, %dma_wait3A_42, %dma_wait3A_43] : memref<2x16x250x80xi32, #tpu.memory_space<hbm>> -> memref<1x1x250x80xi32, #tpu.memory_space<hbm>>
      %dma_wait3A_45 = tpu.memref_squeeze %dma_wait3A_44 : memref<1x1x250x80xi32, #tpu.memory_space<hbm>> -> memref<250x80xi32, #tpu.memory_space<hbm>>
      %dma_wait3A_46 = arith.constant 0 : i32
      %dma_wait3A_47 = arith.constant 0 : i32
      %dma_wait3A_48 = tpu.memref_slice %arg3[%sub3A_1, %arg1, %dma_wait3A_46, %dma_wait3A_47] : memref<2x16x250x80xi32, #tpu.memory_space<hbm>> -> memref<1x1x250x80xi32, #tpu.memory_space<hbm>>
      %dma_wait3A_49 = tpu.memref_squeeze %dma_wait3A_48 : memref<1x1x250x80xi32, #tpu.memory_space<hbm>> -> memref<250x80xi32, #tpu.memory_space<hbm>>
      tpu.wait_dma2 semaphore(%run_scoped3A : memref<!tpu.dma_semaphore, #tpu.memory_space<semaphore_mem>>) src(%dma_wait3A_49 : memref<250x80xi32, #tpu.memory_space<hbm>>) dst(%arg7 : memref<250x80xi32, #tpu.memory_space<vmem>>)
      tpu.yield
    }) : () -> ()
    %barrier3A = arith.constant 0 : index
    tpu.barrier barrier_id(%barrier3A)
    %mul3A_2 = arith.constant 250 : i32
    %mul3A_3 = arith.muli %arg1, %mul3A_2 : i32
    %add3A = arith.constant 0 : i32
    %add3A_4 = arith.addi %mul3A_3, %add3A : i32
    %mul3A_5 = arith.constant 80 : i32
    %mul3A_6 = arith.muli %add3A_4, %mul3A_5 : i32
    %dma_start3A = arith.constant 0 : i32
    %dma_start3A_7 = tpu.memref_slice %arg2[%arg0, %mul3A_6, %dma_start3A] : memref<2x320000x128xf32, #tpu.memory_space<hbm>> -> memref<1x80x128xf32, #tpu.memory_space<hbm>>
    %dma_start3A_8 = tpu.memref_squeeze %dma_start3A_7 : memref<1x80x128xf32, #tpu.memory_space<hbm>> -> memref<80x128xf32, #tpu.memory_space<hbm>>
    %dma_start3A_9 = arith.constant 0 : i32
    %dma_start3A_10 = tpu.memref_slice %arg2[%arg0, %mul3A_6, %dma_start3A_9] : memref<2x320000x128xf32, #tpu.memory_space<hbm>> -> memref<1x80x128xf32, #tpu.memory_space<hbm>>
    %dma_start3A_11 = tpu.memref_squeeze %dma_start3A_10 : memref<1x80x128xf32, #tpu.memory_space<hbm>> -> memref<80x128xf32, #tpu.memory_space<hbm>>
    tpu.enqueue_dma source(%dma_start3A_11 : memref<80x128xf32, #tpu.memory_space<hbm>>) target(%arg8 : memref<80x128xf32, #tpu.memory_space<vmem>>) target_semaphore(%arg10 : memref<!tpu.dma_semaphore, #tpu.memory_space<semaphore_mem>>)
    %scan3A = arith.constant 0 : i32
    %scan3A_12 = arith.constant 125 : i32
    %scan3A_13 = arith.addi %scan3A, %scan3A_12 : i32
    %scan3A_14 = arith.constant 1 : i32
    scf.for %scan3A_34 = %scan3A to %scan3A_13 step %scan3A_14  : i32 {
      %mul3A_35 = arith.constant 1 : i32
      %mul3A_36 = arith.muli %scan3A_34, %mul3A_35 : i32
      %add3A_37 = arith.constant 0 : i32
      %add3A_38 = arith.addi %add3A_37, %mul3A_36 : i32
      %mul3A_39 = arith.constant 2 : i32
      %mul3A_40 = arith.muli %mul3A_39, %add3A_38 : i32
      %add3A_41 = arith.constant 1 : i32
      %add3A_42 = arith.addi %mul3A_40, %add3A_41 : i32
      %gt3A = arith.constant 0 : i32
      %gt3A_43 = arith.cmpi sgt, %add3A_38, %gt3A : i32
      %convert_element_type3A = arith.extui %gt3A_43 : i1 to i32
      %cond3A = arith.constant 0 : i32
      %cond3A_44 = arith.cmpi ne, %convert_element_type3A, %cond3A : i32
      scf.if %cond3A_44 {
        %dma_wait3A_88 = arith.constant 0 : i32
        %dma_wait3A_89 = arith.constant 0 : i32
        %dma_wait3A_90 = tpu.memref_slice %arg7[%dma_wait3A_88, %dma_wait3A_89] : memref<250x80xi32, #tpu.memory_space<vmem>> -> memref<1x80xi32, #tpu.memory_space<vmem>>
        %dma_wait3A_91 = tpu.memref_squeeze %dma_wait3A_90 : memref<1x80xi32, #tpu.memory_space<vmem>> -> memref<80xi32, #tpu.memory_space<vmem>>
        %dma_wait3A_92 = arith.constant 0 : i32
        %dma_wait3A_93 = arith.constant 0 : i32
        %dma_wait3A_94 = tpu.memref_slice %arg6[%dma_wait3A_92, %dma_wait3A_93] : memref<10240x128xf32, #tpu.memory_space<vmem_shared>> -> memref<10240x128xf32, #tpu.memory_space<vmem_shared>>
        tpu.wait_indirect_dma semaphore(%arg13 : memref<!tpu.dma_semaphore, #tpu.memory_space<semaphore_mem>>) src(%arg9 : memref<80x128xf32, #tpu.memory_space<vmem>>) dst(%dma_wait3A_94 : memref<10240x128xf32, #tpu.memory_space<vmem_shared>>)
      } else {
      }
      %mul3A_45 = arith.constant 250 : i32
      %mul3A_46 = arith.muli %arg1, %mul3A_45 : i32
      %add3A_47 = arith.addi %mul3A_46, %add3A_42 : i32
      %mul3A_48 = arith.constant 80 : i32
      %mul3A_49 = arith.muli %add3A_47, %mul3A_48 : i32
      %dma_start3A_50 = arith.constant 0 : i32
      %dma_start3A_51 = tpu.memref_slice %arg2[%arg0, %mul3A_49, %dma_start3A_50] : memref<2x320000x128xf32, #tpu.memory_space<hbm>> -> memref<1x80x128xf32, #tpu.memory_space<hbm>>
      %dma_start3A_52 = tpu.memref_squeeze %dma_start3A_51 : memref<1x80x128xf32, #tpu.memory_space<hbm>> -> memref<80x128xf32, #tpu.memory_space<hbm>>
      %dma_start3A_53 = arith.constant 0 : i32
      %dma_start3A_54 = tpu.memref_slice %arg2[%arg0, %mul3A_49, %dma_start3A_53] : memref<2x320000x128xf32, #tpu.memory_space<hbm>> -> memref<1x80x128xf32, #tpu.memory_space<hbm>>
      %dma_start3A_55 = tpu.memref_squeeze %dma_start3A_54 : memref<1x80x128xf32, #tpu.memory_space<hbm>> -> memref<80x128xf32, #tpu.memory_space<hbm>>
      tpu.enqueue_dma source(%dma_start3A_55 : memref<80x128xf32, #tpu.memory_space<hbm>>) target(%arg9 : memref<80x128xf32, #tpu.memory_space<vmem>>) target_semaphore(%arg11 : memref<!tpu.dma_semaphore, #tpu.memory_space<semaphore_mem>>)
      %dma_wait3A_56 = arith.constant 0 : i32
      %dma_wait3A_57 = arith.constant 0 : i32
      %dma_wait3A_58 = tpu.memref_slice %arg2[%arg0, %dma_wait3A_56, %dma_wait3A_57] : memref<2x320000x128xf32, #tpu.memory_space<hbm>> -> memref<1x80x128xf32, #tpu.memory_space<hbm>>
      %dma_wait3A_59 = tpu.memref_squeeze %dma_wait3A_58 : memref<1x80x128xf32, #tpu.memory_space<hbm>> -> memref<80x128xf32, #tpu.memory_space<hbm>>
      %dma_wait3A_60 = arith.constant 0 : i32
      %dma_wait3A_61 = arith.constant 0 : i32
      %dma_wait3A_62 = tpu.memref_slice %arg2[%arg0, %dma_wait3A_60, %dma_wait3A_61] : memref<2x320000x128xf32, #tpu.memory_space<hbm>> -> memref<1x80x128xf32, #tpu.memory_space<hbm>>
      %dma_wait3A_63 = tpu.memref_squeeze %dma_wait3A_62 : memref<1x80x128xf32, #tpu.memory_space<hbm>> -> memref<80x128xf32, #tpu.memory_space<hbm>>
      tpu.wait_dma2 semaphore(%arg10 : memref<!tpu.dma_semaphore, #tpu.memory_space<semaphore_mem>>) src(%dma_wait3A_63 : memref<80x128xf32, #tpu.memory_space<hbm>>) dst(%arg8 : memref<80x128xf32, #tpu.memory_space<vmem>>)
      %dma_start3A_64 = arith.constant 0 : i32
      %dma_start3A_65 = tpu.memref_slice %arg7[%mul3A_40, %dma_start3A_64] : memref<250x80xi32, #tpu.memory_space<vmem>> -> memref<1x80xi32, #tpu.memory_space<vmem>>
      %dma_start3A_66 = tpu.memref_squeeze %dma_start3A_65 : memref<1x80xi32, #tpu.memory_space<vmem>> -> memref<80xi32, #tpu.memory_space<vmem>>
      %dma_start3A_67 = arith.constant 0 : i32
      %dma_start3A_68 = arith.constant 0 : i32
      %dma_start3A_69 = tpu.memref_slice %arg6[%dma_start3A_67, %dma_start3A_68] : memref<10240x128xf32, #tpu.memory_space<vmem_shared>> -> memref<10240x128xf32, #tpu.memory_space<vmem_shared>>
      tpu.enqueue_indirect_dma source(%arg8 : memref<80x128xf32, #tpu.memory_space<vmem>>) target(%dma_start3A_69 : memref<10240x128xf32, #tpu.memory_space<vmem_shared>>) offsets(%dma_start3A_66 : memref<80xi32, #tpu.memory_space<vmem>>) semaphore(%arg12 : memref<!tpu.dma_semaphore, #tpu.memory_space<semaphore_mem>>) {add = true}
      %lt3A = arith.constant 124 : i32
      %lt3A_70 = arith.cmpi slt, %add3A_38, %lt3A : i32
      %convert_element_type3A_71 = arith.extui %lt3A_70 : i1 to i32
      %cond3A_72 = arith.constant 0 : i32
      %cond3A_73 = arith.cmpi ne, %convert_element_type3A_71, %cond3A_72 : i32
      scf.if %cond3A_73 {
        %dma_wait3A_88 = arith.constant 0 : i32
        %dma_wait3A_89 = arith.constant 0 : i32
        %dma_wait3A_90 = tpu.memref_slice %arg7[%dma_wait3A_88, %dma_wait3A_89] : memref<250x80xi32, #tpu.memory_space<vmem>> -> memref<1x80xi32, #tpu.memory_space<vmem>>
        %dma_wait3A_91 = tpu.memref_squeeze %dma_wait3A_90 : memref<1x80xi32, #tpu.memory_space<vmem>> -> memref<80xi32, #tpu.memory_space<vmem>>
        %dma_wait3A_92 = arith.constant 0 : i32
        %dma_wait3A_93 = arith.constant 0 : i32
        %dma_wait3A_94 = tpu.memref_slice %arg6[%dma_wait3A_92, %dma_wait3A_93] : memref<10240x128xf32, #tpu.memory_space<vmem_shared>> -> memref<10240x128xf32, #tpu.memory_space<vmem_shared>>
        tpu.wait_indirect_dma semaphore(%arg12 : memref<!tpu.dma_semaphore, #tpu.memory_space<semaphore_mem>>) src(%arg8 : memref<80x128xf32, #tpu.memory_space<vmem>>) dst(%dma_wait3A_94 : memref<10240x128xf32, #tpu.memory_space<vmem_shared>>)
        %add3A_95 = arith.constant 2 : i32
        %add3A_96 = arith.addi %mul3A_40, %add3A_95 : i32
        %mul3A_97 = arith.constant 250 : i32
        %mul3A_98 = arith.muli %arg1, %mul3A_97 : i32
        %add3A_99 = arith.addi %mul3A_98, %add3A_96 : i32
        %mul3A_100 = arith.constant 80 : i32
        %mul3A_101 = arith.muli %add3A_99, %mul3A_100 : i32
        %dma_start3A_102 = arith.constant 0 : i32
        %dma_start3A_103 = tpu.memref_slice %arg2[%arg0, %mul3A_101, %dma_start3A_102] : memref<2x320000x128xf32, #tpu.memory_space<hbm>> -> memref<1x80x128xf32, #tpu.memory_space<hbm>>
        %dma_start3A_104 = tpu.memref_squeeze %dma_start3A_103 : memref<1x80x128xf32, #tpu.memory_space<hbm>> -> memref<80x128xf32, #tpu.memory_space<hbm>>
        %dma_start3A_105 = arith.constant 0 : i32
        %dma_start3A_106 = tpu.memref_slice %arg2[%arg0, %mul3A_101, %dma_start3A_105] : memref<2x320000x128xf32, #tpu.memory_space<hbm>> -> memref<1x80x128xf32, #tpu.memory_space<hbm>>
        %dma_start3A_107 = tpu.memref_squeeze %dma_start3A_106 : memref<1x80x128xf32, #tpu.memory_space<hbm>> -> memref<80x128xf32, #tpu.memory_space<hbm>>
        tpu.enqueue_dma source(%dma_start3A_107 : memref<80x128xf32, #tpu.memory_space<hbm>>) target(%arg8 : memref<80x128xf32, #tpu.memory_space<vmem>>) target_semaphore(%arg10 : memref<!tpu.dma_semaphore, #tpu.memory_space<semaphore_mem>>)
      } else {
      }
      %dma_wait3A_74 = arith.constant 0 : i32
      %dma_wait3A_75 = arith.constant 0 : i32
      %dma_wait3A_76 = tpu.memref_slice %arg2[%arg0, %dma_wait3A_74, %dma_wait3A_75] : memref<2x320000x128xf32, #tpu.memory_space<hbm>> -> memref<1x80x128xf32, #tpu.memory_space<hbm>>
      %dma_wait3A_77 = tpu.memref_squeeze %dma_wait3A_76 : memref<1x80x128xf32, #tpu.memory_space<hbm>> -> memref<80x128xf32, #tpu.memory_space<hbm>>
      %dma_wait3A_78 = arith.constant 0 : i32
      %dma_wait3A_79 = arith.constant 0 : i32
      %dma_wait3A_80 = tpu.memref_slice %arg2[%arg0, %dma_wait3A_78, %dma_wait3A_79] : memref<2x320000x128xf32, #tpu.memory_space<hbm>> -> memref<1x80x128xf32, #tpu.memory_space<hbm>>
      %dma_wait3A_81 = tpu.memref_squeeze %dma_wait3A_80 : memref<1x80x128xf32, #tpu.memory_space<hbm>> -> memref<80x128xf32, #tpu.memory_space<hbm>>
      tpu.wait_dma2 semaphore(%arg11 : memref<!tpu.dma_semaphore, #tpu.memory_space<semaphore_mem>>) src(%dma_wait3A_81 : memref<80x128xf32, #tpu.memory_space<hbm>>) dst(%arg9 : memref<80x128xf32, #tpu.memory_space<vmem>>)
      %dma_start3A_82 = arith.constant 0 : i32
      %dma_start3A_83 = tpu.memref_slice %arg7[%add3A_42, %dma_start3A_82] : memref<250x80xi32, #tpu.memory_space<vmem>> -> memref<1x80xi32, #tpu.memory_space<vmem>>
      %dma_start3A_84 = tpu.memref_squeeze %dma_start3A_83 : memref<1x80xi32, #tpu.memory_space<vmem>> -> memref<80xi32, #tpu.memory_space<vmem>>
      %dma_start3A_85 = arith.constant 0 : i32
      %dma_start3A_86 = arith.constant 0 : i32
      %dma_start3A_87 = tpu.memref_slice %arg6[%dma_start3A_85, %dma_start3A_86] : memref<10240x128xf32, #tpu.memory_space<vmem_shared>> -> memref<10240x128xf32, #tpu.memory_space<vmem_shared>>
      tpu.enqueue_indirect_dma source(%arg9 : memref<80x128xf32, #tpu.memory_space<vmem>>) target(%dma_start3A_87 : memref<10240x128xf32, #tpu.memory_space<vmem_shared>>) offsets(%dma_start3A_84 : memref<80xi32, #tpu.memory_space<vmem>>) semaphore(%arg13 : memref<!tpu.dma_semaphore, #tpu.memory_space<semaphore_mem>>) {add = true}
    }
    %scan3A_15 = arith.constant 125 : i32
    %dma_wait3A = arith.constant 0 : i32
    %dma_wait3A_16 = arith.constant 0 : i32
    %dma_wait3A_17 = tpu.memref_slice %arg7[%dma_wait3A, %dma_wait3A_16] : memref<250x80xi32, #tpu.memory_space<vmem>> -> memref<1x80xi32, #tpu.memory_space<vmem>>
    %dma_wait3A_18 = tpu.memref_squeeze %dma_wait3A_17 : memref<1x80xi32, #tpu.memory_space<vmem>> -> memref<80xi32, #tpu.memory_space<vmem>>
    %dma_wait3A_19 = arith.constant 0 : i32
    %dma_wait3A_20 = arith.constant 0 : i32
    %dma_wait3A_21 = tpu.memref_slice %arg6[%dma_wait3A_19, %dma_wait3A_20] : memref<10240x128xf32, #tpu.memory_space<vmem_shared>> -> memref<10240x128xf32, #tpu.memory_space<vmem_shared>>
    tpu.wait_indirect_dma semaphore(%arg12 : memref<!tpu.dma_semaphore, #tpu.memory_space<semaphore_mem>>) src(%arg8 : memref<80x128xf32, #tpu.memory_space<vmem>>) dst(%dma_wait3A_21 : memref<10240x128xf32, #tpu.memory_space<vmem_shared>>)
    %dma_wait3A_22 = arith.constant 0 : i32
    %dma_wait3A_23 = arith.constant 0 : i32
    %dma_wait3A_24 = tpu.memref_slice %arg7[%dma_wait3A_22, %dma_wait3A_23] : memref<250x80xi32, #tpu.memory_space<vmem>> -> memref<1x80xi32, #tpu.memory_space<vmem>>
    %dma_wait3A_25 = tpu.memref_squeeze %dma_wait3A_24 : memref<1x80xi32, #tpu.memory_space<vmem>> -> memref<80xi32, #tpu.memory_space<vmem>>
    %dma_wait3A_26 = arith.constant 0 : i32
    %dma_wait3A_27 = arith.constant 0 : i32
    %dma_wait3A_28 = tpu.memref_slice %arg6[%dma_wait3A_26, %dma_wait3A_27] : memref<10240x128xf32, #tpu.memory_space<vmem_shared>> -> memref<10240x128xf32, #tpu.memory_space<vmem_shared>>
    tpu.wait_indirect_dma semaphore(%arg13 : memref<!tpu.dma_semaphore, #tpu.memory_space<semaphore_mem>>) src(%arg9 : memref<80x128xf32, #tpu.memory_space<vmem>>) dst(%dma_wait3A_28 : memref<10240x128xf32, #tpu.memory_space<vmem_shared>>)
    %barrier3A_29 = arith.constant 0 : index
    tpu.barrier barrier_id(%barrier3A_29)
    %mul3A_30 = arith.constant 640 : i32
    %mul3A_31 = arith.muli %arg1, %mul3A_30 : i32
    %mul3A_32 = arith.constant 640 : i32
    %mul3A_33 = arith.muli %arg1, %mul3A_32 : i32
    "tpu.region"() ({
      %run_scoped3A = tpu.sem_alloc : memref<!tpu.dma_semaphore, #tpu.memory_space<semaphore_mem>>
      %dma_start3A_34 = arith.constant 0 : i32
      %dma_start3A_35 = tpu.memref_slice %arg5[%arg0, %mul3A_33, %dma_start3A_34] : memref<2x10240x128xf32, #tpu.memory_space<hbm>> -> memref<1x640x128xf32, #tpu.memory_space<hbm>>
      %dma_start3A_36 = tpu.memref_squeeze %dma_start3A_35 : memref<1x640x128xf32, #tpu.memory_space<hbm>> -> memref<640x128xf32, #tpu.memory_space<hbm>>
      %dma_start3A_37 = arith.constant 0 : i32
      %dma_start3A_38 = tpu.memref_slice %arg6[%mul3A_31, %dma_start3A_37] : memref<10240x128xf32, #tpu.memory_space<vmem_shared>> -> memref<640x128xf32, #tpu.memory_space<vmem_shared>>
      tpu.enqueue_dma source(%dma_start3A_38 : memref<640x128xf32, #tpu.memory_space<vmem_shared>>) target(%dma_start3A_36 : memref<640x128xf32, #tpu.memory_space<hbm>>) target_semaphore(%run_scoped3A : memref<!tpu.dma_semaphore, #tpu.memory_space<semaphore_mem>>)
      %dma_wait3A_39 = arith.constant 0 : i32
      %dma_wait3A_40 = tpu.memref_slice %arg5[%arg0, %mul3A_33, %dma_wait3A_39] : memref<2x10240x128xf32, #tpu.memory_space<hbm>> -> memref<1x640x128xf32, #tpu.memory_space<hbm>>
      %dma_wait3A_41 = tpu.memref_squeeze %dma_wait3A_40 : memref<1x640x128xf32, #tpu.memory_space<hbm>> -> memref<640x128xf32, #tpu.memory_space<hbm>>
      %dma_wait3A_42 = arith.constant 0 : i32
      %dma_wait3A_43 = tpu.memref_slice %arg6[%mul3A_31, %dma_wait3A_42] : memref<10240x128xf32, #tpu.memory_space<vmem_shared>> -> memref<640x128xf32, #tpu.memory_space<vmem_shared>>
      tpu.wait_dma2 semaphore(%run_scoped3A : memref<!tpu.dma_semaphore, #tpu.memory_space<semaphore_mem>>) src(%dma_wait3A_43 : memref<640x128xf32, #tpu.memory_space<vmem_shared>>) dst(%dma_wait3A_41 : memref<640x128xf32, #tpu.memory_space<hbm>>)
      tpu.yield
    }) : () -> ()
    return
  }
}

#map = affine_map<(d0, d1) -> (0, 0)>
#map1 = affine_map<(d0, d1) -> (0, 0, 0, 0)>
#map2 = affine_map<(d0, d1) -> (0, 0, 0)>
module attributes {stable_mosaic.version = 14 : i64} {
  func.func @k(%arg0: i32, %arg1: i32, %arg2: memref<320000x16xf32, #tpu.memory_space<hbm>>, %arg3: memref<320000x16xf32, #tpu.memory_space<hbm>>, %arg4: memref<320000x16xf32, #tpu.memory_space<hbm>>, %arg5: memref<2x32x100x100xi32, #tpu.memory_space<hbm>>, %arg6: memref<640x16xf32, #tpu.memory_space<hbm>>, %arg7: memref<100x16xf32, #tpu.memory_space<hbm>>, %arg8: memref<2x10240x128xf32, #tpu.memory_space<hbm>>, %arg9: memref<10240x16xf32, #tpu.memory_space<vmem_shared>>, %arg10: memref<10240x16xf32, #tpu.memory_space<vmem_shared>>, %arg11: memref<10240x16xf32, #tpu.memory_space<vmem_shared>>, %arg12: memref<10240x16xf32, #tpu.memory_space<vmem_shared>>, %arg13: memref<10240x16xf32, #tpu.memory_space<vmem_shared>>, %arg14: memref<10240x16xf32, #tpu.memory_space<vmem_shared>>, %arg15: memref<10240x16xf32, #tpu.memory_space<vmem_shared>>, %arg16: memref<10240x16xf32, #tpu.memory_space<vmem_shared>>, %arg17: memref<100x100xi32, #tpu.memory_space<vmem>>, %arg18: memref<100x100xi32, #tpu.memory_space<vmem>>, %arg19: memref<100x16xf32, #tpu.memory_space<vmem>>, %arg20: memref<100x16xf32, #tpu.memory_space<vmem>>, %arg21: memref<100x16xf32, #tpu.memory_space<vmem>>, %arg22: memref<100x16xf32, #tpu.memory_space<vmem>>, %arg23: memref<100x16xf32, #tpu.memory_space<vmem>>, %arg24: memref<100x16xf32, #tpu.memory_space<vmem>>, %arg25: memref<100x16xf32, #tpu.memory_space<vmem>>, %arg26: memref<!tpu.dma_semaphore, #tpu.memory_space<semaphore_mem>>, %arg27: memref<!tpu.dma_semaphore, #tpu.memory_space<semaphore_mem>>, %arg28: memref<!tpu.dma_semaphore, #tpu.memory_space<semaphore_mem>>, %arg29: memref<!tpu.dma_semaphore, #tpu.memory_space<semaphore_mem>>, %arg30: memref<!tpu.dma_semaphore, #tpu.memory_space<semaphore_mem>>, %arg31: memref<!tpu.dma_semaphore, #tpu.memory_space<semaphore_mem>>, %arg32: memref<!tpu.dma_semaphore, #tpu.memory_space<semaphore_mem>>, %arg33: memref<!tpu.dma_semaphore, #tpu.memory_space<semaphore_mem>>) attributes {dimension_semantics = [#tpu.dimension_semantics<core_parallel>, #tpu.dimension_semantics<subcore_parallel>], iteration_bounds = array<i64: 2, 16>, scalar_prefetch = 0 : i64, scratch_operands = 25 : i64, tpu.core_type = #tpu.core_type<sc_vector_subcore>, window_params = [{transform_indices = #map}, {transform_indices = #map}, {transform_indices = #map}, {transform_indices = #map1}, {transform_indices = #map}, {transform_indices = #map}, {transform_indices = #map2}]} {
    %mul3A = arith.constant 640 : i32
    %mul3A_0 = arith.muli %arg1, %mul3A : i32
    "tpu.region"() ({
      %run_scoped3A_239 = tpu.sem_alloc : memref<!tpu.dma_semaphore, #tpu.memory_space<semaphore_mem>>
      %dma_start3A_240 = arith.constant 0 : i32
      %dma_start3A_241 = tpu.memref_slice %arg9[%mul3A_0, %dma_start3A_240] : memref<10240x16xf32, #tpu.memory_space<vmem_shared>> -> memref<640x16xf32, #tpu.memory_space<vmem_shared>>
      tpu.enqueue_dma source(%arg6 : memref<640x16xf32, #tpu.memory_space<hbm>>) target(%dma_start3A_241 : memref<640x16xf32, #tpu.memory_space<vmem_shared>>) target_semaphore(%run_scoped3A_239 : memref<!tpu.dma_semaphore, #tpu.memory_space<semaphore_mem>>)
      %dma_wait3A_242 = arith.constant 0 : i32
      %dma_wait3A_243 = tpu.memref_slice %arg9[%mul3A_0, %dma_wait3A_242] : memref<10240x16xf32, #tpu.memory_space<vmem_shared>> -> memref<640x16xf32, #tpu.memory_space<vmem_shared>>
      tpu.wait_dma2 semaphore(%run_scoped3A_239 : memref<!tpu.dma_semaphore, #tpu.memory_space<semaphore_mem>>) src(%arg6 : memref<640x16xf32, #tpu.memory_space<hbm>>) dst(%dma_wait3A_243 : memref<640x16xf32, #tpu.memory_space<vmem_shared>>)
      tpu.yield
    }) : () -> ()
    %mul3A_1 = arith.constant 640 : i32
    %mul3A_2 = arith.muli %arg1, %mul3A_1 : i32
    "tpu.region"() ({
      %run_scoped3A_239 = tpu.sem_alloc : memref<!tpu.dma_semaphore, #tpu.memory_space<semaphore_mem>>
      %dma_start3A_240 = arith.constant 0 : i32
      %dma_start3A_241 = tpu.memref_slice %arg10[%mul3A_2, %dma_start3A_240] : memref<10240x16xf32, #tpu.memory_space<vmem_shared>> -> memref<640x16xf32, #tpu.memory_space<vmem_shared>>
      tpu.enqueue_dma source(%arg6 : memref<640x16xf32, #tpu.memory_space<hbm>>) target(%dma_start3A_241 : memref<640x16xf32, #tpu.memory_space<vmem_shared>>) target_semaphore(%run_scoped3A_239 : memref<!tpu.dma_semaphore, #tpu.memory_space<semaphore_mem>>)
      %dma_wait3A_242 = arith.constant 0 : i32
      %dma_wait3A_243 = tpu.memref_slice %arg10[%mul3A_2, %dma_wait3A_242] : memref<10240x16xf32, #tpu.memory_space<vmem_shared>> -> memref<640x16xf32, #tpu.memory_space<vmem_shared>>
      tpu.wait_dma2 semaphore(%run_scoped3A_239 : memref<!tpu.dma_semaphore, #tpu.memory_space<semaphore_mem>>) src(%arg6 : memref<640x16xf32, #tpu.memory_space<hbm>>) dst(%dma_wait3A_243 : memref<640x16xf32, #tpu.memory_space<vmem_shared>>)
      tpu.yield
    }) : () -> ()
    %mul3A_3 = arith.constant 640 : i32
    %mul3A_4 = arith.muli %arg1, %mul3A_3 : i32
    "tpu.region"() ({
      %run_scoped3A_239 = tpu.sem_alloc : memref<!tpu.dma_semaphore, #tpu.memory_space<semaphore_mem>>
      %dma_start3A_240 = arith.constant 0 : i32
      %dma_start3A_241 = tpu.memref_slice %arg11[%mul3A_4, %dma_start3A_240] : memref<10240x16xf32, #tpu.memory_space<vmem_shared>> -> memref<640x16xf32, #tpu.memory_space<vmem_shared>>
      tpu.enqueue_dma source(%arg6 : memref<640x16xf32, #tpu.memory_space<hbm>>) target(%dma_start3A_241 : memref<640x16xf32, #tpu.memory_space<vmem_shared>>) target_semaphore(%run_scoped3A_239 : memref<!tpu.dma_semaphore, #tpu.memory_space<semaphore_mem>>)
      %dma_wait3A_242 = arith.constant 0 : i32
      %dma_wait3A_243 = tpu.memref_slice %arg11[%mul3A_4, %dma_wait3A_242] : memref<10240x16xf32, #tpu.memory_space<vmem_shared>> -> memref<640x16xf32, #tpu.memory_space<vmem_shared>>
      tpu.wait_dma2 semaphore(%run_scoped3A_239 : memref<!tpu.dma_semaphore, #tpu.memory_space<semaphore_mem>>) src(%arg6 : memref<640x16xf32, #tpu.memory_space<hbm>>) dst(%dma_wait3A_243 : memref<640x16xf32, #tpu.memory_space<vmem_shared>>)
      tpu.yield
    }) : () -> ()
    %mul3A_5 = arith.constant 640 : i32
    %mul3A_6 = arith.muli %arg1, %mul3A_5 : i32
    "tpu.region"() ({
      %run_scoped3A_239 = tpu.sem_alloc : memref<!tpu.dma_semaphore, #tpu.memory_space<semaphore_mem>>
      %dma_start3A_240 = arith.constant 0 : i32
      %dma_start3A_241 = tpu.memref_slice %arg12[%mul3A_6, %dma_start3A_240] : memref<10240x16xf32, #tpu.memory_space<vmem_shared>> -> memref<640x16xf32, #tpu.memory_space<vmem_shared>>
      tpu.enqueue_dma source(%arg6 : memref<640x16xf32, #tpu.memory_space<hbm>>) target(%dma_start3A_241 : memref<640x16xf32, #tpu.memory_space<vmem_shared>>) target_semaphore(%run_scoped3A_239 : memref<!tpu.dma_semaphore, #tpu.memory_space<semaphore_mem>>)
      %dma_wait3A_242 = arith.constant 0 : i32
      %dma_wait3A_243 = tpu.memref_slice %arg12[%mul3A_6, %dma_wait3A_242] : memref<10240x16xf32, #tpu.memory_space<vmem_shared>> -> memref<640x16xf32, #tpu.memory_space<vmem_shared>>
      tpu.wait_dma2 semaphore(%run_scoped3A_239 : memref<!tpu.dma_semaphore, #tpu.memory_space<semaphore_mem>>) src(%arg6 : memref<640x16xf32, #tpu.memory_space<hbm>>) dst(%dma_wait3A_243 : memref<640x16xf32, #tpu.memory_space<vmem_shared>>)
      tpu.yield
    }) : () -> ()
    %mul3A_7 = arith.constant 640 : i32
    %mul3A_8 = arith.muli %arg1, %mul3A_7 : i32
    "tpu.region"() ({
      %run_scoped3A_239 = tpu.sem_alloc : memref<!tpu.dma_semaphore, #tpu.memory_space<semaphore_mem>>
      %dma_start3A_240 = arith.constant 0 : i32
      %dma_start3A_241 = tpu.memref_slice %arg13[%mul3A_8, %dma_start3A_240] : memref<10240x16xf32, #tpu.memory_space<vmem_shared>> -> memref<640x16xf32, #tpu.memory_space<vmem_shared>>
      tpu.enqueue_dma source(%arg6 : memref<640x16xf32, #tpu.memory_space<hbm>>) target(%dma_start3A_241 : memref<640x16xf32, #tpu.memory_space<vmem_shared>>) target_semaphore(%run_scoped3A_239 : memref<!tpu.dma_semaphore, #tpu.memory_space<semaphore_mem>>)
      %dma_wait3A_242 = arith.constant 0 : i32
      %dma_wait3A_243 = tpu.memref_slice %arg13[%mul3A_8, %dma_wait3A_242] : memref<10240x16xf32, #tpu.memory_space<vmem_shared>> -> memref<640x16xf32, #tpu.memory_space<vmem_shared>>
      tpu.wait_dma2 semaphore(%run_scoped3A_239 : memref<!tpu.dma_semaphore, #tpu.memory_space<semaphore_mem>>) src(%arg6 : memref<640x16xf32, #tpu.memory_space<hbm>>) dst(%dma_wait3A_243 : memref<640x16xf32, #tpu.memory_space<vmem_shared>>)
      tpu.yield
    }) : () -> ()
    %mul3A_9 = arith.constant 640 : i32
    %mul3A_10 = arith.muli %arg1, %mul3A_9 : i32
    "tpu.region"() ({
      %run_scoped3A_239 = tpu.sem_alloc : memref<!tpu.dma_semaphore, #tpu.memory_space<semaphore_mem>>
      %dma_start3A_240 = arith.constant 0 : i32
      %dma_start3A_241 = tpu.memref_slice %arg14[%mul3A_10, %dma_start3A_240] : memref<10240x16xf32, #tpu.memory_space<vmem_shared>> -> memref<640x16xf32, #tpu.memory_space<vmem_shared>>
      tpu.enqueue_dma source(%arg6 : memref<640x16xf32, #tpu.memory_space<hbm>>) target(%dma_start3A_241 : memref<640x16xf32, #tpu.memory_space<vmem_shared>>) target_semaphore(%run_scoped3A_239 : memref<!tpu.dma_semaphore, #tpu.memory_space<semaphore_mem>>)
      %dma_wait3A_242 = arith.constant 0 : i32
      %dma_wait3A_243 = tpu.memref_slice %arg14[%mul3A_10, %dma_wait3A_242] : memref<10240x16xf32, #tpu.memory_space<vmem_shared>> -> memref<640x16xf32, #tpu.memory_space<vmem_shared>>
      tpu.wait_dma2 semaphore(%run_scoped3A_239 : memref<!tpu.dma_semaphore, #tpu.memory_space<semaphore_mem>>) src(%arg6 : memref<640x16xf32, #tpu.memory_space<hbm>>) dst(%dma_wait3A_243 : memref<640x16xf32, #tpu.memory_space<vmem_shared>>)
      tpu.yield
    }) : () -> ()
    %mul3A_11 = arith.constant 640 : i32
    %mul3A_12 = arith.muli %arg1, %mul3A_11 : i32
    "tpu.region"() ({
      %run_scoped3A_239 = tpu.sem_alloc : memref<!tpu.dma_semaphore, #tpu.memory_space<semaphore_mem>>
      %dma_start3A_240 = arith.constant 0 : i32
      %dma_start3A_241 = tpu.memref_slice %arg15[%mul3A_12, %dma_start3A_240] : memref<10240x16xf32, #tpu.memory_space<vmem_shared>> -> memref<640x16xf32, #tpu.memory_space<vmem_shared>>
      tpu.enqueue_dma source(%arg6 : memref<640x16xf32, #tpu.memory_space<hbm>>) target(%dma_start3A_241 : memref<640x16xf32, #tpu.memory_space<vmem_shared>>) target_semaphore(%run_scoped3A_239 : memref<!tpu.dma_semaphore, #tpu.memory_space<semaphore_mem>>)
      %dma_wait3A_242 = arith.constant 0 : i32
      %dma_wait3A_243 = tpu.memref_slice %arg15[%mul3A_12, %dma_wait3A_242] : memref<10240x16xf32, #tpu.memory_space<vmem_shared>> -> memref<640x16xf32, #tpu.memory_space<vmem_shared>>
      tpu.wait_dma2 semaphore(%run_scoped3A_239 : memref<!tpu.dma_semaphore, #tpu.memory_space<semaphore_mem>>) src(%arg6 : memref<640x16xf32, #tpu.memory_space<hbm>>) dst(%dma_wait3A_243 : memref<640x16xf32, #tpu.memory_space<vmem_shared>>)
      tpu.yield
    }) : () -> ()
    %mul3A_13 = arith.constant 640 : i32
    %mul3A_14 = arith.muli %arg1, %mul3A_13 : i32
    "tpu.region"() ({
      %run_scoped3A_239 = tpu.sem_alloc : memref<!tpu.dma_semaphore, #tpu.memory_space<semaphore_mem>>
      %dma_start3A_240 = arith.constant 0 : i32
      %dma_start3A_241 = tpu.memref_slice %arg16[%mul3A_14, %dma_start3A_240] : memref<10240x16xf32, #tpu.memory_space<vmem_shared>> -> memref<640x16xf32, #tpu.memory_space<vmem_shared>>
      tpu.enqueue_dma source(%arg6 : memref<640x16xf32, #tpu.memory_space<hbm>>) target(%dma_start3A_241 : memref<640x16xf32, #tpu.memory_space<vmem_shared>>) target_semaphore(%run_scoped3A_239 : memref<!tpu.dma_semaphore, #tpu.memory_space<semaphore_mem>>)
      %dma_wait3A_242 = arith.constant 0 : i32
      %dma_wait3A_243 = tpu.memref_slice %arg16[%mul3A_14, %dma_wait3A_242] : memref<10240x16xf32, #tpu.memory_space<vmem_shared>> -> memref<640x16xf32, #tpu.memory_space<vmem_shared>>
      tpu.wait_dma2 semaphore(%run_scoped3A_239 : memref<!tpu.dma_semaphore, #tpu.memory_space<semaphore_mem>>) src(%arg6 : memref<640x16xf32, #tpu.memory_space<hbm>>) dst(%dma_wait3A_243 : memref<640x16xf32, #tpu.memory_space<vmem_shared>>)
      tpu.yield
    }) : () -> ()
    "tpu.region"() ({
      %run_scoped3A_239 = tpu.sem_alloc : memref<!tpu.dma_semaphore, #tpu.memory_space<semaphore_mem>>
      tpu.enqueue_dma source(%arg7 : memref<100x16xf32, #tpu.memory_space<hbm>>) target(%arg19 : memref<100x16xf32, #tpu.memory_space<vmem>>) target_semaphore(%run_scoped3A_239 : memref<!tpu.dma_semaphore, #tpu.memory_space<semaphore_mem>>)
      tpu.wait_dma2 semaphore(%run_scoped3A_239 : memref<!tpu.dma_semaphore, #tpu.memory_space<semaphore_mem>>) src(%arg7 : memref<100x16xf32, #tpu.memory_space<hbm>>) dst(%arg19 : memref<100x16xf32, #tpu.memory_space<vmem>>)
      tpu.yield
    }) : () -> ()
    %mul3A_15 = arith.constant 16 : i32
    %mul3A_16 = arith.muli %arg0, %mul3A_15 : i32
    %add3A = arith.addi %mul3A_16, %arg1 : i32
    %run_scoped3A = arith.constant 1 : i32
    "tpu.region"() ({
      %run_scoped3A_239 = tpu.sem_alloc : memref<!tpu.dma_semaphore, #tpu.memory_space<semaphore_mem>>
      %dma_start3A_240 = arith.constant 0 : i32
      %dma_start3A_241 = arith.constant 0 : i32
      %dma_start3A_242 = tpu.memref_slice %arg5[%run_scoped3A, %add3A, %dma_start3A_240, %dma_start3A_241] : memref<2x32x100x100xi32, #tpu.memory_space<hbm>> -> memref<1x1x100x100xi32, #tpu.memory_space<hbm>>
      %dma_start3A_243 = tpu.memref_squeeze %dma_start3A_242 : memref<1x1x100x100xi32, #tpu.memory_space<hbm>> -> memref<100x100xi32, #tpu.memory_space<hbm>>
      %dma_start3A_244 = arith.constant 0 : i32
      %dma_start3A_245 = arith.constant 0 : i32
      %dma_start3A_246 = tpu.memref_slice %arg5[%run_scoped3A, %add3A, %dma_start3A_244, %dma_start3A_245] : memref<2x32x100x100xi32, #tpu.memory_space<hbm>> -> memref<1x1x100x100xi32, #tpu.memory_space<hbm>>
      %dma_start3A_247 = tpu.memref_squeeze %dma_start3A_246 : memref<1x1x100x100xi32, #tpu.memory_space<hbm>> -> memref<100x100xi32, #tpu.memory_space<hbm>>
      tpu.enqueue_dma source(%dma_start3A_247 : memref<100x100xi32, #tpu.memory_space<hbm>>) target(%arg17 : memref<100x100xi32, #tpu.memory_space<vmem>>) target_semaphore(%run_scoped3A_239 : memref<!tpu.dma_semaphore, #tpu.memory_space<semaphore_mem>>)
      %dma_wait3A_248 = arith.constant 0 : i32
      %dma_wait3A_249 = arith.constant 0 : i32
      %dma_wait3A_250 = tpu.memref_slice %arg5[%run_scoped3A, %add3A, %dma_wait3A_248, %dma_wait3A_249] : memref<2x32x100x100xi32, #tpu.memory_space<hbm>> -> memref<1x1x100x100xi32, #tpu.memory_space<hbm>>
      %dma_wait3A_251 = tpu.memref_squeeze %dma_wait3A_250 : memref<1x1x100x100xi32, #tpu.memory_space<hbm>> -> memref<100x100xi32, #tpu.memory_space<hbm>>
      %dma_wait3A_252 = arith.constant 0 : i32
      %dma_wait3A_253 = arith.constant 0 : i32
      %dma_wait3A_254 = tpu.memref_slice %arg5[%run_scoped3A, %add3A, %dma_wait3A_252, %dma_wait3A_253] : memref<2x32x100x100xi32, #tpu.memory_space<hbm>> -> memref<1x1x100x100xi32, #tpu.memory_space<hbm>>
      %dma_wait3A_255 = tpu.memref_squeeze %dma_wait3A_254 : memref<1x1x100x100xi32, #tpu.memory_space<hbm>> -> memref<100x100xi32, #tpu.memory_space<hbm>>
      tpu.wait_dma2 semaphore(%run_scoped3A_239 : memref<!tpu.dma_semaphore, #tpu.memory_space<semaphore_mem>>) src(%dma_wait3A_255 : memref<100x100xi32, #tpu.memory_space<hbm>>) dst(%arg17 : memref<100x100xi32, #tpu.memory_space<vmem>>)
      tpu.yield
    }) : () -> ()
    %run_scoped3A_17 = arith.constant 0 : i32
    "tpu.region"() ({
      %run_scoped3A_239 = tpu.sem_alloc : memref<!tpu.dma_semaphore, #tpu.memory_space<semaphore_mem>>
      %dma_start3A_240 = arith.constant 0 : i32
      %dma_start3A_241 = arith.constant 0 : i32
      %dma_start3A_242 = tpu.memref_slice %arg5[%run_scoped3A_17, %add3A, %dma_start3A_240, %dma_start3A_241] : memref<2x32x100x100xi32, #tpu.memory_space<hbm>> -> memref<1x1x100x100xi32, #tpu.memory_space<hbm>>
      %dma_start3A_243 = tpu.memref_squeeze %dma_start3A_242 : memref<1x1x100x100xi32, #tpu.memory_space<hbm>> -> memref<100x100xi32, #tpu.memory_space<hbm>>
      %dma_start3A_244 = arith.constant 0 : i32
      %dma_start3A_245 = arith.constant 0 : i32
      %dma_start3A_246 = tpu.memref_slice %arg5[%run_scoped3A_17, %add3A, %dma_start3A_244, %dma_start3A_245] : memref<2x32x100x100xi32, #tpu.memory_space<hbm>> -> memref<1x1x100x100xi32, #tpu.memory_space<hbm>>
      %dma_start3A_247 = tpu.memref_squeeze %dma_start3A_246 : memref<1x1x100x100xi32, #tpu.memory_space<hbm>> -> memref<100x100xi32, #tpu.memory_space<hbm>>
      tpu.enqueue_dma source(%dma_start3A_247 : memref<100x100xi32, #tpu.memory_space<hbm>>) target(%arg18 : memref<100x100xi32, #tpu.memory_space<vmem>>) target_semaphore(%run_scoped3A_239 : memref<!tpu.dma_semaphore, #tpu.memory_space<semaphore_mem>>)
      %dma_wait3A_248 = arith.constant 0 : i32
      %dma_wait3A_249 = arith.constant 0 : i32
      %dma_wait3A_250 = tpu.memref_slice %arg5[%run_scoped3A_17, %add3A, %dma_wait3A_248, %dma_wait3A_249] : memref<2x32x100x100xi32, #tpu.memory_space<hbm>> -> memref<1x1x100x100xi32, #tpu.memory_space<hbm>>
      %dma_wait3A_251 = tpu.memref_squeeze %dma_wait3A_250 : memref<1x1x100x100xi32, #tpu.memory_space<hbm>> -> memref<100x100xi32, #tpu.memory_space<hbm>>
      %dma_wait3A_252 = arith.constant 0 : i32
      %dma_wait3A_253 = arith.constant 0 : i32
      %dma_wait3A_254 = tpu.memref_slice %arg5[%run_scoped3A_17, %add3A, %dma_wait3A_252, %dma_wait3A_253] : memref<2x32x100x100xi32, #tpu.memory_space<hbm>> -> memref<1x1x100x100xi32, #tpu.memory_space<hbm>>
      %dma_wait3A_255 = tpu.memref_squeeze %dma_wait3A_254 : memref<1x1x100x100xi32, #tpu.memory_space<hbm>> -> memref<100x100xi32, #tpu.memory_space<hbm>>
      tpu.wait_dma2 semaphore(%run_scoped3A_239 : memref<!tpu.dma_semaphore, #tpu.memory_space<semaphore_mem>>) src(%dma_wait3A_255 : memref<100x100xi32, #tpu.memory_space<hbm>>) dst(%arg18 : memref<100x100xi32, #tpu.memory_space<vmem>>)
      tpu.yield
    }) : () -> ()
    %barrier3A = arith.constant 0 : index
    tpu.barrier barrier_id(%barrier3A)
    %mul3A_18 = arith.constant 100 : i32
    %mul3A_19 = arith.muli %add3A, %mul3A_18 : i32
    %add3A_20 = arith.constant 0 : i32
    %add3A_21 = arith.addi %mul3A_19, %add3A_20 : i32
    %mul3A_22 = arith.constant 100 : i32
    %mul3A_23 = arith.muli %add3A_21, %mul3A_22 : i32
    %dma_start3A = arith.constant 0 : i32
    %dma_start3A_24 = tpu.memref_slice %arg4[%mul3A_23, %dma_start3A] : memref<320000x16xf32, #tpu.memory_space<hbm>> -> memref<100x16xf32, #tpu.memory_space<hbm>>
    %dma_start3A_25 = arith.constant 0 : i32
    %dma_start3A_26 = tpu.memref_slice %arg4[%mul3A_23, %dma_start3A_25] : memref<320000x16xf32, #tpu.memory_space<hbm>> -> memref<100x16xf32, #tpu.memory_space<hbm>>
    tpu.enqueue_dma source(%dma_start3A_26 : memref<100x16xf32, #tpu.memory_space<hbm>>) target(%arg20 : memref<100x16xf32, #tpu.memory_space<vmem>>) target_semaphore(%arg26 : memref<!tpu.dma_semaphore, #tpu.memory_space<semaphore_mem>>)
    %dma_start3A_27 = arith.constant 0 : i32
    %dma_start3A_28 = tpu.memref_slice %arg2[%mul3A_23, %dma_start3A_27] : memref<320000x16xf32, #tpu.memory_space<hbm>> -> memref<100x16xf32, #tpu.memory_space<hbm>>
    %dma_start3A_29 = arith.constant 0 : i32
    %dma_start3A_30 = tpu.memref_slice %arg2[%mul3A_23, %dma_start3A_29] : memref<320000x16xf32, #tpu.memory_space<hbm>> -> memref<100x16xf32, #tpu.memory_space<hbm>>
    tpu.enqueue_dma source(%dma_start3A_30 : memref<100x16xf32, #tpu.memory_space<hbm>>) target(%arg21 : memref<100x16xf32, #tpu.memory_space<vmem>>) target_semaphore(%arg27 : memref<!tpu.dma_semaphore, #tpu.memory_space<semaphore_mem>>)
    %dma_start3A_31 = arith.constant 0 : i32
    %dma_start3A_32 = tpu.memref_slice %arg3[%mul3A_23, %dma_start3A_31] : memref<320000x16xf32, #tpu.memory_space<hbm>> -> memref<100x16xf32, #tpu.memory_space<hbm>>
    %dma_start3A_33 = arith.constant 0 : i32
    %dma_start3A_34 = tpu.memref_slice %arg3[%mul3A_23, %dma_start3A_33] : memref<320000x16xf32, #tpu.memory_space<hbm>> -> memref<100x16xf32, #tpu.memory_space<hbm>>
    tpu.enqueue_dma source(%dma_start3A_34 : memref<100x16xf32, #tpu.memory_space<hbm>>) target(%arg22 : memref<100x16xf32, #tpu.memory_space<vmem>>) target_semaphore(%arg28 : memref<!tpu.dma_semaphore, #tpu.memory_space<semaphore_mem>>)
    %scan3A = arith.constant 0 : i32
    %scan3A_35 = arith.constant 50 : i32
    %scan3A_36 = arith.addi %scan3A, %scan3A_35 : i32
    %scan3A_37 = arith.constant 1 : i32
    scf.for %scan3A_239 = %scan3A to %scan3A_36 step %scan3A_37  : i32 {
      %mul3A_240 = arith.constant 1 : i32
      %mul3A_241 = arith.muli %scan3A_239, %mul3A_240 : i32
      %add3A_242 = arith.constant 0 : i32
      %add3A_243 = arith.addi %add3A_242, %mul3A_241 : i32
      %mul3A_244 = arith.constant 2 : i32
      %mul3A_245 = arith.muli %mul3A_244, %add3A_243 : i32
      %add3A_246 = arith.constant 1 : i32
      %add3A_247 = arith.addi %mul3A_245, %add3A_246 : i32
      %gt3A = arith.constant 0 : i32
      %gt3A_248 = arith.cmpi sgt, %add3A_243, %gt3A : i32
      %convert_element_type3A = arith.extui %gt3A_248 : i1 to i32
      %cond3A = arith.constant 0 : i32
      %cond3A_249 = arith.cmpi ne, %convert_element_type3A, %cond3A : i32
      scf.if %cond3A_249 {
        %dma_wait3A_403 = arith.constant 0 : i32
        %dma_wait3A_404 = arith.constant 0 : i32
        %dma_wait3A_405 = tpu.memref_slice %arg17[%dma_wait3A_403, %dma_wait3A_404] : memref<100x100xi32, #tpu.memory_space<vmem>> -> memref<1x100xi32, #tpu.memory_space<vmem>>
        %dma_wait3A_406 = tpu.memref_squeeze %dma_wait3A_405 : memref<1x100xi32, #tpu.memory_space<vmem>> -> memref<100xi32, #tpu.memory_space<vmem>>
        %dma_wait3A_407 = arith.constant 0 : i32
        %dma_wait3A_408 = arith.constant 0 : i32
        %dma_wait3A_409 = tpu.memref_slice %arg12[%dma_wait3A_407, %dma_wait3A_408] : memref<10240x16xf32, #tpu.memory_space<vmem_shared>> -> memref<10240x16xf32, #tpu.memory_space<vmem_shared>>
        tpu.wait_indirect_dma semaphore(%arg33 : memref<!tpu.dma_semaphore, #tpu.memory_space<semaphore_mem>>) src(%arg19 : memref<100x16xf32, #tpu.memory_space<vmem>>) dst(%dma_wait3A_409 : memref<10240x16xf32, #tpu.memory_space<vmem_shared>>)
        %dma_wait3A_410 = arith.constant 0 : i32
        %dma_wait3A_411 = arith.constant 0 : i32
        %dma_wait3A_412 = tpu.memref_slice %arg17[%dma_wait3A_410, %dma_wait3A_411] : memref<100x100xi32, #tpu.memory_space<vmem>> -> memref<1x100xi32, #tpu.memory_space<vmem>>
        %dma_wait3A_413 = tpu.memref_squeeze %dma_wait3A_412 : memref<1x100xi32, #tpu.memory_space<vmem>> -> memref<100xi32, #tpu.memory_space<vmem>>
        %dma_wait3A_414 = arith.constant 0 : i32
        %dma_wait3A_415 = arith.constant 0 : i32
        %dma_wait3A_416 = tpu.memref_slice %arg12[%dma_wait3A_414, %dma_wait3A_415] : memref<10240x16xf32, #tpu.memory_space<vmem_shared>> -> memref<10240x16xf32, #tpu.memory_space<vmem_shared>>
        tpu.wait_indirect_dma semaphore(%arg33 : memref<!tpu.dma_semaphore, #tpu.memory_space<semaphore_mem>>) src(%arg19 : memref<100x16xf32, #tpu.memory_space<vmem>>) dst(%dma_wait3A_416 : memref<10240x16xf32, #tpu.memory_space<vmem_shared>>)
        %dma_wait3A_417 = arith.constant 0 : i32
        %dma_wait3A_418 = arith.constant 0 : i32
        %dma_wait3A_419 = tpu.memref_slice %arg17[%dma_wait3A_417, %dma_wait3A_418] : memref<100x100xi32, #tpu.memory_space<vmem>> -> memref<1x100xi32, #tpu.memory_space<vmem>>
        %dma_wait3A_420 = tpu.memref_squeeze %dma_wait3A_419 : memref<1x100xi32, #tpu.memory_space<vmem>> -> memref<100xi32, #tpu.memory_space<vmem>>
        %dma_wait3A_421 = arith.constant 0 : i32
        %dma_wait3A_422 = arith.constant 0 : i32
        %dma_wait3A_423 = tpu.memref_slice %arg12[%dma_wait3A_421, %dma_wait3A_422] : memref<10240x16xf32, #tpu.memory_space<vmem_shared>> -> memref<10240x16xf32, #tpu.memory_space<vmem_shared>>
        tpu.wait_indirect_dma semaphore(%arg33 : memref<!tpu.dma_semaphore, #tpu.memory_space<semaphore_mem>>) src(%arg19 : memref<100x16xf32, #tpu.memory_space<vmem>>) dst(%dma_wait3A_423 : memref<10240x16xf32, #tpu.memory_space<vmem_shared>>)
        %dma_wait3A_424 = arith.constant 0 : i32
        %dma_wait3A_425 = arith.constant 0 : i32
        %dma_wait3A_426 = tpu.memref_slice %arg17[%dma_wait3A_424, %dma_wait3A_425] : memref<100x100xi32, #tpu.memory_space<vmem>> -> memref<1x100xi32, #tpu.memory_space<vmem>>
        %dma_wait3A_427 = tpu.memref_squeeze %dma_wait3A_426 : memref<1x100xi32, #tpu.memory_space<vmem>> -> memref<100xi32, #tpu.memory_space<vmem>>
        %dma_wait3A_428 = arith.constant 0 : i32
        %dma_wait3A_429 = arith.constant 0 : i32
        %dma_wait3A_430 = tpu.memref_slice %arg12[%dma_wait3A_428, %dma_wait3A_429] : memref<10240x16xf32, #tpu.memory_space<vmem_shared>> -> memref<10240x16xf32, #tpu.memory_space<vmem_shared>>
        tpu.wait_indirect_dma semaphore(%arg33 : memref<!tpu.dma_semaphore, #tpu.memory_space<semaphore_mem>>) src(%arg19 : memref<100x16xf32, #tpu.memory_space<vmem>>) dst(%dma_wait3A_430 : memref<10240x16xf32, #tpu.memory_space<vmem_shared>>)
        %dma_wait3A_431 = arith.constant 0 : i32
        %dma_wait3A_432 = arith.constant 0 : i32
        %dma_wait3A_433 = tpu.memref_slice %arg17[%dma_wait3A_431, %dma_wait3A_432] : memref<100x100xi32, #tpu.memory_space<vmem>> -> memref<1x100xi32, #tpu.memory_space<vmem>>
        %dma_wait3A_434 = tpu.memref_squeeze %dma_wait3A_433 : memref<1x100xi32, #tpu.memory_space<vmem>> -> memref<100xi32, #tpu.memory_space<vmem>>
        %dma_wait3A_435 = arith.constant 0 : i32
        %dma_wait3A_436 = arith.constant 0 : i32
        %dma_wait3A_437 = tpu.memref_slice %arg12[%dma_wait3A_435, %dma_wait3A_436] : memref<10240x16xf32, #tpu.memory_space<vmem_shared>> -> memref<10240x16xf32, #tpu.memory_space<vmem_shared>>
        tpu.wait_indirect_dma semaphore(%arg33 : memref<!tpu.dma_semaphore, #tpu.memory_space<semaphore_mem>>) src(%arg19 : memref<100x16xf32, #tpu.memory_space<vmem>>) dst(%dma_wait3A_437 : memref<10240x16xf32, #tpu.memory_space<vmem_shared>>)
        %dma_wait3A_438 = arith.constant 0 : i32
        %dma_wait3A_439 = arith.constant 0 : i32
        %dma_wait3A_440 = tpu.memref_slice %arg17[%dma_wait3A_438, %dma_wait3A_439] : memref<100x100xi32, #tpu.memory_space<vmem>> -> memref<1x100xi32, #tpu.memory_space<vmem>>
        %dma_wait3A_441 = tpu.memref_squeeze %dma_wait3A_440 : memref<1x100xi32, #tpu.memory_space<vmem>> -> memref<100xi32, #tpu.memory_space<vmem>>
        %dma_wait3A_442 = arith.constant 0 : i32
        %dma_wait3A_443 = arith.constant 0 : i32
        %dma_wait3A_444 = tpu.memref_slice %arg12[%dma_wait3A_442, %dma_wait3A_443] : memref<10240x16xf32, #tpu.memory_space<vmem_shared>> -> memref<10240x16xf32, #tpu.memory_space<vmem_shared>>
        tpu.wait_indirect_dma semaphore(%arg33 : memref<!tpu.dma_semaphore, #tpu.memory_space<semaphore_mem>>) src(%arg19 : memref<100x16xf32, #tpu.memory_space<vmem>>) dst(%dma_wait3A_444 : memref<10240x16xf32, #tpu.memory_space<vmem_shared>>)
        %dma_wait3A_445 = arith.constant 0 : i32
        %dma_wait3A_446 = arith.constant 0 : i32
        %dma_wait3A_447 = tpu.memref_slice %arg17[%dma_wait3A_445, %dma_wait3A_446] : memref<100x100xi32, #tpu.memory_space<vmem>> -> memref<1x100xi32, #tpu.memory_space<vmem>>
        %dma_wait3A_448 = tpu.memref_squeeze %dma_wait3A_447 : memref<1x100xi32, #tpu.memory_space<vmem>> -> memref<100xi32, #tpu.memory_space<vmem>>
        %dma_wait3A_449 = arith.constant 0 : i32
        %dma_wait3A_450 = arith.constant 0 : i32
        %dma_wait3A_451 = tpu.memref_slice %arg12[%dma_wait3A_449, %dma_wait3A_450] : memref<10240x16xf32, #tpu.memory_space<vmem_shared>> -> memref<10240x16xf32, #tpu.memory_space<vmem_shared>>
        tpu.wait_indirect_dma semaphore(%arg33 : memref<!tpu.dma_semaphore, #tpu.memory_space<semaphore_mem>>) src(%arg19 : memref<100x16xf32, #tpu.memory_space<vmem>>) dst(%dma_wait3A_451 : memref<10240x16xf32, #tpu.memory_space<vmem_shared>>)
        %dma_wait3A_452 = arith.constant 0 : i32
        %dma_wait3A_453 = arith.constant 0 : i32
        %dma_wait3A_454 = tpu.memref_slice %arg17[%dma_wait3A_452, %dma_wait3A_453] : memref<100x100xi32, #tpu.memory_space<vmem>> -> memref<1x100xi32, #tpu.memory_space<vmem>>
        %dma_wait3A_455 = tpu.memref_squeeze %dma_wait3A_454 : memref<1x100xi32, #tpu.memory_space<vmem>> -> memref<100xi32, #tpu.memory_space<vmem>>
        %dma_wait3A_456 = arith.constant 0 : i32
        %dma_wait3A_457 = arith.constant 0 : i32
        %dma_wait3A_458 = tpu.memref_slice %arg12[%dma_wait3A_456, %dma_wait3A_457] : memref<10240x16xf32, #tpu.memory_space<vmem_shared>> -> memref<10240x16xf32, #tpu.memory_space<vmem_shared>>
        tpu.wait_indirect_dma semaphore(%arg33 : memref<!tpu.dma_semaphore, #tpu.memory_space<semaphore_mem>>) src(%arg19 : memref<100x16xf32, #tpu.memory_space<vmem>>) dst(%dma_wait3A_458 : memref<10240x16xf32, #tpu.memory_space<vmem_shared>>)
      } else {
      }
      %mul3A_250 = arith.constant 100 : i32
      %mul3A_251 = arith.muli %add3A, %mul3A_250 : i32
      %add3A_252 = arith.addi %mul3A_251, %add3A_247 : i32
      %mul3A_253 = arith.constant 100 : i32
      %mul3A_254 = arith.muli %add3A_252, %mul3A_253 : i32
      %dma_start3A_255 = arith.constant 0 : i32
      %dma_start3A_256 = tpu.memref_slice %arg4[%mul3A_254, %dma_start3A_255] : memref<320000x16xf32, #tpu.memory_space<hbm>> -> memref<100x16xf32, #tpu.memory_space<hbm>>
      %dma_start3A_257 = arith.constant 0 : i32
      %dma_start3A_258 = tpu.memref_slice %arg4[%mul3A_254, %dma_start3A_257] : memref<320000x16xf32, #tpu.memory_space<hbm>> -> memref<100x16xf32, #tpu.memory_space<hbm>>
      tpu.enqueue_dma source(%dma_start3A_258 : memref<100x16xf32, #tpu.memory_space<hbm>>) target(%arg23 : memref<100x16xf32, #tpu.memory_space<vmem>>) target_semaphore(%arg29 : memref<!tpu.dma_semaphore, #tpu.memory_space<semaphore_mem>>)
      %dma_start3A_259 = arith.constant 0 : i32
      %dma_start3A_260 = tpu.memref_slice %arg2[%mul3A_254, %dma_start3A_259] : memref<320000x16xf32, #tpu.memory_space<hbm>> -> memref<100x16xf32, #tpu.memory_space<hbm>>
      %dma_start3A_261 = arith.constant 0 : i32
      %dma_start3A_262 = tpu.memref_slice %arg2[%mul3A_254, %dma_start3A_261] : memref<320000x16xf32, #tpu.memory_space<hbm>> -> memref<100x16xf32, #tpu.memory_space<hbm>>
      tpu.enqueue_dma source(%dma_start3A_262 : memref<100x16xf32, #tpu.memory_space<hbm>>) target(%arg24 : memref<100x16xf32, #tpu.memory_space<vmem>>) target_semaphore(%arg30 : memref<!tpu.dma_semaphore, #tpu.memory_space<semaphore_mem>>)
      %dma_start3A_263 = arith.constant 0 : i32
      %dma_start3A_264 = tpu.memref_slice %arg3[%mul3A_254, %dma_start3A_263] : memref<320000x16xf32, #tpu.memory_space<hbm>> -> memref<100x16xf32, #tpu.memory_space<hbm>>
      %dma_start3A_265 = arith.constant 0 : i32
      %dma_start3A_266 = tpu.memref_slice %arg3[%mul3A_254, %dma_start3A_265] : memref<320000x16xf32, #tpu.memory_space<hbm>> -> memref<100x16xf32, #tpu.memory_space<hbm>>
      tpu.enqueue_dma source(%dma_start3A_266 : memref<100x16xf32, #tpu.memory_space<hbm>>) target(%arg25 : memref<100x16xf32, #tpu.memory_space<vmem>>) target_semaphore(%arg31 : memref<!tpu.dma_semaphore, #tpu.memory_space<semaphore_mem>>)
      %dma_wait3A_267 = arith.constant 0 : i32
      %dma_wait3A_268 = arith.constant 0 : i32
      %dma_wait3A_269 = tpu.memref_slice %arg4[%dma_wait3A_267, %dma_wait3A_268] : memref<320000x16xf32, #tpu.memory_space<hbm>> -> memref<100x16xf32, #tpu.memory_space<hbm>>
      %dma_wait3A_270 = arith.constant 0 : i32
      %dma_wait3A_271 = arith.constant 0 : i32
      %dma_wait3A_272 = tpu.memref_slice %arg4[%dma_wait3A_270, %dma_wait3A_271] : memref<320000x16xf32, #tpu.memory_space<hbm>> -> memref<100x16xf32, #tpu.memory_space<hbm>>
      tpu.wait_dma2 semaphore(%arg26 : memref<!tpu.dma_semaphore, #tpu.memory_space<semaphore_mem>>) src(%dma_wait3A_272 : memref<100x16xf32, #tpu.memory_space<hbm>>) dst(%arg20 : memref<100x16xf32, #tpu.memory_space<vmem>>)
      %dma_wait3A_273 = arith.constant 0 : i32
      %dma_wait3A_274 = arith.constant 0 : i32
      %dma_wait3A_275 = tpu.memref_slice %arg4[%dma_wait3A_273, %dma_wait3A_274] : memref<320000x16xf32, #tpu.memory_space<hbm>> -> memref<100x16xf32, #tpu.memory_space<hbm>>
      %dma_wait3A_276 = arith.constant 0 : i32
      %dma_wait3A_277 = arith.constant 0 : i32
      %dma_wait3A_278 = tpu.memref_slice %arg4[%dma_wait3A_276, %dma_wait3A_277] : memref<320000x16xf32, #tpu.memory_space<hbm>> -> memref<100x16xf32, #tpu.memory_space<hbm>>
      tpu.wait_dma2 semaphore(%arg27 : memref<!tpu.dma_semaphore, #tpu.memory_space<semaphore_mem>>) src(%dma_wait3A_278 : memref<100x16xf32, #tpu.memory_space<hbm>>) dst(%arg21 : memref<100x16xf32, #tpu.memory_space<vmem>>)
      %dma_wait3A_279 = arith.constant 0 : i32
      %dma_wait3A_280 = arith.constant 0 : i32
      %dma_wait3A_281 = tpu.memref_slice %arg4[%dma_wait3A_279, %dma_wait3A_280] : memref<320000x16xf32, #tpu.memory_space<hbm>> -> memref<100x16xf32, #tpu.memory_space<hbm>>
      %dma_wait3A_282 = arith.constant 0 : i32
      %dma_wait3A_283 = arith.constant 0 : i32
      %dma_wait3A_284 = tpu.memref_slice %arg4[%dma_wait3A_282, %dma_wait3A_283] : memref<320000x16xf32, #tpu.memory_space<hbm>> -> memref<100x16xf32, #tpu.memory_space<hbm>>
      tpu.wait_dma2 semaphore(%arg28 : memref<!tpu.dma_semaphore, #tpu.memory_space<semaphore_mem>>) src(%dma_wait3A_284 : memref<100x16xf32, #tpu.memory_space<hbm>>) dst(%arg22 : memref<100x16xf32, #tpu.memory_space<vmem>>)
      %dma_start3A_285 = arith.constant 0 : i32
      %dma_start3A_286 = tpu.memref_slice %arg17[%mul3A_245, %dma_start3A_285] : memref<100x100xi32, #tpu.memory_space<vmem>> -> memref<1x100xi32, #tpu.memory_space<vmem>>
      %dma_start3A_287 = tpu.memref_squeeze %dma_start3A_286 : memref<1x100xi32, #tpu.memory_space<vmem>> -> memref<100xi32, #tpu.memory_space<vmem>>
      %dma_start3A_288 = arith.constant 0 : i32
      %dma_start3A_289 = arith.constant 0 : i32
      %dma_start3A_290 = tpu.memref_slice %arg9[%dma_start3A_288, %dma_start3A_289] : memref<10240x16xf32, #tpu.memory_space<vmem_shared>> -> memref<10240x16xf32, #tpu.memory_space<vmem_shared>>
      tpu.enqueue_indirect_dma source(%arg20 : memref<100x16xf32, #tpu.memory_space<vmem>>) target(%dma_start3A_290 : memref<10240x16xf32, #tpu.memory_space<vmem_shared>>) offsets(%dma_start3A_287 : memref<100xi32, #tpu.memory_space<vmem>>) semaphore(%arg32 : memref<!tpu.dma_semaphore, #tpu.memory_space<semaphore_mem>>) {add = true}
      %dma_start3A_291 = arith.constant 0 : i32
      %dma_start3A_292 = tpu.memref_slice %arg18[%mul3A_245, %dma_start3A_291] : memref<100x100xi32, #tpu.memory_space<vmem>> -> memref<1x100xi32, #tpu.memory_space<vmem>>
      %dma_start3A_293 = tpu.memref_squeeze %dma_start3A_292 : memref<1x100xi32, #tpu.memory_space<vmem>> -> memref<100xi32, #tpu.memory_space<vmem>>
      %dma_start3A_294 = arith.constant 0 : i32
      %dma_start3A_295 = arith.constant 0 : i32
      %dma_start3A_296 = tpu.memref_slice %arg13[%dma_start3A_294, %dma_start3A_295] : memref<10240x16xf32, #tpu.memory_space<vmem_shared>> -> memref<10240x16xf32, #tpu.memory_space<vmem_shared>>
      tpu.enqueue_indirect_dma source(%arg20 : memref<100x16xf32, #tpu.memory_space<vmem>>) target(%dma_start3A_296 : memref<10240x16xf32, #tpu.memory_space<vmem_shared>>) offsets(%dma_start3A_293 : memref<100xi32, #tpu.memory_space<vmem>>) semaphore(%arg32 : memref<!tpu.dma_semaphore, #tpu.memory_space<semaphore_mem>>) {add = true}
      %dma_start3A_297 = arith.constant 0 : i32
      %dma_start3A_298 = tpu.memref_slice %arg17[%mul3A_245, %dma_start3A_297] : memref<100x100xi32, #tpu.memory_space<vmem>> -> memref<1x100xi32, #tpu.memory_space<vmem>>
      %dma_start3A_299 = tpu.memref_squeeze %dma_start3A_298 : memref<1x100xi32, #tpu.memory_space<vmem>> -> memref<100xi32, #tpu.memory_space<vmem>>
      %dma_start3A_300 = arith.constant 0 : i32
      %dma_start3A_301 = arith.constant 0 : i32
      %dma_start3A_302 = tpu.memref_slice %arg10[%dma_start3A_300, %dma_start3A_301] : memref<10240x16xf32, #tpu.memory_space<vmem_shared>> -> memref<10240x16xf32, #tpu.memory_space<vmem_shared>>
      tpu.enqueue_indirect_dma source(%arg21 : memref<100x16xf32, #tpu.memory_space<vmem>>) target(%dma_start3A_302 : memref<10240x16xf32, #tpu.memory_space<vmem_shared>>) offsets(%dma_start3A_299 : memref<100xi32, #tpu.memory_space<vmem>>) semaphore(%arg32 : memref<!tpu.dma_semaphore, #tpu.memory_space<semaphore_mem>>) {add = true}
      %dma_start3A_303 = arith.constant 0 : i32
      %dma_start3A_304 = tpu.memref_slice %arg18[%mul3A_245, %dma_start3A_303] : memref<100x100xi32, #tpu.memory_space<vmem>> -> memref<1x100xi32, #tpu.memory_space<vmem>>
      %dma_start3A_305 = tpu.memref_squeeze %dma_start3A_304 : memref<1x100xi32, #tpu.memory_space<vmem>> -> memref<100xi32, #tpu.memory_space<vmem>>
      %dma_start3A_306 = arith.constant 0 : i32
      %dma_start3A_307 = arith.constant 0 : i32
      %dma_start3A_308 = tpu.memref_slice %arg14[%dma_start3A_306, %dma_start3A_307] : memref<10240x16xf32, #tpu.memory_space<vmem_shared>> -> memref<10240x16xf32, #tpu.memory_space<vmem_shared>>
      tpu.enqueue_indirect_dma source(%arg21 : memref<100x16xf32, #tpu.memory_space<vmem>>) target(%dma_start3A_308 : memref<10240x16xf32, #tpu.memory_space<vmem_shared>>) offsets(%dma_start3A_305 : memref<100xi32, #tpu.memory_space<vmem>>) semaphore(%arg32 : memref<!tpu.dma_semaphore, #tpu.memory_space<semaphore_mem>>) {add = true}
      %dma_start3A_309 = arith.constant 0 : i32
      %dma_start3A_310 = tpu.memref_slice %arg17[%mul3A_245, %dma_start3A_309] : memref<100x100xi32, #tpu.memory_space<vmem>> -> memref<1x100xi32, #tpu.memory_space<vmem>>
      %dma_start3A_311 = tpu.memref_squeeze %dma_start3A_310 : memref<1x100xi32, #tpu.memory_space<vmem>> -> memref<100xi32, #tpu.memory_space<vmem>>
      %dma_start3A_312 = arith.constant 0 : i32
      %dma_start3A_313 = arith.constant 0 : i32
      %dma_start3A_314 = tpu.memref_slice %arg11[%dma_start3A_312, %dma_start3A_313] : memref<10240x16xf32, #tpu.memory_space<vmem_shared>> -> memref<10240x16xf32, #tpu.memory_space<vmem_shared>>
      tpu.enqueue_indirect_dma source(%arg22 : memref<100x16xf32, #tpu.memory_space<vmem>>) target(%dma_start3A_314 : memref<10240x16xf32, #tpu.memory_space<vmem_shared>>) offsets(%dma_start3A_311 : memref<100xi32, #tpu.memory_space<vmem>>) semaphore(%arg32 : memref<!tpu.dma_semaphore, #tpu.memory_space<semaphore_mem>>) {add = true}
      %dma_start3A_315 = arith.constant 0 : i32
      %dma_start3A_316 = tpu.memref_slice %arg18[%mul3A_245, %dma_start3A_315] : memref<100x100xi32, #tpu.memory_space<vmem>> -> memref<1x100xi32, #tpu.memory_space<vmem>>
      %dma_start3A_317 = tpu.memref_squeeze %dma_start3A_316 : memref<1x100xi32, #tpu.memory_space<vmem>> -> memref<100xi32, #tpu.memory_space<vmem>>
      %dma_start3A_318 = arith.constant 0 : i32
      %dma_start3A_319 = arith.constant 0 : i32
      %dma_start3A_320 = tpu.memref_slice %arg15[%dma_start3A_318, %dma_start3A_319] : memref<10240x16xf32, #tpu.memory_space<vmem_shared>> -> memref<10240x16xf32, #tpu.memory_space<vmem_shared>>
      tpu.enqueue_indirect_dma source(%arg22 : memref<100x16xf32, #tpu.memory_space<vmem>>) target(%dma_start3A_320 : memref<10240x16xf32, #tpu.memory_space<vmem_shared>>) offsets(%dma_start3A_317 : memref<100xi32, #tpu.memory_space<vmem>>) semaphore(%arg32 : memref<!tpu.dma_semaphore, #tpu.memory_space<semaphore_mem>>) {add = true}
      %dma_start3A_321 = arith.constant 0 : i32
      %dma_start3A_322 = tpu.memref_slice %arg17[%mul3A_245, %dma_start3A_321] : memref<100x100xi32, #tpu.memory_space<vmem>> -> memref<1x100xi32, #tpu.memory_space<vmem>>
      %dma_start3A_323 = tpu.memref_squeeze %dma_start3A_322 : memref<1x100xi32, #tpu.memory_space<vmem>> -> memref<100xi32, #tpu.memory_space<vmem>>
      %dma_start3A_324 = arith.constant 0 : i32
      %dma_start3A_325 = arith.constant 0 : i32
      %dma_start3A_326 = tpu.memref_slice %arg12[%dma_start3A_324, %dma_start3A_325] : memref<10240x16xf32, #tpu.memory_space<vmem_shared>> -> memref<10240x16xf32, #tpu.memory_space<vmem_shared>>
      tpu.enqueue_indirect_dma source(%arg19 : memref<100x16xf32, #tpu.memory_space<vmem>>) target(%dma_start3A_326 : memref<10240x16xf32, #tpu.memory_space<vmem_shared>>) offsets(%dma_start3A_323 : memref<100xi32, #tpu.memory_space<vmem>>) semaphore(%arg32 : memref<!tpu.dma_semaphore, #tpu.memory_space<semaphore_mem>>) {add = true}
      %dma_start3A_327 = arith.constant 0 : i32
      %dma_start3A_328 = tpu.memref_slice %arg18[%mul3A_245, %dma_start3A_327] : memref<100x100xi32, #tpu.memory_space<vmem>> -> memref<1x100xi32, #tpu.memory_space<vmem>>
      %dma_start3A_329 = tpu.memref_squeeze %dma_start3A_328 : memref<1x100xi32, #tpu.memory_space<vmem>> -> memref<100xi32, #tpu.memory_space<vmem>>
      %dma_start3A_330 = arith.constant 0 : i32
      %dma_start3A_331 = arith.constant 0 : i32
      %dma_start3A_332 = tpu.memref_slice %arg16[%dma_start3A_330, %dma_start3A_331] : memref<10240x16xf32, #tpu.memory_space<vmem_shared>> -> memref<10240x16xf32, #tpu.memory_space<vmem_shared>>
      tpu.enqueue_indirect_dma source(%arg19 : memref<100x16xf32, #tpu.memory_space<vmem>>) target(%dma_start3A_332 : memref<10240x16xf32, #tpu.memory_space<vmem_shared>>) offsets(%dma_start3A_329 : memref<100xi32, #tpu.memory_space<vmem>>) semaphore(%arg32 : memref<!tpu.dma_semaphore, #tpu.memory_space<semaphore_mem>>) {add = true}
      %lt3A = arith.constant 49 : i32
      %lt3A_333 = arith.cmpi slt, %add3A_243, %lt3A : i32
      %convert_element_type3A_334 = arith.extui %lt3A_333 : i1 to i32
      %cond3A_335 = arith.constant 0 : i32
      %cond3A_336 = arith.cmpi ne, %convert_element_type3A_334, %cond3A_335 : i32
      scf.if %cond3A_336 {
        %dma_wait3A_403 = arith.constant 0 : i32
        %dma_wait3A_404 = arith.constant 0 : i32
        %dma_wait3A_405 = tpu.memref_slice %arg17[%dma_wait3A_403, %dma_wait3A_404] : memref<100x100xi32, #tpu.memory_space<vmem>> -> memref<1x100xi32, #tpu.memory_space<vmem>>
        %dma_wait3A_406 = tpu.memref_squeeze %dma_wait3A_405 : memref<1x100xi32, #tpu.memory_space<vmem>> -> memref<100xi32, #tpu.memory_space<vmem>>
        %dma_wait3A_407 = arith.constant 0 : i32
        %dma_wait3A_408 = arith.constant 0 : i32
        %dma_wait3A_409 = tpu.memref_slice %arg12[%dma_wait3A_407, %dma_wait3A_408] : memref<10240x16xf32, #tpu.memory_space<vmem_shared>> -> memref<10240x16xf32, #tpu.memory_space<vmem_shared>>
        tpu.wait_indirect_dma semaphore(%arg32 : memref<!tpu.dma_semaphore, #tpu.memory_space<semaphore_mem>>) src(%arg19 : memref<100x16xf32, #tpu.memory_space<vmem>>) dst(%dma_wait3A_409 : memref<10240x16xf32, #tpu.memory_space<vmem_shared>>)
        %dma_wait3A_410 = arith.constant 0 : i32
        %dma_wait3A_411 = arith.constant 0 : i32
        %dma_wait3A_412 = tpu.memref_slice %arg17[%dma_wait3A_410, %dma_wait3A_411] : memref<100x100xi32, #tpu.memory_space<vmem>> -> memref<1x100xi32, #tpu.memory_space<vmem>>
        %dma_wait3A_413 = tpu.memref_squeeze %dma_wait3A_412 : memref<1x100xi32, #tpu.memory_space<vmem>> -> memref<100xi32, #tpu.memory_space<vmem>>
        %dma_wait3A_414 = arith.constant 0 : i32
        %dma_wait3A_415 = arith.constant 0 : i32
        %dma_wait3A_416 = tpu.memref_slice %arg12[%dma_wait3A_414, %dma_wait3A_415] : memref<10240x16xf32, #tpu.memory_space<vmem_shared>> -> memref<10240x16xf32, #tpu.memory_space<vmem_shared>>
        tpu.wait_indirect_dma semaphore(%arg32 : memref<!tpu.dma_semaphore, #tpu.memory_space<semaphore_mem>>) src(%arg19 : memref<100x16xf32, #tpu.memory_space<vmem>>) dst(%dma_wait3A_416 : memref<10240x16xf32, #tpu.memory_space<vmem_shared>>)
        %dma_wait3A_417 = arith.constant 0 : i32
        %dma_wait3A_418 = arith.constant 0 : i32
        %dma_wait3A_419 = tpu.memref_slice %arg17[%dma_wait3A_417, %dma_wait3A_418] : memref<100x100xi32, #tpu.memory_space<vmem>> -> memref<1x100xi32, #tpu.memory_space<vmem>>
        %dma_wait3A_420 = tpu.memref_squeeze %dma_wait3A_419 : memref<1x100xi32, #tpu.memory_space<vmem>> -> memref<100xi32, #tpu.memory_space<vmem>>
        %dma_wait3A_421 = arith.constant 0 : i32
        %dma_wait3A_422 = arith.constant 0 : i32
        %dma_wait3A_423 = tpu.memref_slice %arg12[%dma_wait3A_421, %dma_wait3A_422] : memref<10240x16xf32, #tpu.memory_space<vmem_shared>> -> memref<10240x16xf32, #tpu.memory_space<vmem_shared>>
        tpu.wait_indirect_dma semaphore(%arg32 : memref<!tpu.dma_semaphore, #tpu.memory_space<semaphore_mem>>) src(%arg19 : memref<100x16xf32, #tpu.memory_space<vmem>>) dst(%dma_wait3A_423 : memref<10240x16xf32, #tpu.memory_space<vmem_shared>>)
        %dma_wait3A_424 = arith.constant 0 : i32
        %dma_wait3A_425 = arith.constant 0 : i32
        %dma_wait3A_426 = tpu.memref_slice %arg17[%dma_wait3A_424, %dma_wait3A_425] : memref<100x100xi32, #tpu.memory_space<vmem>> -> memref<1x100xi32, #tpu.memory_space<vmem>>
        %dma_wait3A_427 = tpu.memref_squeeze %dma_wait3A_426 : memref<1x100xi32, #tpu.memory_space<vmem>> -> memref<100xi32, #tpu.memory_space<vmem>>
        %dma_wait3A_428 = arith.constant 0 : i32
        %dma_wait3A_429 = arith.constant 0 : i32
        %dma_wait3A_430 = tpu.memref_slice %arg12[%dma_wait3A_428, %dma_wait3A_429] : memref<10240x16xf32, #tpu.memory_space<vmem_shared>> -> memref<10240x16xf32, #tpu.memory_space<vmem_shared>>
        tpu.wait_indirect_dma semaphore(%arg32 : memref<!tpu.dma_semaphore, #tpu.memory_space<semaphore_mem>>) src(%arg19 : memref<100x16xf32, #tpu.memory_space<vmem>>) dst(%dma_wait3A_430 : memref<10240x16xf32, #tpu.memory_space<vmem_shared>>)
        %dma_wait3A_431 = arith.constant 0 : i32
        %dma_wait3A_432 = arith.constant 0 : i32
        %dma_wait3A_433 = tpu.memref_slice %arg17[%dma_wait3A_431, %dma_wait3A_432] : memref<100x100xi32, #tpu.memory_space<vmem>> -> memref<1x100xi32, #tpu.memory_space<vmem>>
        %dma_wait3A_434 = tpu.memref_squeeze %dma_wait3A_433 : memref<1x100xi32, #tpu.memory_space<vmem>> -> memref<100xi32, #tpu.memory_space<vmem>>
        %dma_wait3A_435 = arith.constant 0 : i32
        %dma_wait3A_436 = arith.constant 0 : i32
        %dma_wait3A_437 = tpu.memref_slice %arg12[%dma_wait3A_435, %dma_wait3A_436] : memref<10240x16xf32, #tpu.memory_space<vmem_shared>> -> memref<10240x16xf32, #tpu.memory_space<vmem_shared>>
        tpu.wait_indirect_dma semaphore(%arg32 : memref<!tpu.dma_semaphore, #tpu.memory_space<semaphore_mem>>) src(%arg19 : memref<100x16xf32, #tpu.memory_space<vmem>>) dst(%dma_wait3A_437 : memref<10240x16xf32, #tpu.memory_space<vmem_shared>>)
        %dma_wait3A_438 = arith.constant 0 : i32
        %dma_wait3A_439 = arith.constant 0 : i32
        %dma_wait3A_440 = tpu.memref_slice %arg17[%dma_wait3A_438, %dma_wait3A_439] : memref<100x100xi32, #tpu.memory_space<vmem>> -> memref<1x100xi32, #tpu.memory_space<vmem>>
        %dma_wait3A_441 = tpu.memref_squeeze %dma_wait3A_440 : memref<1x100xi32, #tpu.memory_space<vmem>> -> memref<100xi32, #tpu.memory_space<vmem>>
        %dma_wait3A_442 = arith.constant 0 : i32
        %dma_wait3A_443 = arith.constant 0 : i32
        %dma_wait3A_444 = tpu.memref_slice %arg12[%dma_wait3A_442, %dma_wait3A_443] : memref<10240x16xf32, #tpu.memory_space<vmem_shared>> -> memref<10240x16xf32, #tpu.memory_space<vmem_shared>>
        tpu.wait_indirect_dma semaphore(%arg32 : memref<!tpu.dma_semaphore, #tpu.memory_space<semaphore_mem>>) src(%arg19 : memref<100x16xf32, #tpu.memory_space<vmem>>) dst(%dma_wait3A_444 : memref<10240x16xf32, #tpu.memory_space<vmem_shared>>)
        %dma_wait3A_445 = arith.constant 0 : i32
        %dma_wait3A_446 = arith.constant 0 : i32
        %dma_wait3A_447 = tpu.memref_slice %arg17[%dma_wait3A_445, %dma_wait3A_446] : memref<100x100xi32, #tpu.memory_space<vmem>> -> memref<1x100xi32, #tpu.memory_space<vmem>>
        %dma_wait3A_448 = tpu.memref_squeeze %dma_wait3A_447 : memref<1x100xi32, #tpu.memory_space<vmem>> -> memref<100xi32, #tpu.memory_space<vmem>>
        %dma_wait3A_449 = arith.constant 0 : i32
        %dma_wait3A_450 = arith.constant 0 : i32
        %dma_wait3A_451 = tpu.memref_slice %arg12[%dma_wait3A_449, %dma_wait3A_450] : memref<10240x16xf32, #tpu.memory_space<vmem_shared>> -> memref<10240x16xf32, #tpu.memory_space<vmem_shared>>
        tpu.wait_indirect_dma semaphore(%arg32 : memref<!tpu.dma_semaphore, #tpu.memory_space<semaphore_mem>>) src(%arg19 : memref<100x16xf32, #tpu.memory_space<vmem>>) dst(%dma_wait3A_451 : memref<10240x16xf32, #tpu.memory_space<vmem_shared>>)
        %dma_wait3A_452 = arith.constant 0 : i32
        %dma_wait3A_453 = arith.constant 0 : i32
        %dma_wait3A_454 = tpu.memref_slice %arg17[%dma_wait3A_452, %dma_wait3A_453] : memref<100x100xi32, #tpu.memory_space<vmem>> -> memref<1x100xi32, #tpu.memory_space<vmem>>
        %dma_wait3A_455 = tpu.memref_squeeze %dma_wait3A_454 : memref<1x100xi32, #tpu.memory_space<vmem>> -> memref<100xi32, #tpu.memory_space<vmem>>
        %dma_wait3A_456 = arith.constant 0 : i32
        %dma_wait3A_457 = arith.constant 0 : i32
        %dma_wait3A_458 = tpu.memref_slice %arg12[%dma_wait3A_456, %dma_wait3A_457] : memref<10240x16xf32, #tpu.memory_space<vmem_shared>> -> memref<10240x16xf32, #tpu.memory_space<vmem_shared>>
        tpu.wait_indirect_dma semaphore(%arg32 : memref<!tpu.dma_semaphore, #tpu.memory_space<semaphore_mem>>) src(%arg19 : memref<100x16xf32, #tpu.memory_space<vmem>>) dst(%dma_wait3A_458 : memref<10240x16xf32, #tpu.memory_space<vmem_shared>>)
        %add3A_459 = arith.constant 2 : i32
        %add3A_460 = arith.addi %mul3A_245, %add3A_459 : i32
        %mul3A_461 = arith.constant 100 : i32
        %mul3A_462 = arith.muli %add3A, %mul3A_461 : i32
        %add3A_463 = arith.addi %mul3A_462, %add3A_460 : i32
        %mul3A_464 = arith.constant 100 : i32
        %mul3A_465 = arith.muli %add3A_463, %mul3A_464 : i32
        %dma_start3A_466 = arith.constant 0 : i32
        %dma_start3A_467 = tpu.memref_slice %arg4[%mul3A_465, %dma_start3A_466] : memref<320000x16xf32, #tpu.memory_space<hbm>> -> memref<100x16xf32, #tpu.memory_space<hbm>>
        %dma_start3A_468 = arith.constant 0 : i32
        %dma_start3A_469 = tpu.memref_slice %arg4[%mul3A_465, %dma_start3A_468] : memref<320000x16xf32, #tpu.memory_space<hbm>> -> memref<100x16xf32, #tpu.memory_space<hbm>>
        tpu.enqueue_dma source(%dma_start3A_469 : memref<100x16xf32, #tpu.memory_space<hbm>>) target(%arg20 : memref<100x16xf32, #tpu.memory_space<vmem>>) target_semaphore(%arg26 : memref<!tpu.dma_semaphore, #tpu.memory_space<semaphore_mem>>)
        %dma_start3A_470 = arith.constant 0 : i32
        %dma_start3A_471 = tpu.memref_slice %arg2[%mul3A_465, %dma_start3A_470] : memref<320000x16xf32, #tpu.memory_space<hbm>> -> memref<100x16xf32, #tpu.memory_space<hbm>>
        %dma_start3A_472 = arith.constant 0 : i32
        %dma_start3A_473 = tpu.memref_slice %arg2[%mul3A_465, %dma_start3A_472] : memref<320000x16xf32, #tpu.memory_space<hbm>> -> memref<100x16xf32, #tpu.memory_space<hbm>>
        tpu.enqueue_dma source(%dma_start3A_473 : memref<100x16xf32, #tpu.memory_space<hbm>>) target(%arg21 : memref<100x16xf32, #tpu.memory_space<vmem>>) target_semaphore(%arg27 : memref<!tpu.dma_semaphore, #tpu.memory_space<semaphore_mem>>)
        %dma_start3A_474 = arith.constant 0 : i32
        %dma_start3A_475 = tpu.memref_slice %arg3[%mul3A_465, %dma_start3A_474] : memref<320000x16xf32, #tpu.memory_space<hbm>> -> memref<100x16xf32, #tpu.memory_space<hbm>>
        %dma_start3A_476 = arith.constant 0 : i32
        %dma_start3A_477 = tpu.memref_slice %arg3[%mul3A_465, %dma_start3A_476] : memref<320000x16xf32, #tpu.memory_space<hbm>> -> memref<100x16xf32, #tpu.memory_space<hbm>>
        tpu.enqueue_dma source(%dma_start3A_477 : memref<100x16xf32, #tpu.memory_space<hbm>>) target(%arg22 : memref<100x16xf32, #tpu.memory_space<vmem>>) target_semaphore(%arg28 : memref<!tpu.dma_semaphore, #tpu.memory_space<semaphore_mem>>)
      } else {
      }
      %dma_wait3A_337 = arith.constant 0 : i32
      %dma_wait3A_338 = arith.constant 0 : i32
      %dma_wait3A_339 = tpu.memref_slice %arg4[%dma_wait3A_337, %dma_wait3A_338] : memref<320000x16xf32, #tpu.memory_space<hbm>> -> memref<100x16xf32, #tpu.memory_space<hbm>>
      %dma_wait3A_340 = arith.constant 0 : i32
      %dma_wait3A_341 = arith.constant 0 : i32
      %dma_wait3A_342 = tpu.memref_slice %arg4[%dma_wait3A_340, %dma_wait3A_341] : memref<320000x16xf32, #tpu.memory_space<hbm>> -> memref<100x16xf32, #tpu.memory_space<hbm>>
      tpu.wait_dma2 semaphore(%arg29 : memref<!tpu.dma_semaphore, #tpu.memory_space<semaphore_mem>>) src(%dma_wait3A_342 : memref<100x16xf32, #tpu.memory_space<hbm>>) dst(%arg23 : memref<100x16xf32, #tpu.memory_space<vmem>>)
      %dma_wait3A_343 = arith.constant 0 : i32
      %dma_wait3A_344 = arith.constant 0 : i32
      %dma_wait3A_345 = tpu.memref_slice %arg4[%dma_wait3A_343, %dma_wait3A_344] : memref<320000x16xf32, #tpu.memory_space<hbm>> -> memref<100x16xf32, #tpu.memory_space<hbm>>
      %dma_wait3A_346 = arith.constant 0 : i32
      %dma_wait3A_347 = arith.constant 0 : i32
      %dma_wait3A_348 = tpu.memref_slice %arg4[%dma_wait3A_346, %dma_wait3A_347] : memref<320000x16xf32, #tpu.memory_space<hbm>> -> memref<100x16xf32, #tpu.memory_space<hbm>>
      tpu.wait_dma2 semaphore(%arg30 : memref<!tpu.dma_semaphore, #tpu.memory_space<semaphore_mem>>) src(%dma_wait3A_348 : memref<100x16xf32, #tpu.memory_space<hbm>>) dst(%arg24 : memref<100x16xf32, #tpu.memory_space<vmem>>)
      %dma_wait3A_349 = arith.constant 0 : i32
      %dma_wait3A_350 = arith.constant 0 : i32
      %dma_wait3A_351 = tpu.memref_slice %arg4[%dma_wait3A_349, %dma_wait3A_350] : memref<320000x16xf32, #tpu.memory_space<hbm>> -> memref<100x16xf32, #tpu.memory_space<hbm>>
      %dma_wait3A_352 = arith.constant 0 : i32
      %dma_wait3A_353 = arith.constant 0 : i32
      %dma_wait3A_354 = tpu.memref_slice %arg4[%dma_wait3A_352, %dma_wait3A_353] : memref<320000x16xf32, #tpu.memory_space<hbm>> -> memref<100x16xf32, #tpu.memory_space<hbm>>
      tpu.wait_dma2 semaphore(%arg31 : memref<!tpu.dma_semaphore, #tpu.memory_space<semaphore_mem>>) src(%dma_wait3A_354 : memref<100x16xf32, #tpu.memory_space<hbm>>) dst(%arg25 : memref<100x16xf32, #tpu.memory_space<vmem>>)
      %dma_start3A_355 = arith.constant 0 : i32
      %dma_start3A_356 = tpu.memref_slice %arg17[%add3A_247, %dma_start3A_355] : memref<100x100xi32, #tpu.memory_space<vmem>> -> memref<1x100xi32, #tpu.memory_space<vmem>>
      %dma_start3A_357 = tpu.memref_squeeze %dma_start3A_356 : memref<1x100xi32, #tpu.memory_space<vmem>> -> memref<100xi32, #tpu.memory_space<vmem>>
      %dma_start3A_358 = arith.constant 0 : i32
      %dma_start3A_359 = arith.constant 0 : i32
      %dma_start3A_360 = tpu.memref_slice %arg9[%dma_start3A_358, %dma_start3A_359] : memref<10240x16xf32, #tpu.memory_space<vmem_shared>> -> memref<10240x16xf32, #tpu.memory_space<vmem_shared>>
      tpu.enqueue_indirect_dma source(%arg23 : memref<100x16xf32, #tpu.memory_space<vmem>>) target(%dma_start3A_360 : memref<10240x16xf32, #tpu.memory_space<vmem_shared>>) offsets(%dma_start3A_357 : memref<100xi32, #tpu.memory_space<vmem>>) semaphore(%arg33 : memref<!tpu.dma_semaphore, #tpu.memory_space<semaphore_mem>>) {add = true}
      %dma_start3A_361 = arith.constant 0 : i32
      %dma_start3A_362 = tpu.memref_slice %arg18[%add3A_247, %dma_start3A_361] : memref<100x100xi32, #tpu.memory_space<vmem>> -> memref<1x100xi32, #tpu.memory_space<vmem>>
      %dma_start3A_363 = tpu.memref_squeeze %dma_start3A_362 : memref<1x100xi32, #tpu.memory_space<vmem>> -> memref<100xi32, #tpu.memory_space<vmem>>
      %dma_start3A_364 = arith.constant 0 : i32
      %dma_start3A_365 = arith.constant 0 : i32
      %dma_start3A_366 = tpu.memref_slice %arg13[%dma_start3A_364, %dma_start3A_365] : memref<10240x16xf32, #tpu.memory_space<vmem_shared>> -> memref<10240x16xf32, #tpu.memory_space<vmem_shared>>
      tpu.enqueue_indirect_dma source(%arg23 : memref<100x16xf32, #tpu.memory_space<vmem>>) target(%dma_start3A_366 : memref<10240x16xf32, #tpu.memory_space<vmem_shared>>) offsets(%dma_start3A_363 : memref<100xi32, #tpu.memory_space<vmem>>) semaphore(%arg33 : memref<!tpu.dma_semaphore, #tpu.memory_space<semaphore_mem>>) {add = true}
      %dma_start3A_367 = arith.constant 0 : i32
      %dma_start3A_368 = tpu.memref_slice %arg17[%add3A_247, %dma_start3A_367] : memref<100x100xi32, #tpu.memory_space<vmem>> -> memref<1x100xi32, #tpu.memory_space<vmem>>
      %dma_start3A_369 = tpu.memref_squeeze %dma_start3A_368 : memref<1x100xi32, #tpu.memory_space<vmem>> -> memref<100xi32, #tpu.memory_space<vmem>>
      %dma_start3A_370 = arith.constant 0 : i32
      %dma_start3A_371 = arith.constant 0 : i32
      %dma_start3A_372 = tpu.memref_slice %arg10[%dma_start3A_370, %dma_start3A_371] : memref<10240x16xf32, #tpu.memory_space<vmem_shared>> -> memref<10240x16xf32, #tpu.memory_space<vmem_shared>>
      tpu.enqueue_indirect_dma source(%arg24 : memref<100x16xf32, #tpu.memory_space<vmem>>) target(%dma_start3A_372 : memref<10240x16xf32, #tpu.memory_space<vmem_shared>>) offsets(%dma_start3A_369 : memref<100xi32, #tpu.memory_space<vmem>>) semaphore(%arg33 : memref<!tpu.dma_semaphore, #tpu.memory_space<semaphore_mem>>) {add = true}
      %dma_start3A_373 = arith.constant 0 : i32
      %dma_start3A_374 = tpu.memref_slice %arg18[%add3A_247, %dma_start3A_373] : memref<100x100xi32, #tpu.memory_space<vmem>> -> memref<1x100xi32, #tpu.memory_space<vmem>>
      %dma_start3A_375 = tpu.memref_squeeze %dma_start3A_374 : memref<1x100xi32, #tpu.memory_space<vmem>> -> memref<100xi32, #tpu.memory_space<vmem>>
      %dma_start3A_376 = arith.constant 0 : i32
      %dma_start3A_377 = arith.constant 0 : i32
      %dma_start3A_378 = tpu.memref_slice %arg14[%dma_start3A_376, %dma_start3A_377] : memref<10240x16xf32, #tpu.memory_space<vmem_shared>> -> memref<10240x16xf32, #tpu.memory_space<vmem_shared>>
      tpu.enqueue_indirect_dma source(%arg24 : memref<100x16xf32, #tpu.memory_space<vmem>>) target(%dma_start3A_378 : memref<10240x16xf32, #tpu.memory_space<vmem_shared>>) offsets(%dma_start3A_375 : memref<100xi32, #tpu.memory_space<vmem>>) semaphore(%arg33 : memref<!tpu.dma_semaphore, #tpu.memory_space<semaphore_mem>>) {add = true}
      %dma_start3A_379 = arith.constant 0 : i32
      %dma_start3A_380 = tpu.memref_slice %arg17[%add3A_247, %dma_start3A_379] : memref<100x100xi32, #tpu.memory_space<vmem>> -> memref<1x100xi32, #tpu.memory_space<vmem>>
      %dma_start3A_381 = tpu.memref_squeeze %dma_start3A_380 : memref<1x100xi32, #tpu.memory_space<vmem>> -> memref<100xi32, #tpu.memory_space<vmem>>
      %dma_start3A_382 = arith.constant 0 : i32
      %dma_start3A_383 = arith.constant 0 : i32
      %dma_start3A_384 = tpu.memref_slice %arg11[%dma_start3A_382, %dma_start3A_383] : memref<10240x16xf32, #tpu.memory_space<vmem_shared>> -> memref<10240x16xf32, #tpu.memory_space<vmem_shared>>
      tpu.enqueue_indirect_dma source(%arg25 : memref<100x16xf32, #tpu.memory_space<vmem>>) target(%dma_start3A_384 : memref<10240x16xf32, #tpu.memory_space<vmem_shared>>) offsets(%dma_start3A_381 : memref<100xi32, #tpu.memory_space<vmem>>) semaphore(%arg33 : memref<!tpu.dma_semaphore, #tpu.memory_space<semaphore_mem>>) {add = true}
      %dma_start3A_385 = arith.constant 0 : i32
      %dma_start3A_386 = tpu.memref_slice %arg18[%add3A_247, %dma_start3A_385] : memref<100x100xi32, #tpu.memory_space<vmem>> -> memref<1x100xi32, #tpu.memory_space<vmem>>
      %dma_start3A_387 = tpu.memref_squeeze %dma_start3A_386 : memref<1x100xi32, #tpu.memory_space<vmem>> -> memref<100xi32, #tpu.memory_space<vmem>>
      %dma_start3A_388 = arith.constant 0 : i32
      %dma_start3A_389 = arith.constant 0 : i32
      %dma_start3A_390 = tpu.memref_slice %arg15[%dma_start3A_388, %dma_start3A_389] : memref<10240x16xf32, #tpu.memory_space<vmem_shared>> -> memref<10240x16xf32, #tpu.memory_space<vmem_shared>>
      tpu.enqueue_indirect_dma source(%arg25 : memref<100x16xf32, #tpu.memory_space<vmem>>) target(%dma_start3A_390 : memref<10240x16xf32, #tpu.memory_space<vmem_shared>>) offsets(%dma_start3A_387 : memref<100xi32, #tpu.memory_space<vmem>>) semaphore(%arg33 : memref<!tpu.dma_semaphore, #tpu.memory_space<semaphore_mem>>) {add = true}
      %dma_start3A_391 = arith.constant 0 : i32
      %dma_start3A_392 = tpu.memref_slice %arg17[%add3A_247, %dma_start3A_391] : memref<100x100xi32, #tpu.memory_space<vmem>> -> memref<1x100xi32, #tpu.memory_space<vmem>>
      %dma_start3A_393 = tpu.memref_squeeze %dma_start3A_392 : memref<1x100xi32, #tpu.memory_space<vmem>> -> memref<100xi32, #tpu.memory_space<vmem>>
      %dma_start3A_394 = arith.constant 0 : i32
      %dma_start3A_395 = arith.constant 0 : i32
      %dma_start3A_396 = tpu.memref_slice %arg12[%dma_start3A_394, %dma_start3A_395] : memref<10240x16xf32, #tpu.memory_space<vmem_shared>> -> memref<10240x16xf32, #tpu.memory_space<vmem_shared>>
      tpu.enqueue_indirect_dma source(%arg19 : memref<100x16xf32, #tpu.memory_space<vmem>>) target(%dma_start3A_396 : memref<10240x16xf32, #tpu.memory_space<vmem_shared>>) offsets(%dma_start3A_393 : memref<100xi32, #tpu.memory_space<vmem>>) semaphore(%arg33 : memref<!tpu.dma_semaphore, #tpu.memory_space<semaphore_mem>>) {add = true}
      %dma_start3A_397 = arith.constant 0 : i32
      %dma_start3A_398 = tpu.memref_slice %arg18[%add3A_247, %dma_start3A_397] : memref<100x100xi32, #tpu.memory_space<vmem>> -> memref<1x100xi32, #tpu.memory_space<vmem>>
      %dma_start3A_399 = tpu.memref_squeeze %dma_start3A_398 : memref<1x100xi32, #tpu.memory_space<vmem>> -> memref<100xi32, #tpu.memory_space<vmem>>
      %dma_start3A_400 = arith.constant 0 : i32
      %dma_start3A_401 = arith.constant 0 : i32
      %dma_start3A_402 = tpu.memref_slice %arg16[%dma_start3A_400, %dma_start3A_401] : memref<10240x16xf32, #tpu.memory_space<vmem_shared>> -> memref<10240x16xf32, #tpu.memory_space<vmem_shared>>
      tpu.enqueue_indirect_dma source(%arg19 : memref<100x16xf32, #tpu.memory_space<vmem>>) target(%dma_start3A_402 : memref<10240x16xf32, #tpu.memory_space<vmem_shared>>) offsets(%dma_start3A_399 : memref<100xi32, #tpu.memory_space<vmem>>) semaphore(%arg33 : memref<!tpu.dma_semaphore, #tpu.memory_space<semaphore_mem>>) {add = true}
    }
    %scan3A_38 = arith.constant 50 : i32
    %dma_wait3A = arith.constant 0 : i32
    %dma_wait3A_39 = arith.constant 0 : i32
    %dma_wait3A_40 = tpu.memref_slice %arg17[%dma_wait3A, %dma_wait3A_39] : memref<100x100xi32, #tpu.memory_space<vmem>> -> memref<1x100xi32, #tpu.memory_space<vmem>>
    %dma_wait3A_41 = tpu.memref_squeeze %dma_wait3A_40 : memref<1x100xi32, #tpu.memory_space<vmem>> -> memref<100xi32, #tpu.memory_space<vmem>>
    %dma_wait3A_42 = arith.constant 0 : i32
    %dma_wait3A_43 = arith.constant 0 : i32
    %dma_wait3A_44 = tpu.memref_slice %arg12[%dma_wait3A_42, %dma_wait3A_43] : memref<10240x16xf32, #tpu.memory_space<vmem_shared>> -> memref<10240x16xf32, #tpu.memory_space<vmem_shared>>
    tpu.wait_indirect_dma semaphore(%arg32 : memref<!tpu.dma_semaphore, #tpu.memory_space<semaphore_mem>>) src(%arg19 : memref<100x16xf32, #tpu.memory_space<vmem>>) dst(%dma_wait3A_44 : memref<10240x16xf32, #tpu.memory_space<vmem_shared>>)
    %dma_wait3A_45 = arith.constant 0 : i32
    %dma_wait3A_46 = arith.constant 0 : i32
    %dma_wait3A_47 = tpu.memref_slice %arg17[%dma_wait3A_45, %dma_wait3A_46] : memref<100x100xi32, #tpu.memory_space<vmem>> -> memref<1x100xi32, #tpu.memory_space<vmem>>
    %dma_wait3A_48 = tpu.memref_squeeze %dma_wait3A_47 : memref<1x100xi32, #tpu.memory_space<vmem>> -> memref<100xi32, #tpu.memory_space<vmem>>
    %dma_wait3A_49 = arith.constant 0 : i32
    %dma_wait3A_50 = arith.constant 0 : i32
    %dma_wait3A_51 = tpu.memref_slice %arg12[%dma_wait3A_49, %dma_wait3A_50] : memref<10240x16xf32, #tpu.memory_space<vmem_shared>> -> memref<10240x16xf32, #tpu.memory_space<vmem_shared>>
    tpu.wait_indirect_dma semaphore(%arg32 : memref<!tpu.dma_semaphore, #tpu.memory_space<semaphore_mem>>) src(%arg19 : memref<100x16xf32, #tpu.memory_space<vmem>>) dst(%dma_wait3A_51 : memref<10240x16xf32, #tpu.memory_space<vmem_shared>>)
    %dma_wait3A_52 = arith.constant 0 : i32
    %dma_wait3A_53 = arith.constant 0 : i32
    %dma_wait3A_54 = tpu.memref_slice %arg17[%dma_wait3A_52, %dma_wait3A_53] : memref<100x100xi32, #tpu.memory_space<vmem>> -> memref<1x100xi32, #tpu.memory_space<vmem>>
    %dma_wait3A_55 = tpu.memref_squeeze %dma_wait3A_54 : memref<1x100xi32, #tpu.memory_space<vmem>> -> memref<100xi32, #tpu.memory_space<vmem>>
    %dma_wait3A_56 = arith.constant 0 : i32
    %dma_wait3A_57 = arith.constant 0 : i32
    %dma_wait3A_58 = tpu.memref_slice %arg12[%dma_wait3A_56, %dma_wait3A_57] : memref<10240x16xf32, #tpu.memory_space<vmem_shared>> -> memref<10240x16xf32, #tpu.memory_space<vmem_shared>>
    tpu.wait_indirect_dma semaphore(%arg32 : memref<!tpu.dma_semaphore, #tpu.memory_space<semaphore_mem>>) src(%arg19 : memref<100x16xf32, #tpu.memory_space<vmem>>) dst(%dma_wait3A_58 : memref<10240x16xf32, #tpu.memory_space<vmem_shared>>)
    %dma_wait3A_59 = arith.constant 0 : i32
    %dma_wait3A_60 = arith.constant 0 : i32
    %dma_wait3A_61 = tpu.memref_slice %arg17[%dma_wait3A_59, %dma_wait3A_60] : memref<100x100xi32, #tpu.memory_space<vmem>> -> memref<1x100xi32, #tpu.memory_space<vmem>>
    %dma_wait3A_62 = tpu.memref_squeeze %dma_wait3A_61 : memref<1x100xi32, #tpu.memory_space<vmem>> -> memref<100xi32, #tpu.memory_space<vmem>>
    %dma_wait3A_63 = arith.constant 0 : i32
    %dma_wait3A_64 = arith.constant 0 : i32
    %dma_wait3A_65 = tpu.memref_slice %arg12[%dma_wait3A_63, %dma_wait3A_64] : memref<10240x16xf32, #tpu.memory_space<vmem_shared>> -> memref<10240x16xf32, #tpu.memory_space<vmem_shared>>
    tpu.wait_indirect_dma semaphore(%arg32 : memref<!tpu.dma_semaphore, #tpu.memory_space<semaphore_mem>>) src(%arg19 : memref<100x16xf32, #tpu.memory_space<vmem>>) dst(%dma_wait3A_65 : memref<10240x16xf32, #tpu.memory_space<vmem_shared>>)
    %dma_wait3A_66 = arith.constant 0 : i32
    %dma_wait3A_67 = arith.constant 0 : i32
    %dma_wait3A_68 = tpu.memref_slice %arg17[%dma_wait3A_66, %dma_wait3A_67] : memref<100x100xi32, #tpu.memory_space<vmem>> -> memref<1x100xi32, #tpu.memory_space<vmem>>
    %dma_wait3A_69 = tpu.memref_squeeze %dma_wait3A_68 : memref<1x100xi32, #tpu.memory_space<vmem>> -> memref<100xi32, #tpu.memory_space<vmem>>
    %dma_wait3A_70 = arith.constant 0 : i32
    %dma_wait3A_71 = arith.constant 0 : i32
    %dma_wait3A_72 = tpu.memref_slice %arg12[%dma_wait3A_70, %dma_wait3A_71] : memref<10240x16xf32, #tpu.memory_space<vmem_shared>> -> memref<10240x16xf32, #tpu.memory_space<vmem_shared>>
    tpu.wait_indirect_dma semaphore(%arg32 : memref<!tpu.dma_semaphore, #tpu.memory_space<semaphore_mem>>) src(%arg19 : memref<100x16xf32, #tpu.memory_space<vmem>>) dst(%dma_wait3A_72 : memref<10240x16xf32, #tpu.memory_space<vmem_shared>>)
    %dma_wait3A_73 = arith.constant 0 : i32
    %dma_wait3A_74 = arith.constant 0 : i32
    %dma_wait3A_75 = tpu.memref_slice %arg17[%dma_wait3A_73, %dma_wait3A_74] : memref<100x100xi32, #tpu.memory_space<vmem>> -> memref<1x100xi32, #tpu.memory_space<vmem>>
    %dma_wait3A_76 = tpu.memref_squeeze %dma_wait3A_75 : memref<1x100xi32, #tpu.memory_space<vmem>> -> memref<100xi32, #tpu.memory_space<vmem>>
    %dma_wait3A_77 = arith.constant 0 : i32
    %dma_wait3A_78 = arith.constant 0 : i32
    %dma_wait3A_79 = tpu.memref_slice %arg12[%dma_wait3A_77, %dma_wait3A_78] : memref<10240x16xf32, #tpu.memory_space<vmem_shared>> -> memref<10240x16xf32, #tpu.memory_space<vmem_shared>>
    tpu.wait_indirect_dma semaphore(%arg32 : memref<!tpu.dma_semaphore, #tpu.memory_space<semaphore_mem>>) src(%arg19 : memref<100x16xf32, #tpu.memory_space<vmem>>) dst(%dma_wait3A_79 : memref<10240x16xf32, #tpu.memory_space<vmem_shared>>)
    %dma_wait3A_80 = arith.constant 0 : i32
    %dma_wait3A_81 = arith.constant 0 : i32
    %dma_wait3A_82 = tpu.memref_slice %arg17[%dma_wait3A_80, %dma_wait3A_81] : memref<100x100xi32, #tpu.memory_space<vmem>> -> memref<1x100xi32, #tpu.memory_space<vmem>>
    %dma_wait3A_83 = tpu.memref_squeeze %dma_wait3A_82 : memref<1x100xi32, #tpu.memory_space<vmem>> -> memref<100xi32, #tpu.memory_space<vmem>>
    %dma_wait3A_84 = arith.constant 0 : i32
    %dma_wait3A_85 = arith.constant 0 : i32
    %dma_wait3A_86 = tpu.memref_slice %arg12[%dma_wait3A_84, %dma_wait3A_85] : memref<10240x16xf32, #tpu.memory_space<vmem_shared>> -> memref<10240x16xf32, #tpu.memory_space<vmem_shared>>
    tpu.wait_indirect_dma semaphore(%arg32 : memref<!tpu.dma_semaphore, #tpu.memory_space<semaphore_mem>>) src(%arg19 : memref<100x16xf32, #tpu.memory_space<vmem>>) dst(%dma_wait3A_86 : memref<10240x16xf32, #tpu.memory_space<vmem_shared>>)
    %dma_wait3A_87 = arith.constant 0 : i32
    %dma_wait3A_88 = arith.constant 0 : i32
    %dma_wait3A_89 = tpu.memref_slice %arg17[%dma_wait3A_87, %dma_wait3A_88] : memref<100x100xi32, #tpu.memory_space<vmem>> -> memref<1x100xi32, #tpu.memory_space<vmem>>
    %dma_wait3A_90 = tpu.memref_squeeze %dma_wait3A_89 : memref<1x100xi32, #tpu.memory_space<vmem>> -> memref<100xi32, #tpu.memory_space<vmem>>
    %dma_wait3A_91 = arith.constant 0 : i32
    %dma_wait3A_92 = arith.constant 0 : i32
    %dma_wait3A_93 = tpu.memref_slice %arg12[%dma_wait3A_91, %dma_wait3A_92] : memref<10240x16xf32, #tpu.memory_space<vmem_shared>> -> memref<10240x16xf32, #tpu.memory_space<vmem_shared>>
    tpu.wait_indirect_dma semaphore(%arg32 : memref<!tpu.dma_semaphore, #tpu.memory_space<semaphore_mem>>) src(%arg19 : memref<100x16xf32, #tpu.memory_space<vmem>>) dst(%dma_wait3A_93 : memref<10240x16xf32, #tpu.memory_space<vmem_shared>>)
    %dma_wait3A_94 = arith.constant 0 : i32
    %dma_wait3A_95 = arith.constant 0 : i32
    %dma_wait3A_96 = tpu.memref_slice %arg17[%dma_wait3A_94, %dma_wait3A_95] : memref<100x100xi32, #tpu.memory_space<vmem>> -> memref<1x100xi32, #tpu.memory_space<vmem>>
    %dma_wait3A_97 = tpu.memref_squeeze %dma_wait3A_96 : memref<1x100xi32, #tpu.memory_space<vmem>> -> memref<100xi32, #tpu.memory_space<vmem>>
    %dma_wait3A_98 = arith.constant 0 : i32
    %dma_wait3A_99 = arith.constant 0 : i32
    %dma_wait3A_100 = tpu.memref_slice %arg12[%dma_wait3A_98, %dma_wait3A_99] : memref<10240x16xf32, #tpu.memory_space<vmem_shared>> -> memref<10240x16xf32, #tpu.memory_space<vmem_shared>>
    tpu.wait_indirect_dma semaphore(%arg33 : memref<!tpu.dma_semaphore, #tpu.memory_space<semaphore_mem>>) src(%arg19 : memref<100x16xf32, #tpu.memory_space<vmem>>) dst(%dma_wait3A_100 : memref<10240x16xf32, #tpu.memory_space<vmem_shared>>)
    %dma_wait3A_101 = arith.constant 0 : i32
    %dma_wait3A_102 = arith.constant 0 : i32
    %dma_wait3A_103 = tpu.memref_slice %arg17[%dma_wait3A_101, %dma_wait3A_102] : memref<100x100xi32, #tpu.memory_space<vmem>> -> memref<1x100xi32, #tpu.memory_space<vmem>>
    %dma_wait3A_104 = tpu.memref_squeeze %dma_wait3A_103 : memref<1x100xi32, #tpu.memory_space<vmem>> -> memref<100xi32, #tpu.memory_space<vmem>>
    %dma_wait3A_105 = arith.constant 0 : i32
    %dma_wait3A_106 = arith.constant 0 : i32
    %dma_wait3A_107 = tpu.memref_slice %arg12[%dma_wait3A_105, %dma_wait3A_106] : memref<10240x16xf32, #tpu.memory_space<vmem_shared>> -> memref<10240x16xf32, #tpu.memory_space<vmem_shared>>
    tpu.wait_indirect_dma semaphore(%arg33 : memref<!tpu.dma_semaphore, #tpu.memory_space<semaphore_mem>>) src(%arg19 : memref<100x16xf32, #tpu.memory_space<vmem>>) dst(%dma_wait3A_107 : memref<10240x16xf32, #tpu.memory_space<vmem_shared>>)
    %dma_wait3A_108 = arith.constant 0 : i32
    %dma_wait3A_109 = arith.constant 0 : i32
    %dma_wait3A_110 = tpu.memref_slice %arg17[%dma_wait3A_108, %dma_wait3A_109] : memref<100x100xi32, #tpu.memory_space<vmem>> -> memref<1x100xi32, #tpu.memory_space<vmem>>
    %dma_wait3A_111 = tpu.memref_squeeze %dma_wait3A_110 : memref<1x100xi32, #tpu.memory_space<vmem>> -> memref<100xi32, #tpu.memory_space<vmem>>
    %dma_wait3A_112 = arith.constant 0 : i32
    %dma_wait3A_113 = arith.constant 0 : i32
    %dma_wait3A_114 = tpu.memref_slice %arg12[%dma_wait3A_112, %dma_wait3A_113] : memref<10240x16xf32, #tpu.memory_space<vmem_shared>> -> memref<10240x16xf32, #tpu.memory_space<vmem_shared>>
    tpu.wait_indirect_dma semaphore(%arg33 : memref<!tpu.dma_semaphore, #tpu.memory_space<semaphore_mem>>) src(%arg19 : memref<100x16xf32, #tpu.memory_space<vmem>>) dst(%dma_wait3A_114 : memref<10240x16xf32, #tpu.memory_space<vmem_shared>>)
    %dma_wait3A_115 = arith.constant 0 : i32
    %dma_wait3A_116 = arith.constant 0 : i32
    %dma_wait3A_117 = tpu.memref_slice %arg17[%dma_wait3A_115, %dma_wait3A_116] : memref<100x100xi32, #tpu.memory_space<vmem>> -> memref<1x100xi32, #tpu.memory_space<vmem>>
    %dma_wait3A_118 = tpu.memref_squeeze %dma_wait3A_117 : memref<1x100xi32, #tpu.memory_space<vmem>> -> memref<100xi32, #tpu.memory_space<vmem>>
    %dma_wait3A_119 = arith.constant 0 : i32
    %dma_wait3A_120 = arith.constant 0 : i32
    %dma_wait3A_121 = tpu.memref_slice %arg12[%dma_wait3A_119, %dma_wait3A_120] : memref<10240x16xf32, #tpu.memory_space<vmem_shared>> -> memref<10240x16xf32, #tpu.memory_space<vmem_shared>>
    tpu.wait_indirect_dma semaphore(%arg33 : memref<!tpu.dma_semaphore, #tpu.memory_space<semaphore_mem>>) src(%arg19 : memref<100x16xf32, #tpu.memory_space<vmem>>) dst(%dma_wait3A_121 : memref<10240x16xf32, #tpu.memory_space<vmem_shared>>)
    %dma_wait3A_122 = arith.constant 0 : i32
    %dma_wait3A_123 = arith.constant 0 : i32
    %dma_wait3A_124 = tpu.memref_slice %arg17[%dma_wait3A_122, %dma_wait3A_123] : memref<100x100xi32, #tpu.memory_space<vmem>> -> memref<1x100xi32, #tpu.memory_space<vmem>>
    %dma_wait3A_125 = tpu.memref_squeeze %dma_wait3A_124 : memref<1x100xi32, #tpu.memory_space<vmem>> -> memref<100xi32, #tpu.memory_space<vmem>>
    %dma_wait3A_126 = arith.constant 0 : i32
    %dma_wait3A_127 = arith.constant 0 : i32
    %dma_wait3A_128 = tpu.memref_slice %arg12[%dma_wait3A_126, %dma_wait3A_127] : memref<10240x16xf32, #tpu.memory_space<vmem_shared>> -> memref<10240x16xf32, #tpu.memory_space<vmem_shared>>
    tpu.wait_indirect_dma semaphore(%arg33 : memref<!tpu.dma_semaphore, #tpu.memory_space<semaphore_mem>>) src(%arg19 : memref<100x16xf32, #tpu.memory_space<vmem>>) dst(%dma_wait3A_128 : memref<10240x16xf32, #tpu.memory_space<vmem_shared>>)
    %dma_wait3A_129 = arith.constant 0 : i32
    %dma_wait3A_130 = arith.constant 0 : i32
    %dma_wait3A_131 = tpu.memref_slice %arg17[%dma_wait3A_129, %dma_wait3A_130] : memref<100x100xi32, #tpu.memory_space<vmem>> -> memref<1x100xi32, #tpu.memory_space<vmem>>
    %dma_wait3A_132 = tpu.memref_squeeze %dma_wait3A_131 : memref<1x100xi32, #tpu.memory_space<vmem>> -> memref<100xi32, #tpu.memory_space<vmem>>
    %dma_wait3A_133 = arith.constant 0 : i32
    %dma_wait3A_134 = arith.constant 0 : i32
    %dma_wait3A_135 = tpu.memref_slice %arg12[%dma_wait3A_133, %dma_wait3A_134] : memref<10240x16xf32, #tpu.memory_space<vmem_shared>> -> memref<10240x16xf32, #tpu.memory_space<vmem_shared>>
    tpu.wait_indirect_dma semaphore(%arg33 : memref<!tpu.dma_semaphore, #tpu.memory_space<semaphore_mem>>) src(%arg19 : memref<100x16xf32, #tpu.memory_space<vmem>>) dst(%dma_wait3A_135 : memref<10240x16xf32, #tpu.memory_space<vmem_shared>>)
    %dma_wait3A_136 = arith.constant 0 : i32
    %dma_wait3A_137 = arith.constant 0 : i32
    %dma_wait3A_138 = tpu.memref_slice %arg17[%dma_wait3A_136, %dma_wait3A_137] : memref<100x100xi32, #tpu.memory_space<vmem>> -> memref<1x100xi32, #tpu.memory_space<vmem>>
    %dma_wait3A_139 = tpu.memref_squeeze %dma_wait3A_138 : memref<1x100xi32, #tpu.memory_space<vmem>> -> memref<100xi32, #tpu.memory_space<vmem>>
    %dma_wait3A_140 = arith.constant 0 : i32
    %dma_wait3A_141 = arith.constant 0 : i32
    %dma_wait3A_142 = tpu.memref_slice %arg12[%dma_wait3A_140, %dma_wait3A_141] : memref<10240x16xf32, #tpu.memory_space<vmem_shared>> -> memref<10240x16xf32, #tpu.memory_space<vmem_shared>>
    tpu.wait_indirect_dma semaphore(%arg33 : memref<!tpu.dma_semaphore, #tpu.memory_space<semaphore_mem>>) src(%arg19 : memref<100x16xf32, #tpu.memory_space<vmem>>) dst(%dma_wait3A_142 : memref<10240x16xf32, #tpu.memory_space<vmem_shared>>)
    %dma_wait3A_143 = arith.constant 0 : i32
    %dma_wait3A_144 = arith.constant 0 : i32
    %dma_wait3A_145 = tpu.memref_slice %arg17[%dma_wait3A_143, %dma_wait3A_144] : memref<100x100xi32, #tpu.memory_space<vmem>> -> memref<1x100xi32, #tpu.memory_space<vmem>>
    %dma_wait3A_146 = tpu.memref_squeeze %dma_wait3A_145 : memref<1x100xi32, #tpu.memory_space<vmem>> -> memref<100xi32, #tpu.memory_space<vmem>>
    %dma_wait3A_147 = arith.constant 0 : i32
    %dma_wait3A_148 = arith.constant 0 : i32
    %dma_wait3A_149 = tpu.memref_slice %arg12[%dma_wait3A_147, %dma_wait3A_148] : memref<10240x16xf32, #tpu.memory_space<vmem_shared>> -> memref<10240x16xf32, #tpu.memory_space<vmem_shared>>
    tpu.wait_indirect_dma semaphore(%arg33 : memref<!tpu.dma_semaphore, #tpu.memory_space<semaphore_mem>>) src(%arg19 : memref<100x16xf32, #tpu.memory_space<vmem>>) dst(%dma_wait3A_149 : memref<10240x16xf32, #tpu.memory_space<vmem_shared>>)
    %barrier3A_150 = arith.constant 0 : index
    tpu.barrier barrier_id(%barrier3A_150)
    %mul3A_151 = arith.constant 640 : i32
    %mul3A_152 = arith.muli %arg1, %mul3A_151 : i32
    %mul3A_153 = arith.constant 640 : i32
    %mul3A_154 = arith.muli %arg1, %mul3A_153 : i32
    %mul3A_155 = arith.constant 4 : i32
    %mul3A_156 = arith.muli %arg0, %mul3A_155 : i32
    %add3A_157 = arith.constant 0 : i32
    %add3A_158 = arith.addi %mul3A_156, %add3A_157 : i32
    %mul3A_159 = arith.constant 16 : i32
    %mul3A_160 = arith.muli %add3A_158, %mul3A_159 : i32
    %run_scoped3A_161 = arith.constant 0 : i32
    "tpu.region"() ({
      %run_scoped3A_239 = tpu.sem_alloc : memref<!tpu.dma_semaphore, #tpu.memory_space<semaphore_mem>>
      %dma_start3A_240 = tpu.memref_slice %arg8[%run_scoped3A_161, %mul3A_154, %mul3A_160] : memref<2x10240x128xf32, #tpu.memory_space<hbm>> -> memref<1x640x16xf32, #tpu.memory_space<hbm>>
      %dma_start3A_241 = tpu.memref_squeeze %dma_start3A_240 : memref<1x640x16xf32, #tpu.memory_space<hbm>> -> memref<640x16xf32, #tpu.memory_space<hbm>>
      %dma_start3A_242 = arith.constant 0 : i32
      %dma_start3A_243 = tpu.memref_slice %arg9[%mul3A_152, %dma_start3A_242] : memref<10240x16xf32, #tpu.memory_space<vmem_shared>> -> memref<640x16xf32, #tpu.memory_space<vmem_shared>>
      tpu.enqueue_dma source(%dma_start3A_243 : memref<640x16xf32, #tpu.memory_space<vmem_shared>>) target(%dma_start3A_241 : memref<640x16xf32, #tpu.memory_space<hbm>>) target_semaphore(%run_scoped3A_239 : memref<!tpu.dma_semaphore, #tpu.memory_space<semaphore_mem>>)
      %dma_wait3A_244 = tpu.memref_slice %arg8[%run_scoped3A_161, %mul3A_154, %mul3A_160] : memref<2x10240x128xf32, #tpu.memory_space<hbm>> -> memref<1x640x16xf32, #tpu.memory_space<hbm>>
      %dma_wait3A_245 = tpu.memref_squeeze %dma_wait3A_244 : memref<1x640x16xf32, #tpu.memory_space<hbm>> -> memref<640x16xf32, #tpu.memory_space<hbm>>
      %dma_wait3A_246 = arith.constant 0 : i32
      %dma_wait3A_247 = tpu.memref_slice %arg9[%mul3A_152, %dma_wait3A_246] : memref<10240x16xf32, #tpu.memory_space<vmem_shared>> -> memref<640x16xf32, #tpu.memory_space<vmem_shared>>
      tpu.wait_dma2 semaphore(%run_scoped3A_239 : memref<!tpu.dma_semaphore, #tpu.memory_space<semaphore_mem>>) src(%dma_wait3A_247 : memref<640x16xf32, #tpu.memory_space<vmem_shared>>) dst(%dma_wait3A_245 : memref<640x16xf32, #tpu.memory_space<hbm>>)
      tpu.yield
    }) : () -> ()
    %mul3A_162 = arith.constant 640 : i32
    %mul3A_163 = arith.muli %arg1, %mul3A_162 : i32
    %mul3A_164 = arith.constant 640 : i32
    %mul3A_165 = arith.muli %arg1, %mul3A_164 : i32
    %mul3A_166 = arith.constant 4 : i32
    %mul3A_167 = arith.muli %arg0, %mul3A_166 : i32
    %add3A_168 = arith.constant 1 : i32
    %add3A_169 = arith.addi %mul3A_167, %add3A_168 : i32
    %mul3A_170 = arith.constant 16 : i32
    %mul3A_171 = arith.muli %add3A_169, %mul3A_170 : i32
    %run_scoped3A_172 = arith.constant 0 : i32
    "tpu.region"() ({
      %run_scoped3A_239 = tpu.sem_alloc : memref<!tpu.dma_semaphore, #tpu.memory_space<semaphore_mem>>
      %dma_start3A_240 = tpu.memref_slice %arg8[%run_scoped3A_172, %mul3A_165, %mul3A_171] : memref<2x10240x128xf32, #tpu.memory_space<hbm>> -> memref<1x640x16xf32, #tpu.memory_space<hbm>>
      %dma_start3A_241 = tpu.memref_squeeze %dma_start3A_240 : memref<1x640x16xf32, #tpu.memory_space<hbm>> -> memref<640x16xf32, #tpu.memory_space<hbm>>
      %dma_start3A_242 = arith.constant 0 : i32
      %dma_start3A_243 = tpu.memref_slice %arg10[%mul3A_163, %dma_start3A_242] : memref<10240x16xf32, #tpu.memory_space<vmem_shared>> -> memref<640x16xf32, #tpu.memory_space<vmem_shared>>
      tpu.enqueue_dma source(%dma_start3A_243 : memref<640x16xf32, #tpu.memory_space<vmem_shared>>) target(%dma_start3A_241 : memref<640x16xf32, #tpu.memory_space<hbm>>) target_semaphore(%run_scoped3A_239 : memref<!tpu.dma_semaphore, #tpu.memory_space<semaphore_mem>>)
      %dma_wait3A_244 = tpu.memref_slice %arg8[%run_scoped3A_172, %mul3A_165, %mul3A_171] : memref<2x10240x128xf32, #tpu.memory_space<hbm>> -> memref<1x640x16xf32, #tpu.memory_space<hbm>>
      %dma_wait3A_245 = tpu.memref_squeeze %dma_wait3A_244 : memref<1x640x16xf32, #tpu.memory_space<hbm>> -> memref<640x16xf32, #tpu.memory_space<hbm>>
      %dma_wait3A_246 = arith.constant 0 : i32
      %dma_wait3A_247 = tpu.memref_slice %arg10[%mul3A_163, %dma_wait3A_246] : memref<10240x16xf32, #tpu.memory_space<vmem_shared>> -> memref<640x16xf32, #tpu.memory_space<vmem_shared>>
      tpu.wait_dma2 semaphore(%run_scoped3A_239 : memref<!tpu.dma_semaphore, #tpu.memory_space<semaphore_mem>>) src(%dma_wait3A_247 : memref<640x16xf32, #tpu.memory_space<vmem_shared>>) dst(%dma_wait3A_245 : memref<640x16xf32, #tpu.memory_space<hbm>>)
      tpu.yield
    }) : () -> ()
    %mul3A_173 = arith.constant 640 : i32
    %mul3A_174 = arith.muli %arg1, %mul3A_173 : i32
    %mul3A_175 = arith.constant 640 : i32
    %mul3A_176 = arith.muli %arg1, %mul3A_175 : i32
    %mul3A_177 = arith.constant 4 : i32
    %mul3A_178 = arith.muli %arg0, %mul3A_177 : i32
    %add3A_179 = arith.constant 2 : i32
    %add3A_180 = arith.addi %mul3A_178, %add3A_179 : i32
    %mul3A_181 = arith.constant 16 : i32
    %mul3A_182 = arith.muli %add3A_180, %mul3A_181 : i32
    %run_scoped3A_183 = arith.constant 0 : i32
    "tpu.region"() ({
      %run_scoped3A_239 = tpu.sem_alloc : memref<!tpu.dma_semaphore, #tpu.memory_space<semaphore_mem>>
      %dma_start3A_240 = tpu.memref_slice %arg8[%run_scoped3A_183, %mul3A_176, %mul3A_182] : memref<2x10240x128xf32, #tpu.memory_space<hbm>> -> memref<1x640x16xf32, #tpu.memory_space<hbm>>
      %dma_start3A_241 = tpu.memref_squeeze %dma_start3A_240 : memref<1x640x16xf32, #tpu.memory_space<hbm>> -> memref<640x16xf32, #tpu.memory_space<hbm>>
      %dma_start3A_242 = arith.constant 0 : i32
      %dma_start3A_243 = tpu.memref_slice %arg11[%mul3A_174, %dma_start3A_242] : memref<10240x16xf32, #tpu.memory_space<vmem_shared>> -> memref<640x16xf32, #tpu.memory_space<vmem_shared>>
      tpu.enqueue_dma source(%dma_start3A_243 : memref<640x16xf32, #tpu.memory_space<vmem_shared>>) target(%dma_start3A_241 : memref<640x16xf32, #tpu.memory_space<hbm>>) target_semaphore(%run_scoped3A_239 : memref<!tpu.dma_semaphore, #tpu.memory_space<semaphore_mem>>)
      %dma_wait3A_244 = tpu.memref_slice %arg8[%run_scoped3A_183, %mul3A_176, %mul3A_182] : memref<2x10240x128xf32, #tpu.memory_space<hbm>> -> memref<1x640x16xf32, #tpu.memory_space<hbm>>
      %dma_wait3A_245 = tpu.memref_squeeze %dma_wait3A_244 : memref<1x640x16xf32, #tpu.memory_space<hbm>> -> memref<640x16xf32, #tpu.memory_space<hbm>>
      %dma_wait3A_246 = arith.constant 0 : i32
      %dma_wait3A_247 = tpu.memref_slice %arg11[%mul3A_174, %dma_wait3A_246] : memref<10240x16xf32, #tpu.memory_space<vmem_shared>> -> memref<640x16xf32, #tpu.memory_space<vmem_shared>>
      tpu.wait_dma2 semaphore(%run_scoped3A_239 : memref<!tpu.dma_semaphore, #tpu.memory_space<semaphore_mem>>) src(%dma_wait3A_247 : memref<640x16xf32, #tpu.memory_space<vmem_shared>>) dst(%dma_wait3A_245 : memref<640x16xf32, #tpu.memory_space<hbm>>)
      tpu.yield
    }) : () -> ()
    %mul3A_184 = arith.constant 640 : i32
    %mul3A_185 = arith.muli %arg1, %mul3A_184 : i32
    %mul3A_186 = arith.constant 640 : i32
    %mul3A_187 = arith.muli %arg1, %mul3A_186 : i32
    %mul3A_188 = arith.constant 4 : i32
    %mul3A_189 = arith.muli %arg0, %mul3A_188 : i32
    %add3A_190 = arith.constant 3 : i32
    %add3A_191 = arith.addi %mul3A_189, %add3A_190 : i32
    %mul3A_192 = arith.constant 16 : i32
    %mul3A_193 = arith.muli %add3A_191, %mul3A_192 : i32
    %run_scoped3A_194 = arith.constant 0 : i32
    "tpu.region"() ({
      %run_scoped3A_239 = tpu.sem_alloc : memref<!tpu.dma_semaphore, #tpu.memory_space<semaphore_mem>>
      %dma_start3A_240 = tpu.memref_slice %arg8[%run_scoped3A_194, %mul3A_187, %mul3A_193] : memref<2x10240x128xf32, #tpu.memory_space<hbm>> -> memref<1x640x16xf32, #tpu.memory_space<hbm>>
      %dma_start3A_241 = tpu.memref_squeeze %dma_start3A_240 : memref<1x640x16xf32, #tpu.memory_space<hbm>> -> memref<640x16xf32, #tpu.memory_space<hbm>>
      %dma_start3A_242 = arith.constant 0 : i32
      %dma_start3A_243 = tpu.memref_slice %arg12[%mul3A_185, %dma_start3A_242] : memref<10240x16xf32, #tpu.memory_space<vmem_shared>> -> memref<640x16xf32, #tpu.memory_space<vmem_shared>>
      tpu.enqueue_dma source(%dma_start3A_243 : memref<640x16xf32, #tpu.memory_space<vmem_shared>>) target(%dma_start3A_241 : memref<640x16xf32, #tpu.memory_space<hbm>>) target_semaphore(%run_scoped3A_239 : memref<!tpu.dma_semaphore, #tpu.memory_space<semaphore_mem>>)
      %dma_wait3A_244 = tpu.memref_slice %arg8[%run_scoped3A_194, %mul3A_187, %mul3A_193] : memref<2x10240x128xf32, #tpu.memory_space<hbm>> -> memref<1x640x16xf32, #tpu.memory_space<hbm>>
      %dma_wait3A_245 = tpu.memref_squeeze %dma_wait3A_244 : memref<1x640x16xf32, #tpu.memory_space<hbm>> -> memref<640x16xf32, #tpu.memory_space<hbm>>
      %dma_wait3A_246 = arith.constant 0 : i32
      %dma_wait3A_247 = tpu.memref_slice %arg12[%mul3A_185, %dma_wait3A_246] : memref<10240x16xf32, #tpu.memory_space<vmem_shared>> -> memref<640x16xf32, #tpu.memory_space<vmem_shared>>
      tpu.wait_dma2 semaphore(%run_scoped3A_239 : memref<!tpu.dma_semaphore, #tpu.memory_space<semaphore_mem>>) src(%dma_wait3A_247 : memref<640x16xf32, #tpu.memory_space<vmem_shared>>) dst(%dma_wait3A_245 : memref<640x16xf32, #tpu.memory_space<hbm>>)
      tpu.yield
    }) : () -> ()
    %mul3A_195 = arith.constant 640 : i32
    %mul3A_196 = arith.muli %arg1, %mul3A_195 : i32
    %mul3A_197 = arith.constant 640 : i32
    %mul3A_198 = arith.muli %arg1, %mul3A_197 : i32
    %mul3A_199 = arith.constant 4 : i32
    %mul3A_200 = arith.muli %arg0, %mul3A_199 : i32
    %add3A_201 = arith.constant 0 : i32
    %add3A_202 = arith.addi %mul3A_200, %add3A_201 : i32
    %mul3A_203 = arith.constant 16 : i32
    %mul3A_204 = arith.muli %add3A_202, %mul3A_203 : i32
    %run_scoped3A_205 = arith.constant 1 : i32
    "tpu.region"() ({
      %run_scoped3A_239 = tpu.sem_alloc : memref<!tpu.dma_semaphore, #tpu.memory_space<semaphore_mem>>
      %dma_start3A_240 = tpu.memref_slice %arg8[%run_scoped3A_205, %mul3A_198, %mul3A_204] : memref<2x10240x128xf32, #tpu.memory_space<hbm>> -> memref<1x640x16xf32, #tpu.memory_space<hbm>>
      %dma_start3A_241 = tpu.memref_squeeze %dma_start3A_240 : memref<1x640x16xf32, #tpu.memory_space<hbm>> -> memref<640x16xf32, #tpu.memory_space<hbm>>
      %dma_start3A_242 = arith.constant 0 : i32
      %dma_start3A_243 = tpu.memref_slice %arg13[%mul3A_196, %dma_start3A_242] : memref<10240x16xf32, #tpu.memory_space<vmem_shared>> -> memref<640x16xf32, #tpu.memory_space<vmem_shared>>
      tpu.enqueue_dma source(%dma_start3A_243 : memref<640x16xf32, #tpu.memory_space<vmem_shared>>) target(%dma_start3A_241 : memref<640x16xf32, #tpu.memory_space<hbm>>) target_semaphore(%run_scoped3A_239 : memref<!tpu.dma_semaphore, #tpu.memory_space<semaphore_mem>>)
      %dma_wait3A_244 = tpu.memref_slice %arg8[%run_scoped3A_205, %mul3A_198, %mul3A_204] : memref<2x10240x128xf32, #tpu.memory_space<hbm>> -> memref<1x640x16xf32, #tpu.memory_space<hbm>>
      %dma_wait3A_245 = tpu.memref_squeeze %dma_wait3A_244 : memref<1x640x16xf32, #tpu.memory_space<hbm>> -> memref<640x16xf32, #tpu.memory_space<hbm>>
      %dma_wait3A_246 = arith.constant 0 : i32
      %dma_wait3A_247 = tpu.memref_slice %arg13[%mul3A_196, %dma_wait3A_246] : memref<10240x16xf32, #tpu.memory_space<vmem_shared>> -> memref<640x16xf32, #tpu.memory_space<vmem_shared>>
      tpu.wait_dma2 semaphore(%run_scoped3A_239 : memref<!tpu.dma_semaphore, #tpu.memory_space<semaphore_mem>>) src(%dma_wait3A_247 : memref<640x16xf32, #tpu.memory_space<vmem_shared>>) dst(%dma_wait3A_245 : memref<640x16xf32, #tpu.memory_space<hbm>>)
      tpu.yield
    }) : () -> ()
    %mul3A_206 = arith.constant 640 : i32
    %mul3A_207 = arith.muli %arg1, %mul3A_206 : i32
    %mul3A_208 = arith.constant 640 : i32
    %mul3A_209 = arith.muli %arg1, %mul3A_208 : i32
    %mul3A_210 = arith.constant 4 : i32
    %mul3A_211 = arith.muli %arg0, %mul3A_210 : i32
    %add3A_212 = arith.constant 1 : i32
    %add3A_213 = arith.addi %mul3A_211, %add3A_212 : i32
    %mul3A_214 = arith.constant 16 : i32
    %mul3A_215 = arith.muli %add3A_213, %mul3A_214 : i32
    %run_scoped3A_216 = arith.constant 1 : i32
    "tpu.region"() ({
      %run_scoped3A_239 = tpu.sem_alloc : memref<!tpu.dma_semaphore, #tpu.memory_space<semaphore_mem>>
      %dma_start3A_240 = tpu.memref_slice %arg8[%run_scoped3A_216, %mul3A_209, %mul3A_215] : memref<2x10240x128xf32, #tpu.memory_space<hbm>> -> memref<1x640x16xf32, #tpu.memory_space<hbm>>
      %dma_start3A_241 = tpu.memref_squeeze %dma_start3A_240 : memref<1x640x16xf32, #tpu.memory_space<hbm>> -> memref<640x16xf32, #tpu.memory_space<hbm>>
      %dma_start3A_242 = arith.constant 0 : i32
      %dma_start3A_243 = tpu.memref_slice %arg14[%mul3A_207, %dma_start3A_242] : memref<10240x16xf32, #tpu.memory_space<vmem_shared>> -> memref<640x16xf32, #tpu.memory_space<vmem_shared>>
      tpu.enqueue_dma source(%dma_start3A_243 : memref<640x16xf32, #tpu.memory_space<vmem_shared>>) target(%dma_start3A_241 : memref<640x16xf32, #tpu.memory_space<hbm>>) target_semaphore(%run_scoped3A_239 : memref<!tpu.dma_semaphore, #tpu.memory_space<semaphore_mem>>)
      %dma_wait3A_244 = tpu.memref_slice %arg8[%run_scoped3A_216, %mul3A_209, %mul3A_215] : memref<2x10240x128xf32, #tpu.memory_space<hbm>> -> memref<1x640x16xf32, #tpu.memory_space<hbm>>
      %dma_wait3A_245 = tpu.memref_squeeze %dma_wait3A_244 : memref<1x640x16xf32, #tpu.memory_space<hbm>> -> memref<640x16xf32, #tpu.memory_space<hbm>>
      %dma_wait3A_246 = arith.constant 0 : i32
      %dma_wait3A_247 = tpu.memref_slice %arg14[%mul3A_207, %dma_wait3A_246] : memref<10240x16xf32, #tpu.memory_space<vmem_shared>> -> memref<640x16xf32, #tpu.memory_space<vmem_shared>>
      tpu.wait_dma2 semaphore(%run_scoped3A_239 : memref<!tpu.dma_semaphore, #tpu.memory_space<semaphore_mem>>) src(%dma_wait3A_247 : memref<640x16xf32, #tpu.memory_space<vmem_shared>>) dst(%dma_wait3A_245 : memref<640x16xf32, #tpu.memory_space<hbm>>)
      tpu.yield
    }) : () -> ()
    %mul3A_217 = arith.constant 640 : i32
    %mul3A_218 = arith.muli %arg1, %mul3A_217 : i32
    %mul3A_219 = arith.constant 640 : i32
    %mul3A_220 = arith.muli %arg1, %mul3A_219 : i32
    %mul3A_221 = arith.constant 4 : i32
    %mul3A_222 = arith.muli %arg0, %mul3A_221 : i32
    %add3A_223 = arith.constant 2 : i32
    %add3A_224 = arith.addi %mul3A_222, %add3A_223 : i32
    %mul3A_225 = arith.constant 16 : i32
    %mul3A_226 = arith.muli %add3A_224, %mul3A_225 : i32
    %run_scoped3A_227 = arith.constant 1 : i32
    "tpu.region"() ({
      %run_scoped3A_239 = tpu.sem_alloc : memref<!tpu.dma_semaphore, #tpu.memory_space<semaphore_mem>>
      %dma_start3A_240 = tpu.memref_slice %arg8[%run_scoped3A_227, %mul3A_220, %mul3A_226] : memref<2x10240x128xf32, #tpu.memory_space<hbm>> -> memref<1x640x16xf32, #tpu.memory_space<hbm>>
      %dma_start3A_241 = tpu.memref_squeeze %dma_start3A_240 : memref<1x640x16xf32, #tpu.memory_space<hbm>> -> memref<640x16xf32, #tpu.memory_space<hbm>>
      %dma_start3A_242 = arith.constant 0 : i32
      %dma_start3A_243 = tpu.memref_slice %arg15[%mul3A_218, %dma_start3A_242] : memref<10240x16xf32, #tpu.memory_space<vmem_shared>> -> memref<640x16xf32, #tpu.memory_space<vmem_shared>>
      tpu.enqueue_dma source(%dma_start3A_243 : memref<640x16xf32, #tpu.memory_space<vmem_shared>>) target(%dma_start3A_241 : memref<640x16xf32, #tpu.memory_space<hbm>>) target_semaphore(%run_scoped3A_239 : memref<!tpu.dma_semaphore, #tpu.memory_space<semaphore_mem>>)
      %dma_wait3A_244 = tpu.memref_slice %arg8[%run_scoped3A_227, %mul3A_220, %mul3A_226] : memref<2x10240x128xf32, #tpu.memory_space<hbm>> -> memref<1x640x16xf32, #tpu.memory_space<hbm>>
      %dma_wait3A_245 = tpu.memref_squeeze %dma_wait3A_244 : memref<1x640x16xf32, #tpu.memory_space<hbm>> -> memref<640x16xf32, #tpu.memory_space<hbm>>
      %dma_wait3A_246 = arith.constant 0 : i32
      %dma_wait3A_247 = tpu.memref_slice %arg15[%mul3A_218, %dma_wait3A_246] : memref<10240x16xf32, #tpu.memory_space<vmem_shared>> -> memref<640x16xf32, #tpu.memory_space<vmem_shared>>
      tpu.wait_dma2 semaphore(%run_scoped3A_239 : memref<!tpu.dma_semaphore, #tpu.memory_space<semaphore_mem>>) src(%dma_wait3A_247 : memref<640x16xf32, #tpu.memory_space<vmem_shared>>) dst(%dma_wait3A_245 : memref<640x16xf32, #tpu.memory_space<hbm>>)
      tpu.yield
    }) : () -> ()
    %mul3A_228 = arith.constant 640 : i32
    %mul3A_229 = arith.muli %arg1, %mul3A_228 : i32
    %mul3A_230 = arith.constant 640 : i32
    %mul3A_231 = arith.muli %arg1, %mul3A_230 : i32
    %mul3A_232 = arith.constant 4 : i32
    %mul3A_233 = arith.muli %arg0, %mul3A_232 : i32
    %add3A_234 = arith.constant 3 : i32
    %add3A_235 = arith.addi %mul3A_233, %add3A_234 : i32
    %mul3A_236 = arith.constant 16 : i32
    %mul3A_237 = arith.muli %add3A_235, %mul3A_236 : i32
    %run_scoped3A_238 = arith.constant 1 : i32
    "tpu.region"() ({
      %run_scoped3A_239 = tpu.sem_alloc : memref<!tpu.dma_semaphore, #tpu.memory_space<semaphore_mem>>
      %dma_start3A_240 = tpu.memref_slice %arg8[%run_scoped3A_238, %mul3A_231, %mul3A_237] : memref<2x10240x128xf32, #tpu.memory_space<hbm>> -> memref<1x640x16xf32, #tpu.memory_space<hbm>>
      %dma_start3A_241 = tpu.memref_squeeze %dma_start3A_240 : memref<1x640x16xf32, #tpu.memory_space<hbm>> -> memref<640x16xf32, #tpu.memory_space<hbm>>
      %dma_start3A_242 = arith.constant 0 : i32
      %dma_start3A_243 = tpu.memref_slice %arg16[%mul3A_229, %dma_start3A_242] : memref<10240x16xf32, #tpu.memory_space<vmem_shared>> -> memref<640x16xf32, #tpu.memory_space<vmem_shared>>
      tpu.enqueue_dma source(%dma_start3A_243 : memref<640x16xf32, #tpu.memory_space<vmem_shared>>) target(%dma_start3A_241 : memref<640x16xf32, #tpu.memory_space<hbm>>) target_semaphore(%run_scoped3A_239 : memref<!tpu.dma_semaphore, #tpu.memory_space<semaphore_mem>>)
      %dma_wait3A_244 = tpu.memref_slice %arg8[%run_scoped3A_238, %mul3A_231, %mul3A_237] : memref<2x10240x128xf32, #tpu.memory_space<hbm>> -> memref<1x640x16xf32, #tpu.memory_space<hbm>>
      %dma_wait3A_245 = tpu.memref_squeeze %dma_wait3A_244 : memref<1x640x16xf32, #tpu.memory_space<hbm>> -> memref<640x16xf32, #tpu.memory_space<hbm>>
      %dma_wait3A_246 = arith.constant 0 : i32
      %dma_wait3A_247 = tpu.memref_slice %arg16[%mul3A_229, %dma_wait3A_246] : memref<10240x16xf32, #tpu.memory_space<vmem_shared>> -> memref<640x16xf32, #tpu.memory_space<vmem_shared>>
      tpu.wait_dma2 semaphore(%run_scoped3A_239 : memref<!tpu.dma_semaphore, #tpu.memory_space<semaphore_mem>>) src(%dma_wait3A_247 : memref<640x16xf32, #tpu.memory_space<vmem_shared>>) dst(%dma_wait3A_245 : memref<640x16xf32, #tpu.memory_space<hbm>>)
      tpu.yield
    }) : () -> ()
    return
  }
}

#map = affine_map<(d0, d1) -> (0, 0, 0)>
#map1 = affine_map<(d0, d1) -> (0, 0, 0, 0)>
module attributes {stable_mosaic.version = 14 : i64} {
  func.func @k(%arg0: i32, %arg1: i32, %arg2: memref<2x10240x128xf32, #tpu.memory_space<hbm>>, %arg3: memref<2x16x250x80xi32, #tpu.memory_space<hbm>>, %arg4: memref<2x320000x128xf32, #tpu.memory_space<hbm>>, %arg5: memref<250x80xi32, #tpu.memory_space<vmem>>, %arg6: memref<80x128xf32, #tpu.memory_space<vmem>>, %arg7: memref<80x128xf32, #tpu.memory_space<vmem>>, %arg8: memref<80x128xf32, #tpu.memory_space<vmem>>, %arg9: memref<80x128xf32, #tpu.memory_space<vmem>>, %arg10: memref<80x128xf32, #tpu.memory_space<vmem>>, %arg11: memref<80x128xf32, #tpu.memory_space<vmem>>, %arg12: memref<80x128xf32, #tpu.memory_space<vmem>>, %arg13: memref<80x128xf32, #tpu.memory_space<vmem>>, %arg14: memref<80x128xf32, #tpu.memory_space<vmem>>, %arg15: memref<80x128xf32, #tpu.memory_space<vmem>>, %arg16: memref<!tpu.dma_semaphore, #tpu.memory_space<semaphore_mem>>, %arg17: memref<!tpu.dma_semaphore, #tpu.memory_space<semaphore_mem>>, %arg18: memref<!tpu.dma_semaphore, #tpu.memory_space<semaphore_mem>>, %arg19: memref<!tpu.dma_semaphore, #tpu.memory_space<semaphore_mem>>, %arg20: memref<!tpu.dma_semaphore, #tpu.memory_space<semaphore_mem>>, %arg21: memref<!tpu.dma_semaphore, #tpu.memory_space<semaphore_mem>>, %arg22: memref<!tpu.dma_semaphore, #tpu.memory_space<semaphore_mem>>, %arg23: memref<!tpu.dma_semaphore, #tpu.memory_space<semaphore_mem>>, %arg24: memref<!tpu.dma_semaphore, #tpu.memory_space<semaphore_mem>>, %arg25: memref<!tpu.dma_semaphore, #tpu.memory_space<semaphore_mem>>, %arg26: memref<!tpu.dma_semaphore, #tpu.memory_space<semaphore_mem>>, %arg27: memref<!tpu.dma_semaphore, #tpu.memory_space<semaphore_mem>>, %arg28: memref<!tpu.dma_semaphore, #tpu.memory_space<semaphore_mem>>, %arg29: memref<!tpu.dma_semaphore, #tpu.memory_space<semaphore_mem>>, %arg30: memref<!tpu.dma_semaphore, #tpu.memory_space<semaphore_mem>>, %arg31: memref<!tpu.dma_semaphore, #tpu.memory_space<semaphore_mem>>, %arg32: memref<!tpu.dma_semaphore, #tpu.memory_space<semaphore_mem>>, %arg33: memref<!tpu.dma_semaphore, #tpu.memory_space<semaphore_mem>>, %arg34: memref<!tpu.dma_semaphore, #tpu.memory_space<semaphore_mem>>, %arg35: memref<!tpu.dma_semaphore, #tpu.memory_space<semaphore_mem>>) attributes {dimension_semantics = [#tpu.dimension_semantics<core_parallel>, #tpu.dimension_semantics<subcore_parallel>], iteration_bounds = array<i64: 2, 16>, scalar_prefetch = 0 : i64, scratch_operands = 31 : i64, tpu.core_type = #tpu.core_type<sc_vector_subcore>, window_params = [{transform_indices = #map}, {transform_indices = #map1}, {transform_indices = #map}]} {
    "tpu.region"() ({
      %run_scoped3A = tpu.sem_alloc : memref<!tpu.dma_semaphore, #tpu.memory_space<semaphore_mem>>
      %dma_start3A_192 = arith.constant 0 : i32
      %dma_start3A_193 = arith.constant 0 : i32
      %dma_start3A_194 = tpu.memref_slice %arg3[%arg0, %arg1, %dma_start3A_192, %dma_start3A_193] : memref<2x16x250x80xi32, #tpu.memory_space<hbm>> -> memref<1x1x250x80xi32, #tpu.memory_space<hbm>>
      %dma_start3A_195 = tpu.memref_squeeze %dma_start3A_194 : memref<1x1x250x80xi32, #tpu.memory_space<hbm>> -> memref<250x80xi32, #tpu.memory_space<hbm>>
      %dma_start3A_196 = arith.constant 0 : i32
      %dma_start3A_197 = arith.constant 0 : i32
      %dma_start3A_198 = tpu.memref_slice %arg3[%arg0, %arg1, %dma_start3A_196, %dma_start3A_197] : memref<2x16x250x80xi32, #tpu.memory_space<hbm>> -> memref<1x1x250x80xi32, #tpu.memory_space<hbm>>
      %dma_start3A_199 = tpu.memref_squeeze %dma_start3A_198 : memref<1x1x250x80xi32, #tpu.memory_space<hbm>> -> memref<250x80xi32, #tpu.memory_space<hbm>>
      tpu.enqueue_dma source(%dma_start3A_199 : memref<250x80xi32, #tpu.memory_space<hbm>>) target(%arg5 : memref<250x80xi32, #tpu.memory_space<vmem>>) target_semaphore(%run_scoped3A : memref<!tpu.dma_semaphore, #tpu.memory_space<semaphore_mem>>)
      %dma_wait3A_200 = arith.constant 0 : i32
      %dma_wait3A_201 = arith.constant 0 : i32
      %dma_wait3A_202 = tpu.memref_slice %arg3[%arg0, %arg1, %dma_wait3A_200, %dma_wait3A_201] : memref<2x16x250x80xi32, #tpu.memory_space<hbm>> -> memref<1x1x250x80xi32, #tpu.memory_space<hbm>>
      %dma_wait3A_203 = tpu.memref_squeeze %dma_wait3A_202 : memref<1x1x250x80xi32, #tpu.memory_space<hbm>> -> memref<250x80xi32, #tpu.memory_space<hbm>>
      %dma_wait3A_204 = arith.constant 0 : i32
      %dma_wait3A_205 = arith.constant 0 : i32
      %dma_wait3A_206 = tpu.memref_slice %arg3[%arg0, %arg1, %dma_wait3A_204, %dma_wait3A_205] : memref<2x16x250x80xi32, #tpu.memory_space<hbm>> -> memref<1x1x250x80xi32, #tpu.memory_space<hbm>>
      %dma_wait3A_207 = tpu.memref_squeeze %dma_wait3A_206 : memref<1x1x250x80xi32, #tpu.memory_space<hbm>> -> memref<250x80xi32, #tpu.memory_space<hbm>>
      tpu.wait_dma2 semaphore(%run_scoped3A : memref<!tpu.dma_semaphore, #tpu.memory_space<semaphore_mem>>) src(%dma_wait3A_207 : memref<250x80xi32, #tpu.memory_space<hbm>>) dst(%arg5 : memref<250x80xi32, #tpu.memory_space<vmem>>)
      tpu.yield
    }) : () -> ()
    %dma_start3A = arith.constant 0 : i32
    %dma_start3A_0 = arith.constant 0 : i32
    %dma_start3A_1 = tpu.memref_slice %arg5[%dma_start3A, %dma_start3A_0] : memref<250x80xi32, #tpu.memory_space<vmem>> -> memref<1x80xi32, #tpu.memory_space<vmem>>
    %dma_start3A_2 = tpu.memref_squeeze %dma_start3A_1 : memref<1x80xi32, #tpu.memory_space<vmem>> -> memref<80xi32, #tpu.memory_space<vmem>>
    %dma_start3A_3 = arith.constant 0 : i32
    %dma_start3A_4 = arith.constant 0 : i32
    %dma_start3A_5 = tpu.memref_slice %arg2[%arg0, %dma_start3A_3, %dma_start3A_4] : memref<2x10240x128xf32, #tpu.memory_space<hbm>> -> memref<1x10240x128xf32, #tpu.memory_space<hbm>>
    %dma_start3A_6 = tpu.memref_squeeze %dma_start3A_5 : memref<1x10240x128xf32, #tpu.memory_space<hbm>> -> memref<10240x128xf32, #tpu.memory_space<hbm>>
    %dma_start3A_7 = arith.constant 0 : i32
    %dma_start3A_8 = arith.constant 0 : i32
    %dma_start3A_9 = tpu.memref_slice %dma_start3A_6[%dma_start3A_7, %dma_start3A_8] : memref<10240x128xf32, #tpu.memory_space<hbm>> -> memref<10240x128xf32, #tpu.memory_space<hbm>>
    tpu.enqueue_indirect_dma source(%dma_start3A_9 : memref<10240x128xf32, #tpu.memory_space<hbm>>) target(%arg6 : memref<80x128xf32, #tpu.memory_space<vmem>>) offsets(%dma_start3A_2 : memref<80xi32, #tpu.memory_space<vmem>>) semaphore(%arg16 : memref<!tpu.dma_semaphore, #tpu.memory_space<semaphore_mem>>)
    %dma_start3A_10 = arith.constant 1 : i32
    %dma_start3A_11 = arith.constant 0 : i32
    %dma_start3A_12 = tpu.memref_slice %arg5[%dma_start3A_10, %dma_start3A_11] : memref<250x80xi32, #tpu.memory_space<vmem>> -> memref<1x80xi32, #tpu.memory_space<vmem>>
    %dma_start3A_13 = tpu.memref_squeeze %dma_start3A_12 : memref<1x80xi32, #tpu.memory_space<vmem>> -> memref<80xi32, #tpu.memory_space<vmem>>
    %dma_start3A_14 = arith.constant 0 : i32
    %dma_start3A_15 = arith.constant 0 : i32
    %dma_start3A_16 = tpu.memref_slice %arg2[%arg0, %dma_start3A_14, %dma_start3A_15] : memref<2x10240x128xf32, #tpu.memory_space<hbm>> -> memref<1x10240x128xf32, #tpu.memory_space<hbm>>
    %dma_start3A_17 = tpu.memref_squeeze %dma_start3A_16 : memref<1x10240x128xf32, #tpu.memory_space<hbm>> -> memref<10240x128xf32, #tpu.memory_space<hbm>>
    %dma_start3A_18 = arith.constant 0 : i32
    %dma_start3A_19 = arith.constant 0 : i32
    %dma_start3A_20 = tpu.memref_slice %dma_start3A_17[%dma_start3A_18, %dma_start3A_19] : memref<10240x128xf32, #tpu.memory_space<hbm>> -> memref<10240x128xf32, #tpu.memory_space<hbm>>
    tpu.enqueue_indirect_dma source(%dma_start3A_20 : memref<10240x128xf32, #tpu.memory_space<hbm>>) target(%arg7 : memref<80x128xf32, #tpu.memory_space<vmem>>) offsets(%dma_start3A_13 : memref<80xi32, #tpu.memory_space<vmem>>) semaphore(%arg17 : memref<!tpu.dma_semaphore, #tpu.memory_space<semaphore_mem>>)
    %dma_start3A_21 = arith.constant 2 : i32
    %dma_start3A_22 = arith.constant 0 : i32
    %dma_start3A_23 = tpu.memref_slice %arg5[%dma_start3A_21, %dma_start3A_22] : memref<250x80xi32, #tpu.memory_space<vmem>> -> memref<1x80xi32, #tpu.memory_space<vmem>>
    %dma_start3A_24 = tpu.memref_squeeze %dma_start3A_23 : memref<1x80xi32, #tpu.memory_space<vmem>> -> memref<80xi32, #tpu.memory_space<vmem>>
    %dma_start3A_25 = arith.constant 0 : i32
    %dma_start3A_26 = arith.constant 0 : i32
    %dma_start3A_27 = tpu.memref_slice %arg2[%arg0, %dma_start3A_25, %dma_start3A_26] : memref<2x10240x128xf32, #tpu.memory_space<hbm>> -> memref<1x10240x128xf32, #tpu.memory_space<hbm>>
    %dma_start3A_28 = tpu.memref_squeeze %dma_start3A_27 : memref<1x10240x128xf32, #tpu.memory_space<hbm>> -> memref<10240x128xf32, #tpu.memory_space<hbm>>
    %dma_start3A_29 = arith.constant 0 : i32
    %dma_start3A_30 = arith.constant 0 : i32
    %dma_start3A_31 = tpu.memref_slice %dma_start3A_28[%dma_start3A_29, %dma_start3A_30] : memref<10240x128xf32, #tpu.memory_space<hbm>> -> memref<10240x128xf32, #tpu.memory_space<hbm>>
    tpu.enqueue_indirect_dma source(%dma_start3A_31 : memref<10240x128xf32, #tpu.memory_space<hbm>>) target(%arg8 : memref<80x128xf32, #tpu.memory_space<vmem>>) offsets(%dma_start3A_24 : memref<80xi32, #tpu.memory_space<vmem>>) semaphore(%arg18 : memref<!tpu.dma_semaphore, #tpu.memory_space<semaphore_mem>>)
    %dma_start3A_32 = arith.constant 3 : i32
    %dma_start3A_33 = arith.constant 0 : i32
    %dma_start3A_34 = tpu.memref_slice %arg5[%dma_start3A_32, %dma_start3A_33] : memref<250x80xi32, #tpu.memory_space<vmem>> -> memref<1x80xi32, #tpu.memory_space<vmem>>
    %dma_start3A_35 = tpu.memref_squeeze %dma_start3A_34 : memref<1x80xi32, #tpu.memory_space<vmem>> -> memref<80xi32, #tpu.memory_space<vmem>>
    %dma_start3A_36 = arith.constant 0 : i32
    %dma_start3A_37 = arith.constant 0 : i32
    %dma_start3A_38 = tpu.memref_slice %arg2[%arg0, %dma_start3A_36, %dma_start3A_37] : memref<2x10240x128xf32, #tpu.memory_space<hbm>> -> memref<1x10240x128xf32, #tpu.memory_space<hbm>>
    %dma_start3A_39 = tpu.memref_squeeze %dma_start3A_38 : memref<1x10240x128xf32, #tpu.memory_space<hbm>> -> memref<10240x128xf32, #tpu.memory_space<hbm>>
    %dma_start3A_40 = arith.constant 0 : i32
    %dma_start3A_41 = arith.constant 0 : i32
    %dma_start3A_42 = tpu.memref_slice %dma_start3A_39[%dma_start3A_40, %dma_start3A_41] : memref<10240x128xf32, #tpu.memory_space<hbm>> -> memref<10240x128xf32, #tpu.memory_space<hbm>>
    tpu.enqueue_indirect_dma source(%dma_start3A_42 : memref<10240x128xf32, #tpu.memory_space<hbm>>) target(%arg9 : memref<80x128xf32, #tpu.memory_space<vmem>>) offsets(%dma_start3A_35 : memref<80xi32, #tpu.memory_space<vmem>>) semaphore(%arg19 : memref<!tpu.dma_semaphore, #tpu.memory_space<semaphore_mem>>)
    %dma_start3A_43 = arith.constant 4 : i32
    %dma_start3A_44 = arith.constant 0 : i32
    %dma_start3A_45 = tpu.memref_slice %arg5[%dma_start3A_43, %dma_start3A_44] : memref<250x80xi32, #tpu.memory_space<vmem>> -> memref<1x80xi32, #tpu.memory_space<vmem>>
    %dma_start3A_46 = tpu.memref_squeeze %dma_start3A_45 : memref<1x80xi32, #tpu.memory_space<vmem>> -> memref<80xi32, #tpu.memory_space<vmem>>
    %dma_start3A_47 = arith.constant 0 : i32
    %dma_start3A_48 = arith.constant 0 : i32
    %dma_start3A_49 = tpu.memref_slice %arg2[%arg0, %dma_start3A_47, %dma_start3A_48] : memref<2x10240x128xf32, #tpu.memory_space<hbm>> -> memref<1x10240x128xf32, #tpu.memory_space<hbm>>
    %dma_start3A_50 = tpu.memref_squeeze %dma_start3A_49 : memref<1x10240x128xf32, #tpu.memory_space<hbm>> -> memref<10240x128xf32, #tpu.memory_space<hbm>>
    %dma_start3A_51 = arith.constant 0 : i32
    %dma_start3A_52 = arith.constant 0 : i32
    %dma_start3A_53 = tpu.memref_slice %dma_start3A_50[%dma_start3A_51, %dma_start3A_52] : memref<10240x128xf32, #tpu.memory_space<hbm>> -> memref<10240x128xf32, #tpu.memory_space<hbm>>
    tpu.enqueue_indirect_dma source(%dma_start3A_53 : memref<10240x128xf32, #tpu.memory_space<hbm>>) target(%arg10 : memref<80x128xf32, #tpu.memory_space<vmem>>) offsets(%dma_start3A_46 : memref<80xi32, #tpu.memory_space<vmem>>) semaphore(%arg20 : memref<!tpu.dma_semaphore, #tpu.memory_space<semaphore_mem>>)
    %dma_start3A_54 = arith.constant 5 : i32
    %dma_start3A_55 = arith.constant 0 : i32
    %dma_start3A_56 = tpu.memref_slice %arg5[%dma_start3A_54, %dma_start3A_55] : memref<250x80xi32, #tpu.memory_space<vmem>> -> memref<1x80xi32, #tpu.memory_space<vmem>>
    %dma_start3A_57 = tpu.memref_squeeze %dma_start3A_56 : memref<1x80xi32, #tpu.memory_space<vmem>> -> memref<80xi32, #tpu.memory_space<vmem>>
    %dma_start3A_58 = arith.constant 0 : i32
    %dma_start3A_59 = arith.constant 0 : i32
    %dma_start3A_60 = tpu.memref_slice %arg2[%arg0, %dma_start3A_58, %dma_start3A_59] : memref<2x10240x128xf32, #tpu.memory_space<hbm>> -> memref<1x10240x128xf32, #tpu.memory_space<hbm>>
    %dma_start3A_61 = tpu.memref_squeeze %dma_start3A_60 : memref<1x10240x128xf32, #tpu.memory_space<hbm>> -> memref<10240x128xf32, #tpu.memory_space<hbm>>
    %dma_start3A_62 = arith.constant 0 : i32
    %dma_start3A_63 = arith.constant 0 : i32
    %dma_start3A_64 = tpu.memref_slice %dma_start3A_61[%dma_start3A_62, %dma_start3A_63] : memref<10240x128xf32, #tpu.memory_space<hbm>> -> memref<10240x128xf32, #tpu.memory_space<hbm>>
    tpu.enqueue_indirect_dma source(%dma_start3A_64 : memref<10240x128xf32, #tpu.memory_space<hbm>>) target(%arg11 : memref<80x128xf32, #tpu.memory_space<vmem>>) offsets(%dma_start3A_57 : memref<80xi32, #tpu.memory_space<vmem>>) semaphore(%arg21 : memref<!tpu.dma_semaphore, #tpu.memory_space<semaphore_mem>>)
    %dma_start3A_65 = arith.constant 6 : i32
    %dma_start3A_66 = arith.constant 0 : i32
    %dma_start3A_67 = tpu.memref_slice %arg5[%dma_start3A_65, %dma_start3A_66] : memref<250x80xi32, #tpu.memory_space<vmem>> -> memref<1x80xi32, #tpu.memory_space<vmem>>
    %dma_start3A_68 = tpu.memref_squeeze %dma_start3A_67 : memref<1x80xi32, #tpu.memory_space<vmem>> -> memref<80xi32, #tpu.memory_space<vmem>>
    %dma_start3A_69 = arith.constant 0 : i32
    %dma_start3A_70 = arith.constant 0 : i32
    %dma_start3A_71 = tpu.memref_slice %arg2[%arg0, %dma_start3A_69, %dma_start3A_70] : memref<2x10240x128xf32, #tpu.memory_space<hbm>> -> memref<1x10240x128xf32, #tpu.memory_space<hbm>>
    %dma_start3A_72 = tpu.memref_squeeze %dma_start3A_71 : memref<1x10240x128xf32, #tpu.memory_space<hbm>> -> memref<10240x128xf32, #tpu.memory_space<hbm>>
    %dma_start3A_73 = arith.constant 0 : i32
    %dma_start3A_74 = arith.constant 0 : i32
    %dma_start3A_75 = tpu.memref_slice %dma_start3A_72[%dma_start3A_73, %dma_start3A_74] : memref<10240x128xf32, #tpu.memory_space<hbm>> -> memref<10240x128xf32, #tpu.memory_space<hbm>>
    tpu.enqueue_indirect_dma source(%dma_start3A_75 : memref<10240x128xf32, #tpu.memory_space<hbm>>) target(%arg12 : memref<80x128xf32, #tpu.memory_space<vmem>>) offsets(%dma_start3A_68 : memref<80xi32, #tpu.memory_space<vmem>>) semaphore(%arg22 : memref<!tpu.dma_semaphore, #tpu.memory_space<semaphore_mem>>)
    %dma_start3A_76 = arith.constant 7 : i32
    %dma_start3A_77 = arith.constant 0 : i32
    %dma_start3A_78 = tpu.memref_slice %arg5[%dma_start3A_76, %dma_start3A_77] : memref<250x80xi32, #tpu.memory_space<vmem>> -> memref<1x80xi32, #tpu.memory_space<vmem>>
    %dma_start3A_79 = tpu.memref_squeeze %dma_start3A_78 : memref<1x80xi32, #tpu.memory_space<vmem>> -> memref<80xi32, #tpu.memory_space<vmem>>
    %dma_start3A_80 = arith.constant 0 : i32
    %dma_start3A_81 = arith.constant 0 : i32
    %dma_start3A_82 = tpu.memref_slice %arg2[%arg0, %dma_start3A_80, %dma_start3A_81] : memref<2x10240x128xf32, #tpu.memory_space<hbm>> -> memref<1x10240x128xf32, #tpu.memory_space<hbm>>
    %dma_start3A_83 = tpu.memref_squeeze %dma_start3A_82 : memref<1x10240x128xf32, #tpu.memory_space<hbm>> -> memref<10240x128xf32, #tpu.memory_space<hbm>>
    %dma_start3A_84 = arith.constant 0 : i32
    %dma_start3A_85 = arith.constant 0 : i32
    %dma_start3A_86 = tpu.memref_slice %dma_start3A_83[%dma_start3A_84, %dma_start3A_85] : memref<10240x128xf32, #tpu.memory_space<hbm>> -> memref<10240x128xf32, #tpu.memory_space<hbm>>
    tpu.enqueue_indirect_dma source(%dma_start3A_86 : memref<10240x128xf32, #tpu.memory_space<hbm>>) target(%arg13 : memref<80x128xf32, #tpu.memory_space<vmem>>) offsets(%dma_start3A_79 : memref<80xi32, #tpu.memory_space<vmem>>) semaphore(%arg23 : memref<!tpu.dma_semaphore, #tpu.memory_space<semaphore_mem>>)
    %dma_start3A_87 = arith.constant 8 : i32
    %dma_start3A_88 = arith.constant 0 : i32
    %dma_start3A_89 = tpu.memref_slice %arg5[%dma_start3A_87, %dma_start3A_88] : memref<250x80xi32, #tpu.memory_space<vmem>> -> memref<1x80xi32, #tpu.memory_space<vmem>>
    %dma_start3A_90 = tpu.memref_squeeze %dma_start3A_89 : memref<1x80xi32, #tpu.memory_space<vmem>> -> memref<80xi32, #tpu.memory_space<vmem>>
    %dma_start3A_91 = arith.constant 0 : i32
    %dma_start3A_92 = arith.constant 0 : i32
    %dma_start3A_93 = tpu.memref_slice %arg2[%arg0, %dma_start3A_91, %dma_start3A_92] : memref<2x10240x128xf32, #tpu.memory_space<hbm>> -> memref<1x10240x128xf32, #tpu.memory_space<hbm>>
    %dma_start3A_94 = tpu.memref_squeeze %dma_start3A_93 : memref<1x10240x128xf32, #tpu.memory_space<hbm>> -> memref<10240x128xf32, #tpu.memory_space<hbm>>
    %dma_start3A_95 = arith.constant 0 : i32
    %dma_start3A_96 = arith.constant 0 : i32
    %dma_start3A_97 = tpu.memref_slice %dma_start3A_94[%dma_start3A_95, %dma_start3A_96] : memref<10240x128xf32, #tpu.memory_space<hbm>> -> memref<10240x128xf32, #tpu.memory_space<hbm>>
    tpu.enqueue_indirect_dma source(%dma_start3A_97 : memref<10240x128xf32, #tpu.memory_space<hbm>>) target(%arg14 : memref<80x128xf32, #tpu.memory_space<vmem>>) offsets(%dma_start3A_90 : memref<80xi32, #tpu.memory_space<vmem>>) semaphore(%arg24 : memref<!tpu.dma_semaphore, #tpu.memory_space<semaphore_mem>>)
    %dma_start3A_98 = arith.constant 9 : i32
    %dma_start3A_99 = arith.constant 0 : i32
    %dma_start3A_100 = tpu.memref_slice %arg5[%dma_start3A_98, %dma_start3A_99] : memref<250x80xi32, #tpu.memory_space<vmem>> -> memref<1x80xi32, #tpu.memory_space<vmem>>
    %dma_start3A_101 = tpu.memref_squeeze %dma_start3A_100 : memref<1x80xi32, #tpu.memory_space<vmem>> -> memref<80xi32, #tpu.memory_space<vmem>>
    %dma_start3A_102 = arith.constant 0 : i32
    %dma_start3A_103 = arith.constant 0 : i32
    %dma_start3A_104 = tpu.memref_slice %arg2[%arg0, %dma_start3A_102, %dma_start3A_103] : memref<2x10240x128xf32, #tpu.memory_space<hbm>> -> memref<1x10240x128xf32, #tpu.memory_space<hbm>>
    %dma_start3A_105 = tpu.memref_squeeze %dma_start3A_104 : memref<1x10240x128xf32, #tpu.memory_space<hbm>> -> memref<10240x128xf32, #tpu.memory_space<hbm>>
    %dma_start3A_106 = arith.constant 0 : i32
    %dma_start3A_107 = arith.constant 0 : i32
    %dma_start3A_108 = tpu.memref_slice %dma_start3A_105[%dma_start3A_106, %dma_start3A_107] : memref<10240x128xf32, #tpu.memory_space<hbm>> -> memref<10240x128xf32, #tpu.memory_space<hbm>>
    tpu.enqueue_indirect_dma source(%dma_start3A_108 : memref<10240x128xf32, #tpu.memory_space<hbm>>) target(%arg15 : memref<80x128xf32, #tpu.memory_space<vmem>>) offsets(%dma_start3A_101 : memref<80xi32, #tpu.memory_space<vmem>>) semaphore(%arg25 : memref<!tpu.dma_semaphore, #tpu.memory_space<semaphore_mem>>)
    %scan3A = arith.constant 0 : i32
    %scan3A_109 = arith.constant 25 : i32
    %scan3A_110 = arith.addi %scan3A, %scan3A_109 : i32
    %scan3A_111 = arith.constant 1 : i32
    scf.for %scan3A_192 = %scan3A to %scan3A_110 step %scan3A_111  : i32 {
      %mul3A = arith.constant 1 : i32
      %mul3A_193 = arith.muli %scan3A_192, %mul3A : i32
      %add3A = arith.constant 0 : i32
      %add3A_194 = arith.addi %add3A, %mul3A_193 : i32
      %mul3A_195 = arith.constant 10 : i32
      %mul3A_196 = arith.muli %mul3A_195, %add3A_194 : i32
      %add3A_197 = arith.constant 0 : i32
      %add3A_198 = arith.addi %mul3A_196, %add3A_197 : i32
      %dma_wait3A_199 = arith.constant 0 : i32
      %dma_wait3A_200 = arith.constant 0 : i32
      %dma_wait3A_201 = tpu.memref_slice %arg5[%dma_wait3A_199, %dma_wait3A_200] : memref<250x80xi32, #tpu.memory_space<vmem>> -> memref<1x80xi32, #tpu.memory_space<vmem>>
      %dma_wait3A_202 = tpu.memref_squeeze %dma_wait3A_201 : memref<1x80xi32, #tpu.memory_space<vmem>> -> memref<80xi32, #tpu.memory_space<vmem>>
      %dma_wait3A_203 = arith.constant 0 : i32
      %dma_wait3A_204 = arith.constant 0 : i32
      %dma_wait3A_205 = tpu.memref_slice %arg2[%arg0, %dma_wait3A_203, %dma_wait3A_204] : memref<2x10240x128xf32, #tpu.memory_space<hbm>> -> memref<1x10240x128xf32, #tpu.memory_space<hbm>>
      %dma_wait3A_206 = tpu.memref_squeeze %dma_wait3A_205 : memref<1x10240x128xf32, #tpu.memory_space<hbm>> -> memref<10240x128xf32, #tpu.memory_space<hbm>>
      %dma_wait3A_207 = arith.constant 0 : i32
      %dma_wait3A_208 = arith.constant 0 : i32
      %dma_wait3A_209 = tpu.memref_slice %dma_wait3A_206[%dma_wait3A_207, %dma_wait3A_208] : memref<10240x128xf32, #tpu.memory_space<hbm>> -> memref<10240x128xf32, #tpu.memory_space<hbm>>
      tpu.wait_indirect_dma semaphore(%arg16 : memref<!tpu.dma_semaphore, #tpu.memory_space<semaphore_mem>>) src(%dma_wait3A_209 : memref<10240x128xf32, #tpu.memory_space<hbm>>) dst(%arg6 : memref<80x128xf32, #tpu.memory_space<vmem>>)
      %mul3A_210 = arith.constant 250 : i32
      %mul3A_211 = arith.muli %arg1, %mul3A_210 : i32
      %add3A_212 = arith.addi %mul3A_211, %add3A_198 : i32
      %mul3A_213 = arith.constant 80 : i32
      %mul3A_214 = arith.muli %add3A_212, %mul3A_213 : i32
      %dma_start3A_215 = arith.constant 0 : i32
      %dma_start3A_216 = tpu.memref_slice %arg4[%arg0, %mul3A_214, %dma_start3A_215] : memref<2x320000x128xf32, #tpu.memory_space<hbm>> -> memref<1x80x128xf32, #tpu.memory_space<hbm>>
      %dma_start3A_217 = tpu.memref_squeeze %dma_start3A_216 : memref<1x80x128xf32, #tpu.memory_space<hbm>> -> memref<80x128xf32, #tpu.memory_space<hbm>>
      %dma_start3A_218 = arith.constant 0 : i32
      %dma_start3A_219 = tpu.memref_slice %arg4[%arg0, %mul3A_214, %dma_start3A_218] : memref<2x320000x128xf32, #tpu.memory_space<hbm>> -> memref<1x80x128xf32, #tpu.memory_space<hbm>>
      %dma_start3A_220 = tpu.memref_squeeze %dma_start3A_219 : memref<1x80x128xf32, #tpu.memory_space<hbm>> -> memref<80x128xf32, #tpu.memory_space<hbm>>
      tpu.enqueue_dma source(%arg6 : memref<80x128xf32, #tpu.memory_space<vmem>>) target(%dma_start3A_220 : memref<80x128xf32, #tpu.memory_space<hbm>>) target_semaphore(%arg26 : memref<!tpu.dma_semaphore, #tpu.memory_space<semaphore_mem>>)
      %lt3A = arith.constant 24 : i32
      %lt3A_221 = arith.cmpi slt, %add3A_194, %lt3A : i32
      %convert_element_type3A = arith.extui %lt3A_221 : i1 to i32
      %cond3A = arith.constant 0 : i32
      %cond3A_222 = arith.cmpi ne, %convert_element_type3A, %cond3A : i32
      scf.if %cond3A_222 {
        %dma_wait3A_502 = arith.constant 0 : i32
        %dma_wait3A_503 = arith.constant 0 : i32
        %dma_wait3A_504 = tpu.memref_slice %arg4[%arg0, %dma_wait3A_502, %dma_wait3A_503] : memref<2x320000x128xf32, #tpu.memory_space<hbm>> -> memref<1x80x128xf32, #tpu.memory_space<hbm>>
        %dma_wait3A_505 = tpu.memref_squeeze %dma_wait3A_504 : memref<1x80x128xf32, #tpu.memory_space<hbm>> -> memref<80x128xf32, #tpu.memory_space<hbm>>
        %dma_wait3A_506 = arith.constant 0 : i32
        %dma_wait3A_507 = arith.constant 0 : i32
        %dma_wait3A_508 = tpu.memref_slice %arg4[%arg0, %dma_wait3A_506, %dma_wait3A_507] : memref<2x320000x128xf32, #tpu.memory_space<hbm>> -> memref<1x80x128xf32, #tpu.memory_space<hbm>>
        %dma_wait3A_509 = tpu.memref_squeeze %dma_wait3A_508 : memref<1x80x128xf32, #tpu.memory_space<hbm>> -> memref<80x128xf32, #tpu.memory_space<hbm>>
        tpu.wait_dma2 semaphore(%arg26 : memref<!tpu.dma_semaphore, #tpu.memory_space<semaphore_mem>>) src(%arg6 : memref<80x128xf32, #tpu.memory_space<vmem>>) dst(%dma_wait3A_509 : memref<80x128xf32, #tpu.memory_space<hbm>>)
        %add3A_510 = arith.constant 10 : i32
        %add3A_511 = arith.addi %add3A_198, %add3A_510 : i32
        %dma_start3A_512 = arith.constant 0 : i32
        %dma_start3A_513 = tpu.memref_slice %arg5[%add3A_511, %dma_start3A_512] : memref<250x80xi32, #tpu.memory_space<vmem>> -> memref<1x80xi32, #tpu.memory_space<vmem>>
        %dma_start3A_514 = tpu.memref_squeeze %dma_start3A_513 : memref<1x80xi32, #tpu.memory_space<vmem>> -> memref<80xi32, #tpu.memory_space<vmem>>
        %dma_start3A_515 = arith.constant 0 : i32
        %dma_start3A_516 = arith.constant 0 : i32
        %dma_start3A_517 = tpu.memref_slice %arg2[%arg0, %dma_start3A_515, %dma_start3A_516] : memref<2x10240x128xf32, #tpu.memory_space<hbm>> -> memref<1x10240x128xf32, #tpu.memory_space<hbm>>
        %dma_start3A_518 = tpu.memref_squeeze %dma_start3A_517 : memref<1x10240x128xf32, #tpu.memory_space<hbm>> -> memref<10240x128xf32, #tpu.memory_space<hbm>>
        %dma_start3A_519 = arith.constant 0 : i32
        %dma_start3A_520 = arith.constant 0 : i32
        %dma_start3A_521 = tpu.memref_slice %dma_start3A_518[%dma_start3A_519, %dma_start3A_520] : memref<10240x128xf32, #tpu.memory_space<hbm>> -> memref<10240x128xf32, #tpu.memory_space<hbm>>
        tpu.enqueue_indirect_dma source(%dma_start3A_521 : memref<10240x128xf32, #tpu.memory_space<hbm>>) target(%arg6 : memref<80x128xf32, #tpu.memory_space<vmem>>) offsets(%dma_start3A_514 : memref<80xi32, #tpu.memory_space<vmem>>) semaphore(%arg16 : memref<!tpu.dma_semaphore, #tpu.memory_space<semaphore_mem>>)
      } else {
      }
      %mul3A_223 = arith.constant 10 : i32
      %mul3A_224 = arith.muli %mul3A_223, %add3A_194 : i32
      %add3A_225 = arith.constant 1 : i32
      %add3A_226 = arith.addi %mul3A_224, %add3A_225 : i32
      %dma_wait3A_227 = arith.constant 0 : i32
      %dma_wait3A_228 = arith.constant 0 : i32
      %dma_wait3A_229 = tpu.memref_slice %arg5[%dma_wait3A_227, %dma_wait3A_228] : memref<250x80xi32, #tpu.memory_space<vmem>> -> memref<1x80xi32, #tpu.memory_space<vmem>>
      %dma_wait3A_230 = tpu.memref_squeeze %dma_wait3A_229 : memref<1x80xi32, #tpu.memory_space<vmem>> -> memref<80xi32, #tpu.memory_space<vmem>>
      %dma_wait3A_231 = arith.constant 0 : i32
      %dma_wait3A_232 = arith.constant 0 : i32
      %dma_wait3A_233 = tpu.memref_slice %arg2[%arg0, %dma_wait3A_231, %dma_wait3A_232] : memref<2x10240x128xf32, #tpu.memory_space<hbm>> -> memref<1x10240x128xf32, #tpu.memory_space<hbm>>
      %dma_wait3A_234 = tpu.memref_squeeze %dma_wait3A_233 : memref<1x10240x128xf32, #tpu.memory_space<hbm>> -> memref<10240x128xf32, #tpu.memory_space<hbm>>
      %dma_wait3A_235 = arith.constant 0 : i32
      %dma_wait3A_236 = arith.constant 0 : i32
      %dma_wait3A_237 = tpu.memref_slice %dma_wait3A_234[%dma_wait3A_235, %dma_wait3A_236] : memref<10240x128xf32, #tpu.memory_space<hbm>> -> memref<10240x128xf32, #tpu.memory_space<hbm>>
      tpu.wait_indirect_dma semaphore(%arg17 : memref<!tpu.dma_semaphore, #tpu.memory_space<semaphore_mem>>) src(%dma_wait3A_237 : memref<10240x128xf32, #tpu.memory_space<hbm>>) dst(%arg7 : memref<80x128xf32, #tpu.memory_space<vmem>>)
      %mul3A_238 = arith.constant 250 : i32
      %mul3A_239 = arith.muli %arg1, %mul3A_238 : i32
      %add3A_240 = arith.addi %mul3A_239, %add3A_226 : i32
      %mul3A_241 = arith.constant 80 : i32
      %mul3A_242 = arith.muli %add3A_240, %mul3A_241 : i32
      %dma_start3A_243 = arith.constant 0 : i32
      %dma_start3A_244 = tpu.memref_slice %arg4[%arg0, %mul3A_242, %dma_start3A_243] : memref<2x320000x128xf32, #tpu.memory_space<hbm>> -> memref<1x80x128xf32, #tpu.memory_space<hbm>>
      %dma_start3A_245 = tpu.memref_squeeze %dma_start3A_244 : memref<1x80x128xf32, #tpu.memory_space<hbm>> -> memref<80x128xf32, #tpu.memory_space<hbm>>
      %dma_start3A_246 = arith.constant 0 : i32
      %dma_start3A_247 = tpu.memref_slice %arg4[%arg0, %mul3A_242, %dma_start3A_246] : memref<2x320000x128xf32, #tpu.memory_space<hbm>> -> memref<1x80x128xf32, #tpu.memory_space<hbm>>
      %dma_start3A_248 = tpu.memref_squeeze %dma_start3A_247 : memref<1x80x128xf32, #tpu.memory_space<hbm>> -> memref<80x128xf32, #tpu.memory_space<hbm>>
      tpu.enqueue_dma source(%arg7 : memref<80x128xf32, #tpu.memory_space<vmem>>) target(%dma_start3A_248 : memref<80x128xf32, #tpu.memory_space<hbm>>) target_semaphore(%arg27 : memref<!tpu.dma_semaphore, #tpu.memory_space<semaphore_mem>>)
      %lt3A_249 = arith.constant 24 : i32
      %lt3A_250 = arith.cmpi slt, %add3A_194, %lt3A_249 : i32
      %convert_element_type3A_251 = arith.extui %lt3A_250 : i1 to i32
      %cond3A_252 = arith.constant 0 : i32
      %cond3A_253 = arith.cmpi ne, %convert_element_type3A_251, %cond3A_252 : i32
      scf.if %cond3A_253 {
        %dma_wait3A_502 = arith.constant 0 : i32
        %dma_wait3A_503 = arith.constant 0 : i32
        %dma_wait3A_504 = tpu.memref_slice %arg4[%arg0, %dma_wait3A_502, %dma_wait3A_503] : memref<2x320000x128xf32, #tpu.memory_space<hbm>> -> memref<1x80x128xf32, #tpu.memory_space<hbm>>
        %dma_wait3A_505 = tpu.memref_squeeze %dma_wait3A_504 : memref<1x80x128xf32, #tpu.memory_space<hbm>> -> memref<80x128xf32, #tpu.memory_space<hbm>>
        %dma_wait3A_506 = arith.constant 0 : i32
        %dma_wait3A_507 = arith.constant 0 : i32
        %dma_wait3A_508 = tpu.memref_slice %arg4[%arg0, %dma_wait3A_506, %dma_wait3A_507] : memref<2x320000x128xf32, #tpu.memory_space<hbm>> -> memref<1x80x128xf32, #tpu.memory_space<hbm>>
        %dma_wait3A_509 = tpu.memref_squeeze %dma_wait3A_508 : memref<1x80x128xf32, #tpu.memory_space<hbm>> -> memref<80x128xf32, #tpu.memory_space<hbm>>
        tpu.wait_dma2 semaphore(%arg27 : memref<!tpu.dma_semaphore, #tpu.memory_space<semaphore_mem>>) src(%arg7 : memref<80x128xf32, #tpu.memory_space<vmem>>) dst(%dma_wait3A_509 : memref<80x128xf32, #tpu.memory_space<hbm>>)
        %add3A_510 = arith.constant 10 : i32
        %add3A_511 = arith.addi %add3A_226, %add3A_510 : i32
        %dma_start3A_512 = arith.constant 0 : i32
        %dma_start3A_513 = tpu.memref_slice %arg5[%add3A_511, %dma_start3A_512] : memref<250x80xi32, #tpu.memory_space<vmem>> -> memref<1x80xi32, #tpu.memory_space<vmem>>
        %dma_start3A_514 = tpu.memref_squeeze %dma_start3A_513 : memref<1x80xi32, #tpu.memory_space<vmem>> -> memref<80xi32, #tpu.memory_space<vmem>>
        %dma_start3A_515 = arith.constant 0 : i32
        %dma_start3A_516 = arith.constant 0 : i32
        %dma_start3A_517 = tpu.memref_slice %arg2[%arg0, %dma_start3A_515, %dma_start3A_516] : memref<2x10240x128xf32, #tpu.memory_space<hbm>> -> memref<1x10240x128xf32, #tpu.memory_space<hbm>>
        %dma_start3A_518 = tpu.memref_squeeze %dma_start3A_517 : memref<1x10240x128xf32, #tpu.memory_space<hbm>> -> memref<10240x128xf32, #tpu.memory_space<hbm>>
        %dma_start3A_519 = arith.constant 0 : i32
        %dma_start3A_520 = arith.constant 0 : i32
        %dma_start3A_521 = tpu.memref_slice %dma_start3A_518[%dma_start3A_519, %dma_start3A_520] : memref<10240x128xf32, #tpu.memory_space<hbm>> -> memref<10240x128xf32, #tpu.memory_space<hbm>>
        tpu.enqueue_indirect_dma source(%dma_start3A_521 : memref<10240x128xf32, #tpu.memory_space<hbm>>) target(%arg7 : memref<80x128xf32, #tpu.memory_space<vmem>>) offsets(%dma_start3A_514 : memref<80xi32, #tpu.memory_space<vmem>>) semaphore(%arg17 : memref<!tpu.dma_semaphore, #tpu.memory_space<semaphore_mem>>)
      } else {
      }
      %mul3A_254 = arith.constant 10 : i32
      %mul3A_255 = arith.muli %mul3A_254, %add3A_194 : i32
      %add3A_256 = arith.constant 2 : i32
      %add3A_257 = arith.addi %mul3A_255, %add3A_256 : i32
      %dma_wait3A_258 = arith.constant 0 : i32
      %dma_wait3A_259 = arith.constant 0 : i32
      %dma_wait3A_260 = tpu.memref_slice %arg5[%dma_wait3A_258, %dma_wait3A_259] : memref<250x80xi32, #tpu.memory_space<vmem>> -> memref<1x80xi32, #tpu.memory_space<vmem>>
      %dma_wait3A_261 = tpu.memref_squeeze %dma_wait3A_260 : memref<1x80xi32, #tpu.memory_space<vmem>> -> memref<80xi32, #tpu.memory_space<vmem>>
      %dma_wait3A_262 = arith.constant 0 : i32
      %dma_wait3A_263 = arith.constant 0 : i32
      %dma_wait3A_264 = tpu.memref_slice %arg2[%arg0, %dma_wait3A_262, %dma_wait3A_263] : memref<2x10240x128xf32, #tpu.memory_space<hbm>> -> memref<1x10240x128xf32, #tpu.memory_space<hbm>>
      %dma_wait3A_265 = tpu.memref_squeeze %dma_wait3A_264 : memref<1x10240x128xf32, #tpu.memory_space<hbm>> -> memref<10240x128xf32, #tpu.memory_space<hbm>>
      %dma_wait3A_266 = arith.constant 0 : i32
      %dma_wait3A_267 = arith.constant 0 : i32
      %dma_wait3A_268 = tpu.memref_slice %dma_wait3A_265[%dma_wait3A_266, %dma_wait3A_267] : memref<10240x128xf32, #tpu.memory_space<hbm>> -> memref<10240x128xf32, #tpu.memory_space<hbm>>
      tpu.wait_indirect_dma semaphore(%arg18 : memref<!tpu.dma_semaphore, #tpu.memory_space<semaphore_mem>>) src(%dma_wait3A_268 : memref<10240x128xf32, #tpu.memory_space<hbm>>) dst(%arg8 : memref<80x128xf32, #tpu.memory_space<vmem>>)
      %mul3A_269 = arith.constant 250 : i32
      %mul3A_270 = arith.muli %arg1, %mul3A_269 : i32
      %add3A_271 = arith.addi %mul3A_270, %add3A_257 : i32
      %mul3A_272 = arith.constant 80 : i32
      %mul3A_273 = arith.muli %add3A_271, %mul3A_272 : i32
      %dma_start3A_274 = arith.constant 0 : i32
      %dma_start3A_275 = tpu.memref_slice %arg4[%arg0, %mul3A_273, %dma_start3A_274] : memref<2x320000x128xf32, #tpu.memory_space<hbm>> -> memref<1x80x128xf32, #tpu.memory_space<hbm>>
      %dma_start3A_276 = tpu.memref_squeeze %dma_start3A_275 : memref<1x80x128xf32, #tpu.memory_space<hbm>> -> memref<80x128xf32, #tpu.memory_space<hbm>>
      %dma_start3A_277 = arith.constant 0 : i32
      %dma_start3A_278 = tpu.memref_slice %arg4[%arg0, %mul3A_273, %dma_start3A_277] : memref<2x320000x128xf32, #tpu.memory_space<hbm>> -> memref<1x80x128xf32, #tpu.memory_space<hbm>>
      %dma_start3A_279 = tpu.memref_squeeze %dma_start3A_278 : memref<1x80x128xf32, #tpu.memory_space<hbm>> -> memref<80x128xf32, #tpu.memory_space<hbm>>
      tpu.enqueue_dma source(%arg8 : memref<80x128xf32, #tpu.memory_space<vmem>>) target(%dma_start3A_279 : memref<80x128xf32, #tpu.memory_space<hbm>>) target_semaphore(%arg28 : memref<!tpu.dma_semaphore, #tpu.memory_space<semaphore_mem>>)
      %lt3A_280 = arith.constant 24 : i32
      %lt3A_281 = arith.cmpi slt, %add3A_194, %lt3A_280 : i32
      %convert_element_type3A_282 = arith.extui %lt3A_281 : i1 to i32
      %cond3A_283 = arith.constant 0 : i32
      %cond3A_284 = arith.cmpi ne, %convert_element_type3A_282, %cond3A_283 : i32
      scf.if %cond3A_284 {
        %dma_wait3A_502 = arith.constant 0 : i32
        %dma_wait3A_503 = arith.constant 0 : i32
        %dma_wait3A_504 = tpu.memref_slice %arg4[%arg0, %dma_wait3A_502, %dma_wait3A_503] : memref<2x320000x128xf32, #tpu.memory_space<hbm>> -> memref<1x80x128xf32, #tpu.memory_space<hbm>>
        %dma_wait3A_505 = tpu.memref_squeeze %dma_wait3A_504 : memref<1x80x128xf32, #tpu.memory_space<hbm>> -> memref<80x128xf32, #tpu.memory_space<hbm>>
        %dma_wait3A_506 = arith.constant 0 : i32
        %dma_wait3A_507 = arith.constant 0 : i32
        %dma_wait3A_508 = tpu.memref_slice %arg4[%arg0, %dma_wait3A_506, %dma_wait3A_507] : memref<2x320000x128xf32, #tpu.memory_space<hbm>> -> memref<1x80x128xf32, #tpu.memory_space<hbm>>
        %dma_wait3A_509 = tpu.memref_squeeze %dma_wait3A_508 : memref<1x80x128xf32, #tpu.memory_space<hbm>> -> memref<80x128xf32, #tpu.memory_space<hbm>>
        tpu.wait_dma2 semaphore(%arg28 : memref<!tpu.dma_semaphore, #tpu.memory_space<semaphore_mem>>) src(%arg8 : memref<80x128xf32, #tpu.memory_space<vmem>>) dst(%dma_wait3A_509 : memref<80x128xf32, #tpu.memory_space<hbm>>)
        %add3A_510 = arith.constant 10 : i32
        %add3A_511 = arith.addi %add3A_257, %add3A_510 : i32
        %dma_start3A_512 = arith.constant 0 : i32
        %dma_start3A_513 = tpu.memref_slice %arg5[%add3A_511, %dma_start3A_512] : memref<250x80xi32, #tpu.memory_space<vmem>> -> memref<1x80xi32, #tpu.memory_space<vmem>>
        %dma_start3A_514 = tpu.memref_squeeze %dma_start3A_513 : memref<1x80xi32, #tpu.memory_space<vmem>> -> memref<80xi32, #tpu.memory_space<vmem>>
        %dma_start3A_515 = arith.constant 0 : i32
        %dma_start3A_516 = arith.constant 0 : i32
        %dma_start3A_517 = tpu.memref_slice %arg2[%arg0, %dma_start3A_515, %dma_start3A_516] : memref<2x10240x128xf32, #tpu.memory_space<hbm>> -> memref<1x10240x128xf32, #tpu.memory_space<hbm>>
        %dma_start3A_518 = tpu.memref_squeeze %dma_start3A_517 : memref<1x10240x128xf32, #tpu.memory_space<hbm>> -> memref<10240x128xf32, #tpu.memory_space<hbm>>
        %dma_start3A_519 = arith.constant 0 : i32
        %dma_start3A_520 = arith.constant 0 : i32
        %dma_start3A_521 = tpu.memref_slice %dma_start3A_518[%dma_start3A_519, %dma_start3A_520] : memref<10240x128xf32, #tpu.memory_space<hbm>> -> memref<10240x128xf32, #tpu.memory_space<hbm>>
        tpu.enqueue_indirect_dma source(%dma_start3A_521 : memref<10240x128xf32, #tpu.memory_space<hbm>>) target(%arg8 : memref<80x128xf32, #tpu.memory_space<vmem>>) offsets(%dma_start3A_514 : memref<80xi32, #tpu.memory_space<vmem>>) semaphore(%arg18 : memref<!tpu.dma_semaphore, #tpu.memory_space<semaphore_mem>>)
      } else {
      }
      %mul3A_285 = arith.constant 10 : i32
      %mul3A_286 = arith.muli %mul3A_285, %add3A_194 : i32
      %add3A_287 = arith.constant 3 : i32
      %add3A_288 = arith.addi %mul3A_286, %add3A_287 : i32
      %dma_wait3A_289 = arith.constant 0 : i32
      %dma_wait3A_290 = arith.constant 0 : i32
      %dma_wait3A_291 = tpu.memref_slice %arg5[%dma_wait3A_289, %dma_wait3A_290] : memref<250x80xi32, #tpu.memory_space<vmem>> -> memref<1x80xi32, #tpu.memory_space<vmem>>
      %dma_wait3A_292 = tpu.memref_squeeze %dma_wait3A_291 : memref<1x80xi32, #tpu.memory_space<vmem>> -> memref<80xi32, #tpu.memory_space<vmem>>
      %dma_wait3A_293 = arith.constant 0 : i32
      %dma_wait3A_294 = arith.constant 0 : i32
      %dma_wait3A_295 = tpu.memref_slice %arg2[%arg0, %dma_wait3A_293, %dma_wait3A_294] : memref<2x10240x128xf32, #tpu.memory_space<hbm>> -> memref<1x10240x128xf32, #tpu.memory_space<hbm>>
      %dma_wait3A_296 = tpu.memref_squeeze %dma_wait3A_295 : memref<1x10240x128xf32, #tpu.memory_space<hbm>> -> memref<10240x128xf32, #tpu.memory_space<hbm>>
      %dma_wait3A_297 = arith.constant 0 : i32
      %dma_wait3A_298 = arith.constant 0 : i32
      %dma_wait3A_299 = tpu.memref_slice %dma_wait3A_296[%dma_wait3A_297, %dma_wait3A_298] : memref<10240x128xf32, #tpu.memory_space<hbm>> -> memref<10240x128xf32, #tpu.memory_space<hbm>>
      tpu.wait_indirect_dma semaphore(%arg19 : memref<!tpu.dma_semaphore, #tpu.memory_space<semaphore_mem>>) src(%dma_wait3A_299 : memref<10240x128xf32, #tpu.memory_space<hbm>>) dst(%arg9 : memref<80x128xf32, #tpu.memory_space<vmem>>)
      %mul3A_300 = arith.constant 250 : i32
      %mul3A_301 = arith.muli %arg1, %mul3A_300 : i32
      %add3A_302 = arith.addi %mul3A_301, %add3A_288 : i32
      %mul3A_303 = arith.constant 80 : i32
      %mul3A_304 = arith.muli %add3A_302, %mul3A_303 : i32
      %dma_start3A_305 = arith.constant 0 : i32
      %dma_start3A_306 = tpu.memref_slice %arg4[%arg0, %mul3A_304, %dma_start3A_305] : memref<2x320000x128xf32, #tpu.memory_space<hbm>> -> memref<1x80x128xf32, #tpu.memory_space<hbm>>
      %dma_start3A_307 = tpu.memref_squeeze %dma_start3A_306 : memref<1x80x128xf32, #tpu.memory_space<hbm>> -> memref<80x128xf32, #tpu.memory_space<hbm>>
      %dma_start3A_308 = arith.constant 0 : i32
      %dma_start3A_309 = tpu.memref_slice %arg4[%arg0, %mul3A_304, %dma_start3A_308] : memref<2x320000x128xf32, #tpu.memory_space<hbm>> -> memref<1x80x128xf32, #tpu.memory_space<hbm>>
      %dma_start3A_310 = tpu.memref_squeeze %dma_start3A_309 : memref<1x80x128xf32, #tpu.memory_space<hbm>> -> memref<80x128xf32, #tpu.memory_space<hbm>>
      tpu.enqueue_dma source(%arg9 : memref<80x128xf32, #tpu.memory_space<vmem>>) target(%dma_start3A_310 : memref<80x128xf32, #tpu.memory_space<hbm>>) target_semaphore(%arg29 : memref<!tpu.dma_semaphore, #tpu.memory_space<semaphore_mem>>)
      %lt3A_311 = arith.constant 24 : i32
      %lt3A_312 = arith.cmpi slt, %add3A_194, %lt3A_311 : i32
      %convert_element_type3A_313 = arith.extui %lt3A_312 : i1 to i32
      %cond3A_314 = arith.constant 0 : i32
      %cond3A_315 = arith.cmpi ne, %convert_element_type3A_313, %cond3A_314 : i32
      scf.if %cond3A_315 {
        %dma_wait3A_502 = arith.constant 0 : i32
        %dma_wait3A_503 = arith.constant 0 : i32
        %dma_wait3A_504 = tpu.memref_slice %arg4[%arg0, %dma_wait3A_502, %dma_wait3A_503] : memref<2x320000x128xf32, #tpu.memory_space<hbm>> -> memref<1x80x128xf32, #tpu.memory_space<hbm>>
        %dma_wait3A_505 = tpu.memref_squeeze %dma_wait3A_504 : memref<1x80x128xf32, #tpu.memory_space<hbm>> -> memref<80x128xf32, #tpu.memory_space<hbm>>
        %dma_wait3A_506 = arith.constant 0 : i32
        %dma_wait3A_507 = arith.constant 0 : i32
        %dma_wait3A_508 = tpu.memref_slice %arg4[%arg0, %dma_wait3A_506, %dma_wait3A_507] : memref<2x320000x128xf32, #tpu.memory_space<hbm>> -> memref<1x80x128xf32, #tpu.memory_space<hbm>>
        %dma_wait3A_509 = tpu.memref_squeeze %dma_wait3A_508 : memref<1x80x128xf32, #tpu.memory_space<hbm>> -> memref<80x128xf32, #tpu.memory_space<hbm>>
        tpu.wait_dma2 semaphore(%arg29 : memref<!tpu.dma_semaphore, #tpu.memory_space<semaphore_mem>>) src(%arg9 : memref<80x128xf32, #tpu.memory_space<vmem>>) dst(%dma_wait3A_509 : memref<80x128xf32, #tpu.memory_space<hbm>>)
        %add3A_510 = arith.constant 10 : i32
        %add3A_511 = arith.addi %add3A_288, %add3A_510 : i32
        %dma_start3A_512 = arith.constant 0 : i32
        %dma_start3A_513 = tpu.memref_slice %arg5[%add3A_511, %dma_start3A_512] : memref<250x80xi32, #tpu.memory_space<vmem>> -> memref<1x80xi32, #tpu.memory_space<vmem>>
        %dma_start3A_514 = tpu.memref_squeeze %dma_start3A_513 : memref<1x80xi32, #tpu.memory_space<vmem>> -> memref<80xi32, #tpu.memory_space<vmem>>
        %dma_start3A_515 = arith.constant 0 : i32
        %dma_start3A_516 = arith.constant 0 : i32
        %dma_start3A_517 = tpu.memref_slice %arg2[%arg0, %dma_start3A_515, %dma_start3A_516] : memref<2x10240x128xf32, #tpu.memory_space<hbm>> -> memref<1x10240x128xf32, #tpu.memory_space<hbm>>
        %dma_start3A_518 = tpu.memref_squeeze %dma_start3A_517 : memref<1x10240x128xf32, #tpu.memory_space<hbm>> -> memref<10240x128xf32, #tpu.memory_space<hbm>>
        %dma_start3A_519 = arith.constant 0 : i32
        %dma_start3A_520 = arith.constant 0 : i32
        %dma_start3A_521 = tpu.memref_slice %dma_start3A_518[%dma_start3A_519, %dma_start3A_520] : memref<10240x128xf32, #tpu.memory_space<hbm>> -> memref<10240x128xf32, #tpu.memory_space<hbm>>
        tpu.enqueue_indirect_dma source(%dma_start3A_521 : memref<10240x128xf32, #tpu.memory_space<hbm>>) target(%arg9 : memref<80x128xf32, #tpu.memory_space<vmem>>) offsets(%dma_start3A_514 : memref<80xi32, #tpu.memory_space<vmem>>) semaphore(%arg19 : memref<!tpu.dma_semaphore, #tpu.memory_space<semaphore_mem>>)
      } else {
      }
      %mul3A_316 = arith.constant 10 : i32
      %mul3A_317 = arith.muli %mul3A_316, %add3A_194 : i32
      %add3A_318 = arith.constant 4 : i32
      %add3A_319 = arith.addi %mul3A_317, %add3A_318 : i32
      %dma_wait3A_320 = arith.constant 0 : i32
      %dma_wait3A_321 = arith.constant 0 : i32
      %dma_wait3A_322 = tpu.memref_slice %arg5[%dma_wait3A_320, %dma_wait3A_321] : memref<250x80xi32, #tpu.memory_space<vmem>> -> memref<1x80xi32, #tpu.memory_space<vmem>>
      %dma_wait3A_323 = tpu.memref_squeeze %dma_wait3A_322 : memref<1x80xi32, #tpu.memory_space<vmem>> -> memref<80xi32, #tpu.memory_space<vmem>>
      %dma_wait3A_324 = arith.constant 0 : i32
      %dma_wait3A_325 = arith.constant 0 : i32
      %dma_wait3A_326 = tpu.memref_slice %arg2[%arg0, %dma_wait3A_324, %dma_wait3A_325] : memref<2x10240x128xf32, #tpu.memory_space<hbm>> -> memref<1x10240x128xf32, #tpu.memory_space<hbm>>
      %dma_wait3A_327 = tpu.memref_squeeze %dma_wait3A_326 : memref<1x10240x128xf32, #tpu.memory_space<hbm>> -> memref<10240x128xf32, #tpu.memory_space<hbm>>
      %dma_wait3A_328 = arith.constant 0 : i32
      %dma_wait3A_329 = arith.constant 0 : i32
      %dma_wait3A_330 = tpu.memref_slice %dma_wait3A_327[%dma_wait3A_328, %dma_wait3A_329] : memref<10240x128xf32, #tpu.memory_space<hbm>> -> memref<10240x128xf32, #tpu.memory_space<hbm>>
      tpu.wait_indirect_dma semaphore(%arg20 : memref<!tpu.dma_semaphore, #tpu.memory_space<semaphore_mem>>) src(%dma_wait3A_330 : memref<10240x128xf32, #tpu.memory_space<hbm>>) dst(%arg10 : memref<80x128xf32, #tpu.memory_space<vmem>>)
      %mul3A_331 = arith.constant 250 : i32
      %mul3A_332 = arith.muli %arg1, %mul3A_331 : i32
      %add3A_333 = arith.addi %mul3A_332, %add3A_319 : i32
      %mul3A_334 = arith.constant 80 : i32
      %mul3A_335 = arith.muli %add3A_333, %mul3A_334 : i32
      %dma_start3A_336 = arith.constant 0 : i32
      %dma_start3A_337 = tpu.memref_slice %arg4[%arg0, %mul3A_335, %dma_start3A_336] : memref<2x320000x128xf32, #tpu.memory_space<hbm>> -> memref<1x80x128xf32, #tpu.memory_space<hbm>>
      %dma_start3A_338 = tpu.memref_squeeze %dma_start3A_337 : memref<1x80x128xf32, #tpu.memory_space<hbm>> -> memref<80x128xf32, #tpu.memory_space<hbm>>
      %dma_start3A_339 = arith.constant 0 : i32
      %dma_start3A_340 = tpu.memref_slice %arg4[%arg0, %mul3A_335, %dma_start3A_339] : memref<2x320000x128xf32, #tpu.memory_space<hbm>> -> memref<1x80x128xf32, #tpu.memory_space<hbm>>
      %dma_start3A_341 = tpu.memref_squeeze %dma_start3A_340 : memref<1x80x128xf32, #tpu.memory_space<hbm>> -> memref<80x128xf32, #tpu.memory_space<hbm>>
      tpu.enqueue_dma source(%arg10 : memref<80x128xf32, #tpu.memory_space<vmem>>) target(%dma_start3A_341 : memref<80x128xf32, #tpu.memory_space<hbm>>) target_semaphore(%arg30 : memref<!tpu.dma_semaphore, #tpu.memory_space<semaphore_mem>>)
      %lt3A_342 = arith.constant 24 : i32
      %lt3A_343 = arith.cmpi slt, %add3A_194, %lt3A_342 : i32
      %convert_element_type3A_344 = arith.extui %lt3A_343 : i1 to i32
      %cond3A_345 = arith.constant 0 : i32
      %cond3A_346 = arith.cmpi ne, %convert_element_type3A_344, %cond3A_345 : i32
      scf.if %cond3A_346 {
        %dma_wait3A_502 = arith.constant 0 : i32
        %dma_wait3A_503 = arith.constant 0 : i32
        %dma_wait3A_504 = tpu.memref_slice %arg4[%arg0, %dma_wait3A_502, %dma_wait3A_503] : memref<2x320000x128xf32, #tpu.memory_space<hbm>> -> memref<1x80x128xf32, #tpu.memory_space<hbm>>
        %dma_wait3A_505 = tpu.memref_squeeze %dma_wait3A_504 : memref<1x80x128xf32, #tpu.memory_space<hbm>> -> memref<80x128xf32, #tpu.memory_space<hbm>>
        %dma_wait3A_506 = arith.constant 0 : i32
        %dma_wait3A_507 = arith.constant 0 : i32
        %dma_wait3A_508 = tpu.memref_slice %arg4[%arg0, %dma_wait3A_506, %dma_wait3A_507] : memref<2x320000x128xf32, #tpu.memory_space<hbm>> -> memref<1x80x128xf32, #tpu.memory_space<hbm>>
        %dma_wait3A_509 = tpu.memref_squeeze %dma_wait3A_508 : memref<1x80x128xf32, #tpu.memory_space<hbm>> -> memref<80x128xf32, #tpu.memory_space<hbm>>
        tpu.wait_dma2 semaphore(%arg30 : memref<!tpu.dma_semaphore, #tpu.memory_space<semaphore_mem>>) src(%arg10 : memref<80x128xf32, #tpu.memory_space<vmem>>) dst(%dma_wait3A_509 : memref<80x128xf32, #tpu.memory_space<hbm>>)
        %add3A_510 = arith.constant 10 : i32
        %add3A_511 = arith.addi %add3A_319, %add3A_510 : i32
        %dma_start3A_512 = arith.constant 0 : i32
        %dma_start3A_513 = tpu.memref_slice %arg5[%add3A_511, %dma_start3A_512] : memref<250x80xi32, #tpu.memory_space<vmem>> -> memref<1x80xi32, #tpu.memory_space<vmem>>
        %dma_start3A_514 = tpu.memref_squeeze %dma_start3A_513 : memref<1x80xi32, #tpu.memory_space<vmem>> -> memref<80xi32, #tpu.memory_space<vmem>>
        %dma_start3A_515 = arith.constant 0 : i32
        %dma_start3A_516 = arith.constant 0 : i32
        %dma_start3A_517 = tpu.memref_slice %arg2[%arg0, %dma_start3A_515, %dma_start3A_516] : memref<2x10240x128xf32, #tpu.memory_space<hbm>> -> memref<1x10240x128xf32, #tpu.memory_space<hbm>>
        %dma_start3A_518 = tpu.memref_squeeze %dma_start3A_517 : memref<1x10240x128xf32, #tpu.memory_space<hbm>> -> memref<10240x128xf32, #tpu.memory_space<hbm>>
        %dma_start3A_519 = arith.constant 0 : i32
        %dma_start3A_520 = arith.constant 0 : i32
        %dma_start3A_521 = tpu.memref_slice %dma_start3A_518[%dma_start3A_519, %dma_start3A_520] : memref<10240x128xf32, #tpu.memory_space<hbm>> -> memref<10240x128xf32, #tpu.memory_space<hbm>>
        tpu.enqueue_indirect_dma source(%dma_start3A_521 : memref<10240x128xf32, #tpu.memory_space<hbm>>) target(%arg10 : memref<80x128xf32, #tpu.memory_space<vmem>>) offsets(%dma_start3A_514 : memref<80xi32, #tpu.memory_space<vmem>>) semaphore(%arg20 : memref<!tpu.dma_semaphore, #tpu.memory_space<semaphore_mem>>)
      } else {
      }
      %mul3A_347 = arith.constant 10 : i32
      %mul3A_348 = arith.muli %mul3A_347, %add3A_194 : i32
      %add3A_349 = arith.constant 5 : i32
      %add3A_350 = arith.addi %mul3A_348, %add3A_349 : i32
      %dma_wait3A_351 = arith.constant 0 : i32
      %dma_wait3A_352 = arith.constant 0 : i32
      %dma_wait3A_353 = tpu.memref_slice %arg5[%dma_wait3A_351, %dma_wait3A_352] : memref<250x80xi32, #tpu.memory_space<vmem>> -> memref<1x80xi32, #tpu.memory_space<vmem>>
      %dma_wait3A_354 = tpu.memref_squeeze %dma_wait3A_353 : memref<1x80xi32, #tpu.memory_space<vmem>> -> memref<80xi32, #tpu.memory_space<vmem>>
      %dma_wait3A_355 = arith.constant 0 : i32
      %dma_wait3A_356 = arith.constant 0 : i32
      %dma_wait3A_357 = tpu.memref_slice %arg2[%arg0, %dma_wait3A_355, %dma_wait3A_356] : memref<2x10240x128xf32, #tpu.memory_space<hbm>> -> memref<1x10240x128xf32, #tpu.memory_space<hbm>>
      %dma_wait3A_358 = tpu.memref_squeeze %dma_wait3A_357 : memref<1x10240x128xf32, #tpu.memory_space<hbm>> -> memref<10240x128xf32, #tpu.memory_space<hbm>>
      %dma_wait3A_359 = arith.constant 0 : i32
      %dma_wait3A_360 = arith.constant 0 : i32
      %dma_wait3A_361 = tpu.memref_slice %dma_wait3A_358[%dma_wait3A_359, %dma_wait3A_360] : memref<10240x128xf32, #tpu.memory_space<hbm>> -> memref<10240x128xf32, #tpu.memory_space<hbm>>
      tpu.wait_indirect_dma semaphore(%arg21 : memref<!tpu.dma_semaphore, #tpu.memory_space<semaphore_mem>>) src(%dma_wait3A_361 : memref<10240x128xf32, #tpu.memory_space<hbm>>) dst(%arg11 : memref<80x128xf32, #tpu.memory_space<vmem>>)
      %mul3A_362 = arith.constant 250 : i32
      %mul3A_363 = arith.muli %arg1, %mul3A_362 : i32
      %add3A_364 = arith.addi %mul3A_363, %add3A_350 : i32
      %mul3A_365 = arith.constant 80 : i32
      %mul3A_366 = arith.muli %add3A_364, %mul3A_365 : i32
      %dma_start3A_367 = arith.constant 0 : i32
      %dma_start3A_368 = tpu.memref_slice %arg4[%arg0, %mul3A_366, %dma_start3A_367] : memref<2x320000x128xf32, #tpu.memory_space<hbm>> -> memref<1x80x128xf32, #tpu.memory_space<hbm>>
      %dma_start3A_369 = tpu.memref_squeeze %dma_start3A_368 : memref<1x80x128xf32, #tpu.memory_space<hbm>> -> memref<80x128xf32, #tpu.memory_space<hbm>>
      %dma_start3A_370 = arith.constant 0 : i32
      %dma_start3A_371 = tpu.memref_slice %arg4[%arg0, %mul3A_366, %dma_start3A_370] : memref<2x320000x128xf32, #tpu.memory_space<hbm>> -> memref<1x80x128xf32, #tpu.memory_space<hbm>>
      %dma_start3A_372 = tpu.memref_squeeze %dma_start3A_371 : memref<1x80x128xf32, #tpu.memory_space<hbm>> -> memref<80x128xf32, #tpu.memory_space<hbm>>
      tpu.enqueue_dma source(%arg11 : memref<80x128xf32, #tpu.memory_space<vmem>>) target(%dma_start3A_372 : memref<80x128xf32, #tpu.memory_space<hbm>>) target_semaphore(%arg31 : memref<!tpu.dma_semaphore, #tpu.memory_space<semaphore_mem>>)
      %lt3A_373 = arith.constant 24 : i32
      %lt3A_374 = arith.cmpi slt, %add3A_194, %lt3A_373 : i32
      %convert_element_type3A_375 = arith.extui %lt3A_374 : i1 to i32
      %cond3A_376 = arith.constant 0 : i32
      %cond3A_377 = arith.cmpi ne, %convert_element_type3A_375, %cond3A_376 : i32
      scf.if %cond3A_377 {
        %dma_wait3A_502 = arith.constant 0 : i32
        %dma_wait3A_503 = arith.constant 0 : i32
        %dma_wait3A_504 = tpu.memref_slice %arg4[%arg0, %dma_wait3A_502, %dma_wait3A_503] : memref<2x320000x128xf32, #tpu.memory_space<hbm>> -> memref<1x80x128xf32, #tpu.memory_space<hbm>>
        %dma_wait3A_505 = tpu.memref_squeeze %dma_wait3A_504 : memref<1x80x128xf32, #tpu.memory_space<hbm>> -> memref<80x128xf32, #tpu.memory_space<hbm>>
        %dma_wait3A_506 = arith.constant 0 : i32
        %dma_wait3A_507 = arith.constant 0 : i32
        %dma_wait3A_508 = tpu.memref_slice %arg4[%arg0, %dma_wait3A_506, %dma_wait3A_507] : memref<2x320000x128xf32, #tpu.memory_space<hbm>> -> memref<1x80x128xf32, #tpu.memory_space<hbm>>
        %dma_wait3A_509 = tpu.memref_squeeze %dma_wait3A_508 : memref<1x80x128xf32, #tpu.memory_space<hbm>> -> memref<80x128xf32, #tpu.memory_space<hbm>>
        tpu.wait_dma2 semaphore(%arg31 : memref<!tpu.dma_semaphore, #tpu.memory_space<semaphore_mem>>) src(%arg11 : memref<80x128xf32, #tpu.memory_space<vmem>>) dst(%dma_wait3A_509 : memref<80x128xf32, #tpu.memory_space<hbm>>)
        %add3A_510 = arith.constant 10 : i32
        %add3A_511 = arith.addi %add3A_350, %add3A_510 : i32
        %dma_start3A_512 = arith.constant 0 : i32
        %dma_start3A_513 = tpu.memref_slice %arg5[%add3A_511, %dma_start3A_512] : memref<250x80xi32, #tpu.memory_space<vmem>> -> memref<1x80xi32, #tpu.memory_space<vmem>>
        %dma_start3A_514 = tpu.memref_squeeze %dma_start3A_513 : memref<1x80xi32, #tpu.memory_space<vmem>> -> memref<80xi32, #tpu.memory_space<vmem>>
        %dma_start3A_515 = arith.constant 0 : i32
        %dma_start3A_516 = arith.constant 0 : i32
        %dma_start3A_517 = tpu.memref_slice %arg2[%arg0, %dma_start3A_515, %dma_start3A_516] : memref<2x10240x128xf32, #tpu.memory_space<hbm>> -> memref<1x10240x128xf32, #tpu.memory_space<hbm>>
        %dma_start3A_518 = tpu.memref_squeeze %dma_start3A_517 : memref<1x10240x128xf32, #tpu.memory_space<hbm>> -> memref<10240x128xf32, #tpu.memory_space<hbm>>
        %dma_start3A_519 = arith.constant 0 : i32
        %dma_start3A_520 = arith.constant 0 : i32
        %dma_start3A_521 = tpu.memref_slice %dma_start3A_518[%dma_start3A_519, %dma_start3A_520] : memref<10240x128xf32, #tpu.memory_space<hbm>> -> memref<10240x128xf32, #tpu.memory_space<hbm>>
        tpu.enqueue_indirect_dma source(%dma_start3A_521 : memref<10240x128xf32, #tpu.memory_space<hbm>>) target(%arg11 : memref<80x128xf32, #tpu.memory_space<vmem>>) offsets(%dma_start3A_514 : memref<80xi32, #tpu.memory_space<vmem>>) semaphore(%arg21 : memref<!tpu.dma_semaphore, #tpu.memory_space<semaphore_mem>>)
      } else {
      }
      %mul3A_378 = arith.constant 10 : i32
      %mul3A_379 = arith.muli %mul3A_378, %add3A_194 : i32
      %add3A_380 = arith.constant 6 : i32
      %add3A_381 = arith.addi %mul3A_379, %add3A_380 : i32
      %dma_wait3A_382 = arith.constant 0 : i32
      %dma_wait3A_383 = arith.constant 0 : i32
      %dma_wait3A_384 = tpu.memref_slice %arg5[%dma_wait3A_382, %dma_wait3A_383] : memref<250x80xi32, #tpu.memory_space<vmem>> -> memref<1x80xi32, #tpu.memory_space<vmem>>
      %dma_wait3A_385 = tpu.memref_squeeze %dma_wait3A_384 : memref<1x80xi32, #tpu.memory_space<vmem>> -> memref<80xi32, #tpu.memory_space<vmem>>
      %dma_wait3A_386 = arith.constant 0 : i32
      %dma_wait3A_387 = arith.constant 0 : i32
      %dma_wait3A_388 = tpu.memref_slice %arg2[%arg0, %dma_wait3A_386, %dma_wait3A_387] : memref<2x10240x128xf32, #tpu.memory_space<hbm>> -> memref<1x10240x128xf32, #tpu.memory_space<hbm>>
      %dma_wait3A_389 = tpu.memref_squeeze %dma_wait3A_388 : memref<1x10240x128xf32, #tpu.memory_space<hbm>> -> memref<10240x128xf32, #tpu.memory_space<hbm>>
      %dma_wait3A_390 = arith.constant 0 : i32
      %dma_wait3A_391 = arith.constant 0 : i32
      %dma_wait3A_392 = tpu.memref_slice %dma_wait3A_389[%dma_wait3A_390, %dma_wait3A_391] : memref<10240x128xf32, #tpu.memory_space<hbm>> -> memref<10240x128xf32, #tpu.memory_space<hbm>>
      tpu.wait_indirect_dma semaphore(%arg22 : memref<!tpu.dma_semaphore, #tpu.memory_space<semaphore_mem>>) src(%dma_wait3A_392 : memref<10240x128xf32, #tpu.memory_space<hbm>>) dst(%arg12 : memref<80x128xf32, #tpu.memory_space<vmem>>)
      %mul3A_393 = arith.constant 250 : i32
      %mul3A_394 = arith.muli %arg1, %mul3A_393 : i32
      %add3A_395 = arith.addi %mul3A_394, %add3A_381 : i32
      %mul3A_396 = arith.constant 80 : i32
      %mul3A_397 = arith.muli %add3A_395, %mul3A_396 : i32
      %dma_start3A_398 = arith.constant 0 : i32
      %dma_start3A_399 = tpu.memref_slice %arg4[%arg0, %mul3A_397, %dma_start3A_398] : memref<2x320000x128xf32, #tpu.memory_space<hbm>> -> memref<1x80x128xf32, #tpu.memory_space<hbm>>
      %dma_start3A_400 = tpu.memref_squeeze %dma_start3A_399 : memref<1x80x128xf32, #tpu.memory_space<hbm>> -> memref<80x128xf32, #tpu.memory_space<hbm>>
      %dma_start3A_401 = arith.constant 0 : i32
      %dma_start3A_402 = tpu.memref_slice %arg4[%arg0, %mul3A_397, %dma_start3A_401] : memref<2x320000x128xf32, #tpu.memory_space<hbm>> -> memref<1x80x128xf32, #tpu.memory_space<hbm>>
      %dma_start3A_403 = tpu.memref_squeeze %dma_start3A_402 : memref<1x80x128xf32, #tpu.memory_space<hbm>> -> memref<80x128xf32, #tpu.memory_space<hbm>>
      tpu.enqueue_dma source(%arg12 : memref<80x128xf32, #tpu.memory_space<vmem>>) target(%dma_start3A_403 : memref<80x128xf32, #tpu.memory_space<hbm>>) target_semaphore(%arg32 : memref<!tpu.dma_semaphore, #tpu.memory_space<semaphore_mem>>)
      %lt3A_404 = arith.constant 24 : i32
      %lt3A_405 = arith.cmpi slt, %add3A_194, %lt3A_404 : i32
      %convert_element_type3A_406 = arith.extui %lt3A_405 : i1 to i32
      %cond3A_407 = arith.constant 0 : i32
      %cond3A_408 = arith.cmpi ne, %convert_element_type3A_406, %cond3A_407 : i32
      scf.if %cond3A_408 {
        %dma_wait3A_502 = arith.constant 0 : i32
        %dma_wait3A_503 = arith.constant 0 : i32
        %dma_wait3A_504 = tpu.memref_slice %arg4[%arg0, %dma_wait3A_502, %dma_wait3A_503] : memref<2x320000x128xf32, #tpu.memory_space<hbm>> -> memref<1x80x128xf32, #tpu.memory_space<hbm>>
        %dma_wait3A_505 = tpu.memref_squeeze %dma_wait3A_504 : memref<1x80x128xf32, #tpu.memory_space<hbm>> -> memref<80x128xf32, #tpu.memory_space<hbm>>
        %dma_wait3A_506 = arith.constant 0 : i32
        %dma_wait3A_507 = arith.constant 0 : i32
        %dma_wait3A_508 = tpu.memref_slice %arg4[%arg0, %dma_wait3A_506, %dma_wait3A_507] : memref<2x320000x128xf32, #tpu.memory_space<hbm>> -> memref<1x80x128xf32, #tpu.memory_space<hbm>>
        %dma_wait3A_509 = tpu.memref_squeeze %dma_wait3A_508 : memref<1x80x128xf32, #tpu.memory_space<hbm>> -> memref<80x128xf32, #tpu.memory_space<hbm>>
        tpu.wait_dma2 semaphore(%arg32 : memref<!tpu.dma_semaphore, #tpu.memory_space<semaphore_mem>>) src(%arg12 : memref<80x128xf32, #tpu.memory_space<vmem>>) dst(%dma_wait3A_509 : memref<80x128xf32, #tpu.memory_space<hbm>>)
        %add3A_510 = arith.constant 10 : i32
        %add3A_511 = arith.addi %add3A_381, %add3A_510 : i32
        %dma_start3A_512 = arith.constant 0 : i32
        %dma_start3A_513 = tpu.memref_slice %arg5[%add3A_511, %dma_start3A_512] : memref<250x80xi32, #tpu.memory_space<vmem>> -> memref<1x80xi32, #tpu.memory_space<vmem>>
        %dma_start3A_514 = tpu.memref_squeeze %dma_start3A_513 : memref<1x80xi32, #tpu.memory_space<vmem>> -> memref<80xi32, #tpu.memory_space<vmem>>
        %dma_start3A_515 = arith.constant 0 : i32
        %dma_start3A_516 = arith.constant 0 : i32
        %dma_start3A_517 = tpu.memref_slice %arg2[%arg0, %dma_start3A_515, %dma_start3A_516] : memref<2x10240x128xf32, #tpu.memory_space<hbm>> -> memref<1x10240x128xf32, #tpu.memory_space<hbm>>
        %dma_start3A_518 = tpu.memref_squeeze %dma_start3A_517 : memref<1x10240x128xf32, #tpu.memory_space<hbm>> -> memref<10240x128xf32, #tpu.memory_space<hbm>>
        %dma_start3A_519 = arith.constant 0 : i32
        %dma_start3A_520 = arith.constant 0 : i32
        %dma_start3A_521 = tpu.memref_slice %dma_start3A_518[%dma_start3A_519, %dma_start3A_520] : memref<10240x128xf32, #tpu.memory_space<hbm>> -> memref<10240x128xf32, #tpu.memory_space<hbm>>
        tpu.enqueue_indirect_dma source(%dma_start3A_521 : memref<10240x128xf32, #tpu.memory_space<hbm>>) target(%arg12 : memref<80x128xf32, #tpu.memory_space<vmem>>) offsets(%dma_start3A_514 : memref<80xi32, #tpu.memory_space<vmem>>) semaphore(%arg22 : memref<!tpu.dma_semaphore, #tpu.memory_space<semaphore_mem>>)
      } else {
      }
      %mul3A_409 = arith.constant 10 : i32
      %mul3A_410 = arith.muli %mul3A_409, %add3A_194 : i32
      %add3A_411 = arith.constant 7 : i32
      %add3A_412 = arith.addi %mul3A_410, %add3A_411 : i32
      %dma_wait3A_413 = arith.constant 0 : i32
      %dma_wait3A_414 = arith.constant 0 : i32
      %dma_wait3A_415 = tpu.memref_slice %arg5[%dma_wait3A_413, %dma_wait3A_414] : memref<250x80xi32, #tpu.memory_space<vmem>> -> memref<1x80xi32, #tpu.memory_space<vmem>>
      %dma_wait3A_416 = tpu.memref_squeeze %dma_wait3A_415 : memref<1x80xi32, #tpu.memory_space<vmem>> -> memref<80xi32, #tpu.memory_space<vmem>>
      %dma_wait3A_417 = arith.constant 0 : i32
      %dma_wait3A_418 = arith.constant 0 : i32
      %dma_wait3A_419 = tpu.memref_slice %arg2[%arg0, %dma_wait3A_417, %dma_wait3A_418] : memref<2x10240x128xf32, #tpu.memory_space<hbm>> -> memref<1x10240x128xf32, #tpu.memory_space<hbm>>
      %dma_wait3A_420 = tpu.memref_squeeze %dma_wait3A_419 : memref<1x10240x128xf32, #tpu.memory_space<hbm>> -> memref<10240x128xf32, #tpu.memory_space<hbm>>
      %dma_wait3A_421 = arith.constant 0 : i32
      %dma_wait3A_422 = arith.constant 0 : i32
      %dma_wait3A_423 = tpu.memref_slice %dma_wait3A_420[%dma_wait3A_421, %dma_wait3A_422] : memref<10240x128xf32, #tpu.memory_space<hbm>> -> memref<10240x128xf32, #tpu.memory_space<hbm>>
      tpu.wait_indirect_dma semaphore(%arg23 : memref<!tpu.dma_semaphore, #tpu.memory_space<semaphore_mem>>) src(%dma_wait3A_423 : memref<10240x128xf32, #tpu.memory_space<hbm>>) dst(%arg13 : memref<80x128xf32, #tpu.memory_space<vmem>>)
      %mul3A_424 = arith.constant 250 : i32
      %mul3A_425 = arith.muli %arg1, %mul3A_424 : i32
      %add3A_426 = arith.addi %mul3A_425, %add3A_412 : i32
      %mul3A_427 = arith.constant 80 : i32
      %mul3A_428 = arith.muli %add3A_426, %mul3A_427 : i32
      %dma_start3A_429 = arith.constant 0 : i32
      %dma_start3A_430 = tpu.memref_slice %arg4[%arg0, %mul3A_428, %dma_start3A_429] : memref<2x320000x128xf32, #tpu.memory_space<hbm>> -> memref<1x80x128xf32, #tpu.memory_space<hbm>>
      %dma_start3A_431 = tpu.memref_squeeze %dma_start3A_430 : memref<1x80x128xf32, #tpu.memory_space<hbm>> -> memref<80x128xf32, #tpu.memory_space<hbm>>
      %dma_start3A_432 = arith.constant 0 : i32
      %dma_start3A_433 = tpu.memref_slice %arg4[%arg0, %mul3A_428, %dma_start3A_432] : memref<2x320000x128xf32, #tpu.memory_space<hbm>> -> memref<1x80x128xf32, #tpu.memory_space<hbm>>
      %dma_start3A_434 = tpu.memref_squeeze %dma_start3A_433 : memref<1x80x128xf32, #tpu.memory_space<hbm>> -> memref<80x128xf32, #tpu.memory_space<hbm>>
      tpu.enqueue_dma source(%arg13 : memref<80x128xf32, #tpu.memory_space<vmem>>) target(%dma_start3A_434 : memref<80x128xf32, #tpu.memory_space<hbm>>) target_semaphore(%arg33 : memref<!tpu.dma_semaphore, #tpu.memory_space<semaphore_mem>>)
      %lt3A_435 = arith.constant 24 : i32
      %lt3A_436 = arith.cmpi slt, %add3A_194, %lt3A_435 : i32
      %convert_element_type3A_437 = arith.extui %lt3A_436 : i1 to i32
      %cond3A_438 = arith.constant 0 : i32
      %cond3A_439 = arith.cmpi ne, %convert_element_type3A_437, %cond3A_438 : i32
      scf.if %cond3A_439 {
        %dma_wait3A_502 = arith.constant 0 : i32
        %dma_wait3A_503 = arith.constant 0 : i32
        %dma_wait3A_504 = tpu.memref_slice %arg4[%arg0, %dma_wait3A_502, %dma_wait3A_503] : memref<2x320000x128xf32, #tpu.memory_space<hbm>> -> memref<1x80x128xf32, #tpu.memory_space<hbm>>
        %dma_wait3A_505 = tpu.memref_squeeze %dma_wait3A_504 : memref<1x80x128xf32, #tpu.memory_space<hbm>> -> memref<80x128xf32, #tpu.memory_space<hbm>>
        %dma_wait3A_506 = arith.constant 0 : i32
        %dma_wait3A_507 = arith.constant 0 : i32
        %dma_wait3A_508 = tpu.memref_slice %arg4[%arg0, %dma_wait3A_506, %dma_wait3A_507] : memref<2x320000x128xf32, #tpu.memory_space<hbm>> -> memref<1x80x128xf32, #tpu.memory_space<hbm>>
        %dma_wait3A_509 = tpu.memref_squeeze %dma_wait3A_508 : memref<1x80x128xf32, #tpu.memory_space<hbm>> -> memref<80x128xf32, #tpu.memory_space<hbm>>
        tpu.wait_dma2 semaphore(%arg33 : memref<!tpu.dma_semaphore, #tpu.memory_space<semaphore_mem>>) src(%arg13 : memref<80x128xf32, #tpu.memory_space<vmem>>) dst(%dma_wait3A_509 : memref<80x128xf32, #tpu.memory_space<hbm>>)
        %add3A_510 = arith.constant 10 : i32
        %add3A_511 = arith.addi %add3A_412, %add3A_510 : i32
        %dma_start3A_512 = arith.constant 0 : i32
        %dma_start3A_513 = tpu.memref_slice %arg5[%add3A_511, %dma_start3A_512] : memref<250x80xi32, #tpu.memory_space<vmem>> -> memref<1x80xi32, #tpu.memory_space<vmem>>
        %dma_start3A_514 = tpu.memref_squeeze %dma_start3A_513 : memref<1x80xi32, #tpu.memory_space<vmem>> -> memref<80xi32, #tpu.memory_space<vmem>>
        %dma_start3A_515 = arith.constant 0 : i32
        %dma_start3A_516 = arith.constant 0 : i32
        %dma_start3A_517 = tpu.memref_slice %arg2[%arg0, %dma_start3A_515, %dma_start3A_516] : memref<2x10240x128xf32, #tpu.memory_space<hbm>> -> memref<1x10240x128xf32, #tpu.memory_space<hbm>>
        %dma_start3A_518 = tpu.memref_squeeze %dma_start3A_517 : memref<1x10240x128xf32, #tpu.memory_space<hbm>> -> memref<10240x128xf32, #tpu.memory_space<hbm>>
        %dma_start3A_519 = arith.constant 0 : i32
        %dma_start3A_520 = arith.constant 0 : i32
        %dma_start3A_521 = tpu.memref_slice %dma_start3A_518[%dma_start3A_519, %dma_start3A_520] : memref<10240x128xf32, #tpu.memory_space<hbm>> -> memref<10240x128xf32, #tpu.memory_space<hbm>>
        tpu.enqueue_indirect_dma source(%dma_start3A_521 : memref<10240x128xf32, #tpu.memory_space<hbm>>) target(%arg13 : memref<80x128xf32, #tpu.memory_space<vmem>>) offsets(%dma_start3A_514 : memref<80xi32, #tpu.memory_space<vmem>>) semaphore(%arg23 : memref<!tpu.dma_semaphore, #tpu.memory_space<semaphore_mem>>)
      } else {
      }
      %mul3A_440 = arith.constant 10 : i32
      %mul3A_441 = arith.muli %mul3A_440, %add3A_194 : i32
      %add3A_442 = arith.constant 8 : i32
      %add3A_443 = arith.addi %mul3A_441, %add3A_442 : i32
      %dma_wait3A_444 = arith.constant 0 : i32
      %dma_wait3A_445 = arith.constant 0 : i32
      %dma_wait3A_446 = tpu.memref_slice %arg5[%dma_wait3A_444, %dma_wait3A_445] : memref<250x80xi32, #tpu.memory_space<vmem>> -> memref<1x80xi32, #tpu.memory_space<vmem>>
      %dma_wait3A_447 = tpu.memref_squeeze %dma_wait3A_446 : memref<1x80xi32, #tpu.memory_space<vmem>> -> memref<80xi32, #tpu.memory_space<vmem>>
      %dma_wait3A_448 = arith.constant 0 : i32
      %dma_wait3A_449 = arith.constant 0 : i32
      %dma_wait3A_450 = tpu.memref_slice %arg2[%arg0, %dma_wait3A_448, %dma_wait3A_449] : memref<2x10240x128xf32, #tpu.memory_space<hbm>> -> memref<1x10240x128xf32, #tpu.memory_space<hbm>>
      %dma_wait3A_451 = tpu.memref_squeeze %dma_wait3A_450 : memref<1x10240x128xf32, #tpu.memory_space<hbm>> -> memref<10240x128xf32, #tpu.memory_space<hbm>>
      %dma_wait3A_452 = arith.constant 0 : i32
      %dma_wait3A_453 = arith.constant 0 : i32
      %dma_wait3A_454 = tpu.memref_slice %dma_wait3A_451[%dma_wait3A_452, %dma_wait3A_453] : memref<10240x128xf32, #tpu.memory_space<hbm>> -> memref<10240x128xf32, #tpu.memory_space<hbm>>
      tpu.wait_indirect_dma semaphore(%arg24 : memref<!tpu.dma_semaphore, #tpu.memory_space<semaphore_mem>>) src(%dma_wait3A_454 : memref<10240x128xf32, #tpu.memory_space<hbm>>) dst(%arg14 : memref<80x128xf32, #tpu.memory_space<vmem>>)
      %mul3A_455 = arith.constant 250 : i32
      %mul3A_456 = arith.muli %arg1, %mul3A_455 : i32
      %add3A_457 = arith.addi %mul3A_456, %add3A_443 : i32
      %mul3A_458 = arith.constant 80 : i32
      %mul3A_459 = arith.muli %add3A_457, %mul3A_458 : i32
      %dma_start3A_460 = arith.constant 0 : i32
      %dma_start3A_461 = tpu.memref_slice %arg4[%arg0, %mul3A_459, %dma_start3A_460] : memref<2x320000x128xf32, #tpu.memory_space<hbm>> -> memref<1x80x128xf32, #tpu.memory_space<hbm>>
      %dma_start3A_462 = tpu.memref_squeeze %dma_start3A_461 : memref<1x80x128xf32, #tpu.memory_space<hbm>> -> memref<80x128xf32, #tpu.memory_space<hbm>>
      %dma_start3A_463 = arith.constant 0 : i32
      %dma_start3A_464 = tpu.memref_slice %arg4[%arg0, %mul3A_459, %dma_start3A_463] : memref<2x320000x128xf32, #tpu.memory_space<hbm>> -> memref<1x80x128xf32, #tpu.memory_space<hbm>>
      %dma_start3A_465 = tpu.memref_squeeze %dma_start3A_464 : memref<1x80x128xf32, #tpu.memory_space<hbm>> -> memref<80x128xf32, #tpu.memory_space<hbm>>
      tpu.enqueue_dma source(%arg14 : memref<80x128xf32, #tpu.memory_space<vmem>>) target(%dma_start3A_465 : memref<80x128xf32, #tpu.memory_space<hbm>>) target_semaphore(%arg34 : memref<!tpu.dma_semaphore, #tpu.memory_space<semaphore_mem>>)
      %lt3A_466 = arith.constant 24 : i32
      %lt3A_467 = arith.cmpi slt, %add3A_194, %lt3A_466 : i32
      %convert_element_type3A_468 = arith.extui %lt3A_467 : i1 to i32
      %cond3A_469 = arith.constant 0 : i32
      %cond3A_470 = arith.cmpi ne, %convert_element_type3A_468, %cond3A_469 : i32
      scf.if %cond3A_470 {
        %dma_wait3A_502 = arith.constant 0 : i32
        %dma_wait3A_503 = arith.constant 0 : i32
        %dma_wait3A_504 = tpu.memref_slice %arg4[%arg0, %dma_wait3A_502, %dma_wait3A_503] : memref<2x320000x128xf32, #tpu.memory_space<hbm>> -> memref<1x80x128xf32, #tpu.memory_space<hbm>>
        %dma_wait3A_505 = tpu.memref_squeeze %dma_wait3A_504 : memref<1x80x128xf32, #tpu.memory_space<hbm>> -> memref<80x128xf32, #tpu.memory_space<hbm>>
        %dma_wait3A_506 = arith.constant 0 : i32
        %dma_wait3A_507 = arith.constant 0 : i32
        %dma_wait3A_508 = tpu.memref_slice %arg4[%arg0, %dma_wait3A_506, %dma_wait3A_507] : memref<2x320000x128xf32, #tpu.memory_space<hbm>> -> memref<1x80x128xf32, #tpu.memory_space<hbm>>
        %dma_wait3A_509 = tpu.memref_squeeze %dma_wait3A_508 : memref<1x80x128xf32, #tpu.memory_space<hbm>> -> memref<80x128xf32, #tpu.memory_space<hbm>>
        tpu.wait_dma2 semaphore(%arg34 : memref<!tpu.dma_semaphore, #tpu.memory_space<semaphore_mem>>) src(%arg14 : memref<80x128xf32, #tpu.memory_space<vmem>>) dst(%dma_wait3A_509 : memref<80x128xf32, #tpu.memory_space<hbm>>)
        %add3A_510 = arith.constant 10 : i32
        %add3A_511 = arith.addi %add3A_443, %add3A_510 : i32
        %dma_start3A_512 = arith.constant 0 : i32
        %dma_start3A_513 = tpu.memref_slice %arg5[%add3A_511, %dma_start3A_512] : memref<250x80xi32, #tpu.memory_space<vmem>> -> memref<1x80xi32, #tpu.memory_space<vmem>>
        %dma_start3A_514 = tpu.memref_squeeze %dma_start3A_513 : memref<1x80xi32, #tpu.memory_space<vmem>> -> memref<80xi32, #tpu.memory_space<vmem>>
        %dma_start3A_515 = arith.constant 0 : i32
        %dma_start3A_516 = arith.constant 0 : i32
        %dma_start3A_517 = tpu.memref_slice %arg2[%arg0, %dma_start3A_515, %dma_start3A_516] : memref<2x10240x128xf32, #tpu.memory_space<hbm>> -> memref<1x10240x128xf32, #tpu.memory_space<hbm>>
        %dma_start3A_518 = tpu.memref_squeeze %dma_start3A_517 : memref<1x10240x128xf32, #tpu.memory_space<hbm>> -> memref<10240x128xf32, #tpu.memory_space<hbm>>
        %dma_start3A_519 = arith.constant 0 : i32
        %dma_start3A_520 = arith.constant 0 : i32
        %dma_start3A_521 = tpu.memref_slice %dma_start3A_518[%dma_start3A_519, %dma_start3A_520] : memref<10240x128xf32, #tpu.memory_space<hbm>> -> memref<10240x128xf32, #tpu.memory_space<hbm>>
        tpu.enqueue_indirect_dma source(%dma_start3A_521 : memref<10240x128xf32, #tpu.memory_space<hbm>>) target(%arg14 : memref<80x128xf32, #tpu.memory_space<vmem>>) offsets(%dma_start3A_514 : memref<80xi32, #tpu.memory_space<vmem>>) semaphore(%arg24 : memref<!tpu.dma_semaphore, #tpu.memory_space<semaphore_mem>>)
      } else {
      }
      %mul3A_471 = arith.constant 10 : i32
      %mul3A_472 = arith.muli %mul3A_471, %add3A_194 : i32
      %add3A_473 = arith.constant 9 : i32
      %add3A_474 = arith.addi %mul3A_472, %add3A_473 : i32
      %dma_wait3A_475 = arith.constant 0 : i32
      %dma_wait3A_476 = arith.constant 0 : i32
      %dma_wait3A_477 = tpu.memref_slice %arg5[%dma_wait3A_475, %dma_wait3A_476] : memref<250x80xi32, #tpu.memory_space<vmem>> -> memref<1x80xi32, #tpu.memory_space<vmem>>
      %dma_wait3A_478 = tpu.memref_squeeze %dma_wait3A_477 : memref<1x80xi32, #tpu.memory_space<vmem>> -> memref<80xi32, #tpu.memory_space<vmem>>
      %dma_wait3A_479 = arith.constant 0 : i32
      %dma_wait3A_480 = arith.constant 0 : i32
      %dma_wait3A_481 = tpu.memref_slice %arg2[%arg0, %dma_wait3A_479, %dma_wait3A_480] : memref<2x10240x128xf32, #tpu.memory_space<hbm>> -> memref<1x10240x128xf32, #tpu.memory_space<hbm>>
      %dma_wait3A_482 = tpu.memref_squeeze %dma_wait3A_481 : memref<1x10240x128xf32, #tpu.memory_space<hbm>> -> memref<10240x128xf32, #tpu.memory_space<hbm>>
      %dma_wait3A_483 = arith.constant 0 : i32
      %dma_wait3A_484 = arith.constant 0 : i32
      %dma_wait3A_485 = tpu.memref_slice %dma_wait3A_482[%dma_wait3A_483, %dma_wait3A_484] : memref<10240x128xf32, #tpu.memory_space<hbm>> -> memref<10240x128xf32, #tpu.memory_space<hbm>>
      tpu.wait_indirect_dma semaphore(%arg25 : memref<!tpu.dma_semaphore, #tpu.memory_space<semaphore_mem>>) src(%dma_wait3A_485 : memref<10240x128xf32, #tpu.memory_space<hbm>>) dst(%arg15 : memref<80x128xf32, #tpu.memory_space<vmem>>)
      %mul3A_486 = arith.constant 250 : i32
      %mul3A_487 = arith.muli %arg1, %mul3A_486 : i32
      %add3A_488 = arith.addi %mul3A_487, %add3A_474 : i32
      %mul3A_489 = arith.constant 80 : i32
      %mul3A_490 = arith.muli %add3A_488, %mul3A_489 : i32
      %dma_start3A_491 = arith.constant 0 : i32
      %dma_start3A_492 = tpu.memref_slice %arg4[%arg0, %mul3A_490, %dma_start3A_491] : memref<2x320000x128xf32, #tpu.memory_space<hbm>> -> memref<1x80x128xf32, #tpu.memory_space<hbm>>
      %dma_start3A_493 = tpu.memref_squeeze %dma_start3A_492 : memref<1x80x128xf32, #tpu.memory_space<hbm>> -> memref<80x128xf32, #tpu.memory_space<hbm>>
      %dma_start3A_494 = arith.constant 0 : i32
      %dma_start3A_495 = tpu.memref_slice %arg4[%arg0, %mul3A_490, %dma_start3A_494] : memref<2x320000x128xf32, #tpu.memory_space<hbm>> -> memref<1x80x128xf32, #tpu.memory_space<hbm>>
      %dma_start3A_496 = tpu.memref_squeeze %dma_start3A_495 : memref<1x80x128xf32, #tpu.memory_space<hbm>> -> memref<80x128xf32, #tpu.memory_space<hbm>>
      tpu.enqueue_dma source(%arg15 : memref<80x128xf32, #tpu.memory_space<vmem>>) target(%dma_start3A_496 : memref<80x128xf32, #tpu.memory_space<hbm>>) target_semaphore(%arg35 : memref<!tpu.dma_semaphore, #tpu.memory_space<semaphore_mem>>)
      %lt3A_497 = arith.constant 24 : i32
      %lt3A_498 = arith.cmpi slt, %add3A_194, %lt3A_497 : i32
      %convert_element_type3A_499 = arith.extui %lt3A_498 : i1 to i32
      %cond3A_500 = arith.constant 0 : i32
      %cond3A_501 = arith.cmpi ne, %convert_element_type3A_499, %cond3A_500 : i32
      scf.if %cond3A_501 {
        %dma_wait3A_502 = arith.constant 0 : i32
        %dma_wait3A_503 = arith.constant 0 : i32
        %dma_wait3A_504 = tpu.memref_slice %arg4[%arg0, %dma_wait3A_502, %dma_wait3A_503] : memref<2x320000x128xf32, #tpu.memory_space<hbm>> -> memref<1x80x128xf32, #tpu.memory_space<hbm>>
        %dma_wait3A_505 = tpu.memref_squeeze %dma_wait3A_504 : memref<1x80x128xf32, #tpu.memory_space<hbm>> -> memref<80x128xf32, #tpu.memory_space<hbm>>
        %dma_wait3A_506 = arith.constant 0 : i32
        %dma_wait3A_507 = arith.constant 0 : i32
        %dma_wait3A_508 = tpu.memref_slice %arg4[%arg0, %dma_wait3A_506, %dma_wait3A_507] : memref<2x320000x128xf32, #tpu.memory_space<hbm>> -> memref<1x80x128xf32, #tpu.memory_space<hbm>>
        %dma_wait3A_509 = tpu.memref_squeeze %dma_wait3A_508 : memref<1x80x128xf32, #tpu.memory_space<hbm>> -> memref<80x128xf32, #tpu.memory_space<hbm>>
        tpu.wait_dma2 semaphore(%arg35 : memref<!tpu.dma_semaphore, #tpu.memory_space<semaphore_mem>>) src(%arg15 : memref<80x128xf32, #tpu.memory_space<vmem>>) dst(%dma_wait3A_509 : memref<80x128xf32, #tpu.memory_space<hbm>>)
        %add3A_510 = arith.constant 10 : i32
        %add3A_511 = arith.addi %add3A_474, %add3A_510 : i32
        %dma_start3A_512 = arith.constant 0 : i32
        %dma_start3A_513 = tpu.memref_slice %arg5[%add3A_511, %dma_start3A_512] : memref<250x80xi32, #tpu.memory_space<vmem>> -> memref<1x80xi32, #tpu.memory_space<vmem>>
        %dma_start3A_514 = tpu.memref_squeeze %dma_start3A_513 : memref<1x80xi32, #tpu.memory_space<vmem>> -> memref<80xi32, #tpu.memory_space<vmem>>
        %dma_start3A_515 = arith.constant 0 : i32
        %dma_start3A_516 = arith.constant 0 : i32
        %dma_start3A_517 = tpu.memref_slice %arg2[%arg0, %dma_start3A_515, %dma_start3A_516] : memref<2x10240x128xf32, #tpu.memory_space<hbm>> -> memref<1x10240x128xf32, #tpu.memory_space<hbm>>
        %dma_start3A_518 = tpu.memref_squeeze %dma_start3A_517 : memref<1x10240x128xf32, #tpu.memory_space<hbm>> -> memref<10240x128xf32, #tpu.memory_space<hbm>>
        %dma_start3A_519 = arith.constant 0 : i32
        %dma_start3A_520 = arith.constant 0 : i32
        %dma_start3A_521 = tpu.memref_slice %dma_start3A_518[%dma_start3A_519, %dma_start3A_520] : memref<10240x128xf32, #tpu.memory_space<hbm>> -> memref<10240x128xf32, #tpu.memory_space<hbm>>
        tpu.enqueue_indirect_dma source(%dma_start3A_521 : memref<10240x128xf32, #tpu.memory_space<hbm>>) target(%arg15 : memref<80x128xf32, #tpu.memory_space<vmem>>) offsets(%dma_start3A_514 : memref<80xi32, #tpu.memory_space<vmem>>) semaphore(%arg25 : memref<!tpu.dma_semaphore, #tpu.memory_space<semaphore_mem>>)
      } else {
      }
    }
    %scan3A_112 = arith.constant 25 : i32
    %dma_wait3A = arith.constant 0 : i32
    %dma_wait3A_113 = arith.constant 0 : i32
    %dma_wait3A_114 = tpu.memref_slice %arg4[%arg0, %dma_wait3A, %dma_wait3A_113] : memref<2x320000x128xf32, #tpu.memory_space<hbm>> -> memref<1x80x128xf32, #tpu.memory_space<hbm>>
    %dma_wait3A_115 = tpu.memref_squeeze %dma_wait3A_114 : memref<1x80x128xf32, #tpu.memory_space<hbm>> -> memref<80x128xf32, #tpu.memory_space<hbm>>
    %dma_wait3A_116 = arith.constant 0 : i32
    %dma_wait3A_117 = arith.constant 0 : i32
    %dma_wait3A_118 = tpu.memref_slice %arg4[%arg0, %dma_wait3A_116, %dma_wait3A_117] : memref<2x320000x128xf32, #tpu.memory_space<hbm>> -> memref<1x80x128xf32, #tpu.memory_space<hbm>>
    %dma_wait3A_119 = tpu.memref_squeeze %dma_wait3A_118 : memref<1x80x128xf32, #tpu.memory_space<hbm>> -> memref<80x128xf32, #tpu.memory_space<hbm>>
    tpu.wait_dma2 semaphore(%arg26 : memref<!tpu.dma_semaphore, #tpu.memory_space<semaphore_mem>>) src(%arg6 : memref<80x128xf32, #tpu.memory_space<vmem>>) dst(%dma_wait3A_119 : memref<80x128xf32, #tpu.memory_space<hbm>>)
    %dma_wait3A_120 = arith.constant 0 : i32
    %dma_wait3A_121 = arith.constant 0 : i32
    %dma_wait3A_122 = tpu.memref_slice %arg4[%arg0, %dma_wait3A_120, %dma_wait3A_121] : memref<2x320000x128xf32, #tpu.memory_space<hbm>> -> memref<1x80x128xf32, #tpu.memory_space<hbm>>
    %dma_wait3A_123 = tpu.memref_squeeze %dma_wait3A_122 : memref<1x80x128xf32, #tpu.memory_space<hbm>> -> memref<80x128xf32, #tpu.memory_space<hbm>>
    %dma_wait3A_124 = arith.constant 0 : i32
    %dma_wait3A_125 = arith.constant 0 : i32
    %dma_wait3A_126 = tpu.memref_slice %arg4[%arg0, %dma_wait3A_124, %dma_wait3A_125] : memref<2x320000x128xf32, #tpu.memory_space<hbm>> -> memref<1x80x128xf32, #tpu.memory_space<hbm>>
    %dma_wait3A_127 = tpu.memref_squeeze %dma_wait3A_126 : memref<1x80x128xf32, #tpu.memory_space<hbm>> -> memref<80x128xf32, #tpu.memory_space<hbm>>
    tpu.wait_dma2 semaphore(%arg27 : memref<!tpu.dma_semaphore, #tpu.memory_space<semaphore_mem>>) src(%arg7 : memref<80x128xf32, #tpu.memory_space<vmem>>) dst(%dma_wait3A_127 : memref<80x128xf32, #tpu.memory_space<hbm>>)
    %dma_wait3A_128 = arith.constant 0 : i32
    %dma_wait3A_129 = arith.constant 0 : i32
    %dma_wait3A_130 = tpu.memref_slice %arg4[%arg0, %dma_wait3A_128, %dma_wait3A_129] : memref<2x320000x128xf32, #tpu.memory_space<hbm>> -> memref<1x80x128xf32, #tpu.memory_space<hbm>>
    %dma_wait3A_131 = tpu.memref_squeeze %dma_wait3A_130 : memref<1x80x128xf32, #tpu.memory_space<hbm>> -> memref<80x128xf32, #tpu.memory_space<hbm>>
    %dma_wait3A_132 = arith.constant 0 : i32
    %dma_wait3A_133 = arith.constant 0 : i32
    %dma_wait3A_134 = tpu.memref_slice %arg4[%arg0, %dma_wait3A_132, %dma_wait3A_133] : memref<2x320000x128xf32, #tpu.memory_space<hbm>> -> memref<1x80x128xf32, #tpu.memory_space<hbm>>
    %dma_wait3A_135 = tpu.memref_squeeze %dma_wait3A_134 : memref<1x80x128xf32, #tpu.memory_space<hbm>> -> memref<80x128xf32, #tpu.memory_space<hbm>>
    tpu.wait_dma2 semaphore(%arg28 : memref<!tpu.dma_semaphore, #tpu.memory_space<semaphore_mem>>) src(%arg8 : memref<80x128xf32, #tpu.memory_space<vmem>>) dst(%dma_wait3A_135 : memref<80x128xf32, #tpu.memory_space<hbm>>)
    %dma_wait3A_136 = arith.constant 0 : i32
    %dma_wait3A_137 = arith.constant 0 : i32
    %dma_wait3A_138 = tpu.memref_slice %arg4[%arg0, %dma_wait3A_136, %dma_wait3A_137] : memref<2x320000x128xf32, #tpu.memory_space<hbm>> -> memref<1x80x128xf32, #tpu.memory_space<hbm>>
    %dma_wait3A_139 = tpu.memref_squeeze %dma_wait3A_138 : memref<1x80x128xf32, #tpu.memory_space<hbm>> -> memref<80x128xf32, #tpu.memory_space<hbm>>
    %dma_wait3A_140 = arith.constant 0 : i32
    %dma_wait3A_141 = arith.constant 0 : i32
    %dma_wait3A_142 = tpu.memref_slice %arg4[%arg0, %dma_wait3A_140, %dma_wait3A_141] : memref<2x320000x128xf32, #tpu.memory_space<hbm>> -> memref<1x80x128xf32, #tpu.memory_space<hbm>>
    %dma_wait3A_143 = tpu.memref_squeeze %dma_wait3A_142 : memref<1x80x128xf32, #tpu.memory_space<hbm>> -> memref<80x128xf32, #tpu.memory_space<hbm>>
    tpu.wait_dma2 semaphore(%arg29 : memref<!tpu.dma_semaphore, #tpu.memory_space<semaphore_mem>>) src(%arg9 : memref<80x128xf32, #tpu.memory_space<vmem>>) dst(%dma_wait3A_143 : memref<80x128xf32, #tpu.memory_space<hbm>>)
    %dma_wait3A_144 = arith.constant 0 : i32
    %dma_wait3A_145 = arith.constant 0 : i32
    %dma_wait3A_146 = tpu.memref_slice %arg4[%arg0, %dma_wait3A_144, %dma_wait3A_145] : memref<2x320000x128xf32, #tpu.memory_space<hbm>> -> memref<1x80x128xf32, #tpu.memory_space<hbm>>
    %dma_wait3A_147 = tpu.memref_squeeze %dma_wait3A_146 : memref<1x80x128xf32, #tpu.memory_space<hbm>> -> memref<80x128xf32, #tpu.memory_space<hbm>>
    %dma_wait3A_148 = arith.constant 0 : i32
    %dma_wait3A_149 = arith.constant 0 : i32
    %dma_wait3A_150 = tpu.memref_slice %arg4[%arg0, %dma_wait3A_148, %dma_wait3A_149] : memref<2x320000x128xf32, #tpu.memory_space<hbm>> -> memref<1x80x128xf32, #tpu.memory_space<hbm>>
    %dma_wait3A_151 = tpu.memref_squeeze %dma_wait3A_150 : memref<1x80x128xf32, #tpu.memory_space<hbm>> -> memref<80x128xf32, #tpu.memory_space<hbm>>
    tpu.wait_dma2 semaphore(%arg30 : memref<!tpu.dma_semaphore, #tpu.memory_space<semaphore_mem>>) src(%arg10 : memref<80x128xf32, #tpu.memory_space<vmem>>) dst(%dma_wait3A_151 : memref<80x128xf32, #tpu.memory_space<hbm>>)
    %dma_wait3A_152 = arith.constant 0 : i32
    %dma_wait3A_153 = arith.constant 0 : i32
    %dma_wait3A_154 = tpu.memref_slice %arg4[%arg0, %dma_wait3A_152, %dma_wait3A_153] : memref<2x320000x128xf32, #tpu.memory_space<hbm>> -> memref<1x80x128xf32, #tpu.memory_space<hbm>>
    %dma_wait3A_155 = tpu.memref_squeeze %dma_wait3A_154 : memref<1x80x128xf32, #tpu.memory_space<hbm>> -> memref<80x128xf32, #tpu.memory_space<hbm>>
    %dma_wait3A_156 = arith.constant 0 : i32
    %dma_wait3A_157 = arith.constant 0 : i32
    %dma_wait3A_158 = tpu.memref_slice %arg4[%arg0, %dma_wait3A_156, %dma_wait3A_157] : memref<2x320000x128xf32, #tpu.memory_space<hbm>> -> memref<1x80x128xf32, #tpu.memory_space<hbm>>
    %dma_wait3A_159 = tpu.memref_squeeze %dma_wait3A_158 : memref<1x80x128xf32, #tpu.memory_space<hbm>> -> memref<80x128xf32, #tpu.memory_space<hbm>>
    tpu.wait_dma2 semaphore(%arg31 : memref<!tpu.dma_semaphore, #tpu.memory_space<semaphore_mem>>) src(%arg11 : memref<80x128xf32, #tpu.memory_space<vmem>>) dst(%dma_wait3A_159 : memref<80x128xf32, #tpu.memory_space<hbm>>)
    %dma_wait3A_160 = arith.constant 0 : i32
    %dma_wait3A_161 = arith.constant 0 : i32
    %dma_wait3A_162 = tpu.memref_slice %arg4[%arg0, %dma_wait3A_160, %dma_wait3A_161] : memref<2x320000x128xf32, #tpu.memory_space<hbm>> -> memref<1x80x128xf32, #tpu.memory_space<hbm>>
    %dma_wait3A_163 = tpu.memref_squeeze %dma_wait3A_162 : memref<1x80x128xf32, #tpu.memory_space<hbm>> -> memref<80x128xf32, #tpu.memory_space<hbm>>
    %dma_wait3A_164 = arith.constant 0 : i32
    %dma_wait3A_165 = arith.constant 0 : i32
    %dma_wait3A_166 = tpu.memref_slice %arg4[%arg0, %dma_wait3A_164, %dma_wait3A_165] : memref<2x320000x128xf32, #tpu.memory_space<hbm>> -> memref<1x80x128xf32, #tpu.memory_space<hbm>>
    %dma_wait3A_167 = tpu.memref_squeeze %dma_wait3A_166 : memref<1x80x128xf32, #tpu.memory_space<hbm>> -> memref<80x128xf32, #tpu.memory_space<hbm>>
    tpu.wait_dma2 semaphore(%arg32 : memref<!tpu.dma_semaphore, #tpu.memory_space<semaphore_mem>>) src(%arg12 : memref<80x128xf32, #tpu.memory_space<vmem>>) dst(%dma_wait3A_167 : memref<80x128xf32, #tpu.memory_space<hbm>>)
    %dma_wait3A_168 = arith.constant 0 : i32
    %dma_wait3A_169 = arith.constant 0 : i32
    %dma_wait3A_170 = tpu.memref_slice %arg4[%arg0, %dma_wait3A_168, %dma_wait3A_169] : memref<2x320000x128xf32, #tpu.memory_space<hbm>> -> memref<1x80x128xf32, #tpu.memory_space<hbm>>
    %dma_wait3A_171 = tpu.memref_squeeze %dma_wait3A_170 : memref<1x80x128xf32, #tpu.memory_space<hbm>> -> memref<80x128xf32, #tpu.memory_space<hbm>>
    %dma_wait3A_172 = arith.constant 0 : i32
    %dma_wait3A_173 = arith.constant 0 : i32
    %dma_wait3A_174 = tpu.memref_slice %arg4[%arg0, %dma_wait3A_172, %dma_wait3A_173] : memref<2x320000x128xf32, #tpu.memory_space<hbm>> -> memref<1x80x128xf32, #tpu.memory_space<hbm>>
    %dma_wait3A_175 = tpu.memref_squeeze %dma_wait3A_174 : memref<1x80x128xf32, #tpu.memory_space<hbm>> -> memref<80x128xf32, #tpu.memory_space<hbm>>
    tpu.wait_dma2 semaphore(%arg33 : memref<!tpu.dma_semaphore, #tpu.memory_space<semaphore_mem>>) src(%arg13 : memref<80x128xf32, #tpu.memory_space<vmem>>) dst(%dma_wait3A_175 : memref<80x128xf32, #tpu.memory_space<hbm>>)
    %dma_wait3A_176 = arith.constant 0 : i32
    %dma_wait3A_177 = arith.constant 0 : i32
    %dma_wait3A_178 = tpu.memref_slice %arg4[%arg0, %dma_wait3A_176, %dma_wait3A_177] : memref<2x320000x128xf32, #tpu.memory_space<hbm>> -> memref<1x80x128xf32, #tpu.memory_space<hbm>>
    %dma_wait3A_179 = tpu.memref_squeeze %dma_wait3A_178 : memref<1x80x128xf32, #tpu.memory_space<hbm>> -> memref<80x128xf32, #tpu.memory_space<hbm>>
    %dma_wait3A_180 = arith.constant 0 : i32
    %dma_wait3A_181 = arith.constant 0 : i32
    %dma_wait3A_182 = tpu.memref_slice %arg4[%arg0, %dma_wait3A_180, %dma_wait3A_181] : memref<2x320000x128xf32, #tpu.memory_space<hbm>> -> memref<1x80x128xf32, #tpu.memory_space<hbm>>
    %dma_wait3A_183 = tpu.memref_squeeze %dma_wait3A_182 : memref<1x80x128xf32, #tpu.memory_space<hbm>> -> memref<80x128xf32, #tpu.memory_space<hbm>>
    tpu.wait_dma2 semaphore(%arg34 : memref<!tpu.dma_semaphore, #tpu.memory_space<semaphore_mem>>) src(%arg14 : memref<80x128xf32, #tpu.memory_space<vmem>>) dst(%dma_wait3A_183 : memref<80x128xf32, #tpu.memory_space<hbm>>)
    %dma_wait3A_184 = arith.constant 0 : i32
    %dma_wait3A_185 = arith.constant 0 : i32
    %dma_wait3A_186 = tpu.memref_slice %arg4[%arg0, %dma_wait3A_184, %dma_wait3A_185] : memref<2x320000x128xf32, #tpu.memory_space<hbm>> -> memref<1x80x128xf32, #tpu.memory_space<hbm>>
    %dma_wait3A_187 = tpu.memref_squeeze %dma_wait3A_186 : memref<1x80x128xf32, #tpu.memory_space<hbm>> -> memref<80x128xf32, #tpu.memory_space<hbm>>
    %dma_wait3A_188 = arith.constant 0 : i32
    %dma_wait3A_189 = arith.constant 0 : i32
    %dma_wait3A_190 = tpu.memref_slice %arg4[%arg0, %dma_wait3A_188, %dma_wait3A_189] : memref<2x320000x128xf32, #tpu.memory_space<hbm>> -> memref<1x80x128xf32, #tpu.memory_space<hbm>>
    %dma_wait3A_191 = tpu.memref_squeeze %dma_wait3A_190 : memref<1x80x128xf32, #tpu.memory_space<hbm>> -> memref<80x128xf32, #tpu.memory_space<hbm>>
    tpu.wait_dma2 semaphore(%arg35 : memref<!tpu.dma_semaphore, #tpu.memory_space<semaphore_mem>>) src(%arg15 : memref<80x128xf32, #tpu.memory_space<vmem>>) dst(%dma_wait3A_191 : memref<80x128xf32, #tpu.memory_space<hbm>>)
    return
  }
}

#map = affine_map<(d0, d1) -> (0, 0, 0)>
#map1 = affine_map<(d0, d1) -> (0, 0, 0, 0)>
module attributes {stable_mosaic.version = 14 : i64} {
  func.func @k(%arg0: i32, %arg1: i32, %arg2: memref<2x10240x128xf32, #tpu.memory_space<hbm>>, %arg3: memref<2x16x250x80xi32, #tpu.memory_space<hbm>>, %arg4: memref<2x320000x128xf32, #tpu.memory_space<hbm>>, %arg5: memref<250x80xi32, #tpu.memory_space<vmem>>, %arg6: memref<80x128xf32, #tpu.memory_space<vmem>>, %arg7: memref<80x128xf32, #tpu.memory_space<vmem>>, %arg8: memref<80x128xf32, #tpu.memory_space<vmem>>, %arg9: memref<80x128xf32, #tpu.memory_space<vmem>>, %arg10: memref<80x128xf32, #tpu.memory_space<vmem>>, %arg11: memref<80x128xf32, #tpu.memory_space<vmem>>, %arg12: memref<80x128xf32, #tpu.memory_space<vmem>>, %arg13: memref<80x128xf32, #tpu.memory_space<vmem>>, %arg14: memref<80x128xf32, #tpu.memory_space<vmem>>, %arg15: memref<80x128xf32, #tpu.memory_space<vmem>>, %arg16: memref<!tpu.dma_semaphore, #tpu.memory_space<semaphore_mem>>, %arg17: memref<!tpu.dma_semaphore, #tpu.memory_space<semaphore_mem>>, %arg18: memref<!tpu.dma_semaphore, #tpu.memory_space<semaphore_mem>>, %arg19: memref<!tpu.dma_semaphore, #tpu.memory_space<semaphore_mem>>, %arg20: memref<!tpu.dma_semaphore, #tpu.memory_space<semaphore_mem>>, %arg21: memref<!tpu.dma_semaphore, #tpu.memory_space<semaphore_mem>>, %arg22: memref<!tpu.dma_semaphore, #tpu.memory_space<semaphore_mem>>, %arg23: memref<!tpu.dma_semaphore, #tpu.memory_space<semaphore_mem>>, %arg24: memref<!tpu.dma_semaphore, #tpu.memory_space<semaphore_mem>>, %arg25: memref<!tpu.dma_semaphore, #tpu.memory_space<semaphore_mem>>, %arg26: memref<!tpu.dma_semaphore, #tpu.memory_space<semaphore_mem>>, %arg27: memref<!tpu.dma_semaphore, #tpu.memory_space<semaphore_mem>>, %arg28: memref<!tpu.dma_semaphore, #tpu.memory_space<semaphore_mem>>, %arg29: memref<!tpu.dma_semaphore, #tpu.memory_space<semaphore_mem>>, %arg30: memref<!tpu.dma_semaphore, #tpu.memory_space<semaphore_mem>>, %arg31: memref<!tpu.dma_semaphore, #tpu.memory_space<semaphore_mem>>, %arg32: memref<!tpu.dma_semaphore, #tpu.memory_space<semaphore_mem>>, %arg33: memref<!tpu.dma_semaphore, #tpu.memory_space<semaphore_mem>>, %arg34: memref<!tpu.dma_semaphore, #tpu.memory_space<semaphore_mem>>, %arg35: memref<!tpu.dma_semaphore, #tpu.memory_space<semaphore_mem>>) attributes {dimension_semantics = [#tpu.dimension_semantics<core_parallel>, #tpu.dimension_semantics<subcore_parallel>], iteration_bounds = array<i64: 2, 16>, scalar_prefetch = 0 : i64, scratch_operands = 31 : i64, tpu.core_type = #tpu.core_type<sc_vector_subcore>, window_params = [{transform_indices = #map}, {transform_indices = #map1}, {transform_indices = #map}]} {
    "tpu.region"() ({
      %run_scoped3A = tpu.sem_alloc : memref<!tpu.dma_semaphore, #tpu.memory_space<semaphore_mem>>
      %dma_start3A_192 = arith.constant 0 : i32
      %dma_start3A_193 = arith.constant 0 : i32
      %dma_start3A_194 = tpu.memref_slice %arg3[%arg0, %arg1, %dma_start3A_192, %dma_start3A_193] : memref<2x16x250x80xi32, #tpu.memory_space<hbm>> -> memref<1x1x250x80xi32, #tpu.memory_space<hbm>>
      %dma_start3A_195 = tpu.memref_squeeze %dma_start3A_194 : memref<1x1x250x80xi32, #tpu.memory_space<hbm>> -> memref<250x80xi32, #tpu.memory_space<hbm>>
      %dma_start3A_196 = arith.constant 0 : i32
      %dma_start3A_197 = arith.constant 0 : i32
      %dma_start3A_198 = tpu.memref_slice %arg3[%arg0, %arg1, %dma_start3A_196, %dma_start3A_197] : memref<2x16x250x80xi32, #tpu.memory_space<hbm>> -> memref<1x1x250x80xi32, #tpu.memory_space<hbm>>
      %dma_start3A_199 = tpu.memref_squeeze %dma_start3A_198 : memref<1x1x250x80xi32, #tpu.memory_space<hbm>> -> memref<250x80xi32, #tpu.memory_space<hbm>>
      tpu.enqueue_dma source(%dma_start3A_199 : memref<250x80xi32, #tpu.memory_space<hbm>>) target(%arg5 : memref<250x80xi32, #tpu.memory_space<vmem>>) target_semaphore(%run_scoped3A : memref<!tpu.dma_semaphore, #tpu.memory_space<semaphore_mem>>)
      %dma_wait3A_200 = arith.constant 0 : i32
      %dma_wait3A_201 = arith.constant 0 : i32
      %dma_wait3A_202 = tpu.memref_slice %arg3[%arg0, %arg1, %dma_wait3A_200, %dma_wait3A_201] : memref<2x16x250x80xi32, #tpu.memory_space<hbm>> -> memref<1x1x250x80xi32, #tpu.memory_space<hbm>>
      %dma_wait3A_203 = tpu.memref_squeeze %dma_wait3A_202 : memref<1x1x250x80xi32, #tpu.memory_space<hbm>> -> memref<250x80xi32, #tpu.memory_space<hbm>>
      %dma_wait3A_204 = arith.constant 0 : i32
      %dma_wait3A_205 = arith.constant 0 : i32
      %dma_wait3A_206 = tpu.memref_slice %arg3[%arg0, %arg1, %dma_wait3A_204, %dma_wait3A_205] : memref<2x16x250x80xi32, #tpu.memory_space<hbm>> -> memref<1x1x250x80xi32, #tpu.memory_space<hbm>>
      %dma_wait3A_207 = tpu.memref_squeeze %dma_wait3A_206 : memref<1x1x250x80xi32, #tpu.memory_space<hbm>> -> memref<250x80xi32, #tpu.memory_space<hbm>>
      tpu.wait_dma2 semaphore(%run_scoped3A : memref<!tpu.dma_semaphore, #tpu.memory_space<semaphore_mem>>) src(%dma_wait3A_207 : memref<250x80xi32, #tpu.memory_space<hbm>>) dst(%arg5 : memref<250x80xi32, #tpu.memory_space<vmem>>)
      tpu.yield
    }) : () -> ()
    %dma_start3A = arith.constant 0 : i32
    %dma_start3A_0 = arith.constant 0 : i32
    %dma_start3A_1 = tpu.memref_slice %arg5[%dma_start3A, %dma_start3A_0] : memref<250x80xi32, #tpu.memory_space<vmem>> -> memref<1x80xi32, #tpu.memory_space<vmem>>
    %dma_start3A_2 = tpu.memref_squeeze %dma_start3A_1 : memref<1x80xi32, #tpu.memory_space<vmem>> -> memref<80xi32, #tpu.memory_space<vmem>>
    %dma_start3A_3 = arith.constant 0 : i32
    %dma_start3A_4 = arith.constant 0 : i32
    %dma_start3A_5 = tpu.memref_slice %arg2[%arg0, %dma_start3A_3, %dma_start3A_4] : memref<2x10240x128xf32, #tpu.memory_space<hbm>> -> memref<1x10240x128xf32, #tpu.memory_space<hbm>>
    %dma_start3A_6 = tpu.memref_squeeze %dma_start3A_5 : memref<1x10240x128xf32, #tpu.memory_space<hbm>> -> memref<10240x128xf32, #tpu.memory_space<hbm>>
    %dma_start3A_7 = arith.constant 0 : i32
    %dma_start3A_8 = arith.constant 0 : i32
    %dma_start3A_9 = tpu.memref_slice %dma_start3A_6[%dma_start3A_7, %dma_start3A_8] : memref<10240x128xf32, #tpu.memory_space<hbm>> -> memref<10240x128xf32, #tpu.memory_space<hbm>>
    tpu.enqueue_indirect_dma source(%dma_start3A_9 : memref<10240x128xf32, #tpu.memory_space<hbm>>) target(%arg6 : memref<80x128xf32, #tpu.memory_space<vmem>>) offsets(%dma_start3A_2 : memref<80xi32, #tpu.memory_space<vmem>>) semaphore(%arg16 : memref<!tpu.dma_semaphore, #tpu.memory_space<semaphore_mem>>)
    %dma_start3A_10 = arith.constant 1 : i32
    %dma_start3A_11 = arith.constant 0 : i32
    %dma_start3A_12 = tpu.memref_slice %arg5[%dma_start3A_10, %dma_start3A_11] : memref<250x80xi32, #tpu.memory_space<vmem>> -> memref<1x80xi32, #tpu.memory_space<vmem>>
    %dma_start3A_13 = tpu.memref_squeeze %dma_start3A_12 : memref<1x80xi32, #tpu.memory_space<vmem>> -> memref<80xi32, #tpu.memory_space<vmem>>
    %dma_start3A_14 = arith.constant 0 : i32
    %dma_start3A_15 = arith.constant 0 : i32
    %dma_start3A_16 = tpu.memref_slice %arg2[%arg0, %dma_start3A_14, %dma_start3A_15] : memref<2x10240x128xf32, #tpu.memory_space<hbm>> -> memref<1x10240x128xf32, #tpu.memory_space<hbm>>
    %dma_start3A_17 = tpu.memref_squeeze %dma_start3A_16 : memref<1x10240x128xf32, #tpu.memory_space<hbm>> -> memref<10240x128xf32, #tpu.memory_space<hbm>>
    %dma_start3A_18 = arith.constant 0 : i32
    %dma_start3A_19 = arith.constant 0 : i32
    %dma_start3A_20 = tpu.memref_slice %dma_start3A_17[%dma_start3A_18, %dma_start3A_19] : memref<10240x128xf32, #tpu.memory_space<hbm>> -> memref<10240x128xf32, #tpu.memory_space<hbm>>
    tpu.enqueue_indirect_dma source(%dma_start3A_20 : memref<10240x128xf32, #tpu.memory_space<hbm>>) target(%arg7 : memref<80x128xf32, #tpu.memory_space<vmem>>) offsets(%dma_start3A_13 : memref<80xi32, #tpu.memory_space<vmem>>) semaphore(%arg17 : memref<!tpu.dma_semaphore, #tpu.memory_space<semaphore_mem>>)
    %dma_start3A_21 = arith.constant 2 : i32
    %dma_start3A_22 = arith.constant 0 : i32
    %dma_start3A_23 = tpu.memref_slice %arg5[%dma_start3A_21, %dma_start3A_22] : memref<250x80xi32, #tpu.memory_space<vmem>> -> memref<1x80xi32, #tpu.memory_space<vmem>>
    %dma_start3A_24 = tpu.memref_squeeze %dma_start3A_23 : memref<1x80xi32, #tpu.memory_space<vmem>> -> memref<80xi32, #tpu.memory_space<vmem>>
    %dma_start3A_25 = arith.constant 0 : i32
    %dma_start3A_26 = arith.constant 0 : i32
    %dma_start3A_27 = tpu.memref_slice %arg2[%arg0, %dma_start3A_25, %dma_start3A_26] : memref<2x10240x128xf32, #tpu.memory_space<hbm>> -> memref<1x10240x128xf32, #tpu.memory_space<hbm>>
    %dma_start3A_28 = tpu.memref_squeeze %dma_start3A_27 : memref<1x10240x128xf32, #tpu.memory_space<hbm>> -> memref<10240x128xf32, #tpu.memory_space<hbm>>
    %dma_start3A_29 = arith.constant 0 : i32
    %dma_start3A_30 = arith.constant 0 : i32
    %dma_start3A_31 = tpu.memref_slice %dma_start3A_28[%dma_start3A_29, %dma_start3A_30] : memref<10240x128xf32, #tpu.memory_space<hbm>> -> memref<10240x128xf32, #tpu.memory_space<hbm>>
    tpu.enqueue_indirect_dma source(%dma_start3A_31 : memref<10240x128xf32, #tpu.memory_space<hbm>>) target(%arg8 : memref<80x128xf32, #tpu.memory_space<vmem>>) offsets(%dma_start3A_24 : memref<80xi32, #tpu.memory_space<vmem>>) semaphore(%arg18 : memref<!tpu.dma_semaphore, #tpu.memory_space<semaphore_mem>>)
    %dma_start3A_32 = arith.constant 3 : i32
    %dma_start3A_33 = arith.constant 0 : i32
    %dma_start3A_34 = tpu.memref_slice %arg5[%dma_start3A_32, %dma_start3A_33] : memref<250x80xi32, #tpu.memory_space<vmem>> -> memref<1x80xi32, #tpu.memory_space<vmem>>
    %dma_start3A_35 = tpu.memref_squeeze %dma_start3A_34 : memref<1x80xi32, #tpu.memory_space<vmem>> -> memref<80xi32, #tpu.memory_space<vmem>>
    %dma_start3A_36 = arith.constant 0 : i32
    %dma_start3A_37 = arith.constant 0 : i32
    %dma_start3A_38 = tpu.memref_slice %arg2[%arg0, %dma_start3A_36, %dma_start3A_37] : memref<2x10240x128xf32, #tpu.memory_space<hbm>> -> memref<1x10240x128xf32, #tpu.memory_space<hbm>>
    %dma_start3A_39 = tpu.memref_squeeze %dma_start3A_38 : memref<1x10240x128xf32, #tpu.memory_space<hbm>> -> memref<10240x128xf32, #tpu.memory_space<hbm>>
    %dma_start3A_40 = arith.constant 0 : i32
    %dma_start3A_41 = arith.constant 0 : i32
    %dma_start3A_42 = tpu.memref_slice %dma_start3A_39[%dma_start3A_40, %dma_start3A_41] : memref<10240x128xf32, #tpu.memory_space<hbm>> -> memref<10240x128xf32, #tpu.memory_space<hbm>>
    tpu.enqueue_indirect_dma source(%dma_start3A_42 : memref<10240x128xf32, #tpu.memory_space<hbm>>) target(%arg9 : memref<80x128xf32, #tpu.memory_space<vmem>>) offsets(%dma_start3A_35 : memref<80xi32, #tpu.memory_space<vmem>>) semaphore(%arg19 : memref<!tpu.dma_semaphore, #tpu.memory_space<semaphore_mem>>)
    %dma_start3A_43 = arith.constant 4 : i32
    %dma_start3A_44 = arith.constant 0 : i32
    %dma_start3A_45 = tpu.memref_slice %arg5[%dma_start3A_43, %dma_start3A_44] : memref<250x80xi32, #tpu.memory_space<vmem>> -> memref<1x80xi32, #tpu.memory_space<vmem>>
    %dma_start3A_46 = tpu.memref_squeeze %dma_start3A_45 : memref<1x80xi32, #tpu.memory_space<vmem>> -> memref<80xi32, #tpu.memory_space<vmem>>
    %dma_start3A_47 = arith.constant 0 : i32
    %dma_start3A_48 = arith.constant 0 : i32
    %dma_start3A_49 = tpu.memref_slice %arg2[%arg0, %dma_start3A_47, %dma_start3A_48] : memref<2x10240x128xf32, #tpu.memory_space<hbm>> -> memref<1x10240x128xf32, #tpu.memory_space<hbm>>
    %dma_start3A_50 = tpu.memref_squeeze %dma_start3A_49 : memref<1x10240x128xf32, #tpu.memory_space<hbm>> -> memref<10240x128xf32, #tpu.memory_space<hbm>>
    %dma_start3A_51 = arith.constant 0 : i32
    %dma_start3A_52 = arith.constant 0 : i32
    %dma_start3A_53 = tpu.memref_slice %dma_start3A_50[%dma_start3A_51, %dma_start3A_52] : memref<10240x128xf32, #tpu.memory_space<hbm>> -> memref<10240x128xf32, #tpu.memory_space<hbm>>
    tpu.enqueue_indirect_dma source(%dma_start3A_53 : memref<10240x128xf32, #tpu.memory_space<hbm>>) target(%arg10 : memref<80x128xf32, #tpu.memory_space<vmem>>) offsets(%dma_start3A_46 : memref<80xi32, #tpu.memory_space<vmem>>) semaphore(%arg20 : memref<!tpu.dma_semaphore, #tpu.memory_space<semaphore_mem>>)
    %dma_start3A_54 = arith.constant 5 : i32
    %dma_start3A_55 = arith.constant 0 : i32
    %dma_start3A_56 = tpu.memref_slice %arg5[%dma_start3A_54, %dma_start3A_55] : memref<250x80xi32, #tpu.memory_space<vmem>> -> memref<1x80xi32, #tpu.memory_space<vmem>>
    %dma_start3A_57 = tpu.memref_squeeze %dma_start3A_56 : memref<1x80xi32, #tpu.memory_space<vmem>> -> memref<80xi32, #tpu.memory_space<vmem>>
    %dma_start3A_58 = arith.constant 0 : i32
    %dma_start3A_59 = arith.constant 0 : i32
    %dma_start3A_60 = tpu.memref_slice %arg2[%arg0, %dma_start3A_58, %dma_start3A_59] : memref<2x10240x128xf32, #tpu.memory_space<hbm>> -> memref<1x10240x128xf32, #tpu.memory_space<hbm>>
    %dma_start3A_61 = tpu.memref_squeeze %dma_start3A_60 : memref<1x10240x128xf32, #tpu.memory_space<hbm>> -> memref<10240x128xf32, #tpu.memory_space<hbm>>
    %dma_start3A_62 = arith.constant 0 : i32
    %dma_start3A_63 = arith.constant 0 : i32
    %dma_start3A_64 = tpu.memref_slice %dma_start3A_61[%dma_start3A_62, %dma_start3A_63] : memref<10240x128xf32, #tpu.memory_space<hbm>> -> memref<10240x128xf32, #tpu.memory_space<hbm>>
    tpu.enqueue_indirect_dma source(%dma_start3A_64 : memref<10240x128xf32, #tpu.memory_space<hbm>>) target(%arg11 : memref<80x128xf32, #tpu.memory_space<vmem>>) offsets(%dma_start3A_57 : memref<80xi32, #tpu.memory_space<vmem>>) semaphore(%arg21 : memref<!tpu.dma_semaphore, #tpu.memory_space<semaphore_mem>>)
    %dma_start3A_65 = arith.constant 6 : i32
    %dma_start3A_66 = arith.constant 0 : i32
    %dma_start3A_67 = tpu.memref_slice %arg5[%dma_start3A_65, %dma_start3A_66] : memref<250x80xi32, #tpu.memory_space<vmem>> -> memref<1x80xi32, #tpu.memory_space<vmem>>
    %dma_start3A_68 = tpu.memref_squeeze %dma_start3A_67 : memref<1x80xi32, #tpu.memory_space<vmem>> -> memref<80xi32, #tpu.memory_space<vmem>>
    %dma_start3A_69 = arith.constant 0 : i32
    %dma_start3A_70 = arith.constant 0 : i32
    %dma_start3A_71 = tpu.memref_slice %arg2[%arg0, %dma_start3A_69, %dma_start3A_70] : memref<2x10240x128xf32, #tpu.memory_space<hbm>> -> memref<1x10240x128xf32, #tpu.memory_space<hbm>>
    %dma_start3A_72 = tpu.memref_squeeze %dma_start3A_71 : memref<1x10240x128xf32, #tpu.memory_space<hbm>> -> memref<10240x128xf32, #tpu.memory_space<hbm>>
    %dma_start3A_73 = arith.constant 0 : i32
    %dma_start3A_74 = arith.constant 0 : i32
    %dma_start3A_75 = tpu.memref_slice %dma_start3A_72[%dma_start3A_73, %dma_start3A_74] : memref<10240x128xf32, #tpu.memory_space<hbm>> -> memref<10240x128xf32, #tpu.memory_space<hbm>>
    tpu.enqueue_indirect_dma source(%dma_start3A_75 : memref<10240x128xf32, #tpu.memory_space<hbm>>) target(%arg12 : memref<80x128xf32, #tpu.memory_space<vmem>>) offsets(%dma_start3A_68 : memref<80xi32, #tpu.memory_space<vmem>>) semaphore(%arg22 : memref<!tpu.dma_semaphore, #tpu.memory_space<semaphore_mem>>)
    %dma_start3A_76 = arith.constant 7 : i32
    %dma_start3A_77 = arith.constant 0 : i32
    %dma_start3A_78 = tpu.memref_slice %arg5[%dma_start3A_76, %dma_start3A_77] : memref<250x80xi32, #tpu.memory_space<vmem>> -> memref<1x80xi32, #tpu.memory_space<vmem>>
    %dma_start3A_79 = tpu.memref_squeeze %dma_start3A_78 : memref<1x80xi32, #tpu.memory_space<vmem>> -> memref<80xi32, #tpu.memory_space<vmem>>
    %dma_start3A_80 = arith.constant 0 : i32
    %dma_start3A_81 = arith.constant 0 : i32
    %dma_start3A_82 = tpu.memref_slice %arg2[%arg0, %dma_start3A_80, %dma_start3A_81] : memref<2x10240x128xf32, #tpu.memory_space<hbm>> -> memref<1x10240x128xf32, #tpu.memory_space<hbm>>
    %dma_start3A_83 = tpu.memref_squeeze %dma_start3A_82 : memref<1x10240x128xf32, #tpu.memory_space<hbm>> -> memref<10240x128xf32, #tpu.memory_space<hbm>>
    %dma_start3A_84 = arith.constant 0 : i32
    %dma_start3A_85 = arith.constant 0 : i32
    %dma_start3A_86 = tpu.memref_slice %dma_start3A_83[%dma_start3A_84, %dma_start3A_85] : memref<10240x128xf32, #tpu.memory_space<hbm>> -> memref<10240x128xf32, #tpu.memory_space<hbm>>
    tpu.enqueue_indirect_dma source(%dma_start3A_86 : memref<10240x128xf32, #tpu.memory_space<hbm>>) target(%arg13 : memref<80x128xf32, #tpu.memory_space<vmem>>) offsets(%dma_start3A_79 : memref<80xi32, #tpu.memory_space<vmem>>) semaphore(%arg23 : memref<!tpu.dma_semaphore, #tpu.memory_space<semaphore_mem>>)
    %dma_start3A_87 = arith.constant 8 : i32
    %dma_start3A_88 = arith.constant 0 : i32
    %dma_start3A_89 = tpu.memref_slice %arg5[%dma_start3A_87, %dma_start3A_88] : memref<250x80xi32, #tpu.memory_space<vmem>> -> memref<1x80xi32, #tpu.memory_space<vmem>>
    %dma_start3A_90 = tpu.memref_squeeze %dma_start3A_89 : memref<1x80xi32, #tpu.memory_space<vmem>> -> memref<80xi32, #tpu.memory_space<vmem>>
    %dma_start3A_91 = arith.constant 0 : i32
    %dma_start3A_92 = arith.constant 0 : i32
    %dma_start3A_93 = tpu.memref_slice %arg2[%arg0, %dma_start3A_91, %dma_start3A_92] : memref<2x10240x128xf32, #tpu.memory_space<hbm>> -> memref<1x10240x128xf32, #tpu.memory_space<hbm>>
    %dma_start3A_94 = tpu.memref_squeeze %dma_start3A_93 : memref<1x10240x128xf32, #tpu.memory_space<hbm>> -> memref<10240x128xf32, #tpu.memory_space<hbm>>
    %dma_start3A_95 = arith.constant 0 : i32
    %dma_start3A_96 = arith.constant 0 : i32
    %dma_start3A_97 = tpu.memref_slice %dma_start3A_94[%dma_start3A_95, %dma_start3A_96] : memref<10240x128xf32, #tpu.memory_space<hbm>> -> memref<10240x128xf32, #tpu.memory_space<hbm>>
    tpu.enqueue_indirect_dma source(%dma_start3A_97 : memref<10240x128xf32, #tpu.memory_space<hbm>>) target(%arg14 : memref<80x128xf32, #tpu.memory_space<vmem>>) offsets(%dma_start3A_90 : memref<80xi32, #tpu.memory_space<vmem>>) semaphore(%arg24 : memref<!tpu.dma_semaphore, #tpu.memory_space<semaphore_mem>>)
    %dma_start3A_98 = arith.constant 9 : i32
    %dma_start3A_99 = arith.constant 0 : i32
    %dma_start3A_100 = tpu.memref_slice %arg5[%dma_start3A_98, %dma_start3A_99] : memref<250x80xi32, #tpu.memory_space<vmem>> -> memref<1x80xi32, #tpu.memory_space<vmem>>
    %dma_start3A_101 = tpu.memref_squeeze %dma_start3A_100 : memref<1x80xi32, #tpu.memory_space<vmem>> -> memref<80xi32, #tpu.memory_space<vmem>>
    %dma_start3A_102 = arith.constant 0 : i32
    %dma_start3A_103 = arith.constant 0 : i32
    %dma_start3A_104 = tpu.memref_slice %arg2[%arg0, %dma_start3A_102, %dma_start3A_103] : memref<2x10240x128xf32, #tpu.memory_space<hbm>> -> memref<1x10240x128xf32, #tpu.memory_space<hbm>>
    %dma_start3A_105 = tpu.memref_squeeze %dma_start3A_104 : memref<1x10240x128xf32, #tpu.memory_space<hbm>> -> memref<10240x128xf32, #tpu.memory_space<hbm>>
    %dma_start3A_106 = arith.constant 0 : i32
    %dma_start3A_107 = arith.constant 0 : i32
    %dma_start3A_108 = tpu.memref_slice %dma_start3A_105[%dma_start3A_106, %dma_start3A_107] : memref<10240x128xf32, #tpu.memory_space<hbm>> -> memref<10240x128xf32, #tpu.memory_space<hbm>>
    tpu.enqueue_indirect_dma source(%dma_start3A_108 : memref<10240x128xf32, #tpu.memory_space<hbm>>) target(%arg15 : memref<80x128xf32, #tpu.memory_space<vmem>>) offsets(%dma_start3A_101 : memref<80xi32, #tpu.memory_space<vmem>>) semaphore(%arg25 : memref<!tpu.dma_semaphore, #tpu.memory_space<semaphore_mem>>)
    %scan3A = arith.constant 0 : i32
    %scan3A_109 = arith.constant 25 : i32
    %scan3A_110 = arith.addi %scan3A, %scan3A_109 : i32
    %scan3A_111 = arith.constant 1 : i32
    scf.for %scan3A_192 = %scan3A to %scan3A_110 step %scan3A_111  : i32 {
      %mul3A = arith.constant 1 : i32
      %mul3A_193 = arith.muli %scan3A_192, %mul3A : i32
      %add3A = arith.constant 0 : i32
      %add3A_194 = arith.addi %add3A, %mul3A_193 : i32
      %mul3A_195 = arith.constant 10 : i32
      %mul3A_196 = arith.muli %mul3A_195, %add3A_194 : i32
      %add3A_197 = arith.constant 0 : i32
      %add3A_198 = arith.addi %mul3A_196, %add3A_197 : i32
      %dma_wait3A_199 = arith.constant 0 : i32
      %dma_wait3A_200 = arith.constant 0 : i32
      %dma_wait3A_201 = tpu.memref_slice %arg5[%dma_wait3A_199, %dma_wait3A_200] : memref<250x80xi32, #tpu.memory_space<vmem>> -> memref<1x80xi32, #tpu.memory_space<vmem>>
      %dma_wait3A_202 = tpu.memref_squeeze %dma_wait3A_201 : memref<1x80xi32, #tpu.memory_space<vmem>> -> memref<80xi32, #tpu.memory_space<vmem>>
      %dma_wait3A_203 = arith.constant 0 : i32
      %dma_wait3A_204 = arith.constant 0 : i32
      %dma_wait3A_205 = tpu.memref_slice %arg2[%arg0, %dma_wait3A_203, %dma_wait3A_204] : memref<2x10240x128xf32, #tpu.memory_space<hbm>> -> memref<1x10240x128xf32, #tpu.memory_space<hbm>>
      %dma_wait3A_206 = tpu.memref_squeeze %dma_wait3A_205 : memref<1x10240x128xf32, #tpu.memory_space<hbm>> -> memref<10240x128xf32, #tpu.memory_space<hbm>>
      %dma_wait3A_207 = arith.constant 0 : i32
      %dma_wait3A_208 = arith.constant 0 : i32
      %dma_wait3A_209 = tpu.memref_slice %dma_wait3A_206[%dma_wait3A_207, %dma_wait3A_208] : memref<10240x128xf32, #tpu.memory_space<hbm>> -> memref<10240x128xf32, #tpu.memory_space<hbm>>
      tpu.wait_indirect_dma semaphore(%arg16 : memref<!tpu.dma_semaphore, #tpu.memory_space<semaphore_mem>>) src(%dma_wait3A_209 : memref<10240x128xf32, #tpu.memory_space<hbm>>) dst(%arg6 : memref<80x128xf32, #tpu.memory_space<vmem>>)
      %mul3A_210 = arith.constant 250 : i32
      %mul3A_211 = arith.muli %arg1, %mul3A_210 : i32
      %add3A_212 = arith.addi %mul3A_211, %add3A_198 : i32
      %mul3A_213 = arith.constant 80 : i32
      %mul3A_214 = arith.muli %add3A_212, %mul3A_213 : i32
      %dma_start3A_215 = arith.constant 0 : i32
      %dma_start3A_216 = tpu.memref_slice %arg4[%arg0, %mul3A_214, %dma_start3A_215] : memref<2x320000x128xf32, #tpu.memory_space<hbm>> -> memref<1x80x128xf32, #tpu.memory_space<hbm>>
      %dma_start3A_217 = tpu.memref_squeeze %dma_start3A_216 : memref<1x80x128xf32, #tpu.memory_space<hbm>> -> memref<80x128xf32, #tpu.memory_space<hbm>>
      %dma_start3A_218 = arith.constant 0 : i32
      %dma_start3A_219 = tpu.memref_slice %arg4[%arg0, %mul3A_214, %dma_start3A_218] : memref<2x320000x128xf32, #tpu.memory_space<hbm>> -> memref<1x80x128xf32, #tpu.memory_space<hbm>>
      %dma_start3A_220 = tpu.memref_squeeze %dma_start3A_219 : memref<1x80x128xf32, #tpu.memory_space<hbm>> -> memref<80x128xf32, #tpu.memory_space<hbm>>
      tpu.enqueue_dma source(%arg6 : memref<80x128xf32, #tpu.memory_space<vmem>>) target(%dma_start3A_220 : memref<80x128xf32, #tpu.memory_space<hbm>>) target_semaphore(%arg26 : memref<!tpu.dma_semaphore, #tpu.memory_space<semaphore_mem>>)
      %lt3A = arith.constant 24 : i32
      %lt3A_221 = arith.cmpi slt, %add3A_194, %lt3A : i32
      %convert_element_type3A = arith.extui %lt3A_221 : i1 to i32
      %cond3A = arith.constant 0 : i32
      %cond3A_222 = arith.cmpi ne, %convert_element_type3A, %cond3A : i32
      scf.if %cond3A_222 {
        %dma_wait3A_502 = arith.constant 0 : i32
        %dma_wait3A_503 = arith.constant 0 : i32
        %dma_wait3A_504 = tpu.memref_slice %arg4[%arg0, %dma_wait3A_502, %dma_wait3A_503] : memref<2x320000x128xf32, #tpu.memory_space<hbm>> -> memref<1x80x128xf32, #tpu.memory_space<hbm>>
        %dma_wait3A_505 = tpu.memref_squeeze %dma_wait3A_504 : memref<1x80x128xf32, #tpu.memory_space<hbm>> -> memref<80x128xf32, #tpu.memory_space<hbm>>
        %dma_wait3A_506 = arith.constant 0 : i32
        %dma_wait3A_507 = arith.constant 0 : i32
        %dma_wait3A_508 = tpu.memref_slice %arg4[%arg0, %dma_wait3A_506, %dma_wait3A_507] : memref<2x320000x128xf32, #tpu.memory_space<hbm>> -> memref<1x80x128xf32, #tpu.memory_space<hbm>>
        %dma_wait3A_509 = tpu.memref_squeeze %dma_wait3A_508 : memref<1x80x128xf32, #tpu.memory_space<hbm>> -> memref<80x128xf32, #tpu.memory_space<hbm>>
        tpu.wait_dma2 semaphore(%arg26 : memref<!tpu.dma_semaphore, #tpu.memory_space<semaphore_mem>>) src(%arg6 : memref<80x128xf32, #tpu.memory_space<vmem>>) dst(%dma_wait3A_509 : memref<80x128xf32, #tpu.memory_space<hbm>>)
        %add3A_510 = arith.constant 10 : i32
        %add3A_511 = arith.addi %add3A_198, %add3A_510 : i32
        %dma_start3A_512 = arith.constant 0 : i32
        %dma_start3A_513 = tpu.memref_slice %arg5[%add3A_511, %dma_start3A_512] : memref<250x80xi32, #tpu.memory_space<vmem>> -> memref<1x80xi32, #tpu.memory_space<vmem>>
        %dma_start3A_514 = tpu.memref_squeeze %dma_start3A_513 : memref<1x80xi32, #tpu.memory_space<vmem>> -> memref<80xi32, #tpu.memory_space<vmem>>
        %dma_start3A_515 = arith.constant 0 : i32
        %dma_start3A_516 = arith.constant 0 : i32
        %dma_start3A_517 = tpu.memref_slice %arg2[%arg0, %dma_start3A_515, %dma_start3A_516] : memref<2x10240x128xf32, #tpu.memory_space<hbm>> -> memref<1x10240x128xf32, #tpu.memory_space<hbm>>
        %dma_start3A_518 = tpu.memref_squeeze %dma_start3A_517 : memref<1x10240x128xf32, #tpu.memory_space<hbm>> -> memref<10240x128xf32, #tpu.memory_space<hbm>>
        %dma_start3A_519 = arith.constant 0 : i32
        %dma_start3A_520 = arith.constant 0 : i32
        %dma_start3A_521 = tpu.memref_slice %dma_start3A_518[%dma_start3A_519, %dma_start3A_520] : memref<10240x128xf32, #tpu.memory_space<hbm>> -> memref<10240x128xf32, #tpu.memory_space<hbm>>
        tpu.enqueue_indirect_dma source(%dma_start3A_521 : memref<10240x128xf32, #tpu.memory_space<hbm>>) target(%arg6 : memref<80x128xf32, #tpu.memory_space<vmem>>) offsets(%dma_start3A_514 : memref<80xi32, #tpu.memory_space<vmem>>) semaphore(%arg16 : memref<!tpu.dma_semaphore, #tpu.memory_space<semaphore_mem>>)
      } else {
      }
      %mul3A_223 = arith.constant 10 : i32
      %mul3A_224 = arith.muli %mul3A_223, %add3A_194 : i32
      %add3A_225 = arith.constant 1 : i32
      %add3A_226 = arith.addi %mul3A_224, %add3A_225 : i32
      %dma_wait3A_227 = arith.constant 0 : i32
      %dma_wait3A_228 = arith.constant 0 : i32
      %dma_wait3A_229 = tpu.memref_slice %arg5[%dma_wait3A_227, %dma_wait3A_228] : memref<250x80xi32, #tpu.memory_space<vmem>> -> memref<1x80xi32, #tpu.memory_space<vmem>>
      %dma_wait3A_230 = tpu.memref_squeeze %dma_wait3A_229 : memref<1x80xi32, #tpu.memory_space<vmem>> -> memref<80xi32, #tpu.memory_space<vmem>>
      %dma_wait3A_231 = arith.constant 0 : i32
      %dma_wait3A_232 = arith.constant 0 : i32
      %dma_wait3A_233 = tpu.memref_slice %arg2[%arg0, %dma_wait3A_231, %dma_wait3A_232] : memref<2x10240x128xf32, #tpu.memory_space<hbm>> -> memref<1x10240x128xf32, #tpu.memory_space<hbm>>
      %dma_wait3A_234 = tpu.memref_squeeze %dma_wait3A_233 : memref<1x10240x128xf32, #tpu.memory_space<hbm>> -> memref<10240x128xf32, #tpu.memory_space<hbm>>
      %dma_wait3A_235 = arith.constant 0 : i32
      %dma_wait3A_236 = arith.constant 0 : i32
      %dma_wait3A_237 = tpu.memref_slice %dma_wait3A_234[%dma_wait3A_235, %dma_wait3A_236] : memref<10240x128xf32, #tpu.memory_space<hbm>> -> memref<10240x128xf32, #tpu.memory_space<hbm>>
      tpu.wait_indirect_dma semaphore(%arg17 : memref<!tpu.dma_semaphore, #tpu.memory_space<semaphore_mem>>) src(%dma_wait3A_237 : memref<10240x128xf32, #tpu.memory_space<hbm>>) dst(%arg7 : memref<80x128xf32, #tpu.memory_space<vmem>>)
      %mul3A_238 = arith.constant 250 : i32
      %mul3A_239 = arith.muli %arg1, %mul3A_238 : i32
      %add3A_240 = arith.addi %mul3A_239, %add3A_226 : i32
      %mul3A_241 = arith.constant 80 : i32
      %mul3A_242 = arith.muli %add3A_240, %mul3A_241 : i32
      %dma_start3A_243 = arith.constant 0 : i32
      %dma_start3A_244 = tpu.memref_slice %arg4[%arg0, %mul3A_242, %dma_start3A_243] : memref<2x320000x128xf32, #tpu.memory_space<hbm>> -> memref<1x80x128xf32, #tpu.memory_space<hbm>>
      %dma_start3A_245 = tpu.memref_squeeze %dma_start3A_244 : memref<1x80x128xf32, #tpu.memory_space<hbm>> -> memref<80x128xf32, #tpu.memory_space<hbm>>
      %dma_start3A_246 = arith.constant 0 : i32
      %dma_start3A_247 = tpu.memref_slice %arg4[%arg0, %mul3A_242, %dma_start3A_246] : memref<2x320000x128xf32, #tpu.memory_space<hbm>> -> memref<1x80x128xf32, #tpu.memory_space<hbm>>
      %dma_start3A_248 = tpu.memref_squeeze %dma_start3A_247 : memref<1x80x128xf32, #tpu.memory_space<hbm>> -> memref<80x128xf32, #tpu.memory_space<hbm>>
      tpu.enqueue_dma source(%arg7 : memref<80x128xf32, #tpu.memory_space<vmem>>) target(%dma_start3A_248 : memref<80x128xf32, #tpu.memory_space<hbm>>) target_semaphore(%arg27 : memref<!tpu.dma_semaphore, #tpu.memory_space<semaphore_mem>>)
      %lt3A_249 = arith.constant 24 : i32
      %lt3A_250 = arith.cmpi slt, %add3A_194, %lt3A_249 : i32
      %convert_element_type3A_251 = arith.extui %lt3A_250 : i1 to i32
      %cond3A_252 = arith.constant 0 : i32
      %cond3A_253 = arith.cmpi ne, %convert_element_type3A_251, %cond3A_252 : i32
      scf.if %cond3A_253 {
        %dma_wait3A_502 = arith.constant 0 : i32
        %dma_wait3A_503 = arith.constant 0 : i32
        %dma_wait3A_504 = tpu.memref_slice %arg4[%arg0, %dma_wait3A_502, %dma_wait3A_503] : memref<2x320000x128xf32, #tpu.memory_space<hbm>> -> memref<1x80x128xf32, #tpu.memory_space<hbm>>
        %dma_wait3A_505 = tpu.memref_squeeze %dma_wait3A_504 : memref<1x80x128xf32, #tpu.memory_space<hbm>> -> memref<80x128xf32, #tpu.memory_space<hbm>>
        %dma_wait3A_506 = arith.constant 0 : i32
        %dma_wait3A_507 = arith.constant 0 : i32
        %dma_wait3A_508 = tpu.memref_slice %arg4[%arg0, %dma_wait3A_506, %dma_wait3A_507] : memref<2x320000x128xf32, #tpu.memory_space<hbm>> -> memref<1x80x128xf32, #tpu.memory_space<hbm>>
        %dma_wait3A_509 = tpu.memref_squeeze %dma_wait3A_508 : memref<1x80x128xf32, #tpu.memory_space<hbm>> -> memref<80x128xf32, #tpu.memory_space<hbm>>
        tpu.wait_dma2 semaphore(%arg27 : memref<!tpu.dma_semaphore, #tpu.memory_space<semaphore_mem>>) src(%arg7 : memref<80x128xf32, #tpu.memory_space<vmem>>) dst(%dma_wait3A_509 : memref<80x128xf32, #tpu.memory_space<hbm>>)
        %add3A_510 = arith.constant 10 : i32
        %add3A_511 = arith.addi %add3A_226, %add3A_510 : i32
        %dma_start3A_512 = arith.constant 0 : i32
        %dma_start3A_513 = tpu.memref_slice %arg5[%add3A_511, %dma_start3A_512] : memref<250x80xi32, #tpu.memory_space<vmem>> -> memref<1x80xi32, #tpu.memory_space<vmem>>
        %dma_start3A_514 = tpu.memref_squeeze %dma_start3A_513 : memref<1x80xi32, #tpu.memory_space<vmem>> -> memref<80xi32, #tpu.memory_space<vmem>>
        %dma_start3A_515 = arith.constant 0 : i32
        %dma_start3A_516 = arith.constant 0 : i32
        %dma_start3A_517 = tpu.memref_slice %arg2[%arg0, %dma_start3A_515, %dma_start3A_516] : memref<2x10240x128xf32, #tpu.memory_space<hbm>> -> memref<1x10240x128xf32, #tpu.memory_space<hbm>>
        %dma_start3A_518 = tpu.memref_squeeze %dma_start3A_517 : memref<1x10240x128xf32, #tpu.memory_space<hbm>> -> memref<10240x128xf32, #tpu.memory_space<hbm>>
        %dma_start3A_519 = arith.constant 0 : i32
        %dma_start3A_520 = arith.constant 0 : i32
        %dma_start3A_521 = tpu.memref_slice %dma_start3A_518[%dma_start3A_519, %dma_start3A_520] : memref<10240x128xf32, #tpu.memory_space<hbm>> -> memref<10240x128xf32, #tpu.memory_space<hbm>>
        tpu.enqueue_indirect_dma source(%dma_start3A_521 : memref<10240x128xf32, #tpu.memory_space<hbm>>) target(%arg7 : memref<80x128xf32, #tpu.memory_space<vmem>>) offsets(%dma_start3A_514 : memref<80xi32, #tpu.memory_space<vmem>>) semaphore(%arg17 : memref<!tpu.dma_semaphore, #tpu.memory_space<semaphore_mem>>)
      } else {
      }
      %mul3A_254 = arith.constant 10 : i32
      %mul3A_255 = arith.muli %mul3A_254, %add3A_194 : i32
      %add3A_256 = arith.constant 2 : i32
      %add3A_257 = arith.addi %mul3A_255, %add3A_256 : i32
      %dma_wait3A_258 = arith.constant 0 : i32
      %dma_wait3A_259 = arith.constant 0 : i32
      %dma_wait3A_260 = tpu.memref_slice %arg5[%dma_wait3A_258, %dma_wait3A_259] : memref<250x80xi32, #tpu.memory_space<vmem>> -> memref<1x80xi32, #tpu.memory_space<vmem>>
      %dma_wait3A_261 = tpu.memref_squeeze %dma_wait3A_260 : memref<1x80xi32, #tpu.memory_space<vmem>> -> memref<80xi32, #tpu.memory_space<vmem>>
      %dma_wait3A_262 = arith.constant 0 : i32
      %dma_wait3A_263 = arith.constant 0 : i32
      %dma_wait3A_264 = tpu.memref_slice %arg2[%arg0, %dma_wait3A_262, %dma_wait3A_263] : memref<2x10240x128xf32, #tpu.memory_space<hbm>> -> memref<1x10240x128xf32, #tpu.memory_space<hbm>>
      %dma_wait3A_265 = tpu.memref_squeeze %dma_wait3A_264 : memref<1x10240x128xf32, #tpu.memory_space<hbm>> -> memref<10240x128xf32, #tpu.memory_space<hbm>>
      %dma_wait3A_266 = arith.constant 0 : i32
      %dma_wait3A_267 = arith.constant 0 : i32
      %dma_wait3A_268 = tpu.memref_slice %dma_wait3A_265[%dma_wait3A_266, %dma_wait3A_267] : memref<10240x128xf32, #tpu.memory_space<hbm>> -> memref<10240x128xf32, #tpu.memory_space<hbm>>
      tpu.wait_indirect_dma semaphore(%arg18 : memref<!tpu.dma_semaphore, #tpu.memory_space<semaphore_mem>>) src(%dma_wait3A_268 : memref<10240x128xf32, #tpu.memory_space<hbm>>) dst(%arg8 : memref<80x128xf32, #tpu.memory_space<vmem>>)
      %mul3A_269 = arith.constant 250 : i32
      %mul3A_270 = arith.muli %arg1, %mul3A_269 : i32
      %add3A_271 = arith.addi %mul3A_270, %add3A_257 : i32
      %mul3A_272 = arith.constant 80 : i32
      %mul3A_273 = arith.muli %add3A_271, %mul3A_272 : i32
      %dma_start3A_274 = arith.constant 0 : i32
      %dma_start3A_275 = tpu.memref_slice %arg4[%arg0, %mul3A_273, %dma_start3A_274] : memref<2x320000x128xf32, #tpu.memory_space<hbm>> -> memref<1x80x128xf32, #tpu.memory_space<hbm>>
      %dma_start3A_276 = tpu.memref_squeeze %dma_start3A_275 : memref<1x80x128xf32, #tpu.memory_space<hbm>> -> memref<80x128xf32, #tpu.memory_space<hbm>>
      %dma_start3A_277 = arith.constant 0 : i32
      %dma_start3A_278 = tpu.memref_slice %arg4[%arg0, %mul3A_273, %dma_start3A_277] : memref<2x320000x128xf32, #tpu.memory_space<hbm>> -> memref<1x80x128xf32, #tpu.memory_space<hbm>>
      %dma_start3A_279 = tpu.memref_squeeze %dma_start3A_278 : memref<1x80x128xf32, #tpu.memory_space<hbm>> -> memref<80x128xf32, #tpu.memory_space<hbm>>
      tpu.enqueue_dma source(%arg8 : memref<80x128xf32, #tpu.memory_space<vmem>>) target(%dma_start3A_279 : memref<80x128xf32, #tpu.memory_space<hbm>>) target_semaphore(%arg28 : memref<!tpu.dma_semaphore, #tpu.memory_space<semaphore_mem>>)
      %lt3A_280 = arith.constant 24 : i32
      %lt3A_281 = arith.cmpi slt, %add3A_194, %lt3A_280 : i32
      %convert_element_type3A_282 = arith.extui %lt3A_281 : i1 to i32
      %cond3A_283 = arith.constant 0 : i32
      %cond3A_284 = arith.cmpi ne, %convert_element_type3A_282, %cond3A_283 : i32
      scf.if %cond3A_284 {
        %dma_wait3A_502 = arith.constant 0 : i32
        %dma_wait3A_503 = arith.constant 0 : i32
        %dma_wait3A_504 = tpu.memref_slice %arg4[%arg0, %dma_wait3A_502, %dma_wait3A_503] : memref<2x320000x128xf32, #tpu.memory_space<hbm>> -> memref<1x80x128xf32, #tpu.memory_space<hbm>>
        %dma_wait3A_505 = tpu.memref_squeeze %dma_wait3A_504 : memref<1x80x128xf32, #tpu.memory_space<hbm>> -> memref<80x128xf32, #tpu.memory_space<hbm>>
        %dma_wait3A_506 = arith.constant 0 : i32
        %dma_wait3A_507 = arith.constant 0 : i32
        %dma_wait3A_508 = tpu.memref_slice %arg4[%arg0, %dma_wait3A_506, %dma_wait3A_507] : memref<2x320000x128xf32, #tpu.memory_space<hbm>> -> memref<1x80x128xf32, #tpu.memory_space<hbm>>
        %dma_wait3A_509 = tpu.memref_squeeze %dma_wait3A_508 : memref<1x80x128xf32, #tpu.memory_space<hbm>> -> memref<80x128xf32, #tpu.memory_space<hbm>>
        tpu.wait_dma2 semaphore(%arg28 : memref<!tpu.dma_semaphore, #tpu.memory_space<semaphore_mem>>) src(%arg8 : memref<80x128xf32, #tpu.memory_space<vmem>>) dst(%dma_wait3A_509 : memref<80x128xf32, #tpu.memory_space<hbm>>)
        %add3A_510 = arith.constant 10 : i32
        %add3A_511 = arith.addi %add3A_257, %add3A_510 : i32
        %dma_start3A_512 = arith.constant 0 : i32
        %dma_start3A_513 = tpu.memref_slice %arg5[%add3A_511, %dma_start3A_512] : memref<250x80xi32, #tpu.memory_space<vmem>> -> memref<1x80xi32, #tpu.memory_space<vmem>>
        %dma_start3A_514 = tpu.memref_squeeze %dma_start3A_513 : memref<1x80xi32, #tpu.memory_space<vmem>> -> memref<80xi32, #tpu.memory_space<vmem>>
        %dma_start3A_515 = arith.constant 0 : i32
        %dma_start3A_516 = arith.constant 0 : i32
        %dma_start3A_517 = tpu.memref_slice %arg2[%arg0, %dma_start3A_515, %dma_start3A_516] : memref<2x10240x128xf32, #tpu.memory_space<hbm>> -> memref<1x10240x128xf32, #tpu.memory_space<hbm>>
        %dma_start3A_518 = tpu.memref_squeeze %dma_start3A_517 : memref<1x10240x128xf32, #tpu.memory_space<hbm>> -> memref<10240x128xf32, #tpu.memory_space<hbm>>
        %dma_start3A_519 = arith.constant 0 : i32
        %dma_start3A_520 = arith.constant 0 : i32
        %dma_start3A_521 = tpu.memref_slice %dma_start3A_518[%dma_start3A_519, %dma_start3A_520] : memref<10240x128xf32, #tpu.memory_space<hbm>> -> memref<10240x128xf32, #tpu.memory_space<hbm>>
        tpu.enqueue_indirect_dma source(%dma_start3A_521 : memref<10240x128xf32, #tpu.memory_space<hbm>>) target(%arg8 : memref<80x128xf32, #tpu.memory_space<vmem>>) offsets(%dma_start3A_514 : memref<80xi32, #tpu.memory_space<vmem>>) semaphore(%arg18 : memref<!tpu.dma_semaphore, #tpu.memory_space<semaphore_mem>>)
      } else {
      }
      %mul3A_285 = arith.constant 10 : i32
      %mul3A_286 = arith.muli %mul3A_285, %add3A_194 : i32
      %add3A_287 = arith.constant 3 : i32
      %add3A_288 = arith.addi %mul3A_286, %add3A_287 : i32
      %dma_wait3A_289 = arith.constant 0 : i32
      %dma_wait3A_290 = arith.constant 0 : i32
      %dma_wait3A_291 = tpu.memref_slice %arg5[%dma_wait3A_289, %dma_wait3A_290] : memref<250x80xi32, #tpu.memory_space<vmem>> -> memref<1x80xi32, #tpu.memory_space<vmem>>
      %dma_wait3A_292 = tpu.memref_squeeze %dma_wait3A_291 : memref<1x80xi32, #tpu.memory_space<vmem>> -> memref<80xi32, #tpu.memory_space<vmem>>
      %dma_wait3A_293 = arith.constant 0 : i32
      %dma_wait3A_294 = arith.constant 0 : i32
      %dma_wait3A_295 = tpu.memref_slice %arg2[%arg0, %dma_wait3A_293, %dma_wait3A_294] : memref<2x10240x128xf32, #tpu.memory_space<hbm>> -> memref<1x10240x128xf32, #tpu.memory_space<hbm>>
      %dma_wait3A_296 = tpu.memref_squeeze %dma_wait3A_295 : memref<1x10240x128xf32, #tpu.memory_space<hbm>> -> memref<10240x128xf32, #tpu.memory_space<hbm>>
      %dma_wait3A_297 = arith.constant 0 : i32
      %dma_wait3A_298 = arith.constant 0 : i32
      %dma_wait3A_299 = tpu.memref_slice %dma_wait3A_296[%dma_wait3A_297, %dma_wait3A_298] : memref<10240x128xf32, #tpu.memory_space<hbm>> -> memref<10240x128xf32, #tpu.memory_space<hbm>>
      tpu.wait_indirect_dma semaphore(%arg19 : memref<!tpu.dma_semaphore, #tpu.memory_space<semaphore_mem>>) src(%dma_wait3A_299 : memref<10240x128xf32, #tpu.memory_space<hbm>>) dst(%arg9 : memref<80x128xf32, #tpu.memory_space<vmem>>)
      %mul3A_300 = arith.constant 250 : i32
      %mul3A_301 = arith.muli %arg1, %mul3A_300 : i32
      %add3A_302 = arith.addi %mul3A_301, %add3A_288 : i32
      %mul3A_303 = arith.constant 80 : i32
      %mul3A_304 = arith.muli %add3A_302, %mul3A_303 : i32
      %dma_start3A_305 = arith.constant 0 : i32
      %dma_start3A_306 = tpu.memref_slice %arg4[%arg0, %mul3A_304, %dma_start3A_305] : memref<2x320000x128xf32, #tpu.memory_space<hbm>> -> memref<1x80x128xf32, #tpu.memory_space<hbm>>
      %dma_start3A_307 = tpu.memref_squeeze %dma_start3A_306 : memref<1x80x128xf32, #tpu.memory_space<hbm>> -> memref<80x128xf32, #tpu.memory_space<hbm>>
      %dma_start3A_308 = arith.constant 0 : i32
      %dma_start3A_309 = tpu.memref_slice %arg4[%arg0, %mul3A_304, %dma_start3A_308] : memref<2x320000x128xf32, #tpu.memory_space<hbm>> -> memref<1x80x128xf32, #tpu.memory_space<hbm>>
      %dma_start3A_310 = tpu.memref_squeeze %dma_start3A_309 : memref<1x80x128xf32, #tpu.memory_space<hbm>> -> memref<80x128xf32, #tpu.memory_space<hbm>>
      tpu.enqueue_dma source(%arg9 : memref<80x128xf32, #tpu.memory_space<vmem>>) target(%dma_start3A_310 : memref<80x128xf32, #tpu.memory_space<hbm>>) target_semaphore(%arg29 : memref<!tpu.dma_semaphore, #tpu.memory_space<semaphore_mem>>)
      %lt3A_311 = arith.constant 24 : i32
      %lt3A_312 = arith.cmpi slt, %add3A_194, %lt3A_311 : i32
      %convert_element_type3A_313 = arith.extui %lt3A_312 : i1 to i32
      %cond3A_314 = arith.constant 0 : i32
      %cond3A_315 = arith.cmpi ne, %convert_element_type3A_313, %cond3A_314 : i32
      scf.if %cond3A_315 {
        %dma_wait3A_502 = arith.constant 0 : i32
        %dma_wait3A_503 = arith.constant 0 : i32
        %dma_wait3A_504 = tpu.memref_slice %arg4[%arg0, %dma_wait3A_502, %dma_wait3A_503] : memref<2x320000x128xf32, #tpu.memory_space<hbm>> -> memref<1x80x128xf32, #tpu.memory_space<hbm>>
        %dma_wait3A_505 = tpu.memref_squeeze %dma_wait3A_504 : memref<1x80x128xf32, #tpu.memory_space<hbm>> -> memref<80x128xf32, #tpu.memory_space<hbm>>
        %dma_wait3A_506 = arith.constant 0 : i32
        %dma_wait3A_507 = arith.constant 0 : i32
        %dma_wait3A_508 = tpu.memref_slice %arg4[%arg0, %dma_wait3A_506, %dma_wait3A_507] : memref<2x320000x128xf32, #tpu.memory_space<hbm>> -> memref<1x80x128xf32, #tpu.memory_space<hbm>>
        %dma_wait3A_509 = tpu.memref_squeeze %dma_wait3A_508 : memref<1x80x128xf32, #tpu.memory_space<hbm>> -> memref<80x128xf32, #tpu.memory_space<hbm>>
        tpu.wait_dma2 semaphore(%arg29 : memref<!tpu.dma_semaphore, #tpu.memory_space<semaphore_mem>>) src(%arg9 : memref<80x128xf32, #tpu.memory_space<vmem>>) dst(%dma_wait3A_509 : memref<80x128xf32, #tpu.memory_space<hbm>>)
        %add3A_510 = arith.constant 10 : i32
        %add3A_511 = arith.addi %add3A_288, %add3A_510 : i32
        %dma_start3A_512 = arith.constant 0 : i32
        %dma_start3A_513 = tpu.memref_slice %arg5[%add3A_511, %dma_start3A_512] : memref<250x80xi32, #tpu.memory_space<vmem>> -> memref<1x80xi32, #tpu.memory_space<vmem>>
        %dma_start3A_514 = tpu.memref_squeeze %dma_start3A_513 : memref<1x80xi32, #tpu.memory_space<vmem>> -> memref<80xi32, #tpu.memory_space<vmem>>
        %dma_start3A_515 = arith.constant 0 : i32
        %dma_start3A_516 = arith.constant 0 : i32
        %dma_start3A_517 = tpu.memref_slice %arg2[%arg0, %dma_start3A_515, %dma_start3A_516] : memref<2x10240x128xf32, #tpu.memory_space<hbm>> -> memref<1x10240x128xf32, #tpu.memory_space<hbm>>
        %dma_start3A_518 = tpu.memref_squeeze %dma_start3A_517 : memref<1x10240x128xf32, #tpu.memory_space<hbm>> -> memref<10240x128xf32, #tpu.memory_space<hbm>>
        %dma_start3A_519 = arith.constant 0 : i32
        %dma_start3A_520 = arith.constant 0 : i32
        %dma_start3A_521 = tpu.memref_slice %dma_start3A_518[%dma_start3A_519, %dma_start3A_520] : memref<10240x128xf32, #tpu.memory_space<hbm>> -> memref<10240x128xf32, #tpu.memory_space<hbm>>
        tpu.enqueue_indirect_dma source(%dma_start3A_521 : memref<10240x128xf32, #tpu.memory_space<hbm>>) target(%arg9 : memref<80x128xf32, #tpu.memory_space<vmem>>) offsets(%dma_start3A_514 : memref<80xi32, #tpu.memory_space<vmem>>) semaphore(%arg19 : memref<!tpu.dma_semaphore, #tpu.memory_space<semaphore_mem>>)
      } else {
      }
      %mul3A_316 = arith.constant 10 : i32
      %mul3A_317 = arith.muli %mul3A_316, %add3A_194 : i32
      %add3A_318 = arith.constant 4 : i32
      %add3A_319 = arith.addi %mul3A_317, %add3A_318 : i32
      %dma_wait3A_320 = arith.constant 0 : i32
      %dma_wait3A_321 = arith.constant 0 : i32
      %dma_wait3A_322 = tpu.memref_slice %arg5[%dma_wait3A_320, %dma_wait3A_321] : memref<250x80xi32, #tpu.memory_space<vmem>> -> memref<1x80xi32, #tpu.memory_space<vmem>>
      %dma_wait3A_323 = tpu.memref_squeeze %dma_wait3A_322 : memref<1x80xi32, #tpu.memory_space<vmem>> -> memref<80xi32, #tpu.memory_space<vmem>>
      %dma_wait3A_324 = arith.constant 0 : i32
      %dma_wait3A_325 = arith.constant 0 : i32
      %dma_wait3A_326 = tpu.memref_slice %arg2[%arg0, %dma_wait3A_324, %dma_wait3A_325] : memref<2x10240x128xf32, #tpu.memory_space<hbm>> -> memref<1x10240x128xf32, #tpu.memory_space<hbm>>
      %dma_wait3A_327 = tpu.memref_squeeze %dma_wait3A_326 : memref<1x10240x128xf32, #tpu.memory_space<hbm>> -> memref<10240x128xf32, #tpu.memory_space<hbm>>
      %dma_wait3A_328 = arith.constant 0 : i32
      %dma_wait3A_329 = arith.constant 0 : i32
      %dma_wait3A_330 = tpu.memref_slice %dma_wait3A_327[%dma_wait3A_328, %dma_wait3A_329] : memref<10240x128xf32, #tpu.memory_space<hbm>> -> memref<10240x128xf32, #tpu.memory_space<hbm>>
      tpu.wait_indirect_dma semaphore(%arg20 : memref<!tpu.dma_semaphore, #tpu.memory_space<semaphore_mem>>) src(%dma_wait3A_330 : memref<10240x128xf32, #tpu.memory_space<hbm>>) dst(%arg10 : memref<80x128xf32, #tpu.memory_space<vmem>>)
      %mul3A_331 = arith.constant 250 : i32
      %mul3A_332 = arith.muli %arg1, %mul3A_331 : i32
      %add3A_333 = arith.addi %mul3A_332, %add3A_319 : i32
      %mul3A_334 = arith.constant 80 : i32
      %mul3A_335 = arith.muli %add3A_333, %mul3A_334 : i32
      %dma_start3A_336 = arith.constant 0 : i32
      %dma_start3A_337 = tpu.memref_slice %arg4[%arg0, %mul3A_335, %dma_start3A_336] : memref<2x320000x128xf32, #tpu.memory_space<hbm>> -> memref<1x80x128xf32, #tpu.memory_space<hbm>>
      %dma_start3A_338 = tpu.memref_squeeze %dma_start3A_337 : memref<1x80x128xf32, #tpu.memory_space<hbm>> -> memref<80x128xf32, #tpu.memory_space<hbm>>
      %dma_start3A_339 = arith.constant 0 : i32
      %dma_start3A_340 = tpu.memref_slice %arg4[%arg0, %mul3A_335, %dma_start3A_339] : memref<2x320000x128xf32, #tpu.memory_space<hbm>> -> memref<1x80x128xf32, #tpu.memory_space<hbm>>
      %dma_start3A_341 = tpu.memref_squeeze %dma_start3A_340 : memref<1x80x128xf32, #tpu.memory_space<hbm>> -> memref<80x128xf32, #tpu.memory_space<hbm>>
      tpu.enqueue_dma source(%arg10 : memref<80x128xf32, #tpu.memory_space<vmem>>) target(%dma_start3A_341 : memref<80x128xf32, #tpu.memory_space<hbm>>) target_semaphore(%arg30 : memref<!tpu.dma_semaphore, #tpu.memory_space<semaphore_mem>>)
      %lt3A_342 = arith.constant 24 : i32
      %lt3A_343 = arith.cmpi slt, %add3A_194, %lt3A_342 : i32
      %convert_element_type3A_344 = arith.extui %lt3A_343 : i1 to i32
      %cond3A_345 = arith.constant 0 : i32
      %cond3A_346 = arith.cmpi ne, %convert_element_type3A_344, %cond3A_345 : i32
      scf.if %cond3A_346 {
        %dma_wait3A_502 = arith.constant 0 : i32
        %dma_wait3A_503 = arith.constant 0 : i32
        %dma_wait3A_504 = tpu.memref_slice %arg4[%arg0, %dma_wait3A_502, %dma_wait3A_503] : memref<2x320000x128xf32, #tpu.memory_space<hbm>> -> memref<1x80x128xf32, #tpu.memory_space<hbm>>
        %dma_wait3A_505 = tpu.memref_squeeze %dma_wait3A_504 : memref<1x80x128xf32, #tpu.memory_space<hbm>> -> memref<80x128xf32, #tpu.memory_space<hbm>>
        %dma_wait3A_506 = arith.constant 0 : i32
        %dma_wait3A_507 = arith.constant 0 : i32
        %dma_wait3A_508 = tpu.memref_slice %arg4[%arg0, %dma_wait3A_506, %dma_wait3A_507] : memref<2x320000x128xf32, #tpu.memory_space<hbm>> -> memref<1x80x128xf32, #tpu.memory_space<hbm>>
        %dma_wait3A_509 = tpu.memref_squeeze %dma_wait3A_508 : memref<1x80x128xf32, #tpu.memory_space<hbm>> -> memref<80x128xf32, #tpu.memory_space<hbm>>
        tpu.wait_dma2 semaphore(%arg30 : memref<!tpu.dma_semaphore, #tpu.memory_space<semaphore_mem>>) src(%arg10 : memref<80x128xf32, #tpu.memory_space<vmem>>) dst(%dma_wait3A_509 : memref<80x128xf32, #tpu.memory_space<hbm>>)
        %add3A_510 = arith.constant 10 : i32
        %add3A_511 = arith.addi %add3A_319, %add3A_510 : i32
        %dma_start3A_512 = arith.constant 0 : i32
        %dma_start3A_513 = tpu.memref_slice %arg5[%add3A_511, %dma_start3A_512] : memref<250x80xi32, #tpu.memory_space<vmem>> -> memref<1x80xi32, #tpu.memory_space<vmem>>
        %dma_start3A_514 = tpu.memref_squeeze %dma_start3A_513 : memref<1x80xi32, #tpu.memory_space<vmem>> -> memref<80xi32, #tpu.memory_space<vmem>>
        %dma_start3A_515 = arith.constant 0 : i32
        %dma_start3A_516 = arith.constant 0 : i32
        %dma_start3A_517 = tpu.memref_slice %arg2[%arg0, %dma_start3A_515, %dma_start3A_516] : memref<2x10240x128xf32, #tpu.memory_space<hbm>> -> memref<1x10240x128xf32, #tpu.memory_space<hbm>>
        %dma_start3A_518 = tpu.memref_squeeze %dma_start3A_517 : memref<1x10240x128xf32, #tpu.memory_space<hbm>> -> memref<10240x128xf32, #tpu.memory_space<hbm>>
        %dma_start3A_519 = arith.constant 0 : i32
        %dma_start3A_520 = arith.constant 0 : i32
        %dma_start3A_521 = tpu.memref_slice %dma_start3A_518[%dma_start3A_519, %dma_start3A_520] : memref<10240x128xf32, #tpu.memory_space<hbm>> -> memref<10240x128xf32, #tpu.memory_space<hbm>>
        tpu.enqueue_indirect_dma source(%dma_start3A_521 : memref<10240x128xf32, #tpu.memory_space<hbm>>) target(%arg10 : memref<80x128xf32, #tpu.memory_space<vmem>>) offsets(%dma_start3A_514 : memref<80xi32, #tpu.memory_space<vmem>>) semaphore(%arg20 : memref<!tpu.dma_semaphore, #tpu.memory_space<semaphore_mem>>)
      } else {
      }
      %mul3A_347 = arith.constant 10 : i32
      %mul3A_348 = arith.muli %mul3A_347, %add3A_194 : i32
      %add3A_349 = arith.constant 5 : i32
      %add3A_350 = arith.addi %mul3A_348, %add3A_349 : i32
      %dma_wait3A_351 = arith.constant 0 : i32
      %dma_wait3A_352 = arith.constant 0 : i32
      %dma_wait3A_353 = tpu.memref_slice %arg5[%dma_wait3A_351, %dma_wait3A_352] : memref<250x80xi32, #tpu.memory_space<vmem>> -> memref<1x80xi32, #tpu.memory_space<vmem>>
      %dma_wait3A_354 = tpu.memref_squeeze %dma_wait3A_353 : memref<1x80xi32, #tpu.memory_space<vmem>> -> memref<80xi32, #tpu.memory_space<vmem>>
      %dma_wait3A_355 = arith.constant 0 : i32
      %dma_wait3A_356 = arith.constant 0 : i32
      %dma_wait3A_357 = tpu.memref_slice %arg2[%arg0, %dma_wait3A_355, %dma_wait3A_356] : memref<2x10240x128xf32, #tpu.memory_space<hbm>> -> memref<1x10240x128xf32, #tpu.memory_space<hbm>>
      %dma_wait3A_358 = tpu.memref_squeeze %dma_wait3A_357 : memref<1x10240x128xf32, #tpu.memory_space<hbm>> -> memref<10240x128xf32, #tpu.memory_space<hbm>>
      %dma_wait3A_359 = arith.constant 0 : i32
      %dma_wait3A_360 = arith.constant 0 : i32
      %dma_wait3A_361 = tpu.memref_slice %dma_wait3A_358[%dma_wait3A_359, %dma_wait3A_360] : memref<10240x128xf32, #tpu.memory_space<hbm>> -> memref<10240x128xf32, #tpu.memory_space<hbm>>
      tpu.wait_indirect_dma semaphore(%arg21 : memref<!tpu.dma_semaphore, #tpu.memory_space<semaphore_mem>>) src(%dma_wait3A_361 : memref<10240x128xf32, #tpu.memory_space<hbm>>) dst(%arg11 : memref<80x128xf32, #tpu.memory_space<vmem>>)
      %mul3A_362 = arith.constant 250 : i32
      %mul3A_363 = arith.muli %arg1, %mul3A_362 : i32
      %add3A_364 = arith.addi %mul3A_363, %add3A_350 : i32
      %mul3A_365 = arith.constant 80 : i32
      %mul3A_366 = arith.muli %add3A_364, %mul3A_365 : i32
      %dma_start3A_367 = arith.constant 0 : i32
      %dma_start3A_368 = tpu.memref_slice %arg4[%arg0, %mul3A_366, %dma_start3A_367] : memref<2x320000x128xf32, #tpu.memory_space<hbm>> -> memref<1x80x128xf32, #tpu.memory_space<hbm>>
      %dma_start3A_369 = tpu.memref_squeeze %dma_start3A_368 : memref<1x80x128xf32, #tpu.memory_space<hbm>> -> memref<80x128xf32, #tpu.memory_space<hbm>>
      %dma_start3A_370 = arith.constant 0 : i32
      %dma_start3A_371 = tpu.memref_slice %arg4[%arg0, %mul3A_366, %dma_start3A_370] : memref<2x320000x128xf32, #tpu.memory_space<hbm>> -> memref<1x80x128xf32, #tpu.memory_space<hbm>>
      %dma_start3A_372 = tpu.memref_squeeze %dma_start3A_371 : memref<1x80x128xf32, #tpu.memory_space<hbm>> -> memref<80x128xf32, #tpu.memory_space<hbm>>
      tpu.enqueue_dma source(%arg11 : memref<80x128xf32, #tpu.memory_space<vmem>>) target(%dma_start3A_372 : memref<80x128xf32, #tpu.memory_space<hbm>>) target_semaphore(%arg31 : memref<!tpu.dma_semaphore, #tpu.memory_space<semaphore_mem>>)
      %lt3A_373 = arith.constant 24 : i32
      %lt3A_374 = arith.cmpi slt, %add3A_194, %lt3A_373 : i32
      %convert_element_type3A_375 = arith.extui %lt3A_374 : i1 to i32
      %cond3A_376 = arith.constant 0 : i32
      %cond3A_377 = arith.cmpi ne, %convert_element_type3A_375, %cond3A_376 : i32
      scf.if %cond3A_377 {
        %dma_wait3A_502 = arith.constant 0 : i32
        %dma_wait3A_503 = arith.constant 0 : i32
        %dma_wait3A_504 = tpu.memref_slice %arg4[%arg0, %dma_wait3A_502, %dma_wait3A_503] : memref<2x320000x128xf32, #tpu.memory_space<hbm>> -> memref<1x80x128xf32, #tpu.memory_space<hbm>>
        %dma_wait3A_505 = tpu.memref_squeeze %dma_wait3A_504 : memref<1x80x128xf32, #tpu.memory_space<hbm>> -> memref<80x128xf32, #tpu.memory_space<hbm>>
        %dma_wait3A_506 = arith.constant 0 : i32
        %dma_wait3A_507 = arith.constant 0 : i32
        %dma_wait3A_508 = tpu.memref_slice %arg4[%arg0, %dma_wait3A_506, %dma_wait3A_507] : memref<2x320000x128xf32, #tpu.memory_space<hbm>> -> memref<1x80x128xf32, #tpu.memory_space<hbm>>
        %dma_wait3A_509 = tpu.memref_squeeze %dma_wait3A_508 : memref<1x80x128xf32, #tpu.memory_space<hbm>> -> memref<80x128xf32, #tpu.memory_space<hbm>>
        tpu.wait_dma2 semaphore(%arg31 : memref<!tpu.dma_semaphore, #tpu.memory_space<semaphore_mem>>) src(%arg11 : memref<80x128xf32, #tpu.memory_space<vmem>>) dst(%dma_wait3A_509 : memref<80x128xf32, #tpu.memory_space<hbm>>)
        %add3A_510 = arith.constant 10 : i32
        %add3A_511 = arith.addi %add3A_350, %add3A_510 : i32
        %dma_start3A_512 = arith.constant 0 : i32
        %dma_start3A_513 = tpu.memref_slice %arg5[%add3A_511, %dma_start3A_512] : memref<250x80xi32, #tpu.memory_space<vmem>> -> memref<1x80xi32, #tpu.memory_space<vmem>>
        %dma_start3A_514 = tpu.memref_squeeze %dma_start3A_513 : memref<1x80xi32, #tpu.memory_space<vmem>> -> memref<80xi32, #tpu.memory_space<vmem>>
        %dma_start3A_515 = arith.constant 0 : i32
        %dma_start3A_516 = arith.constant 0 : i32
        %dma_start3A_517 = tpu.memref_slice %arg2[%arg0, %dma_start3A_515, %dma_start3A_516] : memref<2x10240x128xf32, #tpu.memory_space<hbm>> -> memref<1x10240x128xf32, #tpu.memory_space<hbm>>
        %dma_start3A_518 = tpu.memref_squeeze %dma_start3A_517 : memref<1x10240x128xf32, #tpu.memory_space<hbm>> -> memref<10240x128xf32, #tpu.memory_space<hbm>>
        %dma_start3A_519 = arith.constant 0 : i32
        %dma_start3A_520 = arith.constant 0 : i32
        %dma_start3A_521 = tpu.memref_slice %dma_start3A_518[%dma_start3A_519, %dma_start3A_520] : memref<10240x128xf32, #tpu.memory_space<hbm>> -> memref<10240x128xf32, #tpu.memory_space<hbm>>
        tpu.enqueue_indirect_dma source(%dma_start3A_521 : memref<10240x128xf32, #tpu.memory_space<hbm>>) target(%arg11 : memref<80x128xf32, #tpu.memory_space<vmem>>) offsets(%dma_start3A_514 : memref<80xi32, #tpu.memory_space<vmem>>) semaphore(%arg21 : memref<!tpu.dma_semaphore, #tpu.memory_space<semaphore_mem>>)
      } else {
      }
      %mul3A_378 = arith.constant 10 : i32
      %mul3A_379 = arith.muli %mul3A_378, %add3A_194 : i32
      %add3A_380 = arith.constant 6 : i32
      %add3A_381 = arith.addi %mul3A_379, %add3A_380 : i32
      %dma_wait3A_382 = arith.constant 0 : i32
      %dma_wait3A_383 = arith.constant 0 : i32
      %dma_wait3A_384 = tpu.memref_slice %arg5[%dma_wait3A_382, %dma_wait3A_383] : memref<250x80xi32, #tpu.memory_space<vmem>> -> memref<1x80xi32, #tpu.memory_space<vmem>>
      %dma_wait3A_385 = tpu.memref_squeeze %dma_wait3A_384 : memref<1x80xi32, #tpu.memory_space<vmem>> -> memref<80xi32, #tpu.memory_space<vmem>>
      %dma_wait3A_386 = arith.constant 0 : i32
      %dma_wait3A_387 = arith.constant 0 : i32
      %dma_wait3A_388 = tpu.memref_slice %arg2[%arg0, %dma_wait3A_386, %dma_wait3A_387] : memref<2x10240x128xf32, #tpu.memory_space<hbm>> -> memref<1x10240x128xf32, #tpu.memory_space<hbm>>
      %dma_wait3A_389 = tpu.memref_squeeze %dma_wait3A_388 : memref<1x10240x128xf32, #tpu.memory_space<hbm>> -> memref<10240x128xf32, #tpu.memory_space<hbm>>
      %dma_wait3A_390 = arith.constant 0 : i32
      %dma_wait3A_391 = arith.constant 0 : i32
      %dma_wait3A_392 = tpu.memref_slice %dma_wait3A_389[%dma_wait3A_390, %dma_wait3A_391] : memref<10240x128xf32, #tpu.memory_space<hbm>> -> memref<10240x128xf32, #tpu.memory_space<hbm>>
      tpu.wait_indirect_dma semaphore(%arg22 : memref<!tpu.dma_semaphore, #tpu.memory_space<semaphore_mem>>) src(%dma_wait3A_392 : memref<10240x128xf32, #tpu.memory_space<hbm>>) dst(%arg12 : memref<80x128xf32, #tpu.memory_space<vmem>>)
      %mul3A_393 = arith.constant 250 : i32
      %mul3A_394 = arith.muli %arg1, %mul3A_393 : i32
      %add3A_395 = arith.addi %mul3A_394, %add3A_381 : i32
      %mul3A_396 = arith.constant 80 : i32
      %mul3A_397 = arith.muli %add3A_395, %mul3A_396 : i32
      %dma_start3A_398 = arith.constant 0 : i32
      %dma_start3A_399 = tpu.memref_slice %arg4[%arg0, %mul3A_397, %dma_start3A_398] : memref<2x320000x128xf32, #tpu.memory_space<hbm>> -> memref<1x80x128xf32, #tpu.memory_space<hbm>>
      %dma_start3A_400 = tpu.memref_squeeze %dma_start3A_399 : memref<1x80x128xf32, #tpu.memory_space<hbm>> -> memref<80x128xf32, #tpu.memory_space<hbm>>
      %dma_start3A_401 = arith.constant 0 : i32
      %dma_start3A_402 = tpu.memref_slice %arg4[%arg0, %mul3A_397, %dma_start3A_401] : memref<2x320000x128xf32, #tpu.memory_space<hbm>> -> memref<1x80x128xf32, #tpu.memory_space<hbm>>
      %dma_start3A_403 = tpu.memref_squeeze %dma_start3A_402 : memref<1x80x128xf32, #tpu.memory_space<hbm>> -> memref<80x128xf32, #tpu.memory_space<hbm>>
      tpu.enqueue_dma source(%arg12 : memref<80x128xf32, #tpu.memory_space<vmem>>) target(%dma_start3A_403 : memref<80x128xf32, #tpu.memory_space<hbm>>) target_semaphore(%arg32 : memref<!tpu.dma_semaphore, #tpu.memory_space<semaphore_mem>>)
      %lt3A_404 = arith.constant 24 : i32
      %lt3A_405 = arith.cmpi slt, %add3A_194, %lt3A_404 : i32
      %convert_element_type3A_406 = arith.extui %lt3A_405 : i1 to i32
      %cond3A_407 = arith.constant 0 : i32
      %cond3A_408 = arith.cmpi ne, %convert_element_type3A_406, %cond3A_407 : i32
      scf.if %cond3A_408 {
        %dma_wait3A_502 = arith.constant 0 : i32
        %dma_wait3A_503 = arith.constant 0 : i32
        %dma_wait3A_504 = tpu.memref_slice %arg4[%arg0, %dma_wait3A_502, %dma_wait3A_503] : memref<2x320000x128xf32, #tpu.memory_space<hbm>> -> memref<1x80x128xf32, #tpu.memory_space<hbm>>
        %dma_wait3A_505 = tpu.memref_squeeze %dma_wait3A_504 : memref<1x80x128xf32, #tpu.memory_space<hbm>> -> memref<80x128xf32, #tpu.memory_space<hbm>>
        %dma_wait3A_506 = arith.constant 0 : i32
        %dma_wait3A_507 = arith.constant 0 : i32
        %dma_wait3A_508 = tpu.memref_slice %arg4[%arg0, %dma_wait3A_506, %dma_wait3A_507] : memref<2x320000x128xf32, #tpu.memory_space<hbm>> -> memref<1x80x128xf32, #tpu.memory_space<hbm>>
        %dma_wait3A_509 = tpu.memref_squeeze %dma_wait3A_508 : memref<1x80x128xf32, #tpu.memory_space<hbm>> -> memref<80x128xf32, #tpu.memory_space<hbm>>
        tpu.wait_dma2 semaphore(%arg32 : memref<!tpu.dma_semaphore, #tpu.memory_space<semaphore_mem>>) src(%arg12 : memref<80x128xf32, #tpu.memory_space<vmem>>) dst(%dma_wait3A_509 : memref<80x128xf32, #tpu.memory_space<hbm>>)
        %add3A_510 = arith.constant 10 : i32
        %add3A_511 = arith.addi %add3A_381, %add3A_510 : i32
        %dma_start3A_512 = arith.constant 0 : i32
        %dma_start3A_513 = tpu.memref_slice %arg5[%add3A_511, %dma_start3A_512] : memref<250x80xi32, #tpu.memory_space<vmem>> -> memref<1x80xi32, #tpu.memory_space<vmem>>
        %dma_start3A_514 = tpu.memref_squeeze %dma_start3A_513 : memref<1x80xi32, #tpu.memory_space<vmem>> -> memref<80xi32, #tpu.memory_space<vmem>>
        %dma_start3A_515 = arith.constant 0 : i32
        %dma_start3A_516 = arith.constant 0 : i32
        %dma_start3A_517 = tpu.memref_slice %arg2[%arg0, %dma_start3A_515, %dma_start3A_516] : memref<2x10240x128xf32, #tpu.memory_space<hbm>> -> memref<1x10240x128xf32, #tpu.memory_space<hbm>>
        %dma_start3A_518 = tpu.memref_squeeze %dma_start3A_517 : memref<1x10240x128xf32, #tpu.memory_space<hbm>> -> memref<10240x128xf32, #tpu.memory_space<hbm>>
        %dma_start3A_519 = arith.constant 0 : i32
        %dma_start3A_520 = arith.constant 0 : i32
        %dma_start3A_521 = tpu.memref_slice %dma_start3A_518[%dma_start3A_519, %dma_start3A_520] : memref<10240x128xf32, #tpu.memory_space<hbm>> -> memref<10240x128xf32, #tpu.memory_space<hbm>>
        tpu.enqueue_indirect_dma source(%dma_start3A_521 : memref<10240x128xf32, #tpu.memory_space<hbm>>) target(%arg12 : memref<80x128xf32, #tpu.memory_space<vmem>>) offsets(%dma_start3A_514 : memref<80xi32, #tpu.memory_space<vmem>>) semaphore(%arg22 : memref<!tpu.dma_semaphore, #tpu.memory_space<semaphore_mem>>)
      } else {
      }
      %mul3A_409 = arith.constant 10 : i32
      %mul3A_410 = arith.muli %mul3A_409, %add3A_194 : i32
      %add3A_411 = arith.constant 7 : i32
      %add3A_412 = arith.addi %mul3A_410, %add3A_411 : i32
      %dma_wait3A_413 = arith.constant 0 : i32
      %dma_wait3A_414 = arith.constant 0 : i32
      %dma_wait3A_415 = tpu.memref_slice %arg5[%dma_wait3A_413, %dma_wait3A_414] : memref<250x80xi32, #tpu.memory_space<vmem>> -> memref<1x80xi32, #tpu.memory_space<vmem>>
      %dma_wait3A_416 = tpu.memref_squeeze %dma_wait3A_415 : memref<1x80xi32, #tpu.memory_space<vmem>> -> memref<80xi32, #tpu.memory_space<vmem>>
      %dma_wait3A_417 = arith.constant 0 : i32
      %dma_wait3A_418 = arith.constant 0 : i32
      %dma_wait3A_419 = tpu.memref_slice %arg2[%arg0, %dma_wait3A_417, %dma_wait3A_418] : memref<2x10240x128xf32, #tpu.memory_space<hbm>> -> memref<1x10240x128xf32, #tpu.memory_space<hbm>>
      %dma_wait3A_420 = tpu.memref_squeeze %dma_wait3A_419 : memref<1x10240x128xf32, #tpu.memory_space<hbm>> -> memref<10240x128xf32, #tpu.memory_space<hbm>>
      %dma_wait3A_421 = arith.constant 0 : i32
      %dma_wait3A_422 = arith.constant 0 : i32
      %dma_wait3A_423 = tpu.memref_slice %dma_wait3A_420[%dma_wait3A_421, %dma_wait3A_422] : memref<10240x128xf32, #tpu.memory_space<hbm>> -> memref<10240x128xf32, #tpu.memory_space<hbm>>
      tpu.wait_indirect_dma semaphore(%arg23 : memref<!tpu.dma_semaphore, #tpu.memory_space<semaphore_mem>>) src(%dma_wait3A_423 : memref<10240x128xf32, #tpu.memory_space<hbm>>) dst(%arg13 : memref<80x128xf32, #tpu.memory_space<vmem>>)
      %mul3A_424 = arith.constant 250 : i32
      %mul3A_425 = arith.muli %arg1, %mul3A_424 : i32
      %add3A_426 = arith.addi %mul3A_425, %add3A_412 : i32
      %mul3A_427 = arith.constant 80 : i32
      %mul3A_428 = arith.muli %add3A_426, %mul3A_427 : i32
      %dma_start3A_429 = arith.constant 0 : i32
      %dma_start3A_430 = tpu.memref_slice %arg4[%arg0, %mul3A_428, %dma_start3A_429] : memref<2x320000x128xf32, #tpu.memory_space<hbm>> -> memref<1x80x128xf32, #tpu.memory_space<hbm>>
      %dma_start3A_431 = tpu.memref_squeeze %dma_start3A_430 : memref<1x80x128xf32, #tpu.memory_space<hbm>> -> memref<80x128xf32, #tpu.memory_space<hbm>>
      %dma_start3A_432 = arith.constant 0 : i32
      %dma_start3A_433 = tpu.memref_slice %arg4[%arg0, %mul3A_428, %dma_start3A_432] : memref<2x320000x128xf32, #tpu.memory_space<hbm>> -> memref<1x80x128xf32, #tpu.memory_space<hbm>>
      %dma_start3A_434 = tpu.memref_squeeze %dma_start3A_433 : memref<1x80x128xf32, #tpu.memory_space<hbm>> -> memref<80x128xf32, #tpu.memory_space<hbm>>
      tpu.enqueue_dma source(%arg13 : memref<80x128xf32, #tpu.memory_space<vmem>>) target(%dma_start3A_434 : memref<80x128xf32, #tpu.memory_space<hbm>>) target_semaphore(%arg33 : memref<!tpu.dma_semaphore, #tpu.memory_space<semaphore_mem>>)
      %lt3A_435 = arith.constant 24 : i32
      %lt3A_436 = arith.cmpi slt, %add3A_194, %lt3A_435 : i32
      %convert_element_type3A_437 = arith.extui %lt3A_436 : i1 to i32
      %cond3A_438 = arith.constant 0 : i32
      %cond3A_439 = arith.cmpi ne, %convert_element_type3A_437, %cond3A_438 : i32
      scf.if %cond3A_439 {
        %dma_wait3A_502 = arith.constant 0 : i32
        %dma_wait3A_503 = arith.constant 0 : i32
        %dma_wait3A_504 = tpu.memref_slice %arg4[%arg0, %dma_wait3A_502, %dma_wait3A_503] : memref<2x320000x128xf32, #tpu.memory_space<hbm>> -> memref<1x80x128xf32, #tpu.memory_space<hbm>>
        %dma_wait3A_505 = tpu.memref_squeeze %dma_wait3A_504 : memref<1x80x128xf32, #tpu.memory_space<hbm>> -> memref<80x128xf32, #tpu.memory_space<hbm>>
        %dma_wait3A_506 = arith.constant 0 : i32
        %dma_wait3A_507 = arith.constant 0 : i32
        %dma_wait3A_508 = tpu.memref_slice %arg4[%arg0, %dma_wait3A_506, %dma_wait3A_507] : memref<2x320000x128xf32, #tpu.memory_space<hbm>> -> memref<1x80x128xf32, #tpu.memory_space<hbm>>
        %dma_wait3A_509 = tpu.memref_squeeze %dma_wait3A_508 : memref<1x80x128xf32, #tpu.memory_space<hbm>> -> memref<80x128xf32, #tpu.memory_space<hbm>>
        tpu.wait_dma2 semaphore(%arg33 : memref<!tpu.dma_semaphore, #tpu.memory_space<semaphore_mem>>) src(%arg13 : memref<80x128xf32, #tpu.memory_space<vmem>>) dst(%dma_wait3A_509 : memref<80x128xf32, #tpu.memory_space<hbm>>)
        %add3A_510 = arith.constant 10 : i32
        %add3A_511 = arith.addi %add3A_412, %add3A_510 : i32
        %dma_start3A_512 = arith.constant 0 : i32
        %dma_start3A_513 = tpu.memref_slice %arg5[%add3A_511, %dma_start3A_512] : memref<250x80xi32, #tpu.memory_space<vmem>> -> memref<1x80xi32, #tpu.memory_space<vmem>>
        %dma_start3A_514 = tpu.memref_squeeze %dma_start3A_513 : memref<1x80xi32, #tpu.memory_space<vmem>> -> memref<80xi32, #tpu.memory_space<vmem>>
        %dma_start3A_515 = arith.constant 0 : i32
        %dma_start3A_516 = arith.constant 0 : i32
        %dma_start3A_517 = tpu.memref_slice %arg2[%arg0, %dma_start3A_515, %dma_start3A_516] : memref<2x10240x128xf32, #tpu.memory_space<hbm>> -> memref<1x10240x128xf32, #tpu.memory_space<hbm>>
        %dma_start3A_518 = tpu.memref_squeeze %dma_start3A_517 : memref<1x10240x128xf32, #tpu.memory_space<hbm>> -> memref<10240x128xf32, #tpu.memory_space<hbm>>
        %dma_start3A_519 = arith.constant 0 : i32
        %dma_start3A_520 = arith.constant 0 : i32
        %dma_start3A_521 = tpu.memref_slice %dma_start3A_518[%dma_start3A_519, %dma_start3A_520] : memref<10240x128xf32, #tpu.memory_space<hbm>> -> memref<10240x128xf32, #tpu.memory_space<hbm>>
        tpu.enqueue_indirect_dma source(%dma_start3A_521 : memref<10240x128xf32, #tpu.memory_space<hbm>>) target(%arg13 : memref<80x128xf32, #tpu.memory_space<vmem>>) offsets(%dma_start3A_514 : memref<80xi32, #tpu.memory_space<vmem>>) semaphore(%arg23 : memref<!tpu.dma_semaphore, #tpu.memory_space<semaphore_mem>>)
      } else {
      }
      %mul3A_440 = arith.constant 10 : i32
      %mul3A_441 = arith.muli %mul3A_440, %add3A_194 : i32
      %add3A_442 = arith.constant 8 : i32
      %add3A_443 = arith.addi %mul3A_441, %add3A_442 : i32
      %dma_wait3A_444 = arith.constant 0 : i32
      %dma_wait3A_445 = arith.constant 0 : i32
      %dma_wait3A_446 = tpu.memref_slice %arg5[%dma_wait3A_444, %dma_wait3A_445] : memref<250x80xi32, #tpu.memory_space<vmem>> -> memref<1x80xi32, #tpu.memory_space<vmem>>
      %dma_wait3A_447 = tpu.memref_squeeze %dma_wait3A_446 : memref<1x80xi32, #tpu.memory_space<vmem>> -> memref<80xi32, #tpu.memory_space<vmem>>
      %dma_wait3A_448 = arith.constant 0 : i32
      %dma_wait3A_449 = arith.constant 0 : i32
      %dma_wait3A_450 = tpu.memref_slice %arg2[%arg0, %dma_wait3A_448, %dma_wait3A_449] : memref<2x10240x128xf32, #tpu.memory_space<hbm>> -> memref<1x10240x128xf32, #tpu.memory_space<hbm>>
      %dma_wait3A_451 = tpu.memref_squeeze %dma_wait3A_450 : memref<1x10240x128xf32, #tpu.memory_space<hbm>> -> memref<10240x128xf32, #tpu.memory_space<hbm>>
      %dma_wait3A_452 = arith.constant 0 : i32
      %dma_wait3A_453 = arith.constant 0 : i32
      %dma_wait3A_454 = tpu.memref_slice %dma_wait3A_451[%dma_wait3A_452, %dma_wait3A_453] : memref<10240x128xf32, #tpu.memory_space<hbm>> -> memref<10240x128xf32, #tpu.memory_space<hbm>>
      tpu.wait_indirect_dma semaphore(%arg24 : memref<!tpu.dma_semaphore, #tpu.memory_space<semaphore_mem>>) src(%dma_wait3A_454 : memref<10240x128xf32, #tpu.memory_space<hbm>>) dst(%arg14 : memref<80x128xf32, #tpu.memory_space<vmem>>)
      %mul3A_455 = arith.constant 250 : i32
      %mul3A_456 = arith.muli %arg1, %mul3A_455 : i32
      %add3A_457 = arith.addi %mul3A_456, %add3A_443 : i32
      %mul3A_458 = arith.constant 80 : i32
      %mul3A_459 = arith.muli %add3A_457, %mul3A_458 : i32
      %dma_start3A_460 = arith.constant 0 : i32
      %dma_start3A_461 = tpu.memref_slice %arg4[%arg0, %mul3A_459, %dma_start3A_460] : memref<2x320000x128xf32, #tpu.memory_space<hbm>> -> memref<1x80x128xf32, #tpu.memory_space<hbm>>
      %dma_start3A_462 = tpu.memref_squeeze %dma_start3A_461 : memref<1x80x128xf32, #tpu.memory_space<hbm>> -> memref<80x128xf32, #tpu.memory_space<hbm>>
      %dma_start3A_463 = arith.constant 0 : i32
      %dma_start3A_464 = tpu.memref_slice %arg4[%arg0, %mul3A_459, %dma_start3A_463] : memref<2x320000x128xf32, #tpu.memory_space<hbm>> -> memref<1x80x128xf32, #tpu.memory_space<hbm>>
      %dma_start3A_465 = tpu.memref_squeeze %dma_start3A_464 : memref<1x80x128xf32, #tpu.memory_space<hbm>> -> memref<80x128xf32, #tpu.memory_space<hbm>>
      tpu.enqueue_dma source(%arg14 : memref<80x128xf32, #tpu.memory_space<vmem>>) target(%dma_start3A_465 : memref<80x128xf32, #tpu.memory_space<hbm>>) target_semaphore(%arg34 : memref<!tpu.dma_semaphore, #tpu.memory_space<semaphore_mem>>)
      %lt3A_466 = arith.constant 24 : i32
      %lt3A_467 = arith.cmpi slt, %add3A_194, %lt3A_466 : i32
      %convert_element_type3A_468 = arith.extui %lt3A_467 : i1 to i32
      %cond3A_469 = arith.constant 0 : i32
      %cond3A_470 = arith.cmpi ne, %convert_element_type3A_468, %cond3A_469 : i32
      scf.if %cond3A_470 {
        %dma_wait3A_502 = arith.constant 0 : i32
        %dma_wait3A_503 = arith.constant 0 : i32
        %dma_wait3A_504 = tpu.memref_slice %arg4[%arg0, %dma_wait3A_502, %dma_wait3A_503] : memref<2x320000x128xf32, #tpu.memory_space<hbm>> -> memref<1x80x128xf32, #tpu.memory_space<hbm>>
        %dma_wait3A_505 = tpu.memref_squeeze %dma_wait3A_504 : memref<1x80x128xf32, #tpu.memory_space<hbm>> -> memref<80x128xf32, #tpu.memory_space<hbm>>
        %dma_wait3A_506 = arith.constant 0 : i32
        %dma_wait3A_507 = arith.constant 0 : i32
        %dma_wait3A_508 = tpu.memref_slice %arg4[%arg0, %dma_wait3A_506, %dma_wait3A_507] : memref<2x320000x128xf32, #tpu.memory_space<hbm>> -> memref<1x80x128xf32, #tpu.memory_space<hbm>>
        %dma_wait3A_509 = tpu.memref_squeeze %dma_wait3A_508 : memref<1x80x128xf32, #tpu.memory_space<hbm>> -> memref<80x128xf32, #tpu.memory_space<hbm>>
        tpu.wait_dma2 semaphore(%arg34 : memref<!tpu.dma_semaphore, #tpu.memory_space<semaphore_mem>>) src(%arg14 : memref<80x128xf32, #tpu.memory_space<vmem>>) dst(%dma_wait3A_509 : memref<80x128xf32, #tpu.memory_space<hbm>>)
        %add3A_510 = arith.constant 10 : i32
        %add3A_511 = arith.addi %add3A_443, %add3A_510 : i32
        %dma_start3A_512 = arith.constant 0 : i32
        %dma_start3A_513 = tpu.memref_slice %arg5[%add3A_511, %dma_start3A_512] : memref<250x80xi32, #tpu.memory_space<vmem>> -> memref<1x80xi32, #tpu.memory_space<vmem>>
        %dma_start3A_514 = tpu.memref_squeeze %dma_start3A_513 : memref<1x80xi32, #tpu.memory_space<vmem>> -> memref<80xi32, #tpu.memory_space<vmem>>
        %dma_start3A_515 = arith.constant 0 : i32
        %dma_start3A_516 = arith.constant 0 : i32
        %dma_start3A_517 = tpu.memref_slice %arg2[%arg0, %dma_start3A_515, %dma_start3A_516] : memref<2x10240x128xf32, #tpu.memory_space<hbm>> -> memref<1x10240x128xf32, #tpu.memory_space<hbm>>
        %dma_start3A_518 = tpu.memref_squeeze %dma_start3A_517 : memref<1x10240x128xf32, #tpu.memory_space<hbm>> -> memref<10240x128xf32, #tpu.memory_space<hbm>>
        %dma_start3A_519 = arith.constant 0 : i32
        %dma_start3A_520 = arith.constant 0 : i32
        %dma_start3A_521 = tpu.memref_slice %dma_start3A_518[%dma_start3A_519, %dma_start3A_520] : memref<10240x128xf32, #tpu.memory_space<hbm>> -> memref<10240x128xf32, #tpu.memory_space<hbm>>
        tpu.enqueue_indirect_dma source(%dma_start3A_521 : memref<10240x128xf32, #tpu.memory_space<hbm>>) target(%arg14 : memref<80x128xf32, #tpu.memory_space<vmem>>) offsets(%dma_start3A_514 : memref<80xi32, #tpu.memory_space<vmem>>) semaphore(%arg24 : memref<!tpu.dma_semaphore, #tpu.memory_space<semaphore_mem>>)
      } else {
      }
      %mul3A_471 = arith.constant 10 : i32
      %mul3A_472 = arith.muli %mul3A_471, %add3A_194 : i32
      %add3A_473 = arith.constant 9 : i32
      %add3A_474 = arith.addi %mul3A_472, %add3A_473 : i32
      %dma_wait3A_475 = arith.constant 0 : i32
      %dma_wait3A_476 = arith.constant 0 : i32
      %dma_wait3A_477 = tpu.memref_slice %arg5[%dma_wait3A_475, %dma_wait3A_476] : memref<250x80xi32, #tpu.memory_space<vmem>> -> memref<1x80xi32, #tpu.memory_space<vmem>>
      %dma_wait3A_478 = tpu.memref_squeeze %dma_wait3A_477 : memref<1x80xi32, #tpu.memory_space<vmem>> -> memref<80xi32, #tpu.memory_space<vmem>>
      %dma_wait3A_479 = arith.constant 0 : i32
      %dma_wait3A_480 = arith.constant 0 : i32
      %dma_wait3A_481 = tpu.memref_slice %arg2[%arg0, %dma_wait3A_479, %dma_wait3A_480] : memref<2x10240x128xf32, #tpu.memory_space<hbm>> -> memref<1x10240x128xf32, #tpu.memory_space<hbm>>
      %dma_wait3A_482 = tpu.memref_squeeze %dma_wait3A_481 : memref<1x10240x128xf32, #tpu.memory_space<hbm>> -> memref<10240x128xf32, #tpu.memory_space<hbm>>
      %dma_wait3A_483 = arith.constant 0 : i32
      %dma_wait3A_484 = arith.constant 0 : i32
      %dma_wait3A_485 = tpu.memref_slice %dma_wait3A_482[%dma_wait3A_483, %dma_wait3A_484] : memref<10240x128xf32, #tpu.memory_space<hbm>> -> memref<10240x128xf32, #tpu.memory_space<hbm>>
      tpu.wait_indirect_dma semaphore(%arg25 : memref<!tpu.dma_semaphore, #tpu.memory_space<semaphore_mem>>) src(%dma_wait3A_485 : memref<10240x128xf32, #tpu.memory_space<hbm>>) dst(%arg15 : memref<80x128xf32, #tpu.memory_space<vmem>>)
      %mul3A_486 = arith.constant 250 : i32
      %mul3A_487 = arith.muli %arg1, %mul3A_486 : i32
      %add3A_488 = arith.addi %mul3A_487, %add3A_474 : i32
      %mul3A_489 = arith.constant 80 : i32
      %mul3A_490 = arith.muli %add3A_488, %mul3A_489 : i32
      %dma_start3A_491 = arith.constant 0 : i32
      %dma_start3A_492 = tpu.memref_slice %arg4[%arg0, %mul3A_490, %dma_start3A_491] : memref<2x320000x128xf32, #tpu.memory_space<hbm>> -> memref<1x80x128xf32, #tpu.memory_space<hbm>>
      %dma_start3A_493 = tpu.memref_squeeze %dma_start3A_492 : memref<1x80x128xf32, #tpu.memory_space<hbm>> -> memref<80x128xf32, #tpu.memory_space<hbm>>
      %dma_start3A_494 = arith.constant 0 : i32
      %dma_start3A_495 = tpu.memref_slice %arg4[%arg0, %mul3A_490, %dma_start3A_494] : memref<2x320000x128xf32, #tpu.memory_space<hbm>> -> memref<1x80x128xf32, #tpu.memory_space<hbm>>
      %dma_start3A_496 = tpu.memref_squeeze %dma_start3A_495 : memref<1x80x128xf32, #tpu.memory_space<hbm>> -> memref<80x128xf32, #tpu.memory_space<hbm>>
      tpu.enqueue_dma source(%arg15 : memref<80x128xf32, #tpu.memory_space<vmem>>) target(%dma_start3A_496 : memref<80x128xf32, #tpu.memory_space<hbm>>) target_semaphore(%arg35 : memref<!tpu.dma_semaphore, #tpu.memory_space<semaphore_mem>>)
      %lt3A_497 = arith.constant 24 : i32
      %lt3A_498 = arith.cmpi slt, %add3A_194, %lt3A_497 : i32
      %convert_element_type3A_499 = arith.extui %lt3A_498 : i1 to i32
      %cond3A_500 = arith.constant 0 : i32
      %cond3A_501 = arith.cmpi ne, %convert_element_type3A_499, %cond3A_500 : i32
      scf.if %cond3A_501 {
        %dma_wait3A_502 = arith.constant 0 : i32
        %dma_wait3A_503 = arith.constant 0 : i32
        %dma_wait3A_504 = tpu.memref_slice %arg4[%arg0, %dma_wait3A_502, %dma_wait3A_503] : memref<2x320000x128xf32, #tpu.memory_space<hbm>> -> memref<1x80x128xf32, #tpu.memory_space<hbm>>
        %dma_wait3A_505 = tpu.memref_squeeze %dma_wait3A_504 : memref<1x80x128xf32, #tpu.memory_space<hbm>> -> memref<80x128xf32, #tpu.memory_space<hbm>>
        %dma_wait3A_506 = arith.constant 0 : i32
        %dma_wait3A_507 = arith.constant 0 : i32
        %dma_wait3A_508 = tpu.memref_slice %arg4[%arg0, %dma_wait3A_506, %dma_wait3A_507] : memref<2x320000x128xf32, #tpu.memory_space<hbm>> -> memref<1x80x128xf32, #tpu.memory_space<hbm>>
        %dma_wait3A_509 = tpu.memref_squeeze %dma_wait3A_508 : memref<1x80x128xf32, #tpu.memory_space<hbm>> -> memref<80x128xf32, #tpu.memory_space<hbm>>
        tpu.wait_dma2 semaphore(%arg35 : memref<!tpu.dma_semaphore, #tpu.memory_space<semaphore_mem>>) src(%arg15 : memref<80x128xf32, #tpu.memory_space<vmem>>) dst(%dma_wait3A_509 : memref<80x128xf32, #tpu.memory_space<hbm>>)
        %add3A_510 = arith.constant 10 : i32
        %add3A_511 = arith.addi %add3A_474, %add3A_510 : i32
        %dma_start3A_512 = arith.constant 0 : i32
        %dma_start3A_513 = tpu.memref_slice %arg5[%add3A_511, %dma_start3A_512] : memref<250x80xi32, #tpu.memory_space<vmem>> -> memref<1x80xi32, #tpu.memory_space<vmem>>
        %dma_start3A_514 = tpu.memref_squeeze %dma_start3A_513 : memref<1x80xi32, #tpu.memory_space<vmem>> -> memref<80xi32, #tpu.memory_space<vmem>>
        %dma_start3A_515 = arith.constant 0 : i32
        %dma_start3A_516 = arith.constant 0 : i32
        %dma_start3A_517 = tpu.memref_slice %arg2[%arg0, %dma_start3A_515, %dma_start3A_516] : memref<2x10240x128xf32, #tpu.memory_space<hbm>> -> memref<1x10240x128xf32, #tpu.memory_space<hbm>>
        %dma_start3A_518 = tpu.memref_squeeze %dma_start3A_517 : memref<1x10240x128xf32, #tpu.memory_space<hbm>> -> memref<10240x128xf32, #tpu.memory_space<hbm>>
        %dma_start3A_519 = arith.constant 0 : i32
        %dma_start3A_520 = arith.constant 0 : i32
        %dma_start3A_521 = tpu.memref_slice %dma_start3A_518[%dma_start3A_519, %dma_start3A_520] : memref<10240x128xf32, #tpu.memory_space<hbm>> -> memref<10240x128xf32, #tpu.memory_space<hbm>>
        tpu.enqueue_indirect_dma source(%dma_start3A_521 : memref<10240x128xf32, #tpu.memory_space<hbm>>) target(%arg15 : memref<80x128xf32, #tpu.memory_space<vmem>>) offsets(%dma_start3A_514 : memref<80xi32, #tpu.memory_space<vmem>>) semaphore(%arg25 : memref<!tpu.dma_semaphore, #tpu.memory_space<semaphore_mem>>)
      } else {
      }
    }
    %scan3A_112 = arith.constant 25 : i32
    %dma_wait3A = arith.constant 0 : i32
    %dma_wait3A_113 = arith.constant 0 : i32
    %dma_wait3A_114 = tpu.memref_slice %arg4[%arg0, %dma_wait3A, %dma_wait3A_113] : memref<2x320000x128xf32, #tpu.memory_space<hbm>> -> memref<1x80x128xf32, #tpu.memory_space<hbm>>
    %dma_wait3A_115 = tpu.memref_squeeze %dma_wait3A_114 : memref<1x80x128xf32, #tpu.memory_space<hbm>> -> memref<80x128xf32, #tpu.memory_space<hbm>>
    %dma_wait3A_116 = arith.constant 0 : i32
    %dma_wait3A_117 = arith.constant 0 : i32
    %dma_wait3A_118 = tpu.memref_slice %arg4[%arg0, %dma_wait3A_116, %dma_wait3A_117] : memref<2x320000x128xf32, #tpu.memory_space<hbm>> -> memref<1x80x128xf32, #tpu.memory_space<hbm>>
    %dma_wait3A_119 = tpu.memref_squeeze %dma_wait3A_118 : memref<1x80x128xf32, #tpu.memory_space<hbm>> -> memref<80x128xf32, #tpu.memory_space<hbm>>
    tpu.wait_dma2 semaphore(%arg26 : memref<!tpu.dma_semaphore, #tpu.memory_space<semaphore_mem>>) src(%arg6 : memref<80x128xf32, #tpu.memory_space<vmem>>) dst(%dma_wait3A_119 : memref<80x128xf32, #tpu.memory_space<hbm>>)
    %dma_wait3A_120 = arith.constant 0 : i32
    %dma_wait3A_121 = arith.constant 0 : i32
    %dma_wait3A_122 = tpu.memref_slice %arg4[%arg0, %dma_wait3A_120, %dma_wait3A_121] : memref<2x320000x128xf32, #tpu.memory_space<hbm>> -> memref<1x80x128xf32, #tpu.memory_space<hbm>>
    %dma_wait3A_123 = tpu.memref_squeeze %dma_wait3A_122 : memref<1x80x128xf32, #tpu.memory_space<hbm>> -> memref<80x128xf32, #tpu.memory_space<hbm>>
    %dma_wait3A_124 = arith.constant 0 : i32
    %dma_wait3A_125 = arith.constant 0 : i32
    %dma_wait3A_126 = tpu.memref_slice %arg4[%arg0, %dma_wait3A_124, %dma_wait3A_125] : memref<2x320000x128xf32, #tpu.memory_space<hbm>> -> memref<1x80x128xf32, #tpu.memory_space<hbm>>
    %dma_wait3A_127 = tpu.memref_squeeze %dma_wait3A_126 : memref<1x80x128xf32, #tpu.memory_space<hbm>> -> memref<80x128xf32, #tpu.memory_space<hbm>>
    tpu.wait_dma2 semaphore(%arg27 : memref<!tpu.dma_semaphore, #tpu.memory_space<semaphore_mem>>) src(%arg7 : memref<80x128xf32, #tpu.memory_space<vmem>>) dst(%dma_wait3A_127 : memref<80x128xf32, #tpu.memory_space<hbm>>)
    %dma_wait3A_128 = arith.constant 0 : i32
    %dma_wait3A_129 = arith.constant 0 : i32
    %dma_wait3A_130 = tpu.memref_slice %arg4[%arg0, %dma_wait3A_128, %dma_wait3A_129] : memref<2x320000x128xf32, #tpu.memory_space<hbm>> -> memref<1x80x128xf32, #tpu.memory_space<hbm>>
    %dma_wait3A_131 = tpu.memref_squeeze %dma_wait3A_130 : memref<1x80x128xf32, #tpu.memory_space<hbm>> -> memref<80x128xf32, #tpu.memory_space<hbm>>
    %dma_wait3A_132 = arith.constant 0 : i32
    %dma_wait3A_133 = arith.constant 0 : i32
    %dma_wait3A_134 = tpu.memref_slice %arg4[%arg0, %dma_wait3A_132, %dma_wait3A_133] : memref<2x320000x128xf32, #tpu.memory_space<hbm>> -> memref<1x80x128xf32, #tpu.memory_space<hbm>>
    %dma_wait3A_135 = tpu.memref_squeeze %dma_wait3A_134 : memref<1x80x128xf32, #tpu.memory_space<hbm>> -> memref<80x128xf32, #tpu.memory_space<hbm>>
    tpu.wait_dma2 semaphore(%arg28 : memref<!tpu.dma_semaphore, #tpu.memory_space<semaphore_mem>>) src(%arg8 : memref<80x128xf32, #tpu.memory_space<vmem>>) dst(%dma_wait3A_135 : memref<80x128xf32, #tpu.memory_space<hbm>>)
    %dma_wait3A_136 = arith.constant 0 : i32
    %dma_wait3A_137 = arith.constant 0 : i32
    %dma_wait3A_138 = tpu.memref_slice %arg4[%arg0, %dma_wait3A_136, %dma_wait3A_137] : memref<2x320000x128xf32, #tpu.memory_space<hbm>> -> memref<1x80x128xf32, #tpu.memory_space<hbm>>
    %dma_wait3A_139 = tpu.memref_squeeze %dma_wait3A_138 : memref<1x80x128xf32, #tpu.memory_space<hbm>> -> memref<80x128xf32, #tpu.memory_space<hbm>>
    %dma_wait3A_140 = arith.constant 0 : i32
    %dma_wait3A_141 = arith.constant 0 : i32
    %dma_wait3A_142 = tpu.memref_slice %arg4[%arg0, %dma_wait3A_140, %dma_wait3A_141] : memref<2x320000x128xf32, #tpu.memory_space<hbm>> -> memref<1x80x128xf32, #tpu.memory_space<hbm>>
    %dma_wait3A_143 = tpu.memref_squeeze %dma_wait3A_142 : memref<1x80x128xf32, #tpu.memory_space<hbm>> -> memref<80x128xf32, #tpu.memory_space<hbm>>
    tpu.wait_dma2 semaphore(%arg29 : memref<!tpu.dma_semaphore, #tpu.memory_space<semaphore_mem>>) src(%arg9 : memref<80x128xf32, #tpu.memory_space<vmem>>) dst(%dma_wait3A_143 : memref<80x128xf32, #tpu.memory_space<hbm>>)
    %dma_wait3A_144 = arith.constant 0 : i32
    %dma_wait3A_145 = arith.constant 0 : i32
    %dma_wait3A_146 = tpu.memref_slice %arg4[%arg0, %dma_wait3A_144, %dma_wait3A_145] : memref<2x320000x128xf32, #tpu.memory_space<hbm>> -> memref<1x80x128xf32, #tpu.memory_space<hbm>>
    %dma_wait3A_147 = tpu.memref_squeeze %dma_wait3A_146 : memref<1x80x128xf32, #tpu.memory_space<hbm>> -> memref<80x128xf32, #tpu.memory_space<hbm>>
    %dma_wait3A_148 = arith.constant 0 : i32
    %dma_wait3A_149 = arith.constant 0 : i32
    %dma_wait3A_150 = tpu.memref_slice %arg4[%arg0, %dma_wait3A_148, %dma_wait3A_149] : memref<2x320000x128xf32, #tpu.memory_space<hbm>> -> memref<1x80x128xf32, #tpu.memory_space<hbm>>
    %dma_wait3A_151 = tpu.memref_squeeze %dma_wait3A_150 : memref<1x80x128xf32, #tpu.memory_space<hbm>> -> memref<80x128xf32, #tpu.memory_space<hbm>>
    tpu.wait_dma2 semaphore(%arg30 : memref<!tpu.dma_semaphore, #tpu.memory_space<semaphore_mem>>) src(%arg10 : memref<80x128xf32, #tpu.memory_space<vmem>>) dst(%dma_wait3A_151 : memref<80x128xf32, #tpu.memory_space<hbm>>)
    %dma_wait3A_152 = arith.constant 0 : i32
    %dma_wait3A_153 = arith.constant 0 : i32
    %dma_wait3A_154 = tpu.memref_slice %arg4[%arg0, %dma_wait3A_152, %dma_wait3A_153] : memref<2x320000x128xf32, #tpu.memory_space<hbm>> -> memref<1x80x128xf32, #tpu.memory_space<hbm>>
    %dma_wait3A_155 = tpu.memref_squeeze %dma_wait3A_154 : memref<1x80x128xf32, #tpu.memory_space<hbm>> -> memref<80x128xf32, #tpu.memory_space<hbm>>
    %dma_wait3A_156 = arith.constant 0 : i32
    %dma_wait3A_157 = arith.constant 0 : i32
    %dma_wait3A_158 = tpu.memref_slice %arg4[%arg0, %dma_wait3A_156, %dma_wait3A_157] : memref<2x320000x128xf32, #tpu.memory_space<hbm>> -> memref<1x80x128xf32, #tpu.memory_space<hbm>>
    %dma_wait3A_159 = tpu.memref_squeeze %dma_wait3A_158 : memref<1x80x128xf32, #tpu.memory_space<hbm>> -> memref<80x128xf32, #tpu.memory_space<hbm>>
    tpu.wait_dma2 semaphore(%arg31 : memref<!tpu.dma_semaphore, #tpu.memory_space<semaphore_mem>>) src(%arg11 : memref<80x128xf32, #tpu.memory_space<vmem>>) dst(%dma_wait3A_159 : memref<80x128xf32, #tpu.memory_space<hbm>>)
    %dma_wait3A_160 = arith.constant 0 : i32
    %dma_wait3A_161 = arith.constant 0 : i32
    %dma_wait3A_162 = tpu.memref_slice %arg4[%arg0, %dma_wait3A_160, %dma_wait3A_161] : memref<2x320000x128xf32, #tpu.memory_space<hbm>> -> memref<1x80x128xf32, #tpu.memory_space<hbm>>
    %dma_wait3A_163 = tpu.memref_squeeze %dma_wait3A_162 : memref<1x80x128xf32, #tpu.memory_space<hbm>> -> memref<80x128xf32, #tpu.memory_space<hbm>>
    %dma_wait3A_164 = arith.constant 0 : i32
    %dma_wait3A_165 = arith.constant 0 : i32
    %dma_wait3A_166 = tpu.memref_slice %arg4[%arg0, %dma_wait3A_164, %dma_wait3A_165] : memref<2x320000x128xf32, #tpu.memory_space<hbm>> -> memref<1x80x128xf32, #tpu.memory_space<hbm>>
    %dma_wait3A_167 = tpu.memref_squeeze %dma_wait3A_166 : memref<1x80x128xf32, #tpu.memory_space<hbm>> -> memref<80x128xf32, #tpu.memory_space<hbm>>
    tpu.wait_dma2 semaphore(%arg32 : memref<!tpu.dma_semaphore, #tpu.memory_space<semaphore_mem>>) src(%arg12 : memref<80x128xf32, #tpu.memory_space<vmem>>) dst(%dma_wait3A_167 : memref<80x128xf32, #tpu.memory_space<hbm>>)
    %dma_wait3A_168 = arith.constant 0 : i32
    %dma_wait3A_169 = arith.constant 0 : i32
    %dma_wait3A_170 = tpu.memref_slice %arg4[%arg0, %dma_wait3A_168, %dma_wait3A_169] : memref<2x320000x128xf32, #tpu.memory_space<hbm>> -> memref<1x80x128xf32, #tpu.memory_space<hbm>>
    %dma_wait3A_171 = tpu.memref_squeeze %dma_wait3A_170 : memref<1x80x128xf32, #tpu.memory_space<hbm>> -> memref<80x128xf32, #tpu.memory_space<hbm>>
    %dma_wait3A_172 = arith.constant 0 : i32
    %dma_wait3A_173 = arith.constant 0 : i32
    %dma_wait3A_174 = tpu.memref_slice %arg4[%arg0, %dma_wait3A_172, %dma_wait3A_173] : memref<2x320000x128xf32, #tpu.memory_space<hbm>> -> memref<1x80x128xf32, #tpu.memory_space<hbm>>
    %dma_wait3A_175 = tpu.memref_squeeze %dma_wait3A_174 : memref<1x80x128xf32, #tpu.memory_space<hbm>> -> memref<80x128xf32, #tpu.memory_space<hbm>>
    tpu.wait_dma2 semaphore(%arg33 : memref<!tpu.dma_semaphore, #tpu.memory_space<semaphore_mem>>) src(%arg13 : memref<80x128xf32, #tpu.memory_space<vmem>>) dst(%dma_wait3A_175 : memref<80x128xf32, #tpu.memory_space<hbm>>)
    %dma_wait3A_176 = arith.constant 0 : i32
    %dma_wait3A_177 = arith.constant 0 : i32
    %dma_wait3A_178 = tpu.memref_slice %arg4[%arg0, %dma_wait3A_176, %dma_wait3A_177] : memref<2x320000x128xf32, #tpu.memory_space<hbm>> -> memref<1x80x128xf32, #tpu.memory_space<hbm>>
    %dma_wait3A_179 = tpu.memref_squeeze %dma_wait3A_178 : memref<1x80x128xf32, #tpu.memory_space<hbm>> -> memref<80x128xf32, #tpu.memory_space<hbm>>
    %dma_wait3A_180 = arith.constant 0 : i32
    %dma_wait3A_181 = arith.constant 0 : i32
    %dma_wait3A_182 = tpu.memref_slice %arg4[%arg0, %dma_wait3A_180, %dma_wait3A_181] : memref<2x320000x128xf32, #tpu.memory_space<hbm>> -> memref<1x80x128xf32, #tpu.memory_space<hbm>>
    %dma_wait3A_183 = tpu.memref_squeeze %dma_wait3A_182 : memref<1x80x128xf32, #tpu.memory_space<hbm>> -> memref<80x128xf32, #tpu.memory_space<hbm>>
    tpu.wait_dma2 semaphore(%arg34 : memref<!tpu.dma_semaphore, #tpu.memory_space<semaphore_mem>>) src(%arg14 : memref<80x128xf32, #tpu.memory_space<vmem>>) dst(%dma_wait3A_183 : memref<80x128xf32, #tpu.memory_space<hbm>>)
    %dma_wait3A_184 = arith.constant 0 : i32
    %dma_wait3A_185 = arith.constant 0 : i32
    %dma_wait3A_186 = tpu.memref_slice %arg4[%arg0, %dma_wait3A_184, %dma_wait3A_185] : memref<2x320000x128xf32, #tpu.memory_space<hbm>> -> memref<1x80x128xf32, #tpu.memory_space<hbm>>
    %dma_wait3A_187 = tpu.memref_squeeze %dma_wait3A_186 : memref<1x80x128xf32, #tpu.memory_space<hbm>> -> memref<80x128xf32, #tpu.memory_space<hbm>>
    %dma_wait3A_188 = arith.constant 0 : i32
    %dma_wait3A_189 = arith.constant 0 : i32
    %dma_wait3A_190 = tpu.memref_slice %arg4[%arg0, %dma_wait3A_188, %dma_wait3A_189] : memref<2x320000x128xf32, #tpu.memory_space<hbm>> -> memref<1x80x128xf32, #tpu.memory_space<hbm>>
    %dma_wait3A_191 = tpu.memref_squeeze %dma_wait3A_190 : memref<1x80x128xf32, #tpu.memory_space<hbm>> -> memref<80x128xf32, #tpu.memory_space<hbm>>
    tpu.wait_dma2 semaphore(%arg35 : memref<!tpu.dma_semaphore, #tpu.memory_space<semaphore_mem>>) src(%arg15 : memref<80x128xf32, #tpu.memory_space<vmem>>) dst(%dma_wait3A_191 : memref<80x128xf32, #tpu.memory_space<hbm>>)
    return
  }
}

module attributes {stable_mosaic.version = 14 : i64} {
  func.func @body(%arg0: i32, %arg1: memref<4000x128xf32, #tpu.memory_space<vmem>>, %arg2: memref<1x128xf32, #tpu.memory_space<vmem>>, %arg3: memref<1x128xf32, #tpu.memory_space<vmem>>, %arg4: memref<1x128xf32, #tpu.memory_space<vmem>>, %arg5: memref<1x128xf32, #tpu.memory_space<vmem>>, %arg6: memref<4000x128xf32, #tpu.memory_space<vmem>>, %arg7: memref<4000x128xf32, #tpu.memory_space<vmem>>) attributes {dimension_semantics = [#tpu.dimension_semantics<parallel>], iteration_bounds = array<i64: 10>, scalar_prefetch = 0 : i64, scratch_operands = 0 : i64, tpu.core_type = #tpu.core_type<tc>, window_params = [{transform_indices = @transform_0, window_bounds = array<i64: 4000, 128>}, {pipeline_mode = #tpu.pipeline_mode<synchronous>, transform_indices = @transform_1, window_bounds = array<i64: 1, 128>}, {pipeline_mode = #tpu.pipeline_mode<synchronous>, transform_indices = @transform_2, window_bounds = array<i64: 1, 128>}, {pipeline_mode = #tpu.pipeline_mode<synchronous>, transform_indices = @transform_3, window_bounds = array<i64: 1, 128>}, {pipeline_mode = #tpu.pipeline_mode<synchronous>, transform_indices = @transform_4, window_bounds = array<i64: 1, 128>}, {transform_indices = @transform_5, window_bounds = array<i64: 4000, 128>}, {transform_indices = @transform_6, window_bounds = array<i64: 4000, 128>}]} {
    %get3A = arith.constant 0 : index
    %get3A_0 = arith.constant 0 : index
    %get3A_1 = vector.load %arg1[%get3A, %get3A_0] : memref<4000x128xf32, #tpu.memory_space<vmem>>, vector<4000x128xf32>
    %get3A_2 = arith.constant 0 : index
    %get3A_3 = arith.constant 0 : index
    %get3A_4 = vector.load %arg2[%get3A_2, %get3A_3] : memref<1x128xf32, #tpu.memory_space<vmem>>, vector<1x128xf32>
    %mul3A = vector.broadcast %get3A_4 : vector<1x128xf32> to vector<4000x128xf32>
    %mul3A_5 = arith.mulf %get3A_1, %mul3A : vector<4000x128xf32>
    %get3A_6 = arith.constant 0 : index
    %get3A_7 = arith.constant 0 : index
    %get3A_8 = vector.load %arg3[%get3A_6, %get3A_7] : memref<1x128xf32, #tpu.memory_space<vmem>>, vector<1x128xf32>
    %add3A = vector.broadcast %get3A_8 : vector<1x128xf32> to vector<4000x128xf32>
    %add3A_9 = arith.addf %mul3A_5, %add3A : vector<4000x128xf32>
    %cos3A = math.cos %add3A_9 : vector<4000x128xf32>
    %swap3A = arith.constant 0 : index
    %swap3A_10 = arith.constant 0 : index
    %swap3A_11 = vector.load %arg6[%swap3A, %swap3A_10] : memref<4000x128xf32, #tpu.memory_space<vmem>>, vector<4000x128xf32>
    tpu.vector_store %arg6[%swap3A, %swap3A_10], %cos3A {strides = array<i32>} : memref<4000x128xf32, #tpu.memory_space<vmem>>, vector<4000x128xf32>,
    %get3A_12 = arith.constant 0 : index
    %get3A_13 = arith.constant 0 : index
    %get3A_14 = vector.load %arg4[%get3A_12, %get3A_13] : memref<1x128xf32, #tpu.memory_space<vmem>>, vector<1x128xf32>
    %mul3A_15 = vector.broadcast %get3A_14 : vector<1x128xf32> to vector<4000x128xf32>
    %mul3A_16 = arith.mulf %get3A_1, %mul3A_15 : vector<4000x128xf32>
    %get3A_17 = arith.constant 0 : index
    %get3A_18 = arith.constant 0 : index
    %get3A_19 = vector.load %arg5[%get3A_17, %get3A_18] : memref<1x128xf32, #tpu.memory_space<vmem>>, vector<1x128xf32>
    %add3A_20 = vector.broadcast %get3A_19 : vector<1x128xf32> to vector<4000x128xf32>
    %add3A_21 = arith.addf %mul3A_16, %add3A_20 : vector<4000x128xf32>
    %cos3A_22 = math.cos %add3A_21 : vector<4000x128xf32>
    %swap3A_23 = arith.constant 0 : index
    %swap3A_24 = arith.constant 0 : index
    %swap3A_25 = vector.load %arg7[%swap3A_23, %swap3A_24] : memref<4000x128xf32, #tpu.memory_space<vmem>>, vector<4000x128xf32>
    tpu.vector_store %arg7[%swap3A_23, %swap3A_24], %cos3A_22 {strides = array<i32>} : memref<4000x128xf32, #tpu.memory_space<vmem>>, vector<4000x128xf32>,
    return
  }
  func.func @transform_0(%arg0: i32) -> (i32, i32) {
    %c0_i32 = arith.constant 0 : i32
    %c0_i32_0 = arith.constant 0 : i32
    return %arg0, %c0_i32 : i32, i32
  }
  func.func @transform_1(%arg0: i32) -> (i32, i32) {
    %c0_i32 = arith.constant 0 : i32
    %c0_i32_0 = arith.constant 0 : i32
    %c0_i32_1 = arith.constant 0 : i32
    return %c0_i32, %c0_i32_0 : i32, i32
  }
  func.func @transform_2(%arg0: i32) -> (i32, i32) {
    %c0_i32 = arith.constant 0 : i32
    %c0_i32_0 = arith.constant 0 : i32
    %c0_i32_1 = arith.constant 0 : i32
    return %c0_i32, %c0_i32_0 : i32, i32
  }
  func.func @transform_3(%arg0: i32) -> (i32, i32) {
    %c0_i32 = arith.constant 0 : i32
    %c0_i32_0 = arith.constant 0 : i32
    %c0_i32_1 = arith.constant 0 : i32
    return %c0_i32, %c0_i32_0 : i32, i32
  }
  func.func @transform_4(%arg0: i32) -> (i32, i32) {
    %c0_i32 = arith.constant 0 : i32
    %c0_i32_0 = arith.constant 0 : i32
    %c0_i32_1 = arith.constant 0 : i32
    return %c0_i32, %c0_i32_0 : i32, i32
  }
  func.func @transform_5(%arg0: i32) -> (i32, i32) {
    %c0_i32 = arith.constant 0 : i32
    %c0_i32_0 = arith.constant 0 : i32
    return %arg0, %c0_i32 : i32, i32
  }
  func.func @transform_6(%arg0: i32) -> (i32, i32) {
    %c0_i32 = arith.constant 0 : i32
    %c0_i32_0 = arith.constant 0 : i32
    return %arg0, %c0_i32 : i32, i32
  }
}

module attributes {stable_mosaic.version = 14 : i64} {
  func.func @body(%arg0: i32, %arg1: i32, %arg2: memref<2048x128xf32, #tpu.memory_space<vmem>>, %arg3: memref<1x2048x128xf32, #tpu.memory_space<vmem>>, %arg4: memref<1x2048x128xf32, #tpu.memory_space<vmem>>, %arg5: memref<144x128xf32, #tpu.memory_space<vmem>>, %arg6: memref<160x128xf32, #tpu.memory_space<vmem>>, %arg7: memref<144x128xf32, #tpu.memory_space<vmem>>, %arg8: memref<1x2048x128xf32, #tpu.memory_space<vmem>>, %arg9: memref<1x2048x128xf32, #tpu.memory_space<vmem>>) attributes {dimension_semantics = [#tpu.dimension_semantics<parallel>, #tpu.dimension_semantics<parallel>], iteration_bounds = array<i64: 2, 5>, scalar_prefetch = 0 : i64, scratch_operands = 0 : i64, tpu.core_type = #tpu.core_type<tc>, window_params = [{transform_indices = @transform_0, window_bounds = array<i64: 2048, 128>}, {transform_indices = @transform_1, window_bounds = array<i64: 1, 2048, 128>}, {transform_indices = @transform_2, window_bounds = array<i64: 1, 2048, 128>}, {pipeline_mode = #tpu.pipeline_mode<synchronous>, transform_indices = @transform_3, window_bounds = array<i64: 144, 128>}, {pipeline_mode = #tpu.pipeline_mode<synchronous>, transform_indices = @transform_4, window_bounds = array<i64: 160, 128>}, {pipeline_mode = #tpu.pipeline_mode<synchronous>, transform_indices = @transform_5, window_bounds = array<i64: 144, 128>}, {transform_indices = @transform_6, window_bounds = array<i64: 1, 2048, 128>}, {transform_indices = @transform_7, window_bounds = array<i64: 1, 2048, 128>}]} {
    %get3A = arith.constant 0 : index
    %get3A_0 = arith.constant 0 : index
    %get3A_1 = arith.constant 0 : index
    %get3A_2 = vector.load %arg4[%get3A, %get3A_0, %get3A_1] : memref<1x2048x128xf32, #tpu.memory_space<vmem>>, vector<1x2048x128xf32>
    %get3A_3 = vector.shape_cast %get3A_2 : vector<1x2048x128xf32> to vector<2048x128xf32>
    %slice3A = vector.extract_strided_slice %get3A_3 {offsets = [0, 48], sizes = [2048, 16], strides = [1, 1]} : vector<2048x128xf32> to vector<2048x16xf32>
    %slice3A_4 = vector.extract_strided_slice %get3A_3 {offsets = [0, 112], sizes = [2048, 16], strides = [1, 1]} : vector<2048x128xf32> to vector<2048x16xf32>
    %add3A = arith.addf %slice3A, %slice3A_4 : vector<2048x16xf32>
    %slice3A_5 = vector.extract_strided_slice %add3A {offsets = [0, 0], sizes = [2048, 1], strides = [1, 1]} : vector<2048x16xf32> to vector<2048x1xf32>
    %jit3A = arith.constant 1.000000e+00 : f32
    %max3A = vector.broadcast %jit3A : f32 to vector<2048x1xf32>
    %max3A_6 = arith.maximumf %max3A, %slice3A_5 : vector<2048x1xf32>
    %div3A = arith.constant 1.000000e+00 : f32
    %div3A_7 = vector.broadcast %div3A : f32 to vector<2048x1xf32>
    %div3A_8 = arith.divf %div3A_7, %max3A_6 : vector<2048x1xf32>
    %slice3A_9 = vector.extract_strided_slice %get3A_3 {offsets = [0, 0], sizes = [2048, 16], strides = [1, 1]} : vector<2048x128xf32> to vector<2048x16xf32>
    %slice3A_10 = vector.extract_strided_slice %get3A_3 {offsets = [0, 64], sizes = [2048, 16], strides = [1, 1]} : vector<2048x128xf32> to vector<2048x16xf32>
    %add3A_11 = arith.addf %slice3A_9, %slice3A_10 : vector<2048x16xf32>
    %mul3A = vector.broadcast %div3A_8 : vector<2048x1xf32> to vector<2048x16xf32>
    %mul3A_12 = arith.mulf %add3A_11, %mul3A : vector<2048x16xf32>
    %slice3A_13 = vector.extract_strided_slice %get3A_3 {offsets = [0, 16], sizes = [2048, 16], strides = [1, 1]} : vector<2048x128xf32> to vector<2048x16xf32>
    %slice3A_14 = vector.extract_strided_slice %get3A_3 {offsets = [0, 80], sizes = [2048, 16], strides = [1, 1]} : vector<2048x128xf32> to vector<2048x16xf32>
    %add3A_15 = arith.addf %slice3A_13, %slice3A_14 : vector<2048x16xf32>
    %mul3A_16 = vector.broadcast %div3A_8 : vector<2048x1xf32> to vector<2048x16xf32>
    %mul3A_17 = arith.mulf %add3A_15, %mul3A_16 : vector<2048x16xf32>
    %slice3A_18 = vector.extract_strided_slice %get3A_3 {offsets = [0, 32], sizes = [2048, 16], strides = [1, 1]} : vector<2048x128xf32> to vector<2048x16xf32>
    %slice3A_19 = vector.extract_strided_slice %get3A_3 {offsets = [0, 96], sizes = [2048, 16], strides = [1, 1]} : vector<2048x128xf32> to vector<2048x16xf32>
    %add3A_20 = arith.addf %slice3A_18, %slice3A_19 : vector<2048x16xf32>
    %mul3A_21 = vector.broadcast %div3A_8 : vector<2048x1xf32> to vector<2048x16xf32>
    %mul3A_22 = arith.mulf %add3A_20, %mul3A_21 : vector<2048x16xf32>
    %get3A_23 = arith.constant 0 : index
    %get3A_24 = arith.constant 0 : index
    %get3A_25 = arith.constant 0 : index
    %get3A_26 = vector.load %arg3[%get3A_23, %get3A_24, %get3A_25] : memref<1x2048x128xf32, #tpu.memory_space<vmem>>, vector<1x2048x128xf32>
    %get3A_27 = vector.shape_cast %get3A_26 : vector<1x2048x128xf32> to vector<2048x128xf32>
    %mul3A_28 = vector.broadcast %div3A_8 : vector<2048x1xf32> to vector<2048x128xf32>
    %mul3A_29 = arith.mulf %get3A_27, %mul3A_28 : vector<2048x128xf32>
    %get3A_30 = arith.constant 0 : index
    %get3A_31 = arith.constant 0 : index
    %get3A_32 = vector.load %arg5[%get3A_30, %get3A_31] : memref<144x128xf32, #tpu.memory_space<vmem>>, vector<144x128xf32>
    %get3A_33 = arith.constant 0 : index
    %get3A_34 = arith.constant 0 : index
    %get3A_35 = vector.load %arg6[%get3A_33, %get3A_34] : memref<160x128xf32, #tpu.memory_space<vmem>>, vector<160x128xf32>
    %get3A_36 = arith.constant 0 : index
    %get3A_37 = arith.constant 0 : index
    %get3A_38 = vector.load %arg2[%get3A_36, %get3A_37] : memref<2048x128xf32, #tpu.memory_space<vmem>>, vector<2048x128xf32>
    %slice3A_39 = vector.extract_strided_slice %get3A_32 {offsets = [0, 0], sizes = [128, 128], strides = [1, 1]} : vector<144x128xf32> to vector<128x128xf32>
    %dot_general3A = arith.constant dense<0.000000e+00> : vector<2048x128xf32>
    %dot_general3A_40 = tpu.matmul %get3A_38, %slice3A_39, %dot_general3A {dimension_numbers = #tpu.dot_dimension_numbers<[1], [0], [0], [1], [0, 0, 1, 1], [], []>, precision = #tpu.contract_precision<fp32>, transpose_lhs_hint = false} : vector<2048x128xf32>, vector<128x128xf32>, vector<2048x128xf32> -> vector<2048x128xf32>
    %slice3A_41 = vector.extract_strided_slice %get3A_35 {offsets = [0, 0], sizes = [128, 128], strides = [1, 1]} : vector<160x128xf32> to vector<128x128xf32>
    %dot_general3A_42 = arith.constant dense<0.000000e+00> : vector<2048x128xf32>
    %dot_general3A_43 = tpu.matmul %mul3A_29, %slice3A_41, %dot_general3A_42 {dimension_numbers = #tpu.dot_dimension_numbers<[1], [0], [0], [1], [0, 0, 1, 1], [], []>, precision = #tpu.contract_precision<fp32>, transpose_lhs_hint = false} : vector<2048x128xf32>, vector<128x128xf32>, vector<2048x128xf32> -> vector<2048x128xf32>
    %add3A_44 = arith.addf %dot_general3A_40, %dot_general3A_43 : vector<2048x128xf32>
    %slice3A_45 = vector.extract_strided_slice %get3A_35 {offsets = [128, 0], sizes = [16, 128], strides = [1, 1]} : vector<160x128xf32> to vector<16x128xf32>
    %dot_general3A_46 = arith.constant dense<0.000000e+00> : vector<2048x128xf32>
    %dot_general3A_47 = tpu.matmul %mul3A_12, %slice3A_45, %dot_general3A_46 {dimension_numbers = #tpu.dot_dimension_numbers<[1], [0], [0], [1], [0, 0, 1, 1], [], []>, precision = #tpu.contract_precision<fp32>, transpose_lhs_hint = false} : vector<2048x16xf32>, vector<16x128xf32>, vector<2048x128xf32> -> vector<2048x128xf32>
    %add3A_48 = arith.addf %add3A_44, %dot_general3A_47 : vector<2048x128xf32>
    %slice3A_49 = vector.extract_strided_slice %get3A_35 {offsets = [144, 0], sizes = [16, 128], strides = [1, 1]} : vector<160x128xf32> to vector<16x128xf32>
    %dot_general3A_50 = arith.constant dense<0.000000e+00> : vector<2048x128xf32>
    %dot_general3A_51 = tpu.matmul %mul3A_17, %slice3A_49, %dot_general3A_50 {dimension_numbers = #tpu.dot_dimension_numbers<[1], [0], [0], [1], [0, 0, 1, 1], [], []>, precision = #tpu.contract_precision<fp32>, transpose_lhs_hint = false} : vector<2048x16xf32>, vector<16x128xf32>, vector<2048x128xf32> -> vector<2048x128xf32>
    %add3A_52 = arith.addf %add3A_48, %dot_general3A_51 : vector<2048x128xf32>
    %broadcast_in_dim3A = vector.shape_cast %add3A_52 : vector<2048x128xf32> to vector<1x2048x128xf32>
    %swap3A = arith.constant 0 : index
    %swap3A_53 = arith.constant 0 : index
    %swap3A_54 = arith.constant 0 : index
    %swap3A_55 = vector.load %arg8[%swap3A, %swap3A_53, %swap3A_54] : memref<1x2048x128xf32, #tpu.memory_space<vmem>>, vector<1x2048x128xf32>
    tpu.vector_store %arg8[%swap3A, %swap3A_53, %swap3A_54], %broadcast_in_dim3A {strides = array<i32>} : memref<1x2048x128xf32, #tpu.memory_space<vmem>>, vector<1x2048x128xf32>,
    %get3A_56 = arith.constant 0 : index
    %get3A_57 = arith.constant 0 : index
    %get3A_58 = vector.load %arg7[%get3A_56, %get3A_57] : memref<144x128xf32, #tpu.memory_space<vmem>>, vector<144x128xf32>
    %slice3A_59 = vector.extract_strided_slice %get3A_58 {offsets = [128, 0], sizes = [16, 128], strides = [1, 1]} : vector<144x128xf32> to vector<16x128xf32>
    %dot_general3A_60 = arith.constant dense<0.000000e+00> : vector<2048x128xf32>
    %dot_general3A_61 = tpu.matmul %mul3A_22, %slice3A_59, %dot_general3A_60 {dimension_numbers = #tpu.dot_dimension_numbers<[1], [0], [0], [1], [0, 0, 1, 1], [], []>, precision = #tpu.contract_precision<fp32>, transpose_lhs_hint = false} : vector<2048x16xf32>, vector<16x128xf32>, vector<2048x128xf32> -> vector<2048x128xf32>
    %broadcast_in_dim3A_62 = vector.shape_cast %dot_general3A_61 : vector<2048x128xf32> to vector<1x2048x128xf32>
    %swap3A_63 = arith.constant 0 : index
    %swap3A_64 = arith.constant 0 : index
    %swap3A_65 = arith.constant 0 : index
    %swap3A_66 = vector.load %arg9[%swap3A_63, %swap3A_64, %swap3A_65] : memref<1x2048x128xf32, #tpu.memory_space<vmem>>, vector<1x2048x128xf32>
    tpu.vector_store %arg9[%swap3A_63, %swap3A_64, %swap3A_65], %broadcast_in_dim3A_62 {strides = array<i32>} : memref<1x2048x128xf32, #tpu.memory_space<vmem>>, vector<1x2048x128xf32>,
    return
  }
  func.func @transform_0(%arg0: i32, %arg1: i32) -> (i32, i32) {
    %c0_i32 = arith.constant 0 : i32
    %c0_i32_0 = arith.constant 0 : i32
    return %arg1, %c0_i32 : i32, i32
  }
  func.func @transform_1(%arg0: i32, %arg1: i32) -> (i32, i32, i32) {
    %sub3A = arith.constant 1 : i32
    %sub3A_0 = arith.subi %sub3A, %arg0 : i32
    %c0_i32 = arith.constant 0 : i32
    %c0_i32_1 = arith.constant 0 : i32
    return %sub3A_0, %arg1, %c0_i32 : i32, i32, i32
  }
  func.func @transform_2(%arg0: i32, %arg1: i32) -> (i32, i32, i32) {
    %sub3A = arith.constant 1 : i32
    %sub3A_0 = arith.subi %sub3A, %arg0 : i32
    %c0_i32 = arith.constant 0 : i32
    %c0_i32_1 = arith.constant 0 : i32
    return %sub3A_0, %arg1, %c0_i32 : i32, i32, i32
  }
  func.func @transform_3(%arg0: i32, %arg1: i32) -> (i32, i32) {
    %c0_i32 = arith.constant 0 : i32
    %c0_i32_0 = arith.constant 0 : i32
    %c0_i32_1 = arith.constant 0 : i32
    return %c0_i32, %c0_i32_0 : i32, i32
  }
  func.func @transform_4(%arg0: i32, %arg1: i32) -> (i32, i32) {
    %c0_i32 = arith.constant 0 : i32
    %c0_i32_0 = arith.constant 0 : i32
    %c0_i32_1 = arith.constant 0 : i32
    return %c0_i32, %c0_i32_0 : i32, i32
  }
  func.func @transform_5(%arg0: i32, %arg1: i32) -> (i32, i32) {
    %c0_i32 = arith.constant 0 : i32
    %c0_i32_0 = arith.constant 0 : i32
    %c0_i32_1 = arith.constant 0 : i32
    return %c0_i32, %c0_i32_0 : i32, i32
  }
  func.func @transform_6(%arg0: i32, %arg1: i32) -> (i32, i32, i32) {
    %c0_i32 = arith.constant 0 : i32
    %c0_i32_0 = arith.constant 0 : i32
    return %arg0, %arg1, %c0_i32 : i32, i32, i32
  }
  func.func @transform_7(%arg0: i32, %arg1: i32) -> (i32, i32, i32) {
    %c0_i32 = arith.constant 0 : i32
    %c0_i32_0 = arith.constant 0 : i32
    return %arg0, %arg1, %c0_i32 : i32, i32, i32
  }
}

module attributes {stable_mosaic.version = 14 : i64} {
  func.func @body(%arg0: i32, %arg1: memref<2x2000x128xf32, #tpu.memory_space<vmem>>, %arg2: memref<2000x16xf32, #tpu.memory_space<vmem>>, %arg3: memref<144x128xf32, #tpu.memory_space<vmem>>, %arg4: memref<2x2000x128xf32, #tpu.memory_space<vmem>>) attributes {dimension_semantics = [#tpu.dimension_semantics<parallel>], iteration_bounds = array<i64: 160>, scalar_prefetch = 0 : i64, scratch_operands = 0 : i64, tpu.core_type = #tpu.core_type<tc>, window_params = [{transform_indices = @transform_0, window_bounds = array<i64: 2, 2000, 128>}, {transform_indices = @transform_1, window_bounds = array<i64: 2000, 16>}, {pipeline_mode = #tpu.pipeline_mode<synchronous>, transform_indices = @transform_2, window_bounds = array<i64: 144, 128>}, {transform_indices = @transform_3, window_bounds = array<i64: 2, 2000, 128>}]} {
    %get3A = arith.constant 0 : index
    %get3A_0 = arith.constant 0 : index
    %get3A_1 = vector.load %arg2[%get3A, %get3A_0] : memref<2000x16xf32, #tpu.memory_space<vmem>>, vector<2000x16xf32>
    %get3A_2 = arith.constant 0 : index
    %get3A_3 = arith.constant 0 : index
    %get3A_4 = vector.load %arg3[%get3A_2, %get3A_3] : memref<144x128xf32, #tpu.memory_space<vmem>>, vector<144x128xf32>
    %slice3A = vector.extract_strided_slice %get3A_4 {offsets = [128, 0], sizes = [16, 128], strides = [1, 1]} : vector<144x128xf32> to vector<16x128xf32>
    %dot_general3A = arith.constant dense<0.000000e+00> : vector<2000x128xf32>
    %dot_general3A_5 = tpu.matmul %get3A_1, %slice3A, %dot_general3A {dimension_numbers = #tpu.dot_dimension_numbers<[1], [0], [0], [1], [0, 0, 1, 1], [], []>, transpose_lhs_hint = false} : vector<2000x16xf32>, vector<16x128xf32>, vector<2000x128xf32> -> vector<2000x128xf32>
    %get3A_6 = arith.constant 0 : index
    %get3A_7 = arith.constant 0 : index
    %get3A_8 = arith.constant 0 : index
    %get3A_9 = vector.load %arg1[%get3A_6, %get3A_7, %get3A_8] : memref<2x2000x128xf32, #tpu.memory_space<vmem>>, vector<2x2000x128xf32>
    %broadcast_in_dim3A = vector.shape_cast %dot_general3A_5 : vector<2000x128xf32> to vector<1x2000x128xf32>
    %add3A = vector.broadcast %broadcast_in_dim3A : vector<1x2000x128xf32> to vector<2x2000x128xf32>
    %add3A_10 = arith.addf %get3A_9, %add3A : vector<2x2000x128xf32>
    %max3A = arith.constant 0.000000e+00 : f32
    %max3A_11 = vector.broadcast %max3A : f32 to vector<2x2000x128xf32>
    %max3A_12 = arith.maximumf %add3A_10, %max3A_11 : vector<2x2000x128xf32>
    %swap3A = arith.constant 0 : index
    %swap3A_13 = arith.constant 0 : index
    %swap3A_14 = arith.constant 0 : index
    %swap3A_15 = vector.load %arg4[%swap3A, %swap3A_13, %swap3A_14] : memref<2x2000x128xf32, #tpu.memory_space<vmem>>, vector<2x2000x128xf32>
    tpu.vector_store %arg4[%swap3A, %swap3A_13, %swap3A_14], %max3A_12 {strides = array<i32>} : memref<2x2000x128xf32, #tpu.memory_space<vmem>>, vector<2x2000x128xf32>,
    return
  }
  func.func @transform_0(%arg0: i32) -> (i32, i32, i32) {
    %c0_i32 = arith.constant 0 : i32
    %c0_i32_0 = arith.constant 0 : i32
    %c0_i32_1 = arith.constant 0 : i32
    return %c0_i32, %arg0, %c0_i32_0 : i32, i32, i32
  }
  func.func @transform_1(%arg0: i32) -> (i32, i32) {
    %c0_i32 = arith.constant 0 : i32
    %c0_i32_0 = arith.constant 0 : i32
    return %arg0, %c0_i32 : i32, i32
  }
  func.func @transform_2(%arg0: i32) -> (i32, i32) {
    %c0_i32 = arith.constant 0 : i32
    %c0_i32_0 = arith.constant 0 : i32
    %c0_i32_1 = arith.constant 0 : i32
    return %c0_i32, %c0_i32_0 : i32, i32
  }
  func.func @transform_3(%arg0: i32) -> (i32, i32, i32) {
    %c0_i32 = arith.constant 0 : i32
    %c0_i32_0 = arith.constant 0 : i32
    %c0_i32_1 = arith.constant 0 : i32
    return %c0_i32, %arg0, %c0_i32_0 : i32, i32, i32
  }
}

module attributes {stable_mosaic.version = 14 : i64} {
  func.func @body(%arg0: i32, %arg1: i32, %arg2: memref<1x2048x128xf32, #tpu.memory_space<vmem>>, %arg3: memref<1x2048x128xf32, #tpu.memory_space<vmem>>, %arg4: memref<1x2048x128xf32, #tpu.memory_space<vmem>>, %arg5: memref<144x128xf32, #tpu.memory_space<vmem>>, %arg6: memref<1x2048x128xf32, #tpu.memory_space<vmem>>) attributes {dimension_semantics = [#tpu.dimension_semantics<parallel>, #tpu.dimension_semantics<parallel>], iteration_bounds = array<i64: 2, 5>, scalar_prefetch = 0 : i64, scratch_operands = 0 : i64, tpu.core_type = #tpu.core_type<tc>, window_params = [{transform_indices = @transform_0, window_bounds = array<i64: 1, 2048, 128>}, {transform_indices = @transform_1, window_bounds = array<i64: 1, 2048, 128>}, {transform_indices = @transform_2, window_bounds = array<i64: 1, 2048, 128>}, {pipeline_mode = #tpu.pipeline_mode<synchronous>, transform_indices = @transform_3, window_bounds = array<i64: 144, 128>}, {transform_indices = @transform_4, window_bounds = array<i64: 1, 2048, 128>}]} {
    %get3A = arith.constant 0 : index
    %get3A_0 = arith.constant 0 : index
    %get3A_1 = arith.constant 0 : index
    %get3A_2 = vector.load %arg3[%get3A, %get3A_0, %get3A_1] : memref<1x2048x128xf32, #tpu.memory_space<vmem>>, vector<1x2048x128xf32>
    %get3A_3 = vector.shape_cast %get3A_2 : vector<1x2048x128xf32> to vector<2048x128xf32>
    %slice3A = vector.extract_strided_slice %get3A_3 {offsets = [0, 48], sizes = [2048, 16], strides = [1, 1]} : vector<2048x128xf32> to vector<2048x16xf32>
    %slice3A_4 = vector.extract_strided_slice %get3A_3 {offsets = [0, 112], sizes = [2048, 16], strides = [1, 1]} : vector<2048x128xf32> to vector<2048x16xf32>
    %add3A = arith.addf %slice3A, %slice3A_4 : vector<2048x16xf32>
    %slice3A_5 = vector.extract_strided_slice %add3A {offsets = [0, 0], sizes = [2048, 1], strides = [1, 1]} : vector<2048x16xf32> to vector<2048x1xf32>
    %jit3A = arith.constant 1.000000e+00 : f32
    %max3A = vector.broadcast %jit3A : f32 to vector<2048x1xf32>
    %max3A_6 = arith.maximumf %max3A, %slice3A_5 : vector<2048x1xf32>
    %div3A = arith.constant 1.000000e+00 : f32
    %div3A_7 = vector.broadcast %div3A : f32 to vector<2048x1xf32>
    %div3A_8 = arith.divf %div3A_7, %max3A_6 : vector<2048x1xf32>
    %get3A_9 = arith.constant 0 : index
    %get3A_10 = arith.constant 0 : index
    %get3A_11 = arith.constant 0 : index
    %get3A_12 = vector.load %arg2[%get3A_9, %get3A_10, %get3A_11] : memref<1x2048x128xf32, #tpu.memory_space<vmem>>, vector<1x2048x128xf32>
    %get3A_13 = vector.shape_cast %get3A_12 : vector<1x2048x128xf32> to vector<2048x128xf32>
    %mul3A = vector.broadcast %div3A_8 : vector<2048x1xf32> to vector<2048x128xf32>
    %mul3A_14 = arith.mulf %get3A_13, %mul3A : vector<2048x128xf32>
    %get3A_15 = arith.constant 0 : index
    %get3A_16 = arith.constant 0 : index
    %get3A_17 = vector.load %arg5[%get3A_15, %get3A_16] : memref<144x128xf32, #tpu.memory_space<vmem>>, vector<144x128xf32>
    %slice3A_18 = vector.extract_strided_slice %get3A_17 {offsets = [0, 0], sizes = [128, 128], strides = [1, 1]} : vector<144x128xf32> to vector<128x128xf32>
    %dot_general3A = arith.constant dense<0.000000e+00> : vector<2048x128xf32>
    %dot_general3A_19 = tpu.matmul %mul3A_14, %slice3A_18, %dot_general3A {dimension_numbers = #tpu.dot_dimension_numbers<[1], [0], [0], [1], [0, 0, 1, 1], [], []>, precision = #tpu.contract_precision<fp32>, transpose_lhs_hint = false} : vector<2048x128xf32>, vector<128x128xf32>, vector<2048x128xf32> -> vector<2048x128xf32>
    %get3A_20 = arith.constant 0 : index
    %get3A_21 = arith.constant 0 : index
    %get3A_22 = arith.constant 0 : index
    %get3A_23 = vector.load %arg4[%get3A_20, %get3A_21, %get3A_22] : memref<1x2048x128xf32, #tpu.memory_space<vmem>>, vector<1x2048x128xf32>
    %get3A_24 = vector.shape_cast %get3A_23 : vector<1x2048x128xf32> to vector<2048x128xf32>
    %add3A_25 = arith.addf %dot_general3A_19, %get3A_24 : vector<2048x128xf32>
    %broadcast_in_dim3A = vector.shape_cast %add3A_25 : vector<2048x128xf32> to vector<1x2048x128xf32>
    %swap3A = arith.constant 0 : index
    %swap3A_26 = arith.constant 0 : index
    %swap3A_27 = arith.constant 0 : index
    %swap3A_28 = vector.load %arg6[%swap3A, %swap3A_26, %swap3A_27] : memref<1x2048x128xf32, #tpu.memory_space<vmem>>, vector<1x2048x128xf32>
    tpu.vector_store %arg6[%swap3A, %swap3A_26, %swap3A_27], %broadcast_in_dim3A {strides = array<i32>} : memref<1x2048x128xf32, #tpu.memory_space<vmem>>, vector<1x2048x128xf32>,
    return
  }
  func.func @transform_0(%arg0: i32, %arg1: i32) -> (i32, i32, i32) {
    %sub3A = arith.constant 1 : i32
    %sub3A_0 = arith.subi %sub3A, %arg0 : i32
    %c0_i32 = arith.constant 0 : i32
    %c0_i32_1 = arith.constant 0 : i32
    return %sub3A_0, %arg1, %c0_i32 : i32, i32, i32
  }
  func.func @transform_1(%arg0: i32, %arg1: i32) -> (i32, i32, i32) {
    %sub3A = arith.constant 1 : i32
    %sub3A_0 = arith.subi %sub3A, %arg0 : i32
    %c0_i32 = arith.constant 0 : i32
    %c0_i32_1 = arith.constant 0 : i32
    return %sub3A_0, %arg1, %c0_i32 : i32, i32, i32
  }
  func.func @transform_2(%arg0: i32, %arg1: i32) -> (i32, i32, i32) {
    %c0_i32 = arith.constant 0 : i32
    %c0_i32_0 = arith.constant 0 : i32
    return %arg0, %arg1, %c0_i32 : i32, i32, i32
  }
  func.func @transform_3(%arg0: i32, %arg1: i32) -> (i32, i32) {
    %c0_i32 = arith.constant 0 : i32
    %c0_i32_0 = arith.constant 0 : i32
    %c0_i32_1 = arith.constant 0 : i32
    return %c0_i32, %c0_i32_0 : i32, i32
  }
  func.func @transform_4(%arg0: i32, %arg1: i32) -> (i32, i32, i32) {
    %c0_i32 = arith.constant 0 : i32
    %c0_i32_0 = arith.constant 0 : i32
    return %arg0, %arg1, %c0_i32 : i32, i32, i32
  }
}

module attributes {stable_mosaic.version = 14 : i64} {
  func.func @body(%arg0: i32, %arg1: memref<2x2000x128xf32, #tpu.memory_space<vmem>>, %arg2: memref<2x2000x128xf32, #tpu.memory_space<vmem>>, %arg3: memref<128x128xf32, #tpu.memory_space<vmem>>, %arg4: memref<2000x128xf32, #tpu.memory_space<vmem>>, %arg5: memref<2000x128xf32, #tpu.memory_space<vmem>>) attributes {dimension_semantics = [#tpu.dimension_semantics<parallel>], iteration_bounds = array<i64: 160>, scalar_prefetch = 0 : i64, scratch_operands = 0 : i64, tpu.core_type = #tpu.core_type<tc>, window_params = [{transform_indices = @transform_0, window_bounds = array<i64: 2, 2000, 128>}, {transform_indices = @transform_1, window_bounds = array<i64: 2, 2000, 128>}, {pipeline_mode = #tpu.pipeline_mode<synchronous>, transform_indices = @transform_2, window_bounds = array<i64: 128, 128>}, {transform_indices = @transform_3, window_bounds = array<i64: 2000, 128>}, {transform_indices = @transform_4, window_bounds = array<i64: 2000, 128>}]} {
    %get3A = arith.constant 0 : index
    %get3A_0 = arith.constant 0 : index
    %get3A_1 = vector.load %arg3[%get3A, %get3A_0] : memref<128x128xf32, #tpu.memory_space<vmem>>, vector<128x128xf32>
    %get3A_2 = arith.constant 0 : index
    %get3A_3 = arith.constant 0 : index
    %get3A_4 = arith.constant 0 : index
    %get3A_5 = vector.load %arg1[%get3A_2, %get3A_3, %get3A_4] : memref<2x2000x128xf32, #tpu.memory_space<vmem>>, vector<1x2000x128xf32>
    %get3A_6 = vector.shape_cast %get3A_5 : vector<1x2000x128xf32> to vector<2000x128xf32>
    %dot_general3A = arith.constant dense<0.000000e+00> : vector<2000x128xf32>
    %dot_general3A_7 = tpu.matmul %get3A_6, %get3A_1, %dot_general3A {dimension_numbers = #tpu.dot_dimension_numbers<[1], [0], [0], [1], [0, 0, 1, 1], [], []>, transpose_lhs_hint = false} : vector<2000x128xf32>, vector<128x128xf32>, vector<2000x128xf32> -> vector<2000x128xf32>
    %get3A_8 = arith.constant 0 : index
    %get3A_9 = arith.constant 0 : index
    %get3A_10 = arith.constant 0 : index
    %get3A_11 = vector.load %arg2[%get3A_8, %get3A_9, %get3A_10] : memref<2x2000x128xf32, #tpu.memory_space<vmem>>, vector<1x2000x128xf32>
    %get3A_12 = vector.shape_cast %get3A_11 : vector<1x2000x128xf32> to vector<2000x128xf32>
    %add3A = arith.addf %dot_general3A_7, %get3A_12 : vector<2000x128xf32>
    %max3A = arith.constant 0.000000e+00 : f32
    %max3A_13 = vector.broadcast %max3A : f32 to vector<2000x128xf32>
    %max3A_14 = arith.maximumf %add3A, %max3A_13 : vector<2000x128xf32>
    %swap3A = arith.constant 0 : index
    %swap3A_15 = arith.constant 0 : index
    %swap3A_16 = vector.load %arg4[%swap3A, %swap3A_15] : memref<2000x128xf32, #tpu.memory_space<vmem>>, vector<2000x128xf32>
    tpu.vector_store %arg4[%swap3A, %swap3A_15], %max3A_14 {strides = array<i32>} : memref<2000x128xf32, #tpu.memory_space<vmem>>, vector<2000x128xf32>,
    %get3A_17 = arith.constant 1 : index
    %get3A_18 = arith.constant 0 : index
    %get3A_19 = arith.constant 0 : index
    %get3A_20 = vector.load %arg1[%get3A_17, %get3A_18, %get3A_19] : memref<2x2000x128xf32, #tpu.memory_space<vmem>>, vector<1x2000x128xf32>
    %get3A_21 = vector.shape_cast %get3A_20 : vector<1x2000x128xf32> to vector<2000x128xf32>
    %dot_general3A_22 = arith.constant dense<0.000000e+00> : vector<2000x128xf32>
    %dot_general3A_23 = tpu.matmul %get3A_21, %get3A_1, %dot_general3A_22 {dimension_numbers = #tpu.dot_dimension_numbers<[1], [0], [0], [1], [0, 0, 1, 1], [], []>, transpose_lhs_hint = false} : vector<2000x128xf32>, vector<128x128xf32>, vector<2000x128xf32> -> vector<2000x128xf32>
    %get3A_24 = arith.constant 1 : index
    %get3A_25 = arith.constant 0 : index
    %get3A_26 = arith.constant 0 : index
    %get3A_27 = vector.load %arg2[%get3A_24, %get3A_25, %get3A_26] : memref<2x2000x128xf32, #tpu.memory_space<vmem>>, vector<1x2000x128xf32>
    %get3A_28 = vector.shape_cast %get3A_27 : vector<1x2000x128xf32> to vector<2000x128xf32>
    %add3A_29 = arith.addf %dot_general3A_23, %get3A_28 : vector<2000x128xf32>
    %max3A_30 = arith.constant 0.000000e+00 : f32
    %max3A_31 = vector.broadcast %max3A_30 : f32 to vector<2000x128xf32>
    %max3A_32 = arith.maximumf %add3A_29, %max3A_31 : vector<2000x128xf32>
    %swap3A_33 = arith.constant 0 : index
    %swap3A_34 = arith.constant 0 : index
    %swap3A_35 = vector.load %arg5[%swap3A_33, %swap3A_34] : memref<2000x128xf32, #tpu.memory_space<vmem>>, vector<2000x128xf32>
    tpu.vector_store %arg5[%swap3A_33, %swap3A_34], %max3A_32 {strides = array<i32>} : memref<2000x128xf32, #tpu.memory_space<vmem>>, vector<2000x128xf32>,
    return
  }
  func.func @transform_0(%arg0: i32) -> (i32, i32, i32) {
    %c0_i32 = arith.constant 0 : i32
    %c0_i32_0 = arith.constant 0 : i32
    %c0_i32_1 = arith.constant 0 : i32
    return %c0_i32, %arg0, %c0_i32_0 : i32, i32, i32
  }
  func.func @transform_1(%arg0: i32) -> (i32, i32, i32) {
    %c0_i32 = arith.constant 0 : i32
    %c0_i32_0 = arith.constant 0 : i32
    %c0_i32_1 = arith.constant 0 : i32
    return %c0_i32, %arg0, %c0_i32_0 : i32, i32, i32
  }
  func.func @transform_2(%arg0: i32) -> (i32, i32) {
    %c0_i32 = arith.constant 0 : i32
    %c0_i32_0 = arith.constant 0 : i32
    %c0_i32_1 = arith.constant 0 : i32
    return %c0_i32, %c0_i32_0 : i32, i32
  }
  func.func @transform_3(%arg0: i32) -> (i32, i32) {
    %c0_i32 = arith.constant 0 : i32
    %c0_i32_0 = arith.constant 0 : i32
    return %arg0, %c0_i32 : i32, i32
  }
  func.func @transform_4(%arg0: i32) -> (i32, i32) {
    %c0_i32 = arith.constant 0 : i32
    %c0_i32_0 = arith.constant 0 : i32
    return %arg0, %c0_i32 : i32, i32
  }
}

</mosaic_0001>

<sc_bundles>
// kernel: kernel.12.cloned.1.call-start
scs
__scs_entry_jumppad:
0x0: {  	(pc) =	sbr.rel $0x88, $3  }
0x1: {  	(tag) =	ssettag $0x0;
	lr =	simm.s32 $0x1  }
0x2: {  	[smem:$0x3F95] =	sst lr;
	_ =	strace $0xD0000000  }
0x3: {  	_ = 	snop  }
0x4: {  	_ = 	snop  }
0x5: {  	_ = 	snop  }
0x6: {  	_ = 	snop  }
0x7: {  	_ = 	snop  }
__scs_overlays_trampoline_lowered:
0x8: {  	[smem:$0x3FA4] =	sst s0  }
0x9: {  	[smem:$0x3FA5] =	sst s1  }
0xa: {  	[smem:$0x3FA6] =	sst s2  }
0xb: {  	[smem:$0x3FA7] =	sst s3  }
0xc: {  	[smem:$0x3FA8] =	sst s4  }
0xd: {  	[smem:$0x3FA9] =	sst s5  }
0xe: {  	[smem:$0x3FAA] =	sst s6  }
0xf: {  	[smem:$0x3FAB] =	sst s7  }
0x10: {  	[smem:$0x3FAC] =	sst s8  }
0x11: {  	[smem:$0x3FAD] =	sst s9;
	s0 =	simm.s32 @!p0 $0x0  }
0x12: {  	s1 =	sld [smem:$0x3F93];
	s0 =	simm.s32 @p0 $0x1  }
0x13: {  	[smem:$0x3FAE] =	sst s0;
	s0 =	simm.s32 @!p1 $0x0  }
0x14: {  	s2 =	sld [smem:$0x3F92];
	s0 =	simm.s32 @p1 $0x1  }
0x15: {  	[smem:$0x3FAF] =	sst s0;
	s0 =	simm.s32 @!p2 $0x0  }
0x16: {  	s3 =	sld [smem:$0x3FDB];
	s0 =	simm.s32 @p2 $0x1  }
0x17: {  	s4 =	simm.s32 $0x1BF5;
	[smem:$0x3FB1] =	sst s0  }
0x18: {  	s0 =	sld [smem:$0x3F94];
	_ =	swait.ge [sflag:s4], $0x0  }
0x19: {  	s7 =	sld [smem:$0x3F95]  }
0x1a: {  	s8 =	sadd.s32 $0xFFFFE003, lr  }
0x1b: {  	s9 =	sadd.s32 $0xFFFFFEF7, lr;
	s5 =	simm.s32 $0xFFFFFFFF;
	p2 =	slt.u32 s8, $0xFFFFF086  }
0x1c: {  	p1 =	slt.u32 s9, $0xF7A;
	s5 =	simm.s32 @!p2 $0x0  }
0x1d: {  	s5 =	simm.s32 @p1 $0x1;
	p0 =	seq.s32 s7, s2  }
0x1e: {  	s7 =	smul.u32 @!p0 $0xF7A, s2;
	p2 =	seq.s32 @!p0 s5, $0x0  }
0x1f: {  	s9 =	smul.u32 $0xF7A, s1;
	s8 =	simm.s32 @!p0 $0x1BF5;
	p2 =	por !p2, p0  }
0x20: {  	[sflag:s8] =	ssyncset.s32 @!p0 $0xFFFFF086;
	s6 =	sadd.s32 @!p0 s3, s7;
	s7 =	simm.s32 @!p0 $0x108  }
0x21: {  	s3 =	sadd.s32 s3, s9;
	s6 =	sadd.s32 @!p0 $0x88, s6;
	s7 =	simm.s32 @p2 $0x1082  }
0x22: {  	[simem:s7], [sflag:s8] =	dma.local @!p0 [hbm:s6], $0xF7A  }
0x23: {  	s9 =	sor.u32 $0xD0000000, s2;
	s6 =	simm.s32 $0x108;
	_ =	swait.ge @!p0 [sflag:s8], $0x0  }
0x24: {  	s3 =	sadd.s32 $0x88, s3;
	s6 =	simm.s32 @!p1 $0x1082;
	[sflag:s4] =	ssyncset.s32 $0xFFFFF086  }
0x25: {  	[simem:s6], [sflag:s4] =	dma.local [hbm:s3], $0xF7A  }
0x26: {  	[smem:$0x3F95] =	sst s1;
	(tag) =	ssettag s2;
	_ =	strace s9  }
0x27: {  	s1 =	sld [smem:$0x3FA5]  }
0x28: {  	s2 =	sld [smem:$0x3FA6]  }
0x29: {  	s4 =	sld [smem:$0x3FA8]  }
0x2a: {  	p0 =	seq.s32 s5, $0x0;
	s5 =	sld [smem:$0x3FA9]  }
0x2b: {  	s6 =	sld [smem:$0x3FAA]  }
0x2c: {  	s7 =	sld [smem:$0x3FAB]  }
0x2d: {  	s3 =	simm.s32 $0x108;
	s8 =	sld [smem:$0x3FAC]  }
0x2e: {  	s3 =	simm.s32 @!p0 $0x1082;
	s9 =	sld [smem:$0x3FAD]  }
0x2f: {  	lr =	sadd.s32 s0, s3;
	s0 =	sld [smem:$0x3FA4]  }
0x30: {  	s3 =	sld [smem:$0x3FA7]  }
0x31: {  	[smem:$0x3FB0] =	sst s10  }
0x32: {  	s10 =	sld [smem:$0x3FAE];
	_ =	sdelay $0x3  }
0x33: {  	p0 =	seq.s32 s10, $0x1;
	s10 =	sld [smem:$0x3FB0];
	_ =	sdelay $0x3  }
0x34: {  	[smem:$0x3FB0] =	sst s10  }
0x35: {  	s10 =	sld [smem:$0x3FAF];
	_ =	sdelay $0x3  }
0x36: {  	p1 =	seq.s32 s10, $0x1;
	s10 =	sld [smem:$0x3FB0];
	_ =	sdelay $0x3  }
0x37: {  	[smem:$0x3FB0] =	sst s10  }
0x38: {  	s10 =	sld [smem:$0x3FB1]  }
0x39: {  	_ = 	snop;
	(pc) =	sbr.ind lr, $3  }
0x3a: {  	_ = 	snop  }
0x3b: {  	_ = 	snop  }
0x3c: {  	p2 =	seq.s32 s10, $0x1;
	s10 =	sld [smem:$0x3FB0]  }
0x3d: {  	_ =	shalt  }
0x3e: {  	_ =	shalt  }
0x3f: {  	_ =	shalt  }
0x40: {  	_ =	shalt  }
0x41: {  	_ =	shalt  }
0x42: {  	_ =	shalt  }
0x43: {  	_ =	shalt  }
0x44: {  	_ =	shalt  }
0x45: {  	_ =	shalt  }
0x46: {  	_ =	shalt  }
0x47: {  	_ =	shalt  }
0x48: {  	_ =	shalt  }
0x49: {  	_ =	shalt  }
0x4a: {  	_ =	shalt  }
0x4b: {  	_ =	shalt  }
0x4c: {  	_ =	shalt  }
0x4d: {  	_ =	shalt  }
0x4e: {  	_ =	shalt  }
0x4f: {  	_ =	shalt  }
0x50: {  	_ =	shalt  }
0x51: {  	_ =	shalt  }
0x52: {  	_ =	shalt  }
0x53: {  	_ =	shalt  }
0x54: {  	_ =	shalt  }
0x55: {  	_ =	shalt  }
0x56: {  	_ =	shalt  }
0x57: {  	_ =	shalt  }
0x58: {  	_ =	shalt  }
0x59: {  	_ =	shalt  }
0x5a: {  	_ =	shalt  }
0x5b: {  	_ =	shalt  }
0x5c: {  	_ =	shalt  }
0x5d: {  	_ =	shalt  }
0x5e: {  	_ =	shalt  }
0x5f: {  	_ =	shalt  }
0x60: {  	_ =	shalt  }
0x61: {  	_ =	shalt  }
0x62: {  	_ =	shalt  }
0x63: {  	_ =	shalt  }
0x64: {  	_ =	shalt  }
0x65: {  	_ =	shalt  }
0x66: {  	_ =	shalt  }
0x67: {  	_ =	shalt  }
0x68: {  	_ =	shalt  }
0x69: {  	_ =	shalt  }
0x6a: {  	_ =	shalt  }
0x6b: {  	_ =	shalt  }
0x6c: {  	_ =	shalt  }
0x6d: {  	_ =	shalt  }
0x6e: {  	_ =	shalt  }
0x6f: {  	_ =	shalt  }
0x70: {  	_ =	shalt  }
0x71: {  	_ =	shalt  }
0x72: {  	_ =	shalt  }
0x73: {  	_ =	shalt  }
0x74: {  	_ =	shalt  }
0x75: {  	_ =	shalt  }
0x76: {  	_ =	shalt  }
0x77: {  	_ =	shalt  }
0x78: {  	_ =	shalt  }
0x79: {  	_ =	shalt  }
0x7a: {  	_ =	shalt  }
0x7b: {  	_ =	shalt  }
0x7c: {  	_ =	shalt  }
0x7d: {  	_ =	shalt  }
0x7e: {  	_ =	shalt  }
0x7f: {  	_ =	shalt  }
0x80: {  	_ =	shalt  }
0x81: {  	_ =	shalt  }
0x82: {  	_ =	shalt  }
0x83: {  	_ =	shalt  }
0x84: {  	_ =	shalt  }
0x85: {  	_ =	shalt  }
0x86: {  	_ =	shalt  }
0x87: {  	_ =	shalt  }
.Lfunc_end0:
.L_simem_size_0:
called_computation_lowered:
.L_overlay_start_0:
0x88: {  	s2 =	sld [smem:$0x3FD9]  }
0x89: {  	s3 =	sld [smem:$0x3FFE];
	_ =	sdelay $0x1  }
0x8a: {  	s1 =	srdreg.scid  }
0x8b: {  	s0 =	sand.u32 $0x1, s1  }
0x8c: {  	s15 =	sshll.u32 s0, $0xA;
	s2 =	sadd.s32 s3, s2  }
0x8d: {  	s2 =	sadd.s32 s2, s15  }
0x8e: {  	[smem:$0x3FBC] =	sst s2  }
0x8f: {  	_ = 	snop  }
0x90: {  	s2 =	sld [smem:$0x3FD0];
	_ =	sdelay $0x2  }
0x91: {  	s16 =	simm.s32 $0xB;
	s4 =	simm.s32 $0x10  }
0x92: {  	[smem:s4], [sflag:s16] =	dma.local [hbm:s2], $0x1  }
0x93: {  	_ =	swait.eq [sflag:s16], $0x1  }
0x94: {  	[sflag:s16] =	ssyncset.done $0x0  }
0x95: {  	[sflag:s16] =	ssyncadd.s32 $0xFFFFFFFF  }
0x96: {  	s17 =	sld [smem:$0x10];
	(tm) =	ssettm $0x1  }
0x97: {  	s18 =	sld [smem:$0x3FFB];
	_ =	sdelay $0x3  }
0x98: {  	_ =	strace s18  }
0x99: {  	s2 =	sld [smem:$0x3FFC];
	_ =	sdelay $0x3  }
0x9a: {  	_ =	strace s2  }
0x9b: {  	s2 =	sld [smem:$0x3FFD];
	_ =	sdelay $0x3  }
0x9c: {  	_ =	strace s2  }
0x9d: {  	_ =	strace $0x8FFFFFFF  }
0x9e: {  	s19 =	sld [smem:$0x3FDB];
	_ =	sdelay $0x1  }
0x9f: {  	s20 =	simm.s32 $_scs_section_size  }
0xa0: {  	s5 =	simm.s32 $_size__tile_overlayer_lowered;
	s6 =	simm.s32 $_tile_overlayer_lowered  }
0xa1: {  	s7 =	simm.s32 $0x1BFF;
	s21 =	sshll.u32 s6, $0x1;
	s4 =	sadd.s32 s20, s19  }
0xa2: {  	s22 =	simm.s32 $0x0;
	s5 =	sshll.u32 s5, $0x1;
	s6 =	sadd.s32 s21, s4  }
0xa3: {  	[timem:s22], [sflag:s7] =	dma.local [hbm:s6], s5  }
0xa4: {  	_ =	swait.ge [sflag:s7], s5  }
0xa5: {  	s5 =	ssub.s32 $0x0, s5;
	[sflag:s7] =	ssyncset.done $0x0  }
0xa6: {  	[sflag:s7] =	ssyncadd.s32 s5;
	_ =	sdelay $0x1  }
0xa7: {  	s23 =	simm.s32 $0x1B8B  }
0xa8: {  	_ =	swait.ge [sflag:s23], $0x1  }
0xa9: {  	[sflag:s23] =	ssyncset.done $0x0  }
0xaa: {  	[sflag:s23] =	ssyncadd.s32 $0xFFFFFFFF  }
0xab: {  	s5 =	sld [smem:$0x0]  }
0xac: {  	s6 =	sand.u32 $0xFFFFFFFE, s1  }
0xad: {  	p0 =	sne.s32 s1, s6  }
0xae: {  	s6 =	sshll.u32 @p0 s6, $0xE  }
0xaf: {  	s6 =	sadd.s32 @p0 $0x11B8D, s6;
	s7 =	sshll.u32 @p0 s5, $0x11  }
0xb0: {  	s6 =	sor.u32 @p0 s7, s6  }
0xb1: {  	[sflag:s6] =	ssyncadd.remote.s32 @p0 $0x1;
	_ =	sdelay $0x1  }
0xb2: {  	s6 =	simm.s32 @p0 $0x1B8D  }
0xb3: {  	_ =	swait.eq @p0 [sflag:s6], $0x1  }
0xb4: {  	[sflag:s6] =	ssyncadd.s32 @p0 $0xFFFFFFFF  }
0xb5: {  	s7 =	sshll.u32 @!p0 s1, $0xE  }
0xb6: {  	s7 =	sor.u32 @!p0 $0x4000, s7;
	s6 =	simm.s32 @!p0 $0x1B8D  }
0xb7: {  	s5 =	sshll.u32 @!p0 s5, $0x11;
	s7 =	sadd.s32 @!p0 $0x11B8D, s7;
	_ =	swait.eq @!p0 [sflag:s6], $0x1  }
0xb8: {  	s5 =	sor.u32 @!p0 s5, s7;
	[sflag:s6] =	ssyncadd.s32 @!p0 $0xFFFFFFFF  }
0xb9: {  	s25 =	simm.s32 $0x1B8E;
	s24 =	sld [smem:$0x3FFE];
	[sflag:s5] =	ssyncadd.remote.s32 @!p0 $0x1  }
0xba: {  	s26 =	simm.s32 $execute0_lowered;
	[smem:$0x3FD2] =	sst s25  }
0xbb: {  	s6 =	sshll.u32 s26, $0x1;
	_ =	strace $0x80000049;
	[dreg:$0x1] =	wrdreg $0xFFFFFFFF  }
0xbc: {  	s28 =	simm.s32 $_size_execute0_lowered;
	s4 =	sadd.s32 s4, s6;
	[dreg:$0x0] =	wrdreg $0x0  }
0xbd: {  	s6 =	sshll.u32 s28, $0x1;
	[dreg:$0x2] =	wrdreg s4  }
0xbe: {  	[dreg:$0x3] =	wrdreg s6  }
0xbf: {  	[dreg:$0x4] =	wrdreg $0xC0  }
0xc0: {  	_ =	task [dreg:s22], $0x5FFFF  }
0xc1: {  	[dreg:$0x1] =	wrdreg $0xFFFFFFFF  }
0xc2: {  	[dreg:$0x0] =	wrdreg $0x60  }
0xc3: {  	[dreg:$0x2] =	wrdreg s17  }
0xc4: {  	[dreg:$0x3] =	wrdreg s24  }
0xc5: {  	[dreg:$0x4] =	wrdreg $0x0  }
0xc6: {  	[dreg:$0x5] =	wrdreg $0x28000  }
0xc7: {  	[dreg:$0x6] =	wrdreg $0x50000  }
0xc8: {  	[dreg:$0x7] =	wrdreg $0x78000  }
0xc9: {  	[dreg:$0x8] =	wrdreg $0xA0000  }
0xca: {  	[dreg:$0x9] =	wrdreg $0xC8000  }
0xcb: {  	[dreg:$0xa] =	wrdreg $0xF0000  }
0xcc: {  	[dreg:$0xb] =	wrdreg $0x118000  }
0xcd: {  	[dreg:$0xc] =	wrdreg $0x9  }
0xce: {  	_ =	task.clear_ibuf [dreg:s22], $0xDFFFF;
	_ =	strace $0x90000049  }
0xcf: {  	s29 =	simm.s32 $0x9;
	_ =	strace $0x8000004B  }
0xd0: {  	_ =	swait.ge [sflag:s29], $0x1  }
0xd1: {  	[sflag:s29] =	ssyncadd.s32 $0xFFFFFFFF  }
0xd2: {  	_ =	strace $0x9000004B  }
0xd3: {  	_ =	sfence  }
0xd4: {  	s30 =	sld [smem:$0x0];
	_ =	sdelay $0x2  }
0xd5: {  	s31 =	sshll.u32 s1, $0xD;
	s1 =	sshrl.u32 s1, $0x2  }
0xd6: {  	s4 =	sand.u32 $0x4000, s31;
	s1 =	sadd.s32 s1, s30  }
0xd7: {  	s0 =	sor.u32 s4, s0;
	s1 =	sshll.u32 s1, $0x11  }
0xd8: {  	s0 =	sor.u32 s1, s0  }
0xd9: {  	s0 =	sadd.s32 $0x8F2B, s0  }
0xda: {  	[sflag:s0] =	ssyncadd.remote.s32 $0x1  }
0xdb: {  	_ =	sfence.sel $0xFFFF  }
0xdc: {  	[dreg:$0x0] =	wrdreg $0xFFFFFFFF;
	(pc) =	sbr.abs _section_cstart, $3  }
0xdd: {  	[dreg:$0x1] =	wrdreg $0xFFFFFFFF  }
0xde: {  	_ =	task.clear_ibuf [dreg:s22], $0x2FFFF;
	_ =	strace $0x9FFFFFFF  }
0xdf: {  	(tm) =	ssettm $0x7FFFFFFF  }
tec
execute0_lowered:
.L_overlay_start_1:
0x0: {  	(tag) =	ssettag $0x1  }
0x1: {  	s0 =	rddreg [dreg:$0x0]  }
0x2: {  	s6 =	rddreg [dreg:$0x1]  }
0x3: {  	s1 =	rddreg [dreg:$0x2]  }
0x4: {  	s2 =	rddreg [dreg:$0x3]  }
0x5: {  	s3 =	rddreg [dreg:$0x4]  }
0x6: {  	s4 =	rddreg [dreg:$0x5]  }
0x7: {  	s5 =	rddreg [dreg:$0x6]  }
0x8: {  	s8 =	rddreg [dreg:$0x7]  }
0x9: {  	s7 =	srdreg.scid;
	s10 =	rddreg [dreg:$0x8]  }
0xa: {  	s21 =	rddreg [dreg:$0x9];
	s9 =	stileid.u32  }
0xb: {  	s12 =	simm.s32 $0x0;
	s28 =	simm.s32 $0x1AA40;
	s29 =	simm.s32 $0x1B080  }
0xc: {  	s7 =	sand.u32 $0x1, s7;
	[smem:$0x7FF] =	sst s12;
	s13 =	sadd.s32 $0x11AC00, s6  }
0xd: {  	s14 =	sadd.s32 $0x7E800, s6;
	s15 =	smul.u32 $0x14000, s9;
	s16 =	sadd.s32 $0x1B7200, s6  }
0xe: {  	_ =	strace $0x8000004A;
	[dreg:$0xb] =	wrdreg s16;
	s16 =	smul.u32 $0x2800, s9  }
0xf: {  	s22 =	sshll.u32 s9, $0x6;
	s24 =	smul.u32 $0x4E20, s9;
	s11 =	sshll.u32 s7, $0x4  }
0x10: {  	s18 =	sshll.u32 s7, $0x6;
	s19 =	ssub.s32 $0x2, s7;
	s1 =	sadd.s32 s16, s1  }
0x11: {  	s7 =	smul.u32 $0x4E200, s7;
	s2 =	sadd.s32 s16, s2;
	[dreg:$0x10] =	wrdreg s1  }
0x12: {  	s11 =	sor.u32 s9, s11;
	s3 =	sadd.s32 s16, s3;
	[dreg:$0x14] =	wrdreg s2  }
0x13: {  	s15 =	sor.u32 s18, s15;
	s4 =	sadd.s32 s16, s4;
	[dreg:$0x15] =	wrdreg s3  }
0x14: {  	s20 =	sshrl.u32 s19, $0x1;
	s5 =	sadd.s32 s16, s5;
	[dreg:$0x16] =	wrdreg s4  }
0x15: {  	s17 =	smul.u32 $0x28A0, s11;
	s9 =	sadd.s32 s16, s8;
	[dreg:$0x17] =	wrdreg s5  }
0x16: {  	s1 =	sor.u32 $0x1C09, s22;
	[dreg:$0x19] =	wrdreg s9;
	s22 =	sadd.s32 s16, s21  }
0x17: {  	s15 =	sshrl.u32 s15, $0x3;
	s11 =	smul.u32 $0x4E20, s11;
	[dreg:$0x1f] =	wrdreg s22  }
0x18: {  	s12 =	sshrl.u32 s17, $0x3;
	s17 =	sadd.s32 $0x1B7000, s6;
	[dreg:$0x11] =	wrdreg s1  }
0x19: {  	s18 =	sadd.s32 s14, s11;
	s23 =	sadd.s32 s0, s11;
	[dreg:$0xc] =	wrdreg s17  }
0x1a: {  	s11 =	sadd.s32 s13, s11;
	s14 =	sadd.s32 s7, s14;
	[dreg:$0xd] =	wrdreg s18  }
0x1b: {  	s0 =	sadd.s32 s7, s0;
	s7 =	sadd.s32 s7, s13;
	[dreg:$0xe] =	wrdreg s23  }
0x1c: {  	s13 =	sadd.s32 s16, s10;
	s12 =	sadd.s32 s12, s6;
	[dreg:$0xf] =	wrdreg s11  }
0x1d: {  	s6 =	sadd.s32 s15, s6;
	[dreg:$0x1c] =	wrdreg s13;
	s25 =	sadd.s32 $0x74480, s12  }
0x1e: {  	s15 =	ssub.s32 s19, s20;
	s26 =	sadd.s32 $0x6A200, s12;
	[dreg:$0x12] =	wrdreg s25  }
0x1f: {  	s20 =	sadd.s32 s24, s7;
	s7 =	sadd.s32 $0x1B7800, s6;
	[dreg:$0x13] =	wrdreg s26  }
0x20: {  	s30 =	simm.s32 $0x1B6C0;
	s11 =	sadd.s32 $0x1B7802, s6;
	[dreg:$0x18] =	wrdreg s7  }
0x21: {  	s31 =	simm.s32 $0x1;
	s12 =	sadd.s32 $0x1B7804, s6;
	[dreg:$0x1a] =	wrdreg s11  }
0x22: {  	s18 =	sadd.s32 s24, s14;
	s14 =	sadd.s32 $0x1B7806, s6;
	[dreg:$0x1b] =	wrdreg s12  }
0x23: {  	s3 =	simm.s32 $0x9;
	s17 =	sadd.s32 $0x1DF800, s6;
	[dreg:$0x1d] =	wrdreg s14  }
0x24: {  	s2 =	simm.s32 $0x0;
	s23 =	sadd.s32 $0x1DF802, s6;
	[dreg:$0x1e] =	wrdreg s17  }
0x25: {  	s19 =	sadd.s32 s24, s0;
	s24 =	sadd.s32 $0x1DF804, s6;
	[smem:$0x7FA] =	sst s23  }
0x26: {  	s13 =	simm.s32 $0x4;
	[smem:$0x7FB] =	sst s24;
	s25 =	sadd.s32 $0x1DF806, s6  }
0x27: {  	s26 =	smax.u32 s15, $0x1;
	s23 =	simm.s32 $0x19140;
	s6 =	simm.s32 $0x2  }
0x28: {  	s7 =	simm.s32 $0x3;
	s12 =	simm.s32 $0x64;
	[smem:$0x7FC] =	sst s25  }
0x29: {  	s14 =	simm.s32 $0x5;
	s15 =	simm.s32 $0x6;
	[smem:$0x7FD] =	sst s26  }
.LBB2_1:
0x2a: {  	[smem:$0x7F1] =	sst s2  }
0x2b: {  	s0 =	rddreg [dreg:$0x10]  }
0x2c: {  	s11 =	rddreg [dreg:$0xb];
	s10 =	sshrl.u32 s0, $0x3  }
0x2d: {  	[smem:$0x7F2] =	sst s10  }
0x2e: {  	[spmem:s10], [sflag:s1] =	dma.local [hbm:s11], $0x500  }
0x2f: {  	_ =	swait.ge [sflag:s3], $0x500  }
0x30: {  	s16 =	rddreg [dreg:$0x14]  }
0x31: {  	[sflag:s3] =	ssyncset.done $0x0;
	s2 =	sshrl.u32 s16, $0x3  }
0x32: {  	[sflag:s3] =	ssyncadd.s32 $0xFFFFFB00;
	[smem:$0x7F3] =	sst s2  }
0x33: {  	[spmem:s2], [sflag:s1] =	dma.local [hbm:s11], $0x500  }
0x34: {  	_ =	swait.ge [sflag:s3], $0x500  }
0x35: {  	s17 =	rddreg [dreg:$0x15]  }
0x36: {  	[sflag:s3] =	ssyncset.done $0x0;
	s2 =	sshrl.u32 s17, $0x3  }
0x37: {  	[sflag:s3] =	ssyncadd.s32 $0xFFFFFB00;
	[smem:$0x7F4] =	sst s2  }
0x38: {  	[spmem:s2], [sflag:s1] =	dma.local [hbm:s11], $0x500  }
0x39: {  	_ =	swait.ge [sflag:s3], $0x500  }
0x3a: {  	s21 =	rddreg [dreg:$0x16]  }
0x3b: {  	[sflag:s3] =	ssyncset.done $0x0;
	s2 =	sshrl.u32 s21, $0x3  }
0x3c: {  	[sflag:s3] =	ssyncadd.s32 $0xFFFFFB00;
	[smem:$0x7F5] =	sst s2  }
0x3d: {  	[spmem:s2], [sflag:s1] =	dma.local [hbm:s11], $0x500  }
0x3e: {  	_ =	swait.ge [sflag:s3], $0x500  }
0x3f: {  	s22 =	rddreg [dreg:$0x17]  }
0x40: {  	[sflag:s3] =	ssyncset.done $0x0;
	s2 =	sshrl.u32 s22, $0x3  }
0x41: {  	[sflag:s3] =	ssyncadd.s32 $0xFFFFFB00;
	[smem:$0x7F6] =	sst s2  }
0x42: {  	[spmem:s2], [sflag:s1] =	dma.local [hbm:s11], $0x500  }
0x43: {  	_ =	swait.ge [sflag:s3], $0x500  }
0x44: {  	s24 =	rddreg [dreg:$0x19]  }
0x45: {  	[sflag:s3] =	ssyncset.done $0x0;
	s2 =	sshrl.u32 s24, $0x3  }
0x46: {  	[sflag:s3] =	ssyncadd.s32 $0xFFFFFB00;
	[smem:$0x7F7] =	sst s2  }
0x47: {  	[spmem:s2], [sflag:s1] =	dma.local [hbm:s11], $0x500  }
0x48: {  	_ =	swait.ge [sflag:s3], $0x500  }
0x49: {  	s25 =	rddreg [dreg:$0x1c]  }
0x4a: {  	[sflag:s3] =	ssyncset.done $0x0;
	s2 =	sshrl.u32 s25, $0x3  }
0x4b: {  	[sflag:s3] =	ssyncadd.s32 $0xFFFFFB00;
	[smem:$0x7F8] =	sst s2  }
0x4c: {  	[spmem:s2], [sflag:s1] =	dma.local [hbm:s11], $0x500  }
0x4d: {  	_ =	swait.ge [sflag:s3], $0x500  }
0x4e: {  	s26 =	rddreg [dreg:$0x1f]  }
0x4f: {  	[sflag:s3] =	ssyncset.done $0x0;
	s2 =	sshrl.u32 s26, $0x3  }
0x50: {  	[sflag:s3] =	ssyncadd.s32 $0xFFFFFB00;
	[smem:$0x7F9] =	sst s2  }
0x51: {  	[spmem:s2], [sflag:s1] =	dma.local [hbm:s11], $0x500  }
0x52: {  	_ =	swait.ge [sflag:s3], $0x500  }
0x53: {  	[sflag:s3] =	ssyncset.done $0x0  }
0x54: {  	s1 =	simm.s32 $0x0;
	s2 =	rddreg [dreg:$0xc];
	[sflag:s3] =	ssyncadd.s32 $0xFFFFFB00  }
0x55: {  	[tilespmem:s23], [sflag:$0x9] =	stream.linear.gather [hbm4b:s2+s1], $0x640, $0x38;
	[tilespmem:$0x1BD00] =	vst v63  }
0x56: {  	_ =	swait.ge [sflag:s3], $0x640  }
0x57: {  	[sflag:s3] =	ssyncset.done $0x0  }
0x58: {  	s11 =	simm.s32 $0x14000;
	s4 =	rddreg [dreg:$0x12];
	[sflag:s3] =	ssyncadd.s32 $0xFFFFF9C0  }
0x59: {  	[tilespmem:s11], [sflag:$0x9] =	stream.linear.gather [hbm4b:s4+s1], $0x28A0, $0x38;
	[tilespmem:$0x1BD00] =	vst v63  }
0x5a: {  	_ =	swait.ge [sflag:s3], $0x28A0  }
0x5b: {  	[sflag:s3] =	ssyncset.done $0x0  }
0x5c: {  	s0 =	simm.s32 $0x168A0;
	s5 =	rddreg [dreg:$0x13];
	[sflag:s3] =	ssyncadd.s32 $0xFFFFD760  }
0x5d: {  	[tilespmem:s0], [sflag:$0x9] =	stream.linear.gather [hbm4b:s5+s1], $0x28A0, $0x38;
	[tilespmem:$0x1BD00] =	vst v63  }
0x5e: {  	_ =	swait.ge [sflag:s3], $0x28A0  }
0x5f: {  	[sflag:s3] =	ssyncset.done $0x0  }
0x60: {  	[sflag:s3] =	ssyncadd.s32 $0xFFFFD760  }
0x61: {  	[bflag:$0x0] =	sbarrier.arrive $0xFFFF  }
0x62: {  	s9 =	simm.s32 $0x19780;
	p0 =	por $0x1, $0x1;
	s8 =	rddreg [dreg:$0xd]  }
0x63: {  	[tilespmem:s9], [sflag:$0x1] =	stream.linear.gather [hbm4b:s8+s1], $0x640, $0x38;
	[tilespmem:$0x1BD00] =	vst v63  }
0x64: {  	p0 =	por p0, p0;
	s4 =	simm.s32 $0x19DC0;
	s16 =	rddreg [dreg:$0xe]  }
0x65: {  	[tilespmem:s4], [sflag:$0x2] =	stream.linear.gather [hbm4b:s16+s1], $0x640, $0x38;
	[tilespmem:$0x1BD00] =	vst v63  }
0x66: {  	s10 =	simm.s32 $0x1A400;
	s17 =	rddreg [dreg:$0xf];
	s16 =	simm.s32 @!p0 $0x8  }
0x67: {  	[tilespmem:s10], [sflag:$0x3] =	stream.linear.gather [hbm4b:s17+s1], $0x640, $0x38;
	[tilespmem:$0x1BD00] =	vst v63  }
0x68: {  	_ =	swait.ge @!p0 [sflag:s16], $0x640  }
0x69: {  	[sflag:s16] =	ssyncset.done @!p0 $0x0  }
0x6a: {  	[sflag:s16] =	ssyncadd.s32 @!p0 $0xFFFFF9C0  }
0x6b: {  	_ =	swait.ge @!p0 [sflag:s16], $0x640  }
0x6c: {  	[sflag:s16] =	ssyncset.done @!p0 $0x0  }
0x6d: {  	[sflag:s16] =	ssyncadd.s32 @!p0 $0xFFFFF9C0  }
0x6e: {  	_ =	swait.ge @!p0 [sflag:s16], $0x640  }
0x6f: {  	[sflag:s16] =	ssyncset.done @!p0 $0x0  }
0x70: {  	[sflag:s16] =	ssyncadd.s32 @!p0 $0xFFFFF9C0  }
0x71: {  	_ =	swait.ge @!p0 [sflag:s16], $0x640  }
0x72: {  	[sflag:s16] =	ssyncset.done @!p0 $0x0  }
0x73: {  	[sflag:s16] =	ssyncadd.s32 @!p0 $0xFFFFF9C0  }
0x74: {  	_ =	swait.ge @!p0 [sflag:s16], $0x640  }
0x75: {  	[sflag:s16] =	ssyncset.done @!p0 $0x0  }
0x76: {  	[sflag:s16] =	ssyncadd.s32 @!p0 $0xFFFFF9C0  }
0x77: {  	_ =	swait.ge @!p0 [sflag:s16], $0x640  }
0x78: {  	[sflag:s16] =	ssyncset.done @!p0 $0x0  }
0x79: {  	[sflag:s16] =	ssyncadd.s32 @!p0 $0xFFFFF9C0  }
0x7a: {  	_ =	swait.ge @!p0 [sflag:s16], $0x640  }
0x7b: {  	[sflag:s16] =	ssyncset.done @!p0 $0x0  }
0x7c: {  	[sflag:s16] =	ssyncadd.s32 @!p0 $0xFFFFF9C0  }
0x7d: {  	_ =	swait.ge @!p0 [sflag:s16], $0x640  }
0x7e: {  	s17 =	sadd.s32 $0x0, s18;
	[sflag:s16] =	ssyncset.done @!p0 $0x0  }
0x7f: {  	s22 =	sadd.s32 $0x0, s19;
	s21 =	sadd.s32 $0xC8, s17;
	[sflag:s16] =	ssyncadd.s32 @!p0 $0xFFFFF9C0  }
0x80: {  	[tilespmem:s28], [sflag:$0x4] =	stream.linear.gather [hbm4b:s21+s1], $0x640, $0x38;
	[tilespmem:$0x1BD00] =	vst v63  }
0x81: {  	s24 =	sadd.s32 $0xC8, s22;
	s25 =	sadd.s32 $0x0, s20  }
0x82: {  	[tilespmem:s29], [sflag:$0x5] =	stream.linear.gather [hbm4b:s24+s1], $0x640, $0x38;
	[tilespmem:$0x1BD00] =	vst v63  }
0x83: {  	s26 =	sadd.s32 $0xC8, s25  }
0x84: {  	[tilespmem:s30], [sflag:$0x6] =	stream.linear.gather [hbm4b:s26+s1], $0x640, $0x38;
	[tilespmem:$0x1BD00] =	vst v63  }
0x85: {  	_ =	swait.ge [sflag:s31], $0x640  }
0x86: {  	[sflag:s31] =	ssyncset.done $0x0  }
0x87: {  	[sflag:s31] =	ssyncadd.s32 $0xFFFFF9C0  }
0x88: {  	_ =	swait.ge [sflag:s6], $0x640  }
0x89: {  	[sflag:s6] =	ssyncset.done $0x0  }
0x8a: {  	[sflag:s6] =	ssyncadd.s32 $0xFFFFF9C0  }
0x8b: {  	_ =	swait.ge [sflag:s7], $0x640  }
0x8c: {  	[sflag:s7] =	ssyncset.done $0x0  }
0x8d: {  	[sflag:s7] =	ssyncadd.s32 $0xFFFFF9C0  }
0x8e: {  	s2 =	rddreg [dreg:$0x2]  }
0x8f: {  	[spmem:s2] =	stream.indirect.scatter.add.f32 [tilespmem:s9], [sflag:$0x7], $0x10, s11, s12, $0xb8;
	[tilespmem:$0x1BD00] =	vst v63  }
0x90: {  	s5 =	rddreg [dreg:$0x6]  }
0x91: {  	[spmem:s5] =	stream.indirect.scatter.add.f32 [tilespmem:s9], [sflag:$0x7], $0x10, s0, s12, $0xb8;
	[tilespmem:$0x1BD00] =	vst v63  }
0x92: {  	s3 =	rddreg [dreg:$0x3]  }
0x93: {  	[spmem:s3] =	stream.indirect.scatter.add.f32 [tilespmem:s4], [sflag:$0x7], $0x10, s11, s12, $0xb8;
	[tilespmem:$0x1BD00] =	vst v63  }
0x94: {  	s8 =	rddreg [dreg:$0x7]  }
0x95: {  	[spmem:s8] =	stream.indirect.scatter.add.f32 [tilespmem:s4], [sflag:$0x7], $0x10, s0, s12, $0xb8;
	[tilespmem:$0x1BD00] =	vst v63  }
0x96: {  	s22 =	rddreg [dreg:$0x4]  }
0x97: {  	[spmem:s22] =	stream.indirect.scatter.add.f32 [tilespmem:s10], [sflag:$0x7], $0x10, s11, s12, $0xb8;
	[tilespmem:$0x1BD00] =	vst v63  }
0x98: {  	s9 =	rddreg [dreg:$0x8]  }
0x99: {  	[spmem:s9] =	stream.indirect.scatter.add.f32 [tilespmem:s10], [sflag:$0x7], $0x10, s0, s12, $0xb8;
	[tilespmem:$0x1BD00] =	vst v63  }
0x9a: {  	s24 =	rddreg [dreg:$0x5]  }
0x9b: {  	[spmem:s24] =	stream.indirect.scatter.add.f32 [tilespmem:s23], [sflag:$0x7], $0x10, s11, s12, $0xb8;
	[tilespmem:$0x1BD00] =	vst v63  }
0x9c: {  	p0 =	por $0x0, $0x0;
	s25 =	rddreg [dreg:$0x9]  }
0x9d: {  	[spmem:s25] =	stream.indirect.scatter.add.f32 [tilespmem:s23], [sflag:$0x7], $0x10, s0, s12, $0xb8;
	[tilespmem:$0x1BD00] =	vst v63  }
0x9e: {  	s0 =	simm.s32 @!p0 $0x7  }
0x9f: {  	_ =	swait.ge @!p0 [sflag:s0], $0x640  }
0xa0: {  	[sflag:s0] =	ssyncset.done @!p0 $0x0  }
0xa1: {  	[sflag:s0] =	ssyncadd.s32 @!p0 $0xFFFFF9C0  }
0xa2: {  	_ =	swait.ge @!p0 [sflag:s0], $0x640  }
0xa3: {  	[sflag:s0] =	ssyncset.done @!p0 $0x0  }
0xa4: {  	[sflag:s0] =	ssyncadd.s32 @!p0 $0xFFFFF9C0  }
0xa5: {  	_ =	swait.ge @!p0 [sflag:s0], $0x640  }
0xa6: {  	[sflag:s0] =	ssyncset.done @!p0 $0x0  }
0xa7: {  	[sflag:s0] =	ssyncadd.s32 @!p0 $0xFFFFF9C0  }
0xa8: {  	_ =	swait.ge @!p0 [sflag:s0], $0x640  }
0xa9: {  	[sflag:s0] =	ssyncset.done @!p0 $0x0  }
0xaa: {  	[sflag:s0] =	ssyncadd.s32 @!p0 $0xFFFFF9C0  }
0xab: {  	_ =	swait.ge @!p0 [sflag:s0], $0x640  }
0xac: {  	[sflag:s0] =	ssyncset.done @!p0 $0x0  }
0xad: {  	[sflag:s0] =	ssyncadd.s32 @!p0 $0xFFFFF9C0  }
0xae: {  	_ =	swait.ge @!p0 [sflag:s0], $0x640  }
0xaf: {  	[sflag:s0] =	ssyncset.done @!p0 $0x0  }
0xb0: {  	[sflag:s0] =	ssyncadd.s32 @!p0 $0xFFFFF9C0  }
0xb1: {  	_ =	swait.ge @!p0 [sflag:s0], $0x640  }
0xb2: {  	[sflag:s0] =	ssyncset.done @!p0 $0x0  }
0xb3: {  	[sflag:s0] =	ssyncadd.s32 @!p0 $0xFFFFF9C0  }
0xb4: {  	s16 =	sadd.s32 @!p0 $0x0, s19;
	_ =	swait.ge @!p0 [sflag:s0], $0x640  }
0xb5: {  	s17 =	simm.s32 @!p0 $0x0;
	s11 =	sadd.s32 @!p0 $0x0, s18;
	[sflag:s0] =	ssyncset.done @!p0 $0x0  }
0xb6: {  	s21 =	simm.s32 @!p0 $0x19780;
	s11 =	sadd.s32 @!p0 $0x190, s11;
	[sflag:s0] =	ssyncadd.s32 @!p0 $0xFFFFF9C0  }
0xb7: {  	[tilespmem:s21], [sflag:$0x1] =	stream.linear.gather @!p0 [hbm4b:s11+s17], $0x640, $0x38;
	[tilespmem:$0x1BD00] =	vst v63  }
0xb8: {  	s0 =	sadd.s32 @!p0 $0x190, s16;
	s16 =	simm.s32 @!p0 $0x19DC0;
	s11 =	sadd.s32 @!p0 $0x0, s20  }
0xb9: {  	[tilespmem:s16], [sflag:$0x2] =	stream.linear.gather @!p0 [hbm4b:s0+s17], $0x640, $0x38;
	[tilespmem:$0x1BD00] =	vst v63  }
0xba: {  	s0 =	sadd.s32 @!p0 $0x190, s11;
	s11 =	simm.s32 @!p0 $0x1A400  }
0xbb: {  	[tilespmem:s11], [sflag:$0x3] =	stream.linear.gather @!p0 [hbm4b:s0+s17], $0x640, $0x38;
	[tilespmem:$0x1BD00] =	vst v63  }
0xbc: {  	_ =	swait.ge [sflag:s13], $0x640  }
0xbd: {  	[sflag:s13] =	ssyncset.done $0x0  }
0xbe: {  	[sflag:s13] =	ssyncadd.s32 $0xFFFFF9C0  }
0xbf: {  	_ =	swait.ge [sflag:s14], $0x640  }
0xc0: {  	[sflag:s14] =	ssyncset.done $0x0  }
0xc1: {  	[sflag:s14] =	ssyncadd.s32 $0xFFFFF9C0  }
0xc2: {  	_ =	swait.ge [sflag:s15], $0x640  }
0xc3: {  	[sflag:s15] =	ssyncset.done $0x0  }
0xc4: {  	s26 =	simm.s32 $0x14068;
	[sflag:s15] =	ssyncadd.s32 $0xFFFFF9C0  }
0xc5: {  	[spmem:s2] =	stream.indirect.scatter.add.f32 [tilespmem:s28], [sflag:$0x8], $0x10, s26, s12, $0xb8;
	[tilespmem:$0x1BD00] =	vst v63  }
0xc6: {  	s0 =	simm.s32 $0x16908  }
0xc7: {  	[spmem:s5] =	stream.indirect.scatter.add.f32 [tilespmem:s28], [sflag:$0x8], $0x10, s0, s12, $0xb8;
	[tilespmem:$0x1BD00] =	vst v63  }
0xc8: {  	_ = 	snop  }
0xc9: {  	[spmem:s3] =	stream.indirect.scatter.add.f32 [tilespmem:s29], [sflag:$0x8], $0x10, s26, s12, $0xb8;
	[tilespmem:$0x1BD00] =	vst v63  }
0xca: {  	_ = 	snop  }
0xcb: {  	[spmem:s8] =	stream.indirect.scatter.add.f32 [tilespmem:s29], [sflag:$0x8], $0x10, s0, s12, $0xb8;
	[tilespmem:$0x1BD00] =	vst v63  }
0xcc: {  	_ = 	snop  }
0xcd: {  	[spmem:s22] =	stream.indirect.scatter.add.f32 [tilespmem:s30], [sflag:$0x8], $0x10, s26, s12, $0xb8;
	[tilespmem:$0x1BD00] =	vst v63  }
0xce: {  	p6 =	por $0x0, $0x0;
	s21 =	simm.s32 $0x190;
	s16 =	simm.s32 $0x140D0  }
0xcf: {  	[spmem:s9] =	stream.indirect.scatter.add.f32 [tilespmem:s30], [sflag:$0x8], $0x10, s0, s12, $0xb8;
	[tilespmem:$0x1BD00] =	vst v63  }
0xd0: {  	s17 =	simm.s32 $0x320;
	p0 =	por p6, p6;
	s11 =	simm.s32 $0x16970  }
0xd1: {  	[spmem:s24] =	stream.indirect.scatter.add.f32 [tilespmem:s23], [sflag:$0x8], $0x10, s26, s12, $0xb8;
	[tilespmem:$0x1BD00] =	vst v63  }
.LBB2_2:
0xd2: {  	s1 =	simm.s32 @!p0 $0x8;
	s2 =	rddreg [dreg:$0x9]  }
0xd3: {  	[spmem:s2] =	stream.indirect.scatter.add.f32 [tilespmem:s23], [sflag:$0x8], $0x10, s0, s12, $0xb8;
	[tilespmem:$0x1BD00] =	vst v63  }
0xd4: {  	_ =	swait.ge @!p0 [sflag:s1], $0x640  }
0xd5: {  	[sflag:s1] =	ssyncset.done @!p0 $0x0  }
0xd6: {  	[sflag:s1] =	ssyncadd.s32 @!p0 $0xFFFFF9C0  }
0xd7: {  	_ =	swait.ge @!p0 [sflag:s1], $0x640  }
0xd8: {  	[sflag:s1] =	ssyncset.done @!p0 $0x0  }
0xd9: {  	[sflag:s1] =	ssyncadd.s32 @!p0 $0xFFFFF9C0  }
0xda: {  	_ =	swait.ge @!p0 [sflag:s1], $0x640  }
0xdb: {  	[sflag:s1] =	ssyncset.done @!p0 $0x0  }
0xdc: {  	[sflag:s1] =	ssyncadd.s32 @!p0 $0xFFFFF9C0  }
0xdd: {  	_ =	swait.ge @!p0 [sflag:s1], $0x640  }
0xde: {  	[sflag:s1] =	ssyncset.done @!p0 $0x0  }
0xdf: {  	[sflag:s1] =	ssyncadd.s32 @!p0 $0xFFFFF9C0  }
0xe0: {  	_ =	swait.ge @!p0 [sflag:s1], $0x640  }
0xe1: {  	[sflag:s1] =	ssyncset.done @!p0 $0x0  }
0xe2: {  	[sflag:s1] =	ssyncadd.s32 @!p0 $0xFFFFF9C0  }
0xe3: {  	_ =	swait.ge @!p0 [sflag:s1], $0x640  }
0xe4: {  	[sflag:s1] =	ssyncset.done @!p0 $0x0  }
0xe5: {  	[sflag:s1] =	ssyncadd.s32 @!p0 $0xFFFFF9C0  }
0xe6: {  	_ =	swait.ge @!p0 [sflag:s1], $0x640  }
0xe7: {  	[sflag:s1] =	ssyncset.done @!p0 $0x0  }
0xe8: {  	[sflag:s1] =	ssyncadd.s32 @!p0 $0xFFFFF9C0  }
0xe9: {  	_ =	swait.ge @!p0 [sflag:s1], $0x640  }
0xea: {  	s9 =	sadd.s32 s21, s18;
	s10 =	sadd.s32 s21, s19;
	[sflag:s1] =	ssyncset.done @!p0 $0x0  }
0xeb: {  	s3 =	simm.s32 $0x0;
	s0 =	sadd.s32 $0xC8, s9;
	[sflag:s1] =	ssyncadd.s32 @!p0 $0xFFFFF9C0  }
0xec: {  	[tilespmem:s28], [sflag:$0x4] =	stream.linear.gather [hbm4b:s0+s3], $0x640, $0x38;
	[tilespmem:$0x1BD00] =	vst v63  }
0xed: {  	s25 =	sadd.s32 s21, s20;
	s24 =	sadd.s32 $0xC8, s10  }
0xee: {  	[tilespmem:s29], [sflag:$0x5] =	stream.linear.gather [hbm4b:s24+s3], $0x640, $0x38;
	[tilespmem:$0x1BD00] =	vst v63  }
0xef: {  	s26 =	sadd.s32 $0xC8, s25  }
0xf0: {  	[tilespmem:s30], [sflag:$0x6] =	stream.linear.gather [hbm4b:s26+s3], $0x640, $0x38;
	[tilespmem:$0x1BD00] =	vst v63  }
0xf1: {  	_ =	swait.ge [sflag:s31], $0x640  }
0xf2: {  	[sflag:s31] =	ssyncset.done $0x0  }
0xf3: {  	[sflag:s31] =	ssyncadd.s32 $0xFFFFF9C0  }
0xf4: {  	_ =	swait.ge [sflag:s6], $0x640  }
0xf5: {  	[sflag:s6] =	ssyncset.done $0x0  }
0xf6: {  	[sflag:s6] =	ssyncadd.s32 $0xFFFFF9C0  }
0xf7: {  	_ =	swait.ge [sflag:s7], $0x640  }
0xf8: {  	[sflag:s7] =	ssyncset.done $0x0  }
0xf9: {  	[sflag:s7] =	ssyncadd.s32 $0xFFFFF9C0  }
0xfa: {  	s1 =	simm.s32 $0x19780;
	s5 =	rddreg [dreg:$0x2]  }
0xfb: {  	[spmem:s5] =	stream.indirect.scatter.add.f32 [tilespmem:s1], [sflag:$0x7], $0x10, s16, s12, $0xb8;
	[tilespmem:$0x1BD00] =	vst v63  }
0xfc: {  	s25 =	rddreg [dreg:$0x6]  }
0xfd: {  	[spmem:s25] =	stream.indirect.scatter.add.f32 [tilespmem:s1], [sflag:$0x7], $0x10, s11, s12, $0xb8;
	[tilespmem:$0x1BD00] =	vst v63  }
0xfe: {  	s3 =	simm.s32 $0x19DC0;
	s8 =	rddreg [dreg:$0x3]  }
0xff: {  	[spmem:s8] =	stream.indirect.scatter.add.f32 [tilespmem:s3], [sflag:$0x7], $0x10, s16, s12, $0xb8;
	[tilespmem:$0x1BD00] =	vst v63  }
0x100: {  	s26 =	rddreg [dreg:$0x7]  }
0x101: {  	[spmem:s26] =	stream.indirect.scatter.add.f32 [tilespmem:s3], [sflag:$0x7], $0x10, s11, s12, $0xb8;
	[tilespmem:$0x1BD00] =	vst v63  }
0x102: {  	s4 =	simm.s32 $0x1A400;
	s9 =	rddreg [dreg:$0x4]  }
0x103: {  	[spmem:s9] =	stream.indirect.scatter.add.f32 [tilespmem:s4], [sflag:$0x7], $0x10, s16, s12, $0xb8;
	[tilespmem:$0x1BD00] =	vst v63  }
0x104: {  	p2 =	seq.s32 s17, $0x0;
	s10 =	rddreg [dreg:$0x8]  }
0x105: {  	[spmem:s10] =	stream.indirect.scatter.add.f32 [tilespmem:s4], [sflag:$0x7], $0x10, s11, s12, $0xb8;
	[tilespmem:$0x1BD00] =	vst v63  }
0x106: {  	p0 =	por p2, p2;
	p2 =	seq.s32 s21, $0x4C90;
	s24 =	rddreg [dreg:$0x5]  }
0x107: {  	[spmem:s24] =	stream.indirect.scatter.add.f32 [tilespmem:s23], [sflag:$0x7], $0x10, s16, s12, $0xb8;
	[tilespmem:$0x1BD00] =	vst v63  }
0x108: {  	s0 =	simm.s32 @!p2 $0x7  }
0x109: {  	[spmem:s2] =	stream.indirect.scatter.add.f32 [tilespmem:s23], [sflag:$0x7], $0x10, s11, s12, $0xb8;
	[tilespmem:$0x1BD00] =	vst v63  }
0x10a: {  	_ =	swait.ge @!p2 [sflag:s0], $0x640  }
0x10b: {  	[sflag:s0] =	ssyncset.done @!p2 $0x0  }
0x10c: {  	[sflag:s0] =	ssyncadd.s32 @!p2 $0xFFFFF9C0  }
0x10d: {  	_ =	swait.ge @!p2 [sflag:s0], $0x640  }
0x10e: {  	[sflag:s0] =	ssyncset.done @!p2 $0x0  }
0x10f: {  	[sflag:s0] =	ssyncadd.s32 @!p2 $0xFFFFF9C0  }
0x110: {  	_ =	swait.ge @!p2 [sflag:s0], $0x640  }
0x111: {  	[sflag:s0] =	ssyncset.done @!p2 $0x0  }
0x112: {  	[sflag:s0] =	ssyncadd.s32 @!p2 $0xFFFFF9C0  }
0x113: {  	_ =	swait.ge @!p2 [sflag:s0], $0x640  }
0x114: {  	[sflag:s0] =	ssyncset.done @!p2 $0x0  }
0x115: {  	[sflag:s0] =	ssyncadd.s32 @!p2 $0xFFFFF9C0  }
0x116: {  	_ =	swait.ge @!p2 [sflag:s0], $0x640  }
0x117: {  	[sflag:s0] =	ssyncset.done @!p2 $0x0  }
0x118: {  	[sflag:s0] =	ssyncadd.s32 @!p2 $0xFFFFF9C0  }
0x119: {  	_ =	swait.ge @!p2 [sflag:s0], $0x640  }
0x11a: {  	[sflag:s0] =	ssyncset.done @!p2 $0x0  }
0x11b: {  	[sflag:s0] =	ssyncadd.s32 @!p2 $0xFFFFF9C0  }
0x11c: {  	_ =	swait.ge @!p2 [sflag:s0], $0x640  }
0x11d: {  	[sflag:s0] =	ssyncset.done @!p2 $0x0  }
0x11e: {  	s22 =	smov.u32 s17;
	s1 =	sadd.s32 @!p2 s21, s18;
	[sflag:s0] =	ssyncadd.s32 @!p2 $0xFFFFF9C0  }
0x11f: {  	s1 =	sadd.s32 @!p2 $0x190, s1;
	s3 =	sadd.s32 @!p2 s21, s20;
	_ =	swait.ge @!p2 [sflag:s0], $0x640  }
0x120: {  	s4 =	simm.s32 @!p2 $0x19780;
	s2 =	sadd.s32 @!p2 s21, s19;
	[sflag:s0] =	ssyncset.done @!p2 $0x0  }
0x121: {  	s21 =	smov.u32 s22;
	s22 =	simm.s32 @!p2 $0x0;
	[sflag:s0] =	ssyncadd.s32 @!p2 $0xFFFFF9C0  }
0x122: {  	[tilespmem:s4], [sflag:$0x1] =	stream.linear.gather @!p2 [hbm4b:s1+s22], $0x640, $0x38;
	[tilespmem:$0x1BD00] =	vst v63  }
0x123: {  	s2 =	sadd.s32 @!p2 $0x190, s2;
	s0 =	simm.s32 @!p2 $0x19DC0  }
0x124: {  	[tilespmem:s0], [sflag:$0x2] =	stream.linear.gather @!p2 [hbm4b:s2+s22], $0x640, $0x38;
	[tilespmem:$0x1BD00] =	vst v63  }
0x125: {  	s3 =	sadd.s32 @!p2 $0x190, s3;
	s1 =	simm.s32 @!p2 $0x1A400  }
0x126: {  	[tilespmem:s1], [sflag:$0x3] =	stream.linear.gather @!p2 [hbm4b:s3+s22], $0x640, $0x38;
	[tilespmem:$0x1BD00] =	vst v63  }
0x127: {  	_ =	swait.ge [sflag:s13], $0x640  }
0x128: {  	[sflag:s13] =	ssyncset.done $0x0  }
0x129: {  	[sflag:s13] =	ssyncadd.s32 $0xFFFFF9C0  }
0x12a: {  	_ =	swait.ge [sflag:s14], $0x640  }
0x12b: {  	[sflag:s14] =	ssyncset.done $0x0  }
0x12c: {  	[sflag:s14] =	ssyncadd.s32 $0xFFFFF9C0  }
0x12d: {  	_ =	swait.ge [sflag:s15], $0x640  }
0x12e: {  	[sflag:s15] =	ssyncset.done $0x0  }
0x12f: {  	s22 =	sadd.s32 $0x68, s16;
	[sflag:s15] =	ssyncadd.s32 $0xFFFFF9C0  }
0x130: {  	[spmem:s5] =	stream.indirect.scatter.add.f32 [tilespmem:s28], [sflag:$0x8], $0x10, s22, s12, $0xb8;
	[tilespmem:$0x1BD00] =	vst v63  }
0x131: {  	s0 =	sadd.s32 $0x68, s11  }
0x132: {  	[spmem:s25] =	stream.indirect.scatter.add.f32 [tilespmem:s28], [sflag:$0x8], $0x10, s0, s12, $0xb8;
	[tilespmem:$0x1BD00] =	vst v63  }
0x133: {  	_ = 	snop  }
0x134: {  	[spmem:s8] =	stream.indirect.scatter.add.f32 [tilespmem:s29], [sflag:$0x8], $0x10, s22, s12, $0xb8;
	[tilespmem:$0x1BD00] =	vst v63  }
0x135: {  	s17 =	sadd.s32 $0x190, s17  }
0x136: {  	[spmem:s26] =	stream.indirect.scatter.add.f32 [tilespmem:s29], [sflag:$0x8], $0x10, s0, s12, $0xb8;
	[tilespmem:$0x1BD00] =	vst v63  }
0x137: {  	p1 =	sne.s32 s17, $0x4E20  }
0x138: {  	[spmem:s9] =	stream.indirect.scatter.add.f32 [tilespmem:s30], [sflag:$0x8], $0x10, s22, s12, $0xb8;
	[tilespmem:$0x1BD00] =	vst v63  }
.Ltmp0:
0x139: {  	_ = 	snop;
	(pc) =	sbr.rel @p1 .LBB2_2-.Ltmp0, $4  }
0x13a: {  	_ = 	snop  }
0x13b: {  	[spmem:s10] =	stream.indirect.scatter.add.f32 [tilespmem:s30], [sflag:$0x8], $0x10, s0, s12, $0xb8;
	[tilespmem:$0x1BD00] =	vst v63  }
0x13c: {  	s11 =	sadd.s32 $0xD0, s11;
	s16 =	sadd.s32 $0xD0, s16  }
0x13d: {  	[spmem:s24] =	stream.indirect.scatter.add.f32 [tilespmem:s23], [sflag:$0x8], $0x10, s22, s12, $0xb8;
	[tilespmem:$0x1BD00] =	vst v63  }
0x13e: {  	s1 =	simm.s32 @!p0 $0x8;
	s22 =	rddreg [dreg:$0x9]  }
0x13f: {  	[spmem:s22] =	stream.indirect.scatter.add.f32 [tilespmem:s23], [sflag:$0x8], $0x10, s0, s12, $0xb8;
	[tilespmem:$0x1BD00] =	vst v63  }
0x140: {  	_ =	swait.ge @!p0 [sflag:s1], $0x640  }
0x141: {  	[sflag:s1] =	ssyncset.done @!p0 $0x0  }
0x142: {  	[sflag:s1] =	ssyncadd.s32 @!p0 $0xFFFFF9C0  }
0x143: {  	_ =	swait.ge @!p0 [sflag:s1], $0x640  }
0x144: {  	[sflag:s1] =	ssyncset.done @!p0 $0x0  }
0x145: {  	[sflag:s1] =	ssyncadd.s32 @!p0 $0xFFFFF9C0  }
0x146: {  	_ =	swait.ge @!p0 [sflag:s1], $0x640  }
0x147: {  	[sflag:s1] =	ssyncset.done @!p0 $0x0  }
0x148: {  	[sflag:s1] =	ssyncadd.s32 @!p0 $0xFFFFF9C0  }
0x149: {  	_ =	swait.ge @!p0 [sflag:s1], $0x640  }
0x14a: {  	[sflag:s1] =	ssyncset.done @!p0 $0x0  }
0x14b: {  	[sflag:s1] =	ssyncadd.s32 @!p0 $0xFFFFF9C0  }
0x14c: {  	_ =	swait.ge @!p0 [sflag:s1], $0x640  }
0x14d: {  	[sflag:s1] =	ssyncset.done @!p0 $0x0  }
0x14e: {  	[sflag:s1] =	ssyncadd.s32 @!p0 $0xFFFFF9C0  }
0x14f: {  	_ =	swait.ge @!p0 [sflag:s1], $0x640  }
0x150: {  	[sflag:s1] =	ssyncset.done @!p0 $0x0  }
0x151: {  	[sflag:s1] =	ssyncadd.s32 @!p0 $0xFFFFF9C0  }
0x152: {  	_ =	swait.ge @!p0 [sflag:s1], $0x640  }
0x153: {  	[sflag:s1] =	ssyncset.done @!p0 $0x0  }
0x154: {  	[sflag:s1] =	ssyncadd.s32 @!p0 $0xFFFFF9C0  }
0x155: {  	_ =	swait.ge @!p0 [sflag:s1], $0x640  }
0x156: {  	s8 =	sadd.s32 s21, s18;
	s9 =	sadd.s32 s21, s19;
	[sflag:s1] =	ssyncset.done @!p0 $0x0  }
0x157: {  	s2 =	simm.s32 $0x0;
	s0 =	sadd.s32 $0xC8, s8;
	[sflag:s1] =	ssyncadd.s32 @!p0 $0xFFFFF9C0  }
0x158: {  	[tilespmem:s28], [sflag:$0x4] =	stream.linear.gather [hbm4b:s0+s2], $0x640, $0x38;
	[tilespmem:$0x1BD00] =	vst v63  }
0x159: {  	s17 =	sadd.s32 s21, s20;
	s10 =	sadd.s32 $0xC8, s9  }
0x15a: {  	[tilespmem:s29], [sflag:$0x5] =	stream.linear.gather [hbm4b:s10+s2], $0x640, $0x38;
	[tilespmem:$0x1BD00] =	vst v63  }
0x15b: {  	s24 =	sadd.s32 $0xC8, s17  }
0x15c: {  	[tilespmem:s30], [sflag:$0x6] =	stream.linear.gather [hbm4b:s24+s2], $0x640, $0x38;
	[tilespmem:$0x1BD00] =	vst v63  }
0x15d: {  	_ =	swait.ge [sflag:s31], $0x640  }
0x15e: {  	[sflag:s31] =	ssyncset.done $0x0  }
0x15f: {  	[sflag:s31] =	ssyncadd.s32 $0xFFFFF9C0  }
0x160: {  	_ =	swait.ge [sflag:s6], $0x640  }
0x161: {  	[sflag:s6] =	ssyncset.done $0x0  }
0x162: {  	[sflag:s6] =	ssyncadd.s32 $0xFFFFF9C0  }
0x163: {  	_ =	swait.ge [sflag:s7], $0x640  }
0x164: {  	[sflag:s7] =	ssyncset.done $0x0  }
0x165: {  	[sflag:s7] =	ssyncadd.s32 $0xFFFFF9C0  }
0x166: {  	s25 =	simm.s32 $0x19780;
	s3 =	rddreg [dreg:$0x2]  }
0x167: {  	[spmem:s3] =	stream.indirect.scatter.add.f32 [tilespmem:s25], [sflag:$0x7], $0x10, s16, s12, $0xb8;
	[tilespmem:$0x1BD00] =	vst v63  }
0x168: {  	s9 =	rddreg [dreg:$0x6]  }
0x169: {  	[spmem:s9] =	stream.indirect.scatter.add.f32 [tilespmem:s25], [sflag:$0x7], $0x10, s11, s12, $0xb8;
	[tilespmem:$0x1BD00] =	vst v63  }
0x16a: {  	s26 =	simm.s32 $0x19DC0;
	s4 =	rddreg [dreg:$0x3]  }
0x16b: {  	[spmem:s4] =	stream.indirect.scatter.add.f32 [tilespmem:s26], [sflag:$0x7], $0x10, s16, s12, $0xb8;
	[tilespmem:$0x1BD00] =	vst v63  }
0x16c: {  	s17 =	rddreg [dreg:$0x7]  }
0x16d: {  	[spmem:s17] =	stream.indirect.scatter.add.f32 [tilespmem:s26], [sflag:$0x7], $0x10, s11, s12, $0xb8;
	[tilespmem:$0x1BD00] =	vst v63  }
0x16e: {  	s0 =	simm.s32 $0x1A400;
	s5 =	rddreg [dreg:$0x4]  }
0x16f: {  	[spmem:s5] =	stream.indirect.scatter.add.f32 [tilespmem:s0], [sflag:$0x7], $0x10, s16, s12, $0xb8;
	[tilespmem:$0x1BD00] =	vst v63  }
0x170: {  	s10 =	rddreg [dreg:$0x8]  }
0x171: {  	[spmem:s10] =	stream.indirect.scatter.add.f32 [tilespmem:s0], [sflag:$0x7], $0x10, s11, s12, $0xb8;
	[tilespmem:$0x1BD00] =	vst v63  }
0x172: {  	p0 =	seq.s32 s21, $0x4C90;
	s8 =	rddreg [dreg:$0x5]  }
0x173: {  	[spmem:s8] =	stream.indirect.scatter.add.f32 [tilespmem:s23], [sflag:$0x7], $0x10, s16, s12, $0xb8;
	[tilespmem:$0x1BD00] =	vst v63  }
0x174: {  	s0 =	simm.s32 @!p0 $0x7  }
0x175: {  	[spmem:s22] =	stream.indirect.scatter.add.f32 [tilespmem:s23], [sflag:$0x7], $0x10, s11, s12, $0xb8;
	[tilespmem:$0x1BD00] =	vst v63  }
0x176: {  	_ =	swait.ge @!p0 [sflag:s0], $0x640  }
0x177: {  	[sflag:s0] =	ssyncset.done @!p0 $0x0  }
0x178: {  	[sflag:s0] =	ssyncadd.s32 @!p0 $0xFFFFF9C0  }
0x179: {  	_ =	swait.ge @!p0 [sflag:s0], $0x640  }
0x17a: {  	[sflag:s0] =	ssyncset.done @!p0 $0x0  }
0x17b: {  	[sflag:s0] =	ssyncadd.s32 @!p0 $0xFFFFF9C0  }
0x17c: {  	_ =	swait.ge @!p0 [sflag:s0], $0x640  }
0x17d: {  	[sflag:s0] =	ssyncset.done @!p0 $0x0  }
0x17e: {  	[sflag:s0] =	ssyncadd.s32 @!p0 $0xFFFFF9C0  }
0x17f: {  	_ =	swait.ge @!p0 [sflag:s0], $0x640  }
0x180: {  	[sflag:s0] =	ssyncset.done @!p0 $0x0  }
0x181: {  	[sflag:s0] =	ssyncadd.s32 @!p0 $0xFFFFF9C0  }
0x182: {  	_ =	swait.ge @!p0 [sflag:s0], $0x640  }
0x183: {  	[sflag:s0] =	ssyncset.done @!p0 $0x0  }
0x184: {  	[sflag:s0] =	ssyncadd.s32 @!p0 $0xFFFFF9C0  }
0x185: {  	_ =	swait.ge @!p0 [sflag:s0], $0x640  }
0x186: {  	[sflag:s0] =	ssyncset.done @!p0 $0x0  }
0x187: {  	[sflag:s0] =	ssyncadd.s32 @!p0 $0xFFFFF9C0  }
0x188: {  	_ =	swait.ge @!p0 [sflag:s0], $0x640  }
0x189: {  	[sflag:s0] =	ssyncset.done @!p0 $0x0  }
0x18a: {  	[sflag:s0] =	ssyncadd.s32 @!p0 $0xFFFFF9C0  }
0x18b: {  	s1 =	sadd.s32 @!p0 s21, s18;
	_ =	swait.ge @!p0 [sflag:s0], $0x640  }
0x18c: {  	s1 =	sadd.s32 @!p0 $0x190, s1;
	[sflag:s0] =	ssyncset.done @!p0 $0x0  }
0x18d: {  	s2 =	simm.s32 @!p0 $0x0;
	[sflag:s0] =	ssyncadd.s32 @!p0 $0xFFFFF9C0;
	s0 =	simm.s32 @!p0 $0x19780  }
0x18e: {  	[tilespmem:s0], [sflag:$0x1] =	stream.linear.gather @!p0 [hbm4b:s1+s2], $0x640, $0x38;
	[tilespmem:$0x1BD00] =	vst v63  }
0x18f: {  	s0 =	sadd.s32 @!p0 s21, s19  }
0x190: {  	s1 =	simm.s32 @!p0 $0x19DC0;
	s0 =	sadd.s32 @!p0 $0x190, s0  }
0x191: {  	[tilespmem:s1], [sflag:$0x2] =	stream.linear.gather @!p0 [hbm4b:s0+s2], $0x640, $0x38;
	[tilespmem:$0x1BD00] =	vst v63  }
0x192: {  	s0 =	sadd.s32 @!p0 s21, s20  }
0x193: {  	s1 =	simm.s32 @!p0 $0x1A400;
	s0 =	sadd.s32 @!p0 $0x190, s0  }
0x194: {  	[tilespmem:s1], [sflag:$0x3] =	stream.linear.gather @!p0 [hbm4b:s0+s2], $0x640, $0x38;
	[tilespmem:$0x1BD00] =	vst v63  }
0x195: {  	_ =	swait.ge [sflag:s13], $0x640  }
0x196: {  	[sflag:s13] =	ssyncset.done $0x0  }
0x197: {  	[sflag:s13] =	ssyncadd.s32 $0xFFFFF9C0  }
0x198: {  	_ =	swait.ge [sflag:s14], $0x640  }
0x199: {  	[sflag:s14] =	ssyncset.done $0x0  }
0x19a: {  	[sflag:s14] =	ssyncadd.s32 $0xFFFFF9C0  }
0x19b: {  	_ =	swait.ge [sflag:s15], $0x640  }
0x19c: {  	[sflag:s15] =	ssyncset.done $0x0  }
0x19d: {  	s2 =	sadd.s32 $0x68, s16;
	[sflag:s15] =	ssyncadd.s32 $0xFFFFF9C0  }
0x19e: {  	[spmem:s3] =	stream.indirect.scatter.add.f32 [tilespmem:s28], [sflag:$0x8], $0x10, s2, s12, $0xb8;
	[tilespmem:$0x1BD00] =	vst v63  }
0x19f: {  	s3 =	sadd.s32 $0x68, s11  }
0x1a0: {  	[spmem:s9] =	stream.indirect.scatter.add.f32 [tilespmem:s28], [sflag:$0x8], $0x10, s3, s12, $0xb8;
	[tilespmem:$0x1BD00] =	vst v63  }
0x1a1: {  	_ = 	snop  }
0x1a2: {  	[spmem:s4] =	stream.indirect.scatter.add.f32 [tilespmem:s29], [sflag:$0x8], $0x10, s2, s12, $0xb8;
	[tilespmem:$0x1BD00] =	vst v63  }
0x1a3: {  	_ = 	snop  }
0x1a4: {  	[spmem:s17] =	stream.indirect.scatter.add.f32 [tilespmem:s29], [sflag:$0x8], $0x10, s3, s12, $0xb8;
	[tilespmem:$0x1BD00] =	vst v63  }
0x1a5: {  	_ = 	snop  }
0x1a6: {  	[spmem:s5] =	stream.indirect.scatter.add.f32 [tilespmem:s30], [sflag:$0x8], $0x10, s2, s12, $0xb8;
	[tilespmem:$0x1BD00] =	vst v63  }
0x1a7: {  	_ = 	snop  }
0x1a8: {  	[spmem:s10] =	stream.indirect.scatter.add.f32 [tilespmem:s30], [sflag:$0x8], $0x10, s3, s12, $0xb8;
	[tilespmem:$0x1BD00] =	vst v63  }
0x1a9: {  	_ = 	snop  }
0x1aa: {  	[spmem:s8] =	stream.indirect.scatter.add.f32 [tilespmem:s23], [sflag:$0x8], $0x10, s2, s12, $0xb8;
	[tilespmem:$0x1BD00] =	vst v63  }
0x1ab: {  	s11 =	simm.s32 $0x7  }
0x1ac: {  	[spmem:s22] =	stream.indirect.scatter.add.f32 [tilespmem:s23], [sflag:$0x8], $0x10, s3, s12, $0xb8;
	[tilespmem:$0x1BD00] =	vst v63  }
0x1ad: {  	_ =	swait.ge [sflag:s11], $0x640  }
0x1ae: {  	[sflag:s11] =	ssyncset.done $0x0  }
0x1af: {  	[sflag:s11] =	ssyncadd.s32 $0xFFFFF9C0  }
0x1b0: {  	_ =	swait.ge [sflag:s11], $0x640  }
0x1b1: {  	[sflag:s11] =	ssyncset.done $0x0  }
0x1b2: {  	[sflag:s11] =	ssyncadd.s32 $0xFFFFF9C0  }
0x1b3: {  	_ =	swait.ge [sflag:s11], $0x640  }
0x1b4: {  	[sflag:s11] =	ssyncset.done $0x0  }
0x1b5: {  	[sflag:s11] =	ssyncadd.s32 $0xFFFFF9C0  }
0x1b6: {  	_ =	swait.ge [sflag:s11], $0x640  }
0x1b7: {  	[sflag:s11] =	ssyncset.done $0x0  }
0x1b8: {  	[sflag:s11] =	ssyncadd.s32 $0xFFFFF9C0  }
0x1b9: {  	_ =	swait.ge [sflag:s11], $0x640  }
0x1ba: {  	[sflag:s11] =	ssyncset.done $0x0  }
0x1bb: {  	[sflag:s11] =	ssyncadd.s32 $0xFFFFF9C0  }
0x1bc: {  	_ =	swait.ge [sflag:s11], $0x640  }
0x1bd: {  	[sflag:s11] =	ssyncset.done $0x0  }
0x1be: {  	[sflag:s11] =	ssyncadd.s32 $0xFFFFF9C0  }
0x1bf: {  	_ =	swait.ge [sflag:s11], $0x640  }
0x1c0: {  	[sflag:s11] =	ssyncset.done $0x0  }
0x1c1: {  	[sflag:s11] =	ssyncadd.s32 $0xFFFFF9C0  }
0x1c2: {  	_ =	swait.ge [sflag:s11], $0x640  }
0x1c3: {  	[sflag:s11] =	ssyncset.done $0x0  }
0x1c4: {  	s16 =	simm.s32 $0x8;
	[sflag:s11] =	ssyncadd.s32 $0xFFFFF9C0  }
0x1c5: {  	_ =	swait.ge [sflag:s16], $0x640  }
0x1c6: {  	[sflag:s16] =	ssyncset.done $0x0  }
0x1c7: {  	[sflag:s16] =	ssyncadd.s32 $0xFFFFF9C0  }
0x1c8: {  	_ =	swait.ge [sflag:s16], $0x640  }
0x1c9: {  	[sflag:s16] =	ssyncset.done $0x0  }
0x1ca: {  	[sflag:s16] =	ssyncadd.s32 $0xFFFFF9C0  }
0x1cb: {  	_ =	swait.ge [sflag:s16], $0x640  }
0x1cc: {  	[sflag:s16] =	ssyncset.done $0x0  }
0x1cd: {  	[sflag:s16] =	ssyncadd.s32 $0xFFFFF9C0  }
0x1ce: {  	_ =	swait.ge [sflag:s16], $0x640  }
0x1cf: {  	[sflag:s16] =	ssyncset.done $0x0  }
0x1d0: {  	[sflag:s16] =	ssyncadd.s32 $0xFFFFF9C0  }
0x1d1: {  	_ =	swait.ge [sflag:s16], $0x640  }
0x1d2: {  	[sflag:s16] =	ssyncset.done $0x0  }
0x1d3: {  	[sflag:s16] =	ssyncadd.s32 $0xFFFFF9C0  }
0x1d4: {  	_ =	swait.ge [sflag:s16], $0x640  }
0x1d5: {  	[sflag:s16] =	ssyncset.done $0x0  }
0x1d6: {  	[sflag:s16] =	ssyncadd.s32 $0xFFFFF9C0  }
0x1d7: {  	_ =	swait.ge [sflag:s16], $0x640  }
0x1d8: {  	[sflag:s16] =	ssyncset.done $0x0  }
0x1d9: {  	[sflag:s16] =	ssyncadd.s32 $0xFFFFF9C0  }
0x1da: {  	_ =	swait.ge [sflag:s16], $0x640  }
0x1db: {  	[sflag:s16] =	ssyncset.done $0x0  }
0x1dc: {  	[sflag:s16] =	ssyncadd.s32 $0xFFFFF9C0  }
0x1dd: {  	[bflag:$0x0] =	sbarrier.arrive $0xFFFF  }
0x1de: {  	s21 =	sld [smem:$0x7F2]  }
0x1df: {  	s1 =	rddreg [dreg:$0x11]  }
0x1e0: {  	s2 =	simm.s32 $0x10;
	s3 =	simm.s32 $0x9;
	s17 =	rddreg [dreg:$0x18]  }
0x1e1: {  	[hbm:s17@s2], [sflag:s1] =	dma.strided [spmem:s21@s6], $0x500, s31, $0x2   }
0x1e2: {  	_ =	swait.ge [sflag:s3], $0x500  }
0x1e3: {  	s24 =	sld [smem:$0x7F3]  }
0x1e4: {  	[sflag:s3] =	ssyncset.done $0x0  }
0x1e5: {  	s22 =	rddreg [dreg:$0x1a];
	[sflag:s3] =	ssyncadd.s32 $0xFFFFFB00  }
0x1e6: {  	[hbm:s22@s2], [sflag:s1] =	dma.strided [spmem:s24@s6], $0x500, s31, $0x2   }
0x1e7: {  	_ =	swait.ge [sflag:s3], $0x500  }
0x1e8: {  	s26 =	sld [smem:$0x7F4]  }
0x1e9: {  	[sflag:s3] =	ssyncset.done $0x0  }
0x1ea: {  	s25 =	rddreg [dreg:$0x1b];
	[sflag:s3] =	ssyncadd.s32 $0xFFFFFB00  }
0x1eb: {  	[hbm:s25@s2], [sflag:s1] =	dma.strided [spmem:s26@s6], $0x500, s31, $0x2   }
0x1ec: {  	_ =	swait.ge [sflag:s3], $0x500  }
0x1ed: {  	s8 =	sld [smem:$0x7F5]  }
0x1ee: {  	[sflag:s3] =	ssyncset.done $0x0  }
0x1ef: {  	s5 =	rddreg [dreg:$0x1d];
	[sflag:s3] =	ssyncadd.s32 $0xFFFFFB00  }
0x1f0: {  	[hbm:s5@s2], [sflag:s1] =	dma.strided [spmem:s8@s6], $0x500, s31, $0x2   }
0x1f1: {  	_ =	swait.ge [sflag:s3], $0x500  }
0x1f2: {  	s10 =	sld [smem:$0x7F6]  }
0x1f3: {  	[sflag:s3] =	ssyncset.done $0x0  }
0x1f4: {  	s9 =	rddreg [dreg:$0x1e];
	[sflag:s3] =	ssyncadd.s32 $0xFFFFFB00  }
0x1f5: {  	[hbm:s9@s2], [sflag:s1] =	dma.strided [spmem:s10@s6], $0x500, s31, $0x2   }
0x1f6: {  	_ =	swait.ge [sflag:s3], $0x500  }
0x1f7: {  	s11 =	sld [smem:$0x7FA]  }
0x1f8: {  	s16 =	sld [smem:$0x7F7]  }
0x1f9: {  	[sflag:s3] =	ssyncset.done $0x0  }
0x1fa: {  	[sflag:s3] =	ssyncadd.s32 $0xFFFFFB00  }
0x1fb: {  	[hbm:s11@s2], [sflag:s1] =	dma.strided [spmem:s16@s6], $0x500, s31, $0x2   }
0x1fc: {  	_ =	swait.ge [sflag:s3], $0x500  }
0x1fd: {  	s17 =	sld [smem:$0x7FB]  }
0x1fe: {  	s21 =	sld [smem:$0x7F8]  }
0x1ff: {  	[sflag:s3] =	ssyncset.done $0x0  }
0x200: {  	[sflag:s3] =	ssyncadd.s32 $0xFFFFFB00  }
0x201: {  	[hbm:s17@s2], [sflag:s1] =	dma.strided [spmem:s21@s6], $0x500, s31, $0x2   }
0x202: {  	_ =	swait.ge [sflag:s3], $0x500  }
0x203: {  	s22 =	sld [smem:$0x7FC]  }
0x204: {  	s24 =	sld [smem:$0x7F9]  }
0x205: {  	[sflag:s3] =	ssyncset.done $0x0  }
0x206: {  	[sflag:s3] =	ssyncadd.s32 $0xFFFFFB00  }
0x207: {  	[hbm:s22@s2], [sflag:s1] =	dma.strided [spmem:s24@s6], $0x500, s31, $0x2   }
0x208: {  	_ =	swait.ge [sflag:s3], $0x500  }
0x209: {  	s25 =	sld [smem:$0x7F1]  }
0x20a: {  	s26 =	sld [smem:$0x7FD];
	_ =	sdelay $0x1  }
0x20b: {  	s2 =	sadd.s32 $0x1, s25  }
0x20c: {  	p0 =	sne.s32 s2, s26  }
.Ltmp1:
0x20d: {  	_ = 	snop;
	(pc) =	sbr.rel @p0 .LBB2_1-.Ltmp1, $3  }
0x20e: {  	_ =	sdelay $0x1  }
0x20f: {  	[sflag:s3] =	ssyncset.done $0x0  }
0x210: {  	[sflag:s3] =	ssyncadd.s32 $0xFFFFFB00  }
0x211: {  	_ =	sfence.sel $0x180000  }
0x212: {  	[bflag:$0x0] =	sbarrier.arrive $0xFFFF  }
0x213: {  	_ =	strace $0x9000004A  }
0x214: {  	s0 =	stileid.u32;
	[bflag:$0x2] =	sbarrier.arrive $0xFFFF  }
0x215: {  	p0 =	sne.s32 s0, $0x0;
	s0 =	rddreg [dreg:$0xa]  }
0x216: {  	s0 =	sadd.s32 @!p0 $0x100000, s0  }
0x217: {  	[sflag:s0] =	ssyncadd.tile.s32 @!p0 $0x1;
	_ =	shalt  }
.Lfunc_end2:
_tile_overlayer_lowered:
.L_overlay_start_2:
0x218: {  	(tag) =	ssettag $0x2  }
0x219: {  	s0 =	rddreg [dreg:$0x0];
	s2 =	stileid.u32  }
0x21a: {  	s1 =	rddreg [dreg:$0x1];
	p0 =	sne.s32 s2, $0x0  }
0x21b: {  	s3 =	rddreg [dreg:$0x2];
	[bflag:$0x3] =	sbarrier.arrive $0xFFFF;
	s2 =	simm.s32 @!p0 $0x1C09  }
0x21c: {  	[timem:s3], [sflag:s2] =	dma.local @!p0 [hbm:s0], s1  }
0x21d: {  	s0 =	simm.s32 @!p0 $0x9  }
0x21e: {  	_ =	swait.ge @!p0 [sflag:s0], s1  }
0x21f: {  	s1 =	ssub.s32 @!p0 $0x0, s1;
	[sflag:s0] =	ssyncset.done @!p0 $0x0  }
0x220: {  	[sflag:s0] =	ssyncadd.s32 @!p0 s1  }
0x221: {  	[bflag:$0x3] =	sbarrier.arrive $0xFFFF  }
0x222: {  	_ =	shalt  }

// kernel: kernel.15.cloned.1.call-start
scs
__scs_entry_jumppad:
0x0: {  	(pc) =	sbr.rel $0x88, $3  }
0x1: {  	(tag) =	ssettag $0x0;
	lr =	simm.s32 $0x1  }
0x2: {  	[smem:$0x3F95] =	sst lr;
	_ =	strace $0xD0000000  }
0x3: {  	_ = 	snop  }
0x4: {  	_ = 	snop  }
0x5: {  	_ = 	snop  }
0x6: {  	_ = 	snop  }
0x7: {  	_ = 	snop  }
__scs_overlays_trampoline_lowered:
0x8: {  	[smem:$0x3FA4] =	sst s0  }
0x9: {  	[smem:$0x3FA5] =	sst s1  }
0xa: {  	[smem:$0x3FA6] =	sst s2  }
0xb: {  	[smem:$0x3FA7] =	sst s3  }
0xc: {  	[smem:$0x3FA8] =	sst s4  }
0xd: {  	[smem:$0x3FA9] =	sst s5  }
0xe: {  	[smem:$0x3FAA] =	sst s6  }
0xf: {  	[smem:$0x3FAB] =	sst s7  }
0x10: {  	[smem:$0x3FAC] =	sst s8  }
0x11: {  	[smem:$0x3FAD] =	sst s9;
	s0 =	simm.s32 @!p0 $0x0  }
0x12: {  	s1 =	sld [smem:$0x3F93];
	s0 =	simm.s32 @p0 $0x1  }
0x13: {  	[smem:$0x3FAE] =	sst s0;
	s0 =	simm.s32 @!p1 $0x0  }
0x14: {  	s2 =	sld [smem:$0x3F92];
	s0 =	simm.s32 @p1 $0x1  }
0x15: {  	[smem:$0x3FAF] =	sst s0;
	s0 =	simm.s32 @!p2 $0x0  }
0x16: {  	s3 =	sld [smem:$0x3FDB];
	s0 =	simm.s32 @p2 $0x1  }
0x17: {  	s4 =	simm.s32 $0x1BF5;
	[smem:$0x3FB1] =	sst s0  }
0x18: {  	s0 =	sld [smem:$0x3F94];
	_ =	swait.ge [sflag:s4], $0x0  }
0x19: {  	s7 =	sld [smem:$0x3F95]  }
0x1a: {  	s8 =	sadd.s32 $0xFFFFE003, lr  }
0x1b: {  	s9 =	sadd.s32 $0xFFFFFEF7, lr;
	s5 =	simm.s32 $0xFFFFFFFF;
	p2 =	slt.u32 s8, $0xFFFFF086  }
0x1c: {  	p1 =	slt.u32 s9, $0xF7A;
	s5 =	simm.s32 @!p2 $0x0  }
0x1d: {  	s5 =	simm.s32 @p1 $0x1;
	p0 =	seq.s32 s7, s2  }
0x1e: {  	s7 =	smul.u32 @!p0 $0xF7A, s2;
	p2 =	seq.s32 @!p0 s5, $0x0  }
0x1f: {  	s9 =	smul.u32 $0xF7A, s1;
	s8 =	simm.s32 @!p0 $0x1BF5;
	p2 =	por !p2, p0  }
0x20: {  	[sflag:s8] =	ssyncset.s32 @!p0 $0xFFFFF086;
	s6 =	sadd.s32 @!p0 s3, s7;
	s7 =	simm.s32 @!p0 $0x108  }
0x21: {  	s3 =	sadd.s32 s3, s9;
	s6 =	sadd.s32 @!p0 $0x88, s6;
	s7 =	simm.s32 @p2 $0x1082  }
0x22: {  	[simem:s7], [sflag:s8] =	dma.local @!p0 [hbm:s6], $0xF7A  }
0x23: {  	s9 =	sor.u32 $0xD0000000, s2;
	s6 =	simm.s32 $0x108;
	_ =	swait.ge @!p0 [sflag:s8], $0x0  }
0x24: {  	s3 =	sadd.s32 $0x88, s3;
	s6 =	simm.s32 @!p1 $0x1082;
	[sflag:s4] =	ssyncset.s32 $0xFFFFF086  }
0x25: {  	[simem:s6], [sflag:s4] =	dma.local [hbm:s3], $0xF7A  }
0x26: {  	[smem:$0x3F95] =	sst s1;
	(tag) =	ssettag s2;
	_ =	strace s9  }
0x27: {  	s1 =	sld [smem:$0x3FA5]  }
0x28: {  	s2 =	sld [smem:$0x3FA6]  }
0x29: {  	s4 =	sld [smem:$0x3FA8]  }
0x2a: {  	p0 =	seq.s32 s5, $0x0;
	s5 =	sld [smem:$0x3FA9]  }
0x2b: {  	s6 =	sld [smem:$0x3FAA]  }
0x2c: {  	s7 =	sld [smem:$0x3FAB]  }
0x2d: {  	s3 =	simm.s32 $0x108;
	s8 =	sld [smem:$0x3FAC]  }
0x2e: {  	s3 =	simm.s32 @!p0 $0x1082;
	s9 =	sld [smem:$0x3FAD]  }
0x2f: {  	lr =	sadd.s32 s0, s3;
	s0 =	sld [smem:$0x3FA4]  }
0x30: {  	s3 =	sld [smem:$0x3FA7]  }
0x31: {  	[smem:$0x3FB0] =	sst s10  }
0x32: {  	s10 =	sld [smem:$0x3FAE];
	_ =	sdelay $0x3  }
0x33: {  	p0 =	seq.s32 s10, $0x1;
	s10 =	sld [smem:$0x3FB0];
	_ =	sdelay $0x3  }
0x34: {  	[smem:$0x3FB0] =	sst s10  }
0x35: {  	s10 =	sld [smem:$0x3FAF];
	_ =	sdelay $0x3  }
0x36: {  	p1 =	seq.s32 s10, $0x1;
	s10 =	sld [smem:$0x3FB0];
	_ =	sdelay $0x3  }
0x37: {  	[smem:$0x3FB0] =	sst s10  }
0x38: {  	s10 =	sld [smem:$0x3FB1]  }
0x39: {  	_ = 	snop;
	(pc) =	sbr.ind lr, $3  }
0x3a: {  	_ = 	snop  }
0x3b: {  	_ = 	snop  }
0x3c: {  	p2 =	seq.s32 s10, $0x1;
	s10 =	sld [smem:$0x3FB0]  }
0x3d: {  	_ =	shalt  }
0x3e: {  	_ =	shalt  }
0x3f: {  	_ =	shalt  }
0x40: {  	_ =	shalt  }
0x41: {  	_ =	shalt  }
0x42: {  	_ =	shalt  }
0x43: {  	_ =	shalt  }
0x44: {  	_ =	shalt  }
0x45: {  	_ =	shalt  }
0x46: {  	_ =	shalt  }
0x47: {  	_ =	shalt  }
0x48: {  	_ =	shalt  }
0x49: {  	_ =	shalt  }
0x4a: {  	_ =	shalt  }
0x4b: {  	_ =	shalt  }
0x4c: {  	_ =	shalt  }
0x4d: {  	_ =	shalt  }
0x4e: {  	_ =	shalt  }
0x4f: {  	_ =	shalt  }
0x50: {  	_ =	shalt  }
0x51: {  	_ =	shalt  }
0x52: {  	_ =	shalt  }
0x53: {  	_ =	shalt  }
0x54: {  	_ =	shalt  }
0x55: {  	_ =	shalt  }
0x56: {  	_ =	shalt  }
0x57: {  	_ =	shalt  }
0x58: {  	_ =	shalt  }
0x59: {  	_ =	shalt  }
0x5a: {  	_ =	shalt  }
0x5b: {  	_ =	shalt  }
0x5c: {  	_ =	shalt  }
0x5d: {  	_ =	shalt  }
0x5e: {  	_ =	shalt  }
0x5f: {  	_ =	shalt  }
0x60: {  	_ =	shalt  }
0x61: {  	_ =	shalt  }
0x62: {  	_ =	shalt  }
0x63: {  	_ =	shalt  }
0x64: {  	_ =	shalt  }
0x65: {  	_ =	shalt  }
0x66: {  	_ =	shalt  }
0x67: {  	_ =	shalt  }
0x68: {  	_ =	shalt  }
0x69: {  	_ =	shalt  }
0x6a: {  	_ =	shalt  }
0x6b: {  	_ =	shalt  }
0x6c: {  	_ =	shalt  }
0x6d: {  	_ =	shalt  }
0x6e: {  	_ =	shalt  }
0x6f: {  	_ =	shalt  }
0x70: {  	_ =	shalt  }
0x71: {  	_ =	shalt  }
0x72: {  	_ =	shalt  }
0x73: {  	_ =	shalt  }
0x74: {  	_ =	shalt  }
0x75: {  	_ =	shalt  }
0x76: {  	_ =	shalt  }
0x77: {  	_ =	shalt  }
0x78: {  	_ =	shalt  }
0x79: {  	_ =	shalt  }
0x7a: {  	_ =	shalt  }
0x7b: {  	_ =	shalt  }
0x7c: {  	_ =	shalt  }
0x7d: {  	_ =	shalt  }
0x7e: {  	_ =	shalt  }
0x7f: {  	_ =	shalt  }
0x80: {  	_ =	shalt  }
0x81: {  	_ =	shalt  }
0x82: {  	_ =	shalt  }
0x83: {  	_ =	shalt  }
0x84: {  	_ =	shalt  }
0x85: {  	_ =	shalt  }
0x86: {  	_ =	shalt  }
0x87: {  	_ =	shalt  }
.Lfunc_end0:
.L_simem_size_0:
called_computation.1_lowered:
.L_overlay_start_0:
0x88: {  	s2 =	sld [smem:$0x3FD9]  }
0x89: {  	s3 =	sld [smem:$0x3FFE];
	_ =	sdelay $0x1  }
0x8a: {  	s1 =	srdreg.scid  }
0x8b: {  	s0 =	sand.u32 $0x1, s1  }
0x8c: {  	s17 =	sshll.u32 s0, $0xA;
	s2 =	sadd.s32 s3, s2  }
0x8d: {  	s2 =	sadd.s32 s2, s17  }
0x8e: {  	[smem:$0x3FBC] =	sst s2  }
0x8f: {  	_ = 	snop  }
0x90: {  	s2 =	sld [smem:$0x3FC9];
	(tm) =	ssettm $0x1  }
0x91: {  	s18 =	sld [smem:$0x3FFB];
	_ =	sdelay $0x3  }
0x92: {  	_ =	strace s18  }
0x93: {  	s3 =	sld [smem:$0x3FFC];
	_ =	sdelay $0x3  }
0x94: {  	_ =	strace s3  }
0x95: {  	s3 =	sld [smem:$0x3FFD];
	_ =	sdelay $0x3  }
0x96: {  	_ =	strace s3  }
0x97: {  	_ =	strace $0x8FFFFFFF  }
0x98: {  	s19 =	sld [smem:$0x3FDB];
	_ =	sdelay $0x1  }
0x99: {  	s4 =	simm.s32 $_scs_section_size  }
0x9a: {  	s5 =	simm.s32 $_size__tile_overlayer_lowered;
	s6 =	simm.s32 $_tile_overlayer_lowered  }
0x9b: {  	s22 =	simm.s32 $0x1BFF;
	s21 =	sshll.u32 s6, $0x1;
	s3 =	sadd.s32 s4, s19  }
0x9c: {  	s7 =	simm.s32 $0x0;
	s20 =	sshll.u32 s5, $0x1;
	s5 =	sadd.s32 s21, s3  }
0x9d: {  	[timem:s7], [sflag:s22] =	dma.local [hbm:s5], s20  }
0x9e: {  	_ =	swait.ge [sflag:s22], s20  }
0x9f: {  	s4 =	ssub.s32 $0x0, s20;
	[sflag:s22] =	ssyncset.done $0x0  }
0xa0: {  	[sflag:s22] =	ssyncadd.s32 s4;
	_ =	sdelay $0x1  }
0xa1: {  	s23 =	simm.s32 $0x1B8B  }
0xa2: {  	_ =	swait.ge [sflag:s23], $0x1  }
0xa3: {  	[sflag:s23] =	ssyncset.done $0x0  }
0xa4: {  	s25 =	simm.s32 $0x1B8E;
	s24 =	sld [smem:$0x3FFE];
	[sflag:s23] =	ssyncadd.s32 $0xFFFFFFFF  }
0xa5: {  	s26 =	simm.s32 $execute0_lowered;
	[smem:$0x3FD2] =	sst s25  }
0xa6: {  	s5 =	sshll.u32 s26, $0x1;
	_ =	strace $0x80000046;
	[dreg:$0x1] =	wrdreg $0xFFFFFFFF  }
0xa7: {  	s28 =	simm.s32 $_size_execute0_lowered;
	s3 =	sadd.s32 s3, s5;
	[dreg:$0x0] =	wrdreg $0x0  }
0xa8: {  	s5 =	sshll.u32 s28, $0x1;
	[dreg:$0x2] =	wrdreg s3  }
0xa9: {  	[dreg:$0x3] =	wrdreg s5  }
0xaa: {  	[dreg:$0x4] =	wrdreg $0xC0  }
0xab: {  	_ =	task [dreg:s7], $0x5FFFF  }
0xac: {  	[dreg:$0x1] =	wrdreg $0xFFFFFFFF  }
0xad: {  	[dreg:$0x0] =	wrdreg $0x60  }
0xae: {  	[dreg:$0x2] =	wrdreg s2  }
0xaf: {  	[dreg:$0x3] =	wrdreg s24  }
0xb0: {  	[dreg:$0x4] =	wrdreg $0x0  }
0xb1: {  	[dreg:$0x5] =	wrdreg $0xA  }
0xb2: {  	_ =	task.clear_ibuf [dreg:s7], $0x6FFFF;
	_ =	strace $0x90000046  }
0xb3: {  	s29 =	simm.s32 $0xA;
	_ =	strace $0x80000048  }
0xb4: {  	_ =	swait.ge [sflag:s29], $0x1  }
0xb5: {  	[sflag:s29] =	ssyncadd.s32 $0xFFFFFFFF  }
0xb6: {  	_ =	strace $0x90000048  }
0xb7: {  	_ =	sfence  }
0xb8: {  	s30 =	sld [smem:$0x0];
	_ =	sdelay $0x2  }
0xb9: {  	s31 =	sshll.u32 s1, $0xD;
	s1 =	sshrl.u32 s1, $0x2  }
0xba: {  	s3 =	sand.u32 $0x4000, s31;
	s1 =	sadd.s32 s1, s30  }
0xbb: {  	s0 =	sor.u32 s3, s0;
	s1 =	sshll.u32 s1, $0x11  }
0xbc: {  	s0 =	sor.u32 s1, s0  }
0xbd: {  	s0 =	sadd.s32 $0x8F2B, s0  }
0xbe: {  	[sflag:s0] =	ssyncadd.remote.s32 $0x1  }
0xbf: {  	_ =	sfence.sel $0xFFFF  }
0xc0: {  	[dreg:$0x0] =	wrdreg $0xFFFFFFFF;
	(pc) =	sbr.abs _section_cstart, $3  }
0xc1: {  	[dreg:$0x1] =	wrdreg $0xFFFFFFFF  }
0xc2: {  	_ =	task.clear_ibuf [dreg:s7], $0x2FFFF;
	_ =	strace $0x9FFFFFFF  }
0xc3: {  	(tm) =	ssettm $0x7FFFFFFF  }
tec
execute0_lowered:
.L_overlay_start_1:
0x0: {  	(tag) =	ssettag $0x1  }
0x1: {  	s1 =	rddreg [dreg:$0x0]  }
0x2: {  	s2 =	srdreg.scid;
	s7 =	rddreg [dreg:$0x1]  }
0x3: {  	s0 =	stileid.u32;
	s3 =	rddreg [dreg:$0x2]  }
0x4: {  	s4 =	simm.s32 $0x0;
	s15 =	simm.s32 $0x14FA0;
	s16 =	simm.s32 $0x50  }
0x5: {  	s17 =	simm.s32 $0x15F40;
	s18 =	simm.s32 $0x14050;
	s19 =	simm.s32 $0x18740  }
0x6: {  	s20 =	simm.s32 $0x1;
	s21 =	simm.s32 $0x3;
	s22 =	simm.s32 $0x140A0  }
0x7: {  	s23 =	simm.s32 $0x2;
	s24 =	simm.s32 $0x14FF0;
	s25 =	simm.s32 $0x4  }
0x8: {  	s26 =	simm.s32 $0x14F50;
	s28 =	simm.s32 $0x15EF0;
	s8 =	smul.u32 $0x14000, s0  }
0x9: {  	s29 =	simm.s32 $0x0;
	s2 =	sand.u32 $0x1, s2;
	s11 =	smul.u32 $0x4E20, s0  }
0xa: {  	[smem:$0x7FF] =	sst s4;
	s13 =	sshll.u32 s0, $0x6;
	s5 =	smul.u32 $0x140000, s2  }
0xb: {  	s30 =	smul.u32 $0x4E200, s2;
	s31 =	ssub.s32 $0x2, s2;
	s2 =	sxor.u32 $0x1, s2  }
0xc: {  	_ =	strace $0x80000047;
	s12 =	sshrl.u32 s31, $0x1;
	s2 =	smul.u32 $0x4E200, s2  }
0xd: {  	s14 =	sadd.s32 s8, s3;
	s6 =	sadd.s32 s8, s5;
	s5 =	sadd.s32 $0x4000, s7  }
0xe: {  	s12 =	ssub.s32 s31, s12;
	s8 =	sadd.s32 s30, s11;
	s9 =	sshrl.u32 s6, $0x3  }
0xf: {  	s6 =	sadd.s32 $0x17A00, s7;
	s10 =	sadd.s32 s9, s7;
	s7 =	sor.u32 $0x1C05, s13  }
0x10: {  	s9 =	sadd.s32 s2, s11;
	s11 =	smax.u32 s12, $0x1;
	s12 =	sshrl.u32 s14, $0x3  }
0x11: {  	s13 =	simm.s32 $0x5;
	s14 =	simm.s32 $0x14000;
	s10 =	sadd.s32 $0x1A200, s10  }
.LBB2_1:
0x12: {  	[spmem:s12], [sflag:s7] =	dma.local [hbm:s6], $0x2800  }
0x13: {  	_ =	swait.ge [sflag:s13], $0x2800  }
0x14: {  	[sflag:s13] =	ssyncset.done $0x0  }
0x15: {  	[sflag:s13] =	ssyncadd.s32 $0xFFFFD800  }
0x16: {  	s30 =	simm.s32 $0x0;
	[bflag:$0x0] =	sbarrier.arrive $0xFFFF  }
.LBB2_2:
0x17: {  	s2 =	smul.u32 $0xFA0, s30;
	_ =	sdelay $0x1  }
0x18: {  	s31 =	sadd.s32 s8, s2  }
0x19: {  	s31 =	sshrl.u32 s31, $0x3  }
0x1a: {  	s31 =	sadd.s32 s5, s31  }
0x1b: {  	[tilespmem:s14], [sflag:$0x5] =	stream.linear.gather [hbm4b:s31+s4], $0xFA0, $0x38;
	[tilespmem:$0x1AF40] =	vst v63  }
0x1c: {  	s2 =	sadd.s32 s9, s2;
	_ =	swait.ge [sflag:s13], $0xFA0  }
0x1d: {  	s2 =	sshrl.u32 s2, $0x3;
	[sflag:s13] =	ssyncset.done $0x0  }
0x1e: {  	s2 =	sadd.s32 s5, s2;
	[sflag:s13] =	ssyncadd.s32 $0xFFFFF060  }
0x1f: {  	[tilespmem:s15], [sflag:$0x5] =	stream.linear.gather [hbm4b:s2+s4], $0xFA0, $0x38;
	[tilespmem:$0x1AF40] =	vst v63  }
0x20: {  	_ =	swait.ge [sflag:s13], $0xFA0  }
0x21: {  	[sflag:s13] =	ssyncset.done $0x0  }
0x22: {  	[sflag:s13] =	ssyncadd.s32 $0xFFFFF060  }
0x23: {  	[tilespmem:s17], [sflag:$0x1] =	stream.indirect.gather [hbm4b:s1+s16], $0x80, s14, s16, $0xb8;
	[tilespmem:$0x1AF40] =	vst v63  }
0x24: {  	_ = 	snop  }
0x25: {  	[tilespmem:s19], [sflag:$0x2] =	stream.indirect.gather [hbm4b:s1+s16], $0x80, s18, s16, $0xb8;
	[tilespmem:$0x1AF40] =	vst v63  }
0x26: {  	_ =	swait.ge [sflag:s20], $0x2800  }
0x27: {  	[sflag:s20] =	ssyncset.done $0x0  }
0x28: {  	[sflag:s20] =	ssyncadd.s32 $0xFFFFD800  }
0x29: {  	[spmem:s3] =	stream.indirect.scatter.add.f32 [tilespmem:s17], [sflag:$0x3], $0x80, s15, s16, $0xb8;
	[tilespmem:$0x1AF40] =	vst v63  }
0x2a: {  	_ =	swait.ge [sflag:s21], $0x2800  }
0x2b: {  	[sflag:s21] =	ssyncset.done $0x0  }
0x2c: {  	[sflag:s21] =	ssyncadd.s32 $0xFFFFD800  }
0x2d: {  	[tilespmem:s17], [sflag:$0x1] =	stream.indirect.gather [hbm4b:s1+s16], $0x80, s22, s16, $0xb8;
	[tilespmem:$0x1AF40] =	vst v63  }
0x2e: {  	_ =	swait.ge [sflag:s23], $0x2800  }
0x2f: {  	[sflag:s23] =	ssyncset.done $0x0  }
0x30: {  	[sflag:s23] =	ssyncadd.s32 $0xFFFFD800  }
0x31: {  	[spmem:s3] =	stream.indirect.scatter.add.f32 [tilespmem:s19], [sflag:$0x4], $0x80, s24, s16, $0xb8;
	[tilespmem:$0x1AF40] =	vst v63  }
0x32: {  	_ =	swait.ge [sflag:s25], $0x2800  }
0x33: {  	[sflag:s25] =	ssyncset.done $0x0  }
0x34: {  	s0 =	simm.s32 $0x140F0;
	[sflag:s25] =	ssyncadd.s32 $0xFFFFD800  }
0x35: {  	[tilespmem:s19], [sflag:$0x2] =	stream.indirect.gather [hbm4b:s1+s16], $0x80, s0, s16, $0xb8;
	[tilespmem:$0x1AF40] =	vst v63  }
0x36: {  	_ =	swait.ge [sflag:s20], $0x2800  }
0x37: {  	[sflag:s20] =	ssyncset.done $0x0  }
0x38: {  	s0 =	simm.s32 $0x15040;
	[sflag:s20] =	ssyncadd.s32 $0xFFFFD800  }
0x39: {  	[spmem:s3] =	stream.indirect.scatter.add.f32 [tilespmem:s17], [sflag:$0x3], $0x80, s0, s16, $0xb8;
	[tilespmem:$0x1AF40] =	vst v63  }
0x3a: {  	_ =	swait.ge [sflag:s21], $0x2800  }
0x3b: {  	[sflag:s21] =	ssyncset.done $0x0  }
0x3c: {  	s0 =	simm.s32 $0x14140;
	[sflag:s21] =	ssyncadd.s32 $0xFFFFD800  }
0x3d: {  	[tilespmem:s17], [sflag:$0x1] =	stream.indirect.gather [hbm4b:s1+s16], $0x80, s0, s16, $0xb8;
	[tilespmem:$0x1AF40] =	vst v63  }
0x3e: {  	_ =	swait.ge [sflag:s23], $0x2800  }
0x3f: {  	[sflag:s23] =	ssyncset.done $0x0  }
0x40: {  	s31 =	simm.s32 $0xFFFFC900;
	s2 =	simm.s32 $0x15090;
	[sflag:s23] =	ssyncadd.s32 $0xFFFFD800  }
.LBB2_3:
0x41: {  	[spmem:s3] =	stream.indirect.scatter.add.f32 [tilespmem:s19], [sflag:$0x4], $0x80, s2, s16, $0xb8;
	[tilespmem:$0x1AF40] =	vst v63  }
0x42: {  	s2 =	smov.u32 s31;
	s31 =	sadd.s32 $0x280, s31;
	_ =	swait.ge [sflag:s25], $0x2800  }
0x43: {  	s2 =	sshra.s32 s2, $0x2;
	p0 =	sne.s32 s31, $0x0;
	[sflag:s25] =	ssyncset.done $0x0  }
0x44: {  	s0 =	sadd.s32 $0x14F50, s2;
	[sflag:s25] =	ssyncadd.s32 $0xFFFFD800  }
0x45: {  	[tilespmem:s19], [sflag:$0x2] =	stream.indirect.gather [hbm4b:s1+s16], $0x80, s0, s16, $0xb8;
	[tilespmem:$0x1AF40] =	vst v63  }
0x46: {  	_ =	swait.ge [sflag:s20], $0x2800  }
0x47: {  	[sflag:s20] =	ssyncset.done $0x0  }
0x48: {  	s0 =	sadd.s32 $0x15EA0, s2;
	[sflag:s20] =	ssyncadd.s32 $0xFFFFD800  }
0x49: {  	[spmem:s3] =	stream.indirect.scatter.add.f32 [tilespmem:s17], [sflag:$0x3], $0x80, s0, s16, $0xb8;
	[tilespmem:$0x1AF40] =	vst v63  }
0x4a: {  	_ =	swait.ge [sflag:s21], $0x2800  }
0x4b: {  	[sflag:s21] =	ssyncset.done $0x0  }
.Ltmp0:
0x4c: {  	s0 =	sadd.s32 $0x14FA0, s2;
	[sflag:s21] =	ssyncadd.s32 $0xFFFFD800;
	(pc) =	sbr.rel @p0 .LBB2_3-.Ltmp0, $4  }
0x4d: {  	[tilespmem:s17], [sflag:$0x1] =	stream.indirect.gather [hbm4b:s1+s16], $0x80, s0, s16, $0xb8;
	[tilespmem:$0x1AF40] =	vst v63  }
0x4e: {  	_ =	swait.ge [sflag:s23], $0x2800  }
0x4f: {  	[sflag:s23] =	ssyncset.done $0x0  }
0x50: {  	s2 =	sadd.s32 $0x15EF0, s2;
	[sflag:s23] =	ssyncadd.s32 $0xFFFFD800  }
0x51: {  	[spmem:s3] =	stream.indirect.scatter.add.f32 [tilespmem:s19], [sflag:$0x4], $0x80, s2, s16, $0xb8;
	[tilespmem:$0x1AF40] =	vst v63  }
0x52: {  	_ =	swait.ge [sflag:s25], $0x2800  }
0x53: {  	[sflag:s25] =	ssyncset.done $0x0  }
0x54: {  	[sflag:s25] =	ssyncadd.s32 $0xFFFFD800  }
0x55: {  	[tilespmem:s19], [sflag:$0x2] =	stream.indirect.gather [hbm4b:s1+s16], $0x80, s26, s16, $0xb8;
	[tilespmem:$0x1AF40] =	vst v63  }
0x56: {  	_ =	swait.ge [sflag:s20], $0x2800  }
0x57: {  	s0 =	sshra.s32 s31, $0x2;
	[sflag:s20] =	ssyncset.done $0x0  }
0x58: {  	s0 =	sadd.s32 $0x15EA0, s0;
	[sflag:s20] =	ssyncadd.s32 $0xFFFFD800  }
0x59: {  	[spmem:s3] =	stream.indirect.scatter.add.f32 [tilespmem:s17], [sflag:$0x3], $0x80, s0, s16, $0xb8;
	[tilespmem:$0x1AF40] =	vst v63  }
0x5a: {  	_ =	swait.ge [sflag:s23], $0x2800  }
0x5b: {  	[sflag:s23] =	ssyncset.done $0x0  }
0x5c: {  	s30 =	sadd.s32 $0x1, s30;
	[sflag:s23] =	ssyncadd.s32 $0xFFFFD800  }
0x5d: {  	[spmem:s3] =	stream.indirect.scatter.add.f32 [tilespmem:s19], [sflag:$0x4], $0x80, s28, s16, $0xb8;
	[tilespmem:$0x1AF40] =	vst v63  }
0x5e: {  	p0 =	sne.s32 s30, $0x5;
	_ =	swait.ge [sflag:s21], $0x2800  }
.Ltmp1:
0x5f: {  	[sflag:s21] =	ssyncset.done $0x0;
	(pc) =	sbr.rel @p0 .LBB2_2-.Ltmp1, $4  }
0x60: {  	[sflag:s21] =	ssyncadd.s32 $0xFFFFD800  }
0x61: {  	_ =	swait.ge [sflag:s25], $0x2800  }
0x62: {  	[sflag:s25] =	ssyncset.done $0x0  }
0x63: {  	[sflag:s25] =	ssyncadd.s32 $0xFFFFD800  }
0x64: {  	s29 =	sadd.s32 $0x1, s29  }
0x65: {  	p0 =	sne.s32 s29, s11  }
.Ltmp2:
0x66: {  	[bflag:$0x0] =	sbarrier.arrive $0xFFFF;
	(pc) =	sbr.rel @p0 .LBB2_1-.Ltmp2, $4  }
0x67: {  	[hbm:s10], [sflag:s7] =	dma.local [spmem:s12], $0x2800  }
0x68: {  	_ =	swait.ge [sflag:s13], $0x2800  }
0x69: {  	[sflag:s13] =	ssyncset.done $0x0  }
0x6a: {  	[sflag:s13] =	ssyncadd.s32 $0xFFFFD800  }
0x6b: {  	_ =	sfence.sel $0x180000  }
0x6c: {  	[bflag:$0x0] =	sbarrier.arrive $0xFFFF  }
0x6d: {  	_ =	strace $0x90000047  }
0x6e: {  	s0 =	stileid.u32;
	[bflag:$0x2] =	sbarrier.arrive $0xFFFF  }
0x6f: {  	p0 =	sne.s32 s0, $0x0;
	s0 =	rddreg [dreg:$0x3]  }
0x70: {  	s0 =	sadd.s32 @!p0 $0x100000, s0  }
0x71: {  	[sflag:s0] =	ssyncadd.tile.s32 @!p0 $0x1;
	_ =	shalt  }
.Lfunc_end2:
_tile_overlayer_lowered:
.L_overlay_start_2:
0x72: {  	(tag) =	ssettag $0x2  }
0x73: {  	s0 =	rddreg [dreg:$0x0];
	s2 =	stileid.u32  }
0x74: {  	s1 =	rddreg [dreg:$0x1];
	p0 =	sne.s32 s2, $0x0  }
0x75: {  	s3 =	rddreg [dreg:$0x2];
	[bflag:$0x3] =	sbarrier.arrive $0xFFFF;
	s2 =	simm.s32 @!p0 $0x1C05  }
0x76: {  	[timem:s3], [sflag:s2] =	dma.local @!p0 [hbm:s0], s1  }
0x77: {  	s0 =	simm.s32 @!p0 $0x5  }
0x78: {  	_ =	swait.ge @!p0 [sflag:s0], s1  }
0x79: {  	s1 =	ssub.s32 @!p0 $0x0, s1;
	[sflag:s0] =	ssyncset.done @!p0 $0x0  }
0x7a: {  	[sflag:s0] =	ssyncadd.s32 @!p0 s1  }
0x7b: {  	[bflag:$0x3] =	sbarrier.arrive $0xFFFF  }
0x7c: {  	_ =	shalt  }

// kernel: kernel.18.cloned.1.call-start
scs
__scs_entry_jumppad:
0x0: {  	(pc) =	sbr.rel $0x88, $3  }
0x1: {  	(tag) =	ssettag $0x0;
	lr =	simm.s32 $0x1  }
0x2: {  	[smem:$0x3F95] =	sst lr;
	_ =	strace $0xD0000000  }
0x3: {  	_ = 	snop  }
0x4: {  	_ = 	snop  }
0x5: {  	_ = 	snop  }
0x6: {  	_ = 	snop  }
0x7: {  	_ = 	snop  }
__scs_overlays_trampoline_lowered:
0x8: {  	[smem:$0x3FA4] =	sst s0  }
0x9: {  	[smem:$0x3FA5] =	sst s1  }
0xa: {  	[smem:$0x3FA6] =	sst s2  }
0xb: {  	[smem:$0x3FA7] =	sst s3  }
0xc: {  	[smem:$0x3FA8] =	sst s4  }
0xd: {  	[smem:$0x3FA9] =	sst s5  }
0xe: {  	[smem:$0x3FAA] =	sst s6  }
0xf: {  	[smem:$0x3FAB] =	sst s7  }
0x10: {  	[smem:$0x3FAC] =	sst s8  }
0x11: {  	[smem:$0x3FAD] =	sst s9;
	s0 =	simm.s32 @!p0 $0x0  }
0x12: {  	s1 =	sld [smem:$0x3F93];
	s0 =	simm.s32 @p0 $0x1  }
0x13: {  	[smem:$0x3FAE] =	sst s0;
	s0 =	simm.s32 @!p1 $0x0  }
0x14: {  	s2 =	sld [smem:$0x3F92];
	s0 =	simm.s32 @p1 $0x1  }
0x15: {  	[smem:$0x3FAF] =	sst s0;
	s0 =	simm.s32 @!p2 $0x0  }
0x16: {  	s3 =	sld [smem:$0x3FDB];
	s0 =	simm.s32 @p2 $0x1  }
0x17: {  	s4 =	simm.s32 $0x1BF5;
	[smem:$0x3FB1] =	sst s0  }
0x18: {  	s0 =	sld [smem:$0x3F94];
	_ =	swait.ge [sflag:s4], $0x0  }
0x19: {  	s7 =	sld [smem:$0x3F95]  }
0x1a: {  	s8 =	sadd.s32 $0xFFFFE003, lr  }
0x1b: {  	s9 =	sadd.s32 $0xFFFFFEF7, lr;
	s5 =	simm.s32 $0xFFFFFFFF;
	p2 =	slt.u32 s8, $0xFFFFF086  }
0x1c: {  	p1 =	slt.u32 s9, $0xF7A;
	s5 =	simm.s32 @!p2 $0x0  }
0x1d: {  	s5 =	simm.s32 @p1 $0x1;
	p0 =	seq.s32 s7, s2  }
0x1e: {  	s7 =	smul.u32 @!p0 $0xF7A, s2;
	p2 =	seq.s32 @!p0 s5, $0x0  }
0x1f: {  	s9 =	smul.u32 $0xF7A, s1;
	s8 =	simm.s32 @!p0 $0x1BF5;
	p2 =	por !p2, p0  }
0x20: {  	[sflag:s8] =	ssyncset.s32 @!p0 $0xFFFFF086;
	s6 =	sadd.s32 @!p0 s3, s7;
	s7 =	simm.s32 @!p0 $0x108  }
0x21: {  	s3 =	sadd.s32 s3, s9;
	s6 =	sadd.s32 @!p0 $0x88, s6;
	s7 =	simm.s32 @p2 $0x1082  }
0x22: {  	[simem:s7], [sflag:s8] =	dma.local @!p0 [hbm:s6], $0xF7A  }
0x23: {  	s9 =	sor.u32 $0xD0000000, s2;
	s6 =	simm.s32 $0x108;
	_ =	swait.ge @!p0 [sflag:s8], $0x0  }
0x24: {  	s3 =	sadd.s32 $0x88, s3;
	s6 =	simm.s32 @!p1 $0x1082;
	[sflag:s4] =	ssyncset.s32 $0xFFFFF086  }
0x25: {  	[simem:s6], [sflag:s4] =	dma.local [hbm:s3], $0xF7A  }
0x26: {  	[smem:$0x3F95] =	sst s1;
	(tag) =	ssettag s2;
	_ =	strace s9  }
0x27: {  	s1 =	sld [smem:$0x3FA5]  }
0x28: {  	s2 =	sld [smem:$0x3FA6]  }
0x29: {  	s4 =	sld [smem:$0x3FA8]  }
0x2a: {  	p0 =	seq.s32 s5, $0x0;
	s5 =	sld [smem:$0x3FA9]  }
0x2b: {  	s6 =	sld [smem:$0x3FAA]  }
0x2c: {  	s7 =	sld [smem:$0x3FAB]  }
0x2d: {  	s3 =	simm.s32 $0x108;
	s8 =	sld [smem:$0x3FAC]  }
0x2e: {  	s3 =	simm.s32 @!p0 $0x1082;
	s9 =	sld [smem:$0x3FAD]  }
0x2f: {  	lr =	sadd.s32 s0, s3;
	s0 =	sld [smem:$0x3FA4]  }
0x30: {  	s3 =	sld [smem:$0x3FA7]  }
0x31: {  	[smem:$0x3FB0] =	sst s10  }
0x32: {  	s10 =	sld [smem:$0x3FAE];
	_ =	sdelay $0x3  }
0x33: {  	p0 =	seq.s32 s10, $0x1;
	s10 =	sld [smem:$0x3FB0];
	_ =	sdelay $0x3  }
0x34: {  	[smem:$0x3FB0] =	sst s10  }
0x35: {  	s10 =	sld [smem:$0x3FAF];
	_ =	sdelay $0x3  }
0x36: {  	p1 =	seq.s32 s10, $0x1;
	s10 =	sld [smem:$0x3FB0];
	_ =	sdelay $0x3  }
0x37: {  	[smem:$0x3FB0] =	sst s10  }
0x38: {  	s10 =	sld [smem:$0x3FB1]  }
0x39: {  	_ = 	snop;
	(pc) =	sbr.ind lr, $3  }
0x3a: {  	_ = 	snop  }
0x3b: {  	_ = 	snop  }
0x3c: {  	p2 =	seq.s32 s10, $0x1;
	s10 =	sld [smem:$0x3FB0]  }
0x3d: {  	_ =	shalt  }
0x3e: {  	_ =	shalt  }
0x3f: {  	_ =	shalt  }
0x40: {  	_ =	shalt  }
0x41: {  	_ =	shalt  }
0x42: {  	_ =	shalt  }
0x43: {  	_ =	shalt  }
0x44: {  	_ =	shalt  }
0x45: {  	_ =	shalt  }
0x46: {  	_ =	shalt  }
0x47: {  	_ =	shalt  }
0x48: {  	_ =	shalt  }
0x49: {  	_ =	shalt  }
0x4a: {  	_ =	shalt  }
0x4b: {  	_ =	shalt  }
0x4c: {  	_ =	shalt  }
0x4d: {  	_ =	shalt  }
0x4e: {  	_ =	shalt  }
0x4f: {  	_ =	shalt  }
0x50: {  	_ =	shalt  }
0x51: {  	_ =	shalt  }
0x52: {  	_ =	shalt  }
0x53: {  	_ =	shalt  }
0x54: {  	_ =	shalt  }
0x55: {  	_ =	shalt  }
0x56: {  	_ =	shalt  }
0x57: {  	_ =	shalt  }
0x58: {  	_ =	shalt  }
0x59: {  	_ =	shalt  }
0x5a: {  	_ =	shalt  }
0x5b: {  	_ =	shalt  }
0x5c: {  	_ =	shalt  }
0x5d: {  	_ =	shalt  }
0x5e: {  	_ =	shalt  }
0x5f: {  	_ =	shalt  }
0x60: {  	_ =	shalt  }
0x61: {  	_ =	shalt  }
0x62: {  	_ =	shalt  }
0x63: {  	_ =	shalt  }
0x64: {  	_ =	shalt  }
0x65: {  	_ =	shalt  }
0x66: {  	_ =	shalt  }
0x67: {  	_ =	shalt  }
0x68: {  	_ =	shalt  }
0x69: {  	_ =	shalt  }
0x6a: {  	_ =	shalt  }
0x6b: {  	_ =	shalt  }
0x6c: {  	_ =	shalt  }
0x6d: {  	_ =	shalt  }
0x6e: {  	_ =	shalt  }
0x6f: {  	_ =	shalt  }
0x70: {  	_ =	shalt  }
0x71: {  	_ =	shalt  }
0x72: {  	_ =	shalt  }
0x73: {  	_ =	shalt  }
0x74: {  	_ =	shalt  }
0x75: {  	_ =	shalt  }
0x76: {  	_ =	shalt  }
0x77: {  	_ =	shalt  }
0x78: {  	_ =	shalt  }
0x79: {  	_ =	shalt  }
0x7a: {  	_ =	shalt  }
0x7b: {  	_ =	shalt  }
0x7c: {  	_ =	shalt  }
0x7d: {  	_ =	shalt  }
0x7e: {  	_ =	shalt  }
0x7f: {  	_ =	shalt  }
0x80: {  	_ =	shalt  }
0x81: {  	_ =	shalt  }
0x82: {  	_ =	shalt  }
0x83: {  	_ =	shalt  }
0x84: {  	_ =	shalt  }
0x85: {  	_ =	shalt  }
0x86: {  	_ =	shalt  }
0x87: {  	_ =	shalt  }
.Lfunc_end0:
.L_simem_size_0:
called_computation.2_lowered:
.L_overlay_start_0:
0x88: {  	s2 =	sld [smem:$0x3FD9]  }
0x89: {  	s3 =	sld [smem:$0x3FFE];
	_ =	sdelay $0x1  }
0x8a: {  	s1 =	srdreg.scid  }
0x8b: {  	s0 =	sand.u32 $0x1, s1  }
0x8c: {  	s16 =	sshll.u32 s0, $0xA;
	s2 =	sadd.s32 s3, s2  }
0x8d: {  	s2 =	sadd.s32 s2, s16  }
0x8e: {  	[smem:$0x3FBC] =	sst s2  }
0x8f: {  	_ = 	snop  }
0x90: {  	(tm) =	ssettm $0x1  }
0x91: {  	s17 =	sld [smem:$0x3FFB];
	_ =	sdelay $0x3  }
0x92: {  	_ =	strace s17  }
0x93: {  	s2 =	sld [smem:$0x3FFC];
	_ =	sdelay $0x3  }
0x94: {  	_ =	strace s2  }
0x95: {  	s2 =	sld [smem:$0x3FFD];
	_ =	sdelay $0x3  }
0x96: {  	_ =	strace s2  }
0x97: {  	_ =	strace $0x8FFFFFFF  }
0x98: {  	s18 =	sld [smem:$0x3FDB];
	_ =	sdelay $0x1  }
0x99: {  	s19 =	simm.s32 $_scs_section_size  }
0x9a: {  	s4 =	simm.s32 $_size__tile_overlayer_lowered;
	s5 =	simm.s32 $_tile_overlayer_lowered  }
0x9b: {  	s22 =	simm.s32 $0x1BFF;
	s21 =	sshll.u32 s5, $0x1;
	s2 =	sadd.s32 s19, s18  }
0x9c: {  	s6 =	simm.s32 $0x0;
	s20 =	sshll.u32 s4, $0x1;
	s4 =	sadd.s32 s21, s2  }
0x9d: {  	[timem:s6], [sflag:s22] =	dma.local [hbm:s4], s20  }
0x9e: {  	_ =	swait.ge [sflag:s22], s20  }
0x9f: {  	s3 =	ssub.s32 $0x0, s20;
	[sflag:s22] =	ssyncset.done $0x0  }
0xa0: {  	[sflag:s22] =	ssyncadd.s32 s3;
	_ =	sdelay $0x1  }
0xa1: {  	s23 =	simm.s32 $0x1B8B  }
0xa2: {  	_ =	swait.ge [sflag:s23], $0x1  }
0xa3: {  	[sflag:s23] =	ssyncset.done $0x0  }
0xa4: {  	s25 =	simm.s32 $0x1B8E;
	s24 =	sld [smem:$0x3FFE];
	[sflag:s23] =	ssyncadd.s32 $0xFFFFFFFF  }
0xa5: {  	s26 =	simm.s32 $execute0_lowered;
	[smem:$0x3FD2] =	sst s25  }
0xa6: {  	s4 =	sshll.u32 s26, $0x1;
	_ =	strace $0x8000004C;
	[dreg:$0x1] =	wrdreg $0xFFFFFFFF  }
0xa7: {  	s28 =	simm.s32 $_size_execute0_lowered;
	s2 =	sadd.s32 s2, s4;
	[dreg:$0x0] =	wrdreg $0x0  }
0xa8: {  	s4 =	sshll.u32 s28, $0x1;
	[dreg:$0x2] =	wrdreg s2  }
0xa9: {  	[dreg:$0x3] =	wrdreg s4  }
0xaa: {  	[dreg:$0x4] =	wrdreg $0xC0  }
0xab: {  	_ =	task [dreg:s6], $0x5FFFF  }
0xac: {  	[dreg:$0x1] =	wrdreg $0xFFFFFFFF  }
0xad: {  	[dreg:$0x0] =	wrdreg $0x60  }
0xae: {  	[dreg:$0x2] =	wrdreg s24  }
0xaf: {  	[dreg:$0x3] =	wrdreg $0x9  }
0xb0: {  	_ =	task.clear_ibuf [dreg:s6], $0x4FFFF;
	_ =	strace $0x9000004C  }
0xb1: {  	s29 =	simm.s32 $0x9;
	_ =	strace $0x8000004E  }
0xb2: {  	_ =	swait.ge [sflag:s29], $0x1  }
0xb3: {  	[sflag:s29] =	ssyncadd.s32 $0xFFFFFFFF  }
0xb4: {  	_ =	strace $0x9000004E  }
0xb5: {  	_ =	sfence  }
0xb6: {  	s30 =	sld [smem:$0x0];
	_ =	sdelay $0x2  }
0xb7: {  	s31 =	sshll.u32 s1, $0xD;
	s1 =	sshrl.u32 s1, $0x2  }
0xb8: {  	s3 =	sand.u32 $0x4000, s31;
	s1 =	sadd.s32 s1, s30  }
0xb9: {  	s0 =	sor.u32 s3, s0;
	s1 =	sshll.u32 s1, $0x11  }
0xba: {  	s0 =	sor.u32 s1, s0  }
0xbb: {  	s0 =	sadd.s32 $0x8F2B, s0  }
0xbc: {  	[sflag:s0] =	ssyncadd.remote.s32 $0x1  }
0xbd: {  	_ =	sfence.sel $0xFFFF  }
0xbe: {  	[dreg:$0x0] =	wrdreg $0xFFFFFFFF;
	(pc) =	sbr.abs _section_cstart, $3  }
0xbf: {  	[dreg:$0x1] =	wrdreg $0xFFFFFFFF  }
0xc0: {  	_ =	task.clear_ibuf [dreg:s6], $0x2FFFF;
	_ =	strace $0x9FFFFFFF  }
0xc1: {  	(tm) =	ssettm $0x7FFFFFFF  }
tec
execute0_lowered:
.L_overlay_start_1:
0x0: {  	(tag) =	ssettag $0x1  }
0x1: {  	s0 =	srdreg.scid;
	s7 =	stileid.u32  }
0x2: {  	s1 =	rddreg [dreg:$0x0];
	s5 =	smul.u32 $0x4E20, s7  }
0x3: {  	s2 =	simm.s32 $0x0;
	s0 =	sand.u32 $0x1, s0;
	s7 =	smul.u32 $0x271000, s7  }
0x4: {  	s28 =	simm.s32 $0x1B620;
	s30 =	simm.s32 $0x1;
	s3 =	smul.u32 $0x28000, s0  }
0x5: {  	s17 =	simm.s32 $0x8;
	[smem:$0x7FF] =	sst s2;
	s4 =	smul.u32 $0x4E200, s0  }
0x6: {  	_ =	strace $0x8000004D;
	s18 =	ssub.s32 $0x2, s0;
	s0 =	smul.u32 $0x2710000, s0  }
0x7: {  	s6 =	sshrl.u32 s18, $0x1;
	s3 =	sadd.s32 s3, s1;
	s4 =	sadd.s32 s5, s4  }
0x8: {  	s19 =	ssub.s32 s18, s6;
	s0 =	sadd.s32 s7, s0;
	s18 =	simm.s32 $0x50  }
0x9: {  	s6 =	simm.s32 $0x7;
	s4 =	sshrl.u32 s4, $0x3;
	s5 =	sadd.s32 $0x1A200, s3  }
0xa: {  	s20 =	sadd.s32 $0x16800, s0;
	s21 =	sadd.s32 $0x14000, s0;
	s22 =	sadd.s32 $0x11800, s0  }
0xb: {  	s23 =	sadd.s32 $0xF000, s0;
	s24 =	sadd.s32 $0xC800, s0;
	s25 =	sadd.s32 $0xA000, s0  }
0xc: {  	s26 =	sadd.s32 $0x7800, s0;
	s29 =	sadd.s32 $0x5000, s0;
	s31 =	sadd.s32 $0x2800, s0  }
0xd: {  	s16 =	sshrl.u32 s0, $0x3;
	s0 =	simm.s32 $0x2;
	s3 =	simm.s32 $0x6  }
0xe: {  	s4 =	sadd.s32 s4, s1;
	s1 =	sadd.s32 $0x207800, s1;
	s7 =	sshrl.u32 s20, $0x3  }
0xf: {  	s8 =	sshrl.u32 s21, $0x3;
	s9 =	sshrl.u32 s22, $0x3;
	s10 =	sshrl.u32 s23, $0x3  }
0x10: {  	s11 =	sshrl.u32 s24, $0x3;
	s12 =	sshrl.u32 s25, $0x3;
	s13 =	sshrl.u32 s26, $0x3  }
.Ltmp0:
0x11: {  	s14 =	sshrl.u32 s29, $0x3;
	s15 =	sshrl.u32 s31, $0x3;
	(pc) =	sbr.rel .LBB2_1-.Ltmp0, $4  }
0x12: {  	s21 =	simm.s32 $0x3;
	s25 =	simm.s32 $0x4;
	s20 =	simm.s32 $0xA  }
0x13: {  	s22 =	simm.s32 $0x14;
	[dreg:$0x2] =	wrdreg s1;
	s4 =	sadd.s32 $0x4000, s4  }
0x14: {  	s23 =	simm.s32 $0x0;
	s1 =	smax.u32 s19, $0x1;
	[dreg:$0x3] =	wrdreg s4  }
0x15: {  	s19 =	simm.s32 $0x9;
	[dreg:$0x4] =	wrdreg s1;
	s4 =	simm.s32 $0x5  }
.LBB2_4:
0x16: {  	s1 =	simm.s32 $0xB  }
0x17: {  	_ =	swait.ge [sflag:s1], $0x2800  }
0x18: {  	[sflag:s1] =	ssyncset.done $0x0  }
0x19: {  	s24 =	simm.s32 $0xC;
	[sflag:s1] =	ssyncadd.s32 $0xFFFFD800  }
0x1a: {  	_ =	swait.ge [sflag:s24], $0x2800  }
0x1b: {  	[sflag:s24] =	ssyncset.done $0x0  }
0x1c: {  	s26 =	simm.s32 $0xD;
	[sflag:s24] =	ssyncadd.s32 $0xFFFFD800  }
0x1d: {  	_ =	swait.ge [sflag:s26], $0x2800  }
0x1e: {  	[sflag:s26] =	ssyncset.done $0x0  }
0x1f: {  	s29 =	simm.s32 $0xE;
	[sflag:s26] =	ssyncadd.s32 $0xFFFFD800  }
0x20: {  	_ =	swait.ge [sflag:s29], $0x2800  }
0x21: {  	[sflag:s29] =	ssyncset.done $0x0  }
0x22: {  	s31 =	simm.s32 $0xF;
	[sflag:s29] =	ssyncadd.s32 $0xFFFFD800  }
0x23: {  	_ =	swait.ge [sflag:s31], $0x2800  }
0x24: {  	[sflag:s31] =	ssyncset.done $0x0  }
0x25: {  	s23 =	simm.s32 $0x10;
	[sflag:s31] =	ssyncadd.s32 $0xFFFFD800  }
0x26: {  	_ =	swait.ge [sflag:s23], $0x2800  }
0x27: {  	[sflag:s23] =	ssyncset.done $0x0  }
0x28: {  	s24 =	simm.s32 $0x11;
	[sflag:s23] =	ssyncadd.s32 $0xFFFFD800  }
0x29: {  	_ =	swait.ge [sflag:s24], $0x2800  }
0x2a: {  	[sflag:s24] =	ssyncset.done $0x0  }
0x2b: {  	s26 =	simm.s32 $0x12;
	[sflag:s24] =	ssyncadd.s32 $0xFFFFD800  }
0x2c: {  	_ =	swait.ge [sflag:s26], $0x2800  }
0x2d: {  	[sflag:s26] =	ssyncset.done $0x0  }
0x2e: {  	s29 =	simm.s32 $0x13;
	[sflag:s26] =	ssyncadd.s32 $0xFFFFD800  }
0x2f: {  	_ =	swait.ge [sflag:s29], $0x2800  }
0x30: {  	[sflag:s29] =	ssyncset.done $0x0  }
0x31: {  	[sflag:s29] =	ssyncadd.s32 $0xFFFFD800  }
0x32: {  	_ =	swait.ge [sflag:s22], $0x2800  }
0x33: {  	s23 =	rddreg [dreg:$0x5]  }
0x34: {  	s31 =	rddreg [dreg:$0x4];
	s23 =	sadd.s32 $0x1, s23  }
0x35: {  	p0 =	sne.s32 s23, s31  }
.Ltmp1:
0x36: {  	_ = 	snop;
	(pc) =	sbr.rel @!p0 .LBB2_5-.Ltmp1, $3  }
0x37: {  	_ =	sdelay $0x1  }
0x38: {  	[sflag:s22] =	ssyncset.done $0x0  }
0x39: {  	[sflag:s22] =	ssyncadd.s32 $0xFFFFD800  }
.LBB2_1:
0x3a: {  	[dreg:$0x5] =	wrdreg s23  }
0x3b: {  	s1 =	rddreg [dreg:$0x3];
	s23 =	simm.s32 $0x15  }
0x3c: {  	[tilespmem:s2], [sflag:$0x15] =	stream.linear.gather [hbm4b:s1+s2], $0x4E20, $0x38;
	[tilespmem:$0x1DE20] =	vst v63  }
0x3d: {  	_ =	swait.ge [sflag:s23], $0x4E20  }
0x3e: {  	[sflag:s23] =	ssyncset.done $0x0  }
0x3f: {  	s24 =	simm.s32 $0x4E20;
	[sflag:s23] =	ssyncadd.s32 $0xFFFFB1E0  }
0x40: {  	[tilespmem:s24], [sflag:$0x1] =	stream.indirect.gather [hbm4b:s5+s18], $0x80, s2, s18, $0xb8;
	[tilespmem:$0x1DE20] =	vst v63  }
0x41: {  	s26 =	simm.s32 $0x7620  }
0x42: {  	[tilespmem:s26], [sflag:$0x2] =	stream.indirect.gather [hbm4b:s5+s18], $0x80, s18, s18, $0xb8;
	[tilespmem:$0x1DE20] =	vst v63  }
0x43: {  	s29 =	simm.s32 $0xA0;
	s31 =	simm.s32 $0x9E20  }
0x44: {  	[tilespmem:s31], [sflag:$0x3] =	stream.indirect.gather [hbm4b:s5+s18], $0x80, s29, s18, $0xb8;
	[tilespmem:$0x1DE20] =	vst v63  }
0x45: {  	s24 =	simm.s32 $0xF0;
	s26 =	simm.s32 $0xC620  }
0x46: {  	[tilespmem:s26], [sflag:$0x4] =	stream.indirect.gather [hbm4b:s5+s18], $0x80, s24, s18, $0xb8;
	[tilespmem:$0x1DE20] =	vst v63  }
0x47: {  	s29 =	simm.s32 $0x140;
	s31 =	simm.s32 $0xEE20  }
0x48: {  	[tilespmem:s31], [sflag:$0x5] =	stream.indirect.gather [hbm4b:s5+s18], $0x80, s29, s18, $0xb8;
	[tilespmem:$0x1DE20] =	vst v63  }
0x49: {  	s24 =	simm.s32 $0x190;
	s26 =	simm.s32 $0x11620  }
0x4a: {  	[tilespmem:s26], [sflag:$0x6] =	stream.indirect.gather [hbm4b:s5+s18], $0x80, s24, s18, $0xb8;
	[tilespmem:$0x1DE20] =	vst v63  }
0x4b: {  	s29 =	simm.s32 $0x1E0;
	s31 =	simm.s32 $0x13E20  }
0x4c: {  	[tilespmem:s31], [sflag:$0x7] =	stream.indirect.gather [hbm4b:s5+s18], $0x80, s29, s18, $0xb8;
	[tilespmem:$0x1DE20] =	vst v63  }
0x4d: {  	s23 =	simm.s32 $0x230;
	s24 =	simm.s32 $0x16620  }
0x4e: {  	[tilespmem:s24], [sflag:$0x8] =	stream.indirect.gather [hbm4b:s5+s18], $0x80, s23, s18, $0xb8;
	[tilespmem:$0x1DE20] =	vst v63  }
0x4f: {  	s26 =	simm.s32 $0x280;
	s29 =	simm.s32 $0x18E20  }
0x50: {  	[tilespmem:s29], [sflag:$0x9] =	stream.indirect.gather [hbm4b:s5+s18], $0x80, s26, s18, $0xb8;
	[tilespmem:$0x1DE20] =	vst v63  }
0x51: {  	s31 =	simm.s32 $0x2D0;
	s24 =	rddreg [dreg:$0x2];
	s26 =	simm.s32 $0x0  }
0x52: {  	[tilespmem:s28], [sflag:$0xA] =	stream.indirect.gather [hbm4b:s5+s18], $0x80, s31, s18, $0xb8;
	[tilespmem:$0x1DE20] =	vst v63  }
.LBB2_2:
0x53: {  	_ =	swait.ge [sflag:s30], $0x2800  }
0x54: {  	s29 =	sadd.s32 s24, s16;
	[sflag:s30] =	ssyncset.done $0x0  }
0x55: {  	s1 =	simm.s32 $0x4E20;
	p0 =	seq.s32 s26, $0x12C00;
	[sflag:s30] =	ssyncadd.s32 $0xFFFFD800  }
0x56: {  	[hbm4b:s29+s2] =	stream.linear.scatter [tilespmem:s1], [sflag:$0xB], $0x2800, $0x38;
	[tilespmem:$0x1DE20] =	vst v63  }
0x57: {  	s29 =	simm.s32 @!p0 $0xB  }
0x58: {  	_ =	swait.ge @!p0 [sflag:s29], $0x2800  }
0x59: {  	[sflag:s29] =	ssyncset.done @!p0 $0x0  }
0x5a: {  	[sflag:s29] =	ssyncadd.s32 @!p0 $0xFFFFD800;
	s29 =	sshra.s32 @!p0 s26, $0x2  }
0x5b: {  	s31 =	simm.s32 @!p0 $0x50;
	s23 =	simm.s32 @!p0 $0x4E20;
	s1 =	sadd.s32 @!p0 $0x320, s29  }
0x5c: {  	[tilespmem:s23], [sflag:$0x1] =	stream.indirect.gather @!p0 [hbm4b:s5+s31], $0x80, s1, s31, $0xb8;
	[tilespmem:$0x1DE20] =	vst v63  }
0x5d: {  	_ =	swait.ge [sflag:s0], $0x2800  }
0x5e: {  	[sflag:s0] =	ssyncset.done $0x0  }
0x5f: {  	s1 =	sadd.s32 s24, s15;
	s23 =	simm.s32 $0x7620;
	[sflag:s0] =	ssyncadd.s32 $0xFFFFD800  }
0x60: {  	[hbm4b:s1+s2] =	stream.linear.scatter [tilespmem:s23], [sflag:$0xC], $0x2800, $0x38;
	[tilespmem:$0x1DE20] =	vst v63  }
0x61: {  	s1 =	simm.s32 @!p0 $0xC  }
0x62: {  	_ =	swait.ge @!p0 [sflag:s1], $0x2800  }
0x63: {  	[sflag:s1] =	ssyncset.done @!p0 $0x0  }
0x64: {  	s23 =	simm.s32 @!p0 $0x7620;
	[sflag:s1] =	ssyncadd.s32 @!p0 $0xFFFFD800;
	s1 =	sadd.s32 @!p0 $0x370, s29  }
0x65: {  	[tilespmem:s23], [sflag:$0x2] =	stream.indirect.gather @!p0 [hbm4b:s5+s31], $0x80, s1, s31, $0xb8;
	[tilespmem:$0x1DE20] =	vst v63  }
0x66: {  	_ =	swait.ge [sflag:s21], $0x2800  }
0x67: {  	[sflag:s21] =	ssyncset.done $0x0  }
0x68: {  	s1 =	sadd.s32 s24, s14;
	s23 =	simm.s32 $0x9E20;
	[sflag:s21] =	ssyncadd.s32 $0xFFFFD800  }
0x69: {  	[hbm4b:s1+s2] =	stream.linear.scatter [tilespmem:s23], [sflag:$0xD], $0x2800, $0x38;
	[tilespmem:$0x1DE20] =	vst v63  }
0x6a: {  	s1 =	simm.s32 @!p0 $0xD  }
0x6b: {  	_ =	swait.ge @!p0 [sflag:s1], $0x2800  }
0x6c: {  	[sflag:s1] =	ssyncset.done @!p0 $0x0  }
0x6d: {  	s23 =	simm.s32 @!p0 $0x9E20;
	[sflag:s1] =	ssyncadd.s32 @!p0 $0xFFFFD800;
	s1 =	sadd.s32 @!p0 $0x3C0, s29  }
0x6e: {  	[tilespmem:s23], [sflag:$0x3] =	stream.indirect.gather @!p0 [hbm4b:s5+s31], $0x80, s1, s31, $0xb8;
	[tilespmem:$0x1DE20] =	vst v63  }
0x6f: {  	_ =	swait.ge [sflag:s25], $0x2800  }
0x70: {  	[sflag:s25] =	ssyncset.done $0x0  }
0x71: {  	s1 =	sadd.s32 s24, s13;
	s23 =	simm.s32 $0xC620;
	[sflag:s25] =	ssyncadd.s32 $0xFFFFD800  }
0x72: {  	[hbm4b:s1+s2] =	stream.linear.scatter [tilespmem:s23], [sflag:$0xE], $0x2800, $0x38;
	[tilespmem:$0x1DE20] =	vst v63  }
0x73: {  	s1 =	simm.s32 @!p0 $0xE  }
0x74: {  	_ =	swait.ge @!p0 [sflag:s1], $0x2800  }
0x75: {  	[sflag:s1] =	ssyncset.done @!p0 $0x0  }
0x76: {  	s23 =	simm.s32 @!p0 $0xC620;
	[sflag:s1] =	ssyncadd.s32 @!p0 $0xFFFFD800;
	s1 =	sadd.s32 @!p0 $0x410, s29  }
0x77: {  	[tilespmem:s23], [sflag:$0x4] =	stream.indirect.gather @!p0 [hbm4b:s5+s31], $0x80, s1, s31, $0xb8;
	[tilespmem:$0x1DE20] =	vst v63  }
0x78: {  	_ =	swait.ge [sflag:s4], $0x2800  }
0x79: {  	[sflag:s4] =	ssyncset.done $0x0  }
0x7a: {  	s1 =	sadd.s32 s24, s12;
	s23 =	simm.s32 $0xEE20;
	[sflag:s4] =	ssyncadd.s32 $0xFFFFD800  }
0x7b: {  	[hbm4b:s1+s2] =	stream.linear.scatter [tilespmem:s23], [sflag:$0xF], $0x2800, $0x38;
	[tilespmem:$0x1DE20] =	vst v63  }
0x7c: {  	s1 =	simm.s32 @!p0 $0xF  }
0x7d: {  	_ =	swait.ge @!p0 [sflag:s1], $0x2800  }
0x7e: {  	[sflag:s1] =	ssyncset.done @!p0 $0x0  }
0x7f: {  	s23 =	simm.s32 @!p0 $0xEE20;
	[sflag:s1] =	ssyncadd.s32 @!p0 $0xFFFFD800;
	s1 =	sadd.s32 @!p0 $0x460, s29  }
0x80: {  	[tilespmem:s23], [sflag:$0x5] =	stream.indirect.gather @!p0 [hbm4b:s5+s31], $0x80, s1, s31, $0xb8;
	[tilespmem:$0x1DE20] =	vst v63  }
0x81: {  	_ =	swait.ge [sflag:s3], $0x2800  }
0x82: {  	[sflag:s3] =	ssyncset.done $0x0  }
0x83: {  	s1 =	sadd.s32 s24, s11;
	s23 =	simm.s32 $0x11620;
	[sflag:s3] =	ssyncadd.s32 $0xFFFFD800  }
0x84: {  	[hbm4b:s1+s2] =	stream.linear.scatter [tilespmem:s23], [sflag:$0x10], $0x2800, $0x38;
	[tilespmem:$0x1DE20] =	vst v63  }
0x85: {  	s1 =	simm.s32 @!p0 $0x10  }
0x86: {  	_ =	swait.ge @!p0 [sflag:s1], $0x2800  }
0x87: {  	[sflag:s1] =	ssyncset.done @!p0 $0x0  }
0x88: {  	s23 =	simm.s32 @!p0 $0x11620;
	[sflag:s1] =	ssyncadd.s32 @!p0 $0xFFFFD800;
	s1 =	sadd.s32 @!p0 $0x4B0, s29  }
0x89: {  	[tilespmem:s23], [sflag:$0x6] =	stream.indirect.gather @!p0 [hbm4b:s5+s31], $0x80, s1, s31, $0xb8;
	[tilespmem:$0x1DE20] =	vst v63  }
0x8a: {  	_ =	swait.ge [sflag:s6], $0x2800  }
0x8b: {  	[sflag:s6] =	ssyncset.done $0x0  }
0x8c: {  	s1 =	sadd.s32 s24, s10;
	s23 =	simm.s32 $0x13E20;
	[sflag:s6] =	ssyncadd.s32 $0xFFFFD800  }
0x8d: {  	[hbm4b:s1+s2] =	stream.linear.scatter [tilespmem:s23], [sflag:$0x11], $0x2800, $0x38;
	[tilespmem:$0x1DE20] =	vst v63  }
0x8e: {  	s1 =	simm.s32 @!p0 $0x11  }
0x8f: {  	_ =	swait.ge @!p0 [sflag:s1], $0x2800  }
0x90: {  	[sflag:s1] =	ssyncset.done @!p0 $0x0  }
0x91: {  	s23 =	simm.s32 @!p0 $0x13E20;
	[sflag:s1] =	ssyncadd.s32 @!p0 $0xFFFFD800;
	s1 =	sadd.s32 @!p0 $0x500, s29  }
0x92: {  	[tilespmem:s23], [sflag:$0x7] =	stream.indirect.gather @!p0 [hbm4b:s5+s31], $0x80, s1, s31, $0xb8;
	[tilespmem:$0x1DE20] =	vst v63  }
0x93: {  	_ =	swait.ge [sflag:s17], $0x2800  }
0x94: {  	[sflag:s17] =	ssyncset.done $0x0  }
0x95: {  	s1 =	sadd.s32 s24, s9;
	s23 =	simm.s32 $0x16620;
	[sflag:s17] =	ssyncadd.s32 $0xFFFFD800  }
0x96: {  	[hbm4b:s1+s2] =	stream.linear.scatter [tilespmem:s23], [sflag:$0x12], $0x2800, $0x38;
	[tilespmem:$0x1DE20] =	vst v63  }
0x97: {  	s1 =	simm.s32 @!p0 $0x12  }
0x98: {  	_ =	swait.ge @!p0 [sflag:s1], $0x2800  }
0x99: {  	[sflag:s1] =	ssyncset.done @!p0 $0x0  }
0x9a: {  	s23 =	simm.s32 @!p0 $0x16620;
	[sflag:s1] =	ssyncadd.s32 @!p0 $0xFFFFD800;
	s1 =	sadd.s32 @!p0 $0x550, s29  }
0x9b: {  	[tilespmem:s23], [sflag:$0x8] =	stream.indirect.gather @!p0 [hbm4b:s5+s31], $0x80, s1, s31, $0xb8;
	[tilespmem:$0x1DE20] =	vst v63  }
0x9c: {  	_ =	swait.ge [sflag:s19], $0x2800  }
0x9d: {  	[sflag:s19] =	ssyncset.done $0x0  }
0x9e: {  	s1 =	sadd.s32 s24, s8;
	s23 =	simm.s32 $0x18E20;
	[sflag:s19] =	ssyncadd.s32 $0xFFFFD800  }
0x9f: {  	[hbm4b:s1+s2] =	stream.linear.scatter [tilespmem:s23], [sflag:$0x13], $0x2800, $0x38;
	[tilespmem:$0x1DE20] =	vst v63  }
0xa0: {  	s1 =	simm.s32 @!p0 $0x13  }
0xa1: {  	_ =	swait.ge @!p0 [sflag:s1], $0x2800  }
0xa2: {  	[sflag:s1] =	ssyncset.done @!p0 $0x0  }
0xa3: {  	s23 =	simm.s32 @!p0 $0x18E20;
	[sflag:s1] =	ssyncadd.s32 @!p0 $0xFFFFD800;
	s1 =	sadd.s32 @!p0 $0x5A0, s29  }
0xa4: {  	[tilespmem:s23], [sflag:$0x9] =	stream.indirect.gather @!p0 [hbm4b:s5+s31], $0x80, s1, s31, $0xb8;
	[tilespmem:$0x1DE20] =	vst v63  }
.Ltmp2:
0xa5: {  	_ = 	snop;
	(pc) =	sbr.rel @p0 .LBB2_4-.Ltmp2, $4  }
0xa6: {  	_ =	swait.ge [sflag:s20], $0x2800  }
0xa7: {  	[sflag:s20] =	ssyncset.done $0x0  }
0xa8: {  	s31 =	sadd.s32 s24, s7;
	[sflag:s20] =	ssyncadd.s32 $0xFFFFD800  }
0xa9: {  	[hbm4b:s31+s2] =	stream.linear.scatter [tilespmem:s28], [sflag:$0x14], $0x2800, $0x38;
	[tilespmem:$0x1DE20] =	vst v63  }
.Ltmp3:
0xaa: {  	(pc) =	sbr.rel .LBB2_2-.Ltmp3, $4  }
0xab: {  	_ =	swait.ge [sflag:s22], $0x2800  }
0xac: {  	s1 =	sshra.s32 s26, $0x2;
	s26 =	sadd.s32 $0xC80, s26;
	[sflag:s22] =	ssyncset.done $0x0  }
0xad: {  	s24 =	sadd.s32 $0x3200, s24;
	s1 =	sadd.s32 $0x5F0, s1;
	[sflag:s22] =	ssyncadd.s32 $0xFFFFD800  }
0xae: {  	[tilespmem:s28], [sflag:$0xA] =	stream.indirect.gather [hbm4b:s5+s18], $0x80, s1, s18, $0xb8;
	[tilespmem:$0x1DE20] =	vst v63  }
.LBB2_5:
0xaf: {  	_ =	sfence.sel $0x180000  }
0xb0: {  	[bflag:$0x0] =	sbarrier.arrive $0xFFFF  }
0xb1: {  	_ =	strace $0x9000004D  }
0xb2: {  	s0 =	stileid.u32;
	[bflag:$0x2] =	sbarrier.arrive $0xFFFF  }
0xb3: {  	p0 =	sne.s32 s0, $0x0;
	s0 =	rddreg [dreg:$0x1]  }
0xb4: {  	s0 =	sadd.s32 @!p0 $0x100000, s0  }
0xb5: {  	[sflag:s0] =	ssyncadd.tile.s32 @!p0 $0x1;
	_ =	shalt  }
.Lfunc_end2:
_tile_overlayer_lowered:
.L_overlay_start_2:
0xb6: {  	(tag) =	ssettag $0x2  }
0xb7: {  	s0 =	rddreg [dreg:$0x0];
	s2 =	stileid.u32  }
0xb8: {  	s1 =	rddreg [dreg:$0x1];
	p0 =	sne.s32 s2, $0x0  }
0xb9: {  	s3 =	rddreg [dreg:$0x2];
	[bflag:$0x3] =	sbarrier.arrive $0xFFFF;
	s2 =	simm.s32 @!p0 $0x1C15  }
0xba: {  	[timem:s3], [sflag:s2] =	dma.local @!p0 [hbm:s0], s1  }
0xbb: {  	s0 =	simm.s32 @!p0 $0x15  }
0xbc: {  	_ =	swait.ge @!p0 [sflag:s0], s1  }
0xbd: {  	s1 =	ssub.s32 @!p0 $0x0, s1;
	[sflag:s0] =	ssyncset.done @!p0 $0x0  }
0xbe: {  	[sflag:s0] =	ssyncadd.s32 @!p0 s1  }
0xbf: {  	[bflag:$0x3] =	sbarrier.arrive $0xFFFF  }
0xc0: {  	_ =	shalt  }

// kernel: kernel.21.cloned.1.call-start
scs
__scs_entry_jumppad:
0x0: {  	(pc) =	sbr.rel $0x88, $3  }
0x1: {  	(tag) =	ssettag $0x0;
	lr =	simm.s32 $0x1  }
0x2: {  	[smem:$0x3F95] =	sst lr;
	_ =	strace $0xD0000000  }
0x3: {  	_ = 	snop  }
0x4: {  	_ = 	snop  }
0x5: {  	_ = 	snop  }
0x6: {  	_ = 	snop  }
0x7: {  	_ = 	snop  }
__scs_overlays_trampoline_lowered:
0x8: {  	[smem:$0x3FA4] =	sst s0  }
0x9: {  	[smem:$0x3FA5] =	sst s1  }
0xa: {  	[smem:$0x3FA6] =	sst s2  }
0xb: {  	[smem:$0x3FA7] =	sst s3  }
0xc: {  	[smem:$0x3FA8] =	sst s4  }
0xd: {  	[smem:$0x3FA9] =	sst s5  }
0xe: {  	[smem:$0x3FAA] =	sst s6  }
0xf: {  	[smem:$0x3FAB] =	sst s7  }
0x10: {  	[smem:$0x3FAC] =	sst s8  }
0x11: {  	[smem:$0x3FAD] =	sst s9;
	s0 =	simm.s32 @!p0 $0x0  }
0x12: {  	s1 =	sld [smem:$0x3F93];
	s0 =	simm.s32 @p0 $0x1  }
0x13: {  	[smem:$0x3FAE] =	sst s0;
	s0 =	simm.s32 @!p1 $0x0  }
0x14: {  	s2 =	sld [smem:$0x3F92];
	s0 =	simm.s32 @p1 $0x1  }
0x15: {  	[smem:$0x3FAF] =	sst s0;
	s0 =	simm.s32 @!p2 $0x0  }
0x16: {  	s3 =	sld [smem:$0x3FDB];
	s0 =	simm.s32 @p2 $0x1  }
0x17: {  	s4 =	simm.s32 $0x1BF5;
	[smem:$0x3FB1] =	sst s0  }
0x18: {  	s0 =	sld [smem:$0x3F94];
	_ =	swait.ge [sflag:s4], $0x0  }
0x19: {  	s7 =	sld [smem:$0x3F95]  }
0x1a: {  	s8 =	sadd.s32 $0xFFFFE003, lr  }
0x1b: {  	s9 =	sadd.s32 $0xFFFFFEF7, lr;
	s5 =	simm.s32 $0xFFFFFFFF;
	p2 =	slt.u32 s8, $0xFFFFF086  }
0x1c: {  	p1 =	slt.u32 s9, $0xF7A;
	s5 =	simm.s32 @!p2 $0x0  }
0x1d: {  	s5 =	simm.s32 @p1 $0x1;
	p0 =	seq.s32 s7, s2  }
0x1e: {  	s7 =	smul.u32 @!p0 $0xF7A, s2;
	p2 =	seq.s32 @!p0 s5, $0x0  }
0x1f: {  	s9 =	smul.u32 $0xF7A, s1;
	s8 =	simm.s32 @!p0 $0x1BF5;
	p2 =	por !p2, p0  }
0x20: {  	[sflag:s8] =	ssyncset.s32 @!p0 $0xFFFFF086;
	s6 =	sadd.s32 @!p0 s3, s7;
	s7 =	simm.s32 @!p0 $0x108  }
0x21: {  	s3 =	sadd.s32 s3, s9;
	s6 =	sadd.s32 @!p0 $0x88, s6;
	s7 =	simm.s32 @p2 $0x1082  }
0x22: {  	[simem:s7], [sflag:s8] =	dma.local @!p0 [hbm:s6], $0xF7A  }
0x23: {  	s9 =	sor.u32 $0xD0000000, s2;
	s6 =	simm.s32 $0x108;
	_ =	swait.ge @!p0 [sflag:s8], $0x0  }
0x24: {  	s3 =	sadd.s32 $0x88, s3;
	s6 =	simm.s32 @!p1 $0x1082;
	[sflag:s4] =	ssyncset.s32 $0xFFFFF086  }
0x25: {  	[simem:s6], [sflag:s4] =	dma.local [hbm:s3], $0xF7A  }
0x26: {  	[smem:$0x3F95] =	sst s1;
	(tag) =	ssettag s2;
	_ =	strace s9  }
0x27: {  	s1 =	sld [smem:$0x3FA5]  }
0x28: {  	s2 =	sld [smem:$0x3FA6]  }
0x29: {  	s4 =	sld [smem:$0x3FA8]  }
0x2a: {  	p0 =	seq.s32 s5, $0x0;
	s5 =	sld [smem:$0x3FA9]  }
0x2b: {  	s6 =	sld [smem:$0x3FAA]  }
0x2c: {  	s7 =	sld [smem:$0x3FAB]  }
0x2d: {  	s3 =	simm.s32 $0x108;
	s8 =	sld [smem:$0x3FAC]  }
0x2e: {  	s3 =	simm.s32 @!p0 $0x1082;
	s9 =	sld [smem:$0x3FAD]  }
0x2f: {  	lr =	sadd.s32 s0, s3;
	s0 =	sld [smem:$0x3FA4]  }
0x30: {  	s3 =	sld [smem:$0x3FA7]  }
0x31: {  	[smem:$0x3FB0] =	sst s10  }
0x32: {  	s10 =	sld [smem:$0x3FAE];
	_ =	sdelay $0x3  }
0x33: {  	p0 =	seq.s32 s10, $0x1;
	s10 =	sld [smem:$0x3FB0];
	_ =	sdelay $0x3  }
0x34: {  	[smem:$0x3FB0] =	sst s10  }
0x35: {  	s10 =	sld [smem:$0x3FAF];
	_ =	sdelay $0x3  }
0x36: {  	p1 =	seq.s32 s10, $0x1;
	s10 =	sld [smem:$0x3FB0];
	_ =	sdelay $0x3  }
0x37: {  	[smem:$0x3FB0] =	sst s10  }
0x38: {  	s10 =	sld [smem:$0x3FB1]  }
0x39: {  	_ = 	snop;
	(pc) =	sbr.ind lr, $3  }
0x3a: {  	_ = 	snop  }
0x3b: {  	_ = 	snop  }
0x3c: {  	p2 =	seq.s32 s10, $0x1;
	s10 =	sld [smem:$0x3FB0]  }
0x3d: {  	_ =	shalt  }
0x3e: {  	_ =	shalt  }
0x3f: {  	_ =	shalt  }
0x40: {  	_ =	shalt  }
0x41: {  	_ =	shalt  }
0x42: {  	_ =	shalt  }
0x43: {  	_ =	shalt  }
0x44: {  	_ =	shalt  }
0x45: {  	_ =	shalt  }
0x46: {  	_ =	shalt  }
0x47: {  	_ =	shalt  }
0x48: {  	_ =	shalt  }
0x49: {  	_ =	shalt  }
0x4a: {  	_ =	shalt  }
0x4b: {  	_ =	shalt  }
0x4c: {  	_ =	shalt  }
0x4d: {  	_ =	shalt  }
0x4e: {  	_ =	shalt  }
0x4f: {  	_ =	shalt  }
0x50: {  	_ =	shalt  }
0x51: {  	_ =	shalt  }
0x52: {  	_ =	shalt  }
0x53: {  	_ =	shalt  }
0x54: {  	_ =	shalt  }
0x55: {  	_ =	shalt  }
0x56: {  	_ =	shalt  }
0x57: {  	_ =	shalt  }
0x58: {  	_ =	shalt  }
0x59: {  	_ =	shalt  }
0x5a: {  	_ =	shalt  }
0x5b: {  	_ =	shalt  }
0x5c: {  	_ =	shalt  }
0x5d: {  	_ =	shalt  }
0x5e: {  	_ =	shalt  }
0x5f: {  	_ =	shalt  }
0x60: {  	_ =	shalt  }
0x61: {  	_ =	shalt  }
0x62: {  	_ =	shalt  }
0x63: {  	_ =	shalt  }
0x64: {  	_ =	shalt  }
0x65: {  	_ =	shalt  }
0x66: {  	_ =	shalt  }
0x67: {  	_ =	shalt  }
0x68: {  	_ =	shalt  }
0x69: {  	_ =	shalt  }
0x6a: {  	_ =	shalt  }
0x6b: {  	_ =	shalt  }
0x6c: {  	_ =	shalt  }
0x6d: {  	_ =	shalt  }
0x6e: {  	_ =	shalt  }
0x6f: {  	_ =	shalt  }
0x70: {  	_ =	shalt  }
0x71: {  	_ =	shalt  }
0x72: {  	_ =	shalt  }
0x73: {  	_ =	shalt  }
0x74: {  	_ =	shalt  }
0x75: {  	_ =	shalt  }
0x76: {  	_ =	shalt  }
0x77: {  	_ =	shalt  }
0x78: {  	_ =	shalt  }
0x79: {  	_ =	shalt  }
0x7a: {  	_ =	shalt  }
0x7b: {  	_ =	shalt  }
0x7c: {  	_ =	shalt  }
0x7d: {  	_ =	shalt  }
0x7e: {  	_ =	shalt  }
0x7f: {  	_ =	shalt  }
0x80: {  	_ =	shalt  }
0x81: {  	_ =	shalt  }
0x82: {  	_ =	shalt  }
0x83: {  	_ =	shalt  }
0x84: {  	_ =	shalt  }
0x85: {  	_ =	shalt  }
0x86: {  	_ =	shalt  }
0x87: {  	_ =	shalt  }
.Lfunc_end0:
.L_simem_size_0:
called_computation.3_lowered:
.L_overlay_start_0:
0x88: {  	s2 =	sld [smem:$0x3FD9]  }
0x89: {  	s3 =	sld [smem:$0x3FFE];
	_ =	sdelay $0x1  }
0x8a: {  	s1 =	srdreg.scid  }
0x8b: {  	s0 =	sand.u32 $0x1, s1  }
0x8c: {  	s14 =	sshll.u32 s0, $0xA;
	s2 =	sadd.s32 s3, s2  }
0x8d: {  	s2 =	sadd.s32 s2, s14  }
0x8e: {  	[smem:$0x3FBC] =	sst s2  }
0x8f: {  	_ = 	snop  }
0x90: {  	s2 =	sld [smem:$0x3FD0];
	_ =	sdelay $0x2  }
0x91: {  	s15 =	simm.s32 $0xB;
	s4 =	simm.s32 $0x10  }
0x92: {  	[smem:s4], [sflag:s15] =	dma.local [hbm:s2], $0x1  }
0x93: {  	_ =	swait.eq [sflag:s15], $0x1  }
0x94: {  	[sflag:s15] =	ssyncset.done $0x0  }
0x95: {  	[sflag:s15] =	ssyncadd.s32 $0xFFFFFFFF  }
0x96: {  	s16 =	sld [smem:$0x11];
	(tm) =	ssettm $0x1  }
0x97: {  	s17 =	sld [smem:$0x3FFB];
	_ =	sdelay $0x3  }
0x98: {  	_ =	strace s17  }
0x99: {  	s3 =	sld [smem:$0x3FFC];
	_ =	sdelay $0x3  }
0x9a: {  	_ =	strace s3  }
0x9b: {  	s3 =	sld [smem:$0x3FFD];
	_ =	sdelay $0x3  }
0x9c: {  	_ =	strace s3  }
0x9d: {  	_ =	strace $0x8FFFFFFF  }
0x9e: {  	s18 =	sld [smem:$0x3FDB];
	_ =	sdelay $0x1  }
0x9f: {  	s19 =	simm.s32 $_scs_section_size  }
0xa0: {  	s5 =	simm.s32 $_size__tile_overlayer_lowered;
	s6 =	simm.s32 $_tile_overlayer_lowered  }
0xa1: {  	s22 =	simm.s32 $0x1BFF;
	s21 =	sshll.u32 s6, $0x1;
	s3 =	sadd.s32 s19, s18  }
0xa2: {  	s7 =	simm.s32 $0x0;
	s20 =	sshll.u32 s5, $0x1;
	s5 =	sadd.s32 s21, s3  }
0xa3: {  	[timem:s7], [sflag:s22] =	dma.local [hbm:s5], s20  }
0xa4: {  	_ =	swait.ge [sflag:s22], s20  }
0xa5: {  	s4 =	ssub.s32 $0x0, s20;
	[sflag:s22] =	ssyncset.done $0x0  }
0xa6: {  	[sflag:s22] =	ssyncadd.s32 s4;
	_ =	sdelay $0x1  }
0xa7: {  	s23 =	simm.s32 $0x1B8B  }
0xa8: {  	_ =	swait.ge [sflag:s23], $0x1  }
0xa9: {  	[sflag:s23] =	ssyncset.done $0x0  }
0xaa: {  	s25 =	simm.s32 $0x1B8E;
	s24 =	sld [smem:$0x3FFE];
	[sflag:s23] =	ssyncadd.s32 $0xFFFFFFFF  }
0xab: {  	s26 =	simm.s32 $execute0_lowered;
	[smem:$0x3FD2] =	sst s25  }
0xac: {  	s5 =	sshll.u32 s26, $0x1;
	_ =	strace $0x8000004F;
	[dreg:$0x1] =	wrdreg $0xFFFFFFFF  }
0xad: {  	s28 =	simm.s32 $_size_execute0_lowered;
	s3 =	sadd.s32 s3, s5;
	[dreg:$0x0] =	wrdreg $0x0  }
0xae: {  	s5 =	sshll.u32 s28, $0x1;
	[dreg:$0x2] =	wrdreg s3  }
0xaf: {  	[dreg:$0x3] =	wrdreg s5  }
0xb0: {  	[dreg:$0x4] =	wrdreg $0xC0  }
0xb1: {  	_ =	task [dreg:s7], $0x5FFFF  }
0xb2: {  	[dreg:$0x1] =	wrdreg $0xFFFFFFFF  }
0xb3: {  	[dreg:$0x0] =	wrdreg $0x60  }
0xb4: {  	[dreg:$0x2] =	wrdreg s24  }
0xb5: {  	[dreg:$0x3] =	wrdreg s16  }
0xb6: {  	[dreg:$0x4] =	wrdreg $0x0  }
0xb7: {  	[dreg:$0x5] =	wrdreg $0x9  }
0xb8: {  	_ =	task.clear_ibuf [dreg:s7], $0x6FFFF;
	_ =	strace $0x9000004F  }
0xb9: {  	s29 =	simm.s32 $0x9;
	_ =	strace $0x80000051  }
0xba: {  	_ =	swait.ge [sflag:s29], $0x1  }
0xbb: {  	[sflag:s29] =	ssyncadd.s32 $0xFFFFFFFF  }
0xbc: {  	_ =	strace $0x90000051  }
0xbd: {  	_ =	sfence  }
0xbe: {  	s30 =	sld [smem:$0x0];
	_ =	sdelay $0x2  }
0xbf: {  	s31 =	sshll.u32 s1, $0xD;
	s1 =	sshrl.u32 s1, $0x2  }
0xc0: {  	s3 =	sand.u32 $0x4000, s31;
	s1 =	sadd.s32 s1, s30  }
0xc1: {  	s0 =	sor.u32 s3, s0;
	s1 =	sshll.u32 s1, $0x11  }
0xc2: {  	s0 =	sor.u32 s1, s0  }
0xc3: {  	s0 =	sadd.s32 $0x8F2B, s0  }
0xc4: {  	[sflag:s0] =	ssyncadd.remote.s32 $0x1  }
0xc5: {  	_ =	sfence.sel $0xFFFF  }
0xc6: {  	[dreg:$0x0] =	wrdreg $0xFFFFFFFF;
	(pc) =	sbr.abs _section_cstart, $3  }
0xc7: {  	[dreg:$0x1] =	wrdreg $0xFFFFFFFF  }
0xc8: {  	_ =	task.clear_ibuf [dreg:s7], $0x2FFFF;
	_ =	strace $0x9FFFFFFF  }
0xc9: {  	(tm) =	ssettm $0x7FFFFFFF  }
tec
execute0_lowered:
.L_overlay_start_1:
0x0: {  	(tag) =	ssettag $0x1  }
0x1: {  	s4 =	rddreg [dreg:$0x0]  }
0x2: {  	s0 =	srdreg.scid;
	s8 =	rddreg [dreg:$0x1]  }
0x3: {  	s2 =	rddreg [dreg:$0x2];
	s1 =	stileid.u32  }
0x4: {  	s3 =	simm.s32 $0x0;
	s17 =	simm.s32 $0x14000;
	s18 =	simm.s32 $0x18E20  }
0x5: {  	s19 =	simm.s32 $0x1B620;
	s20 =	simm.s32 $0x1;
	s21 =	simm.s32 $0x50  }
0x6: {  	s22 =	simm.s32 $0x3;
	s23 =	simm.s32 $0x2;
	s7 =	smul.u32 $0x4E20, s1  }
0x7: {  	s28 =	simm.s32 $0x0;
	s5 =	sand.u32 $0x1, s0;
	s24 =	smul.u32 $0x14000, s1  }
0x8: {  	[smem:$0x7FF] =	sst s3;
	s14 =	sadd.s32 $0xBCB800, s4;
	s11 =	smul.u32 $0x271000, s1  }
0x9: {  	s25 =	sshll.u32 s1, $0x6;
	s0 =	sxor.u32 $0x1, s5;
	s9 =	smul.u32 $0x2710000, s5  }
0xa: {  	_ =	strace $0x80000050;
	s10 =	ssub.s32 $0x2, s5;
	s13 =	smul.u32 $0x140000, s5  }
0xb: {  	s5 =	sor.u32 $0x1C05, s25;
	s6 =	smul.u32 $0x4E200, s0;
	s12 =	sshrl.u32 s10, $0x1  }
0xc: {  	s25 =	simm.s32 $0x4;
	s15 =	sadd.s32 s24, s2;
	s10 =	ssub.s32 s10, s12  }
0xd: {  	s26 =	sadd.s32 s11, s9;
	s15 =	sshrl.u32 s15, $0x3;
	s6 =	sadd.s32 s7, s6  }
0xe: {  	s7 =	sadd.s32 s24, s13;
	s9 =	sshrl.u32 s26, $0x3;
	s30 =	sadd.s32 $0x5000, s26  }
0xf: {  	s31 =	sadd.s32 $0xA000, s26;
	s16 =	sadd.s32 $0x7800, s26;
	s24 =	simm.s32 $0x14050  }
0x10: {  	s26 =	simm.s32 $0x18DD0;
	s6 =	sshrl.u32 s6, $0x3;
	s29 =	sshrl.u32 s7, $0x3  }
0x11: {  	s7 =	sadd.s32 s14, s9;
	s9 =	smax.u32 s10, $0x1;
	s11 =	sshrl.u32 s30, $0x3  }
0x12: {  	s13 =	sshrl.u32 s31, $0x3;
	s16 =	sshrl.u32 s16, $0x3;
	s6 =	sadd.s32 s6, s4  }
0x13: {  	s4 =	sadd.s32 $0x17A00, s4;
	s8 =	sadd.s32 s8, s29;
	s10 =	sadd.s32 $0x500, s7  }
0x14: {  	s11 =	sadd.s32 s14, s11;
	s12 =	sadd.s32 $0x4DD00, s7;
	s13 =	sadd.s32 s13, s14  }
0x15: {  	s14 =	sadd.s32 s16, s14;
	s16 =	simm.s32 $0x5;
	s6 =	sadd.s32 $0x4000, s6  }
.LBB2_1:
0x16: {  	[spmem:s15], [sflag:s5] =	dma.local [hbm:s4], $0x2800  }
0x17: {  	_ =	swait.ge [sflag:s16], $0x2800  }
0x18: {  	[sflag:s16] =	ssyncset.done $0x0  }
0x19: {  	[sflag:s16] =	ssyncadd.s32 $0xFFFFD800  }
0x1a: {  	[tilespmem:s17], [sflag:$0x5] =	stream.linear.gather [hbm4b:s6+s3], $0x4E20, $0x38;
	[tilespmem:$0x1DE20] =	vst v63  }
0x1b: {  	_ =	swait.ge [sflag:s16], $0x4E20  }
0x1c: {  	[sflag:s16] =	ssyncset.done $0x0  }
0x1d: {  	[sflag:s16] =	ssyncadd.s32 $0xFFFFB1E0  }
0x1e: {  	[bflag:$0x0] =	sbarrier.arrive $0xFFFF  }
0x1f: {  	[tilespmem:s18], [sflag:$0x1] =	stream.linear.gather [hbm4b:s7+s3], $0x2800, $0x38;
	[tilespmem:$0x1DE20] =	vst v63  }
0x20: {  	_ = 	snop  }
0x21: {  	[tilespmem:s19], [sflag:$0x2] =	stream.linear.gather [hbm4b:s10+s3], $0x2800, $0x38;
	[tilespmem:$0x1DE20] =	vst v63  }
0x22: {  	_ =	swait.ge [sflag:s20], $0x2800  }
0x23: {  	[sflag:s20] =	ssyncset.done $0x0  }
0x24: {  	[sflag:s20] =	ssyncadd.s32 $0xFFFFD800  }
0x25: {  	[spmem:s2] =	stream.indirect.scatter.add.f32 [tilespmem:s18], [sflag:$0x3], $0x80, s17, s21, $0xb8;
	[tilespmem:$0x1DE20] =	vst v63  }
0x26: {  	_ =	swait.ge [sflag:s22], $0x2800  }
0x27: {  	[sflag:s22] =	ssyncset.done $0x0  }
0x28: {  	[sflag:s22] =	ssyncadd.s32 $0xFFFFD800  }
0x29: {  	[tilespmem:s18], [sflag:$0x1] =	stream.linear.gather [hbm4b:s11+s3], $0x2800, $0x38;
	[tilespmem:$0x1DE20] =	vst v63  }
0x2a: {  	_ =	swait.ge [sflag:s23], $0x2800  }
0x2b: {  	[sflag:s23] =	ssyncset.done $0x0  }
0x2c: {  	[sflag:s23] =	ssyncadd.s32 $0xFFFFD800  }
0x2d: {  	[spmem:s2] =	stream.indirect.scatter.add.f32 [tilespmem:s19], [sflag:$0x4], $0x80, s24, s21, $0xb8;
	[tilespmem:$0x1DE20] =	vst v63  }
0x2e: {  	_ =	swait.ge [sflag:s25], $0x2800  }
0x2f: {  	[sflag:s25] =	ssyncset.done $0x0  }
0x30: {  	s29 =	sadd.s32 $0x0, s14;
	[sflag:s25] =	ssyncadd.s32 $0xFFFFD800  }
0x31: {  	[tilespmem:s19], [sflag:$0x2] =	stream.linear.gather [hbm4b:s29+s3], $0x2800, $0x38;
	[tilespmem:$0x1DE20] =	vst v63  }
0x32: {  	_ =	swait.ge [sflag:s20], $0x2800  }
0x33: {  	[sflag:s20] =	ssyncset.done $0x0  }
0x34: {  	s29 =	simm.s32 $0x140A0;
	[sflag:s20] =	ssyncadd.s32 $0xFFFFD800  }
0x35: {  	[spmem:s2] =	stream.indirect.scatter.add.f32 [tilespmem:s18], [sflag:$0x3], $0x80, s29, s21, $0xb8;
	[tilespmem:$0x1DE20] =	vst v63  }
0x36: {  	_ =	swait.ge [sflag:s22], $0x2800  }
0x37: {  	[sflag:s22] =	ssyncset.done $0x0  }
0x38: {  	s29 =	sadd.s32 $0x0, s13;
	[sflag:s22] =	ssyncadd.s32 $0xFFFFD800  }
0x39: {  	[tilespmem:s18], [sflag:$0x1] =	stream.linear.gather [hbm4b:s29+s3], $0x2800, $0x38;
	[tilespmem:$0x1DE20] =	vst v63  }
0x3a: {  	_ =	swait.ge [sflag:s23], $0x2800  }
0x3b: {  	s30 =	simm.s32 $0xA00;
	[sflag:s23] =	ssyncset.done $0x0  }
0x3c: {  	s31 =	simm.s32 $0x140F0;
	s29 =	simm.s32 $0x14140;
	[sflag:s23] =	ssyncadd.s32 $0xFFFFD800  }
.LBB2_2:
0x3d: {  	[spmem:s2] =	stream.indirect.scatter.add.f32 [tilespmem:s19], [sflag:$0x4], $0x80, s31, s21, $0xb8;
	[tilespmem:$0x1DE20] =	vst v63  }
0x3e: {  	s31 =	smov.u32 s30  }
0x3f: {  	p0 =	sne.s32 s30, $0x4C400;
	s30 =	sadd.s32 $0xA00, s30;
	_ =	swait.ge [sflag:s25], $0x2800  }
0x40: {  	[sflag:s25] =	ssyncset.done $0x0  }
0x41: {  	s0 =	sadd.s32 s31, s14;
	[sflag:s25] =	ssyncadd.s32 $0xFFFFD800  }
0x42: {  	[tilespmem:s19], [sflag:$0x2] =	stream.linear.gather [hbm4b:s0+s3], $0x2800, $0x38;
	[tilespmem:$0x1DE20] =	vst v63  }
0x43: {  	_ =	swait.ge [sflag:s20], $0x2800  }
0x44: {  	[sflag:s20] =	ssyncset.done $0x0  }
0x45: {  	[sflag:s20] =	ssyncadd.s32 $0xFFFFD800  }
0x46: {  	[spmem:s2] =	stream.indirect.scatter.add.f32 [tilespmem:s18], [sflag:$0x3], $0x80, s29, s21, $0xb8;
	[tilespmem:$0x1DE20] =	vst v63  }
0x47: {  	_ =	swait.ge [sflag:s22], $0x2800  }
0x48: {  	[sflag:s22] =	ssyncset.done $0x0  }
.Ltmp0:
0x49: {  	s0 =	sadd.s32 s31, s13;
	[sflag:s22] =	ssyncadd.s32 $0xFFFFD800;
	(pc) =	sbr.rel @p0 .LBB2_2-.Ltmp0, $4  }
0x4a: {  	[tilespmem:s18], [sflag:$0x1] =	stream.linear.gather [hbm4b:s0+s3], $0x2800, $0x38;
	[tilespmem:$0x1DE20] =	vst v63  }
0x4b: {  	_ =	swait.ge [sflag:s23], $0x2800  }
0x4c: {  	[sflag:s23] =	ssyncset.done $0x0  }
0x4d: {  	s31 =	sadd.s32 $0x50, s29;
	s29 =	sadd.s32 $0xA0, s29;
	[sflag:s23] =	ssyncadd.s32 $0xFFFFD800  }
0x4e: {  	[spmem:s2] =	stream.indirect.scatter.add.f32 [tilespmem:s19], [sflag:$0x4], $0x80, s31, s21, $0xb8;
	[tilespmem:$0x1DE20] =	vst v63  }
0x4f: {  	_ =	swait.ge [sflag:s25], $0x2800  }
0x50: {  	[sflag:s25] =	ssyncset.done $0x0  }
0x51: {  	[sflag:s25] =	ssyncadd.s32 $0xFFFFD800  }
0x52: {  	[tilespmem:s19], [sflag:$0x2] =	stream.linear.gather [hbm4b:s12+s3], $0x2800, $0x38;
	[tilespmem:$0x1DE20] =	vst v63  }
0x53: {  	_ =	swait.ge [sflag:s20], $0x2800  }
0x54: {  	[sflag:s20] =	ssyncset.done $0x0  }
0x55: {  	[sflag:s20] =	ssyncadd.s32 $0xFFFFD800  }
0x56: {  	[spmem:s2] =	stream.indirect.scatter.add.f32 [tilespmem:s18], [sflag:$0x3], $0x80, s29, s21, $0xb8;
	[tilespmem:$0x1DE20] =	vst v63  }
0x57: {  	_ =	swait.ge [sflag:s23], $0x2800  }
0x58: {  	[sflag:s23] =	ssyncset.done $0x0  }
0x59: {  	[sflag:s23] =	ssyncadd.s32 $0xFFFFD800  }
0x5a: {  	[spmem:s2] =	stream.indirect.scatter.add.f32 [tilespmem:s19], [sflag:$0x4], $0x80, s26, s21, $0xb8;
	[tilespmem:$0x1DE20] =	vst v63  }
0x5b: {  	_ =	swait.ge [sflag:s22], $0x2800  }
0x5c: {  	[sflag:s22] =	ssyncset.done $0x0  }
0x5d: {  	[sflag:s22] =	ssyncadd.s32 $0xFFFFD800  }
0x5e: {  	_ =	swait.ge [sflag:s25], $0x2800  }
0x5f: {  	s28 =	sadd.s32 $0x1, s28;
	[sflag:s25] =	ssyncset.done $0x0  }
0x60: {  	p0 =	sne.s32 s28, s9;
	[sflag:s25] =	ssyncadd.s32 $0xFFFFD800  }
.Ltmp1:
0x61: {  	[bflag:$0x0] =	sbarrier.arrive $0xFFFF;
	(pc) =	sbr.rel @p0 .LBB2_1-.Ltmp1, $4  }
0x62: {  	[hbm:s8], [sflag:s5] =	dma.local [spmem:s15], $0x2800  }
0x63: {  	_ =	swait.ge [sflag:s16], $0x2800  }
0x64: {  	[sflag:s16] =	ssyncset.done $0x0  }
0x65: {  	[sflag:s16] =	ssyncadd.s32 $0xFFFFD800  }
0x66: {  	_ =	sfence.sel $0x180000  }
0x67: {  	[bflag:$0x0] =	sbarrier.arrive $0xFFFF  }
0x68: {  	_ =	strace $0x90000050  }
0x69: {  	[bflag:$0x2] =	sbarrier.arrive $0xFFFF  }
0x6a: {  	p0 =	sne.s32 s1, $0x0;
	s0 =	rddreg [dreg:$0x3]  }
0x6b: {  	s0 =	sadd.s32 @!p0 $0x100000, s0  }
0x6c: {  	[sflag:s0] =	ssyncadd.tile.s32 @!p0 $0x1;
	_ =	shalt  }
.Lfunc_end2:
_tile_overlayer_lowered:
.L_overlay_start_2:
0x6d: {  	(tag) =	ssettag $0x2  }
0x6e: {  	s0 =	rddreg [dreg:$0x0];
	s2 =	stileid.u32  }
0x6f: {  	s1 =	rddreg [dreg:$0x1];
	p0 =	sne.s32 s2, $0x0  }
0x70: {  	s3 =	rddreg [dreg:$0x2];
	[bflag:$0x3] =	sbarrier.arrive $0xFFFF;
	s2 =	simm.s32 @!p0 $0x1C05  }
0x71: {  	[timem:s3], [sflag:s2] =	dma.local @!p0 [hbm:s0], s1  }
0x72: {  	s0 =	simm.s32 @!p0 $0x5  }
0x73: {  	_ =	swait.ge @!p0 [sflag:s0], s1  }
0x74: {  	s1 =	ssub.s32 @!p0 $0x0, s1;
	[sflag:s0] =	ssyncset.done @!p0 $0x0  }
0x75: {  	[sflag:s0] =	ssyncadd.s32 @!p0 s1  }
0x76: {  	[bflag:$0x3] =	sbarrier.arrive $0xFFFF  }
0x77: {  	_ =	shalt  }

// kernel: kernel.24.cloned.1.call-start
scs
__scs_entry_jumppad:
0x0: {  	(pc) =	sbr.rel $0x88, $3  }
0x1: {  	(tag) =	ssettag $0x0;
	lr =	simm.s32 $0x1  }
0x2: {  	[smem:$0x3F95] =	sst lr;
	_ =	strace $0xD0000000  }
0x3: {  	_ = 	snop  }
0x4: {  	_ = 	snop  }
0x5: {  	_ = 	snop  }
0x6: {  	_ = 	snop  }
0x7: {  	_ = 	snop  }
__scs_overlays_trampoline_lowered:
0x8: {  	[smem:$0x3FA4] =	sst s0  }
0x9: {  	[smem:$0x3FA5] =	sst s1  }
0xa: {  	[smem:$0x3FA6] =	sst s2  }
0xb: {  	[smem:$0x3FA7] =	sst s3  }
0xc: {  	[smem:$0x3FA8] =	sst s4  }
0xd: {  	[smem:$0x3FA9] =	sst s5  }
0xe: {  	[smem:$0x3FAA] =	sst s6  }
0xf: {  	[smem:$0x3FAB] =	sst s7  }
0x10: {  	[smem:$0x3FAC] =	sst s8  }
0x11: {  	[smem:$0x3FAD] =	sst s9;
	s0 =	simm.s32 @!p0 $0x0  }
0x12: {  	s1 =	sld [smem:$0x3F93];
	s0 =	simm.s32 @p0 $0x1  }
0x13: {  	[smem:$0x3FAE] =	sst s0;
	s0 =	simm.s32 @!p1 $0x0  }
0x14: {  	s2 =	sld [smem:$0x3F92];
	s0 =	simm.s32 @p1 $0x1  }
0x15: {  	[smem:$0x3FAF] =	sst s0;
	s0 =	simm.s32 @!p2 $0x0  }
0x16: {  	s3 =	sld [smem:$0x3FDB];
	s0 =	simm.s32 @p2 $0x1  }
0x17: {  	s4 =	simm.s32 $0x1BF5;
	[smem:$0x3FB1] =	sst s0  }
0x18: {  	s0 =	sld [smem:$0x3F94];
	_ =	swait.ge [sflag:s4], $0x0  }
0x19: {  	s7 =	sld [smem:$0x3F95]  }
0x1a: {  	s8 =	sadd.s32 $0xFFFFE003, lr  }
0x1b: {  	s9 =	sadd.s32 $0xFFFFFEF7, lr;
	s5 =	simm.s32 $0xFFFFFFFF;
	p2 =	slt.u32 s8, $0xFFFFF086  }
0x1c: {  	p1 =	slt.u32 s9, $0xF7A;
	s5 =	simm.s32 @!p2 $0x0  }
0x1d: {  	s5 =	simm.s32 @p1 $0x1;
	p0 =	seq.s32 s7, s2  }
0x1e: {  	s7 =	smul.u32 @!p0 $0xF7A, s2;
	p2 =	seq.s32 @!p0 s5, $0x0  }
0x1f: {  	s9 =	smul.u32 $0xF7A, s1;
	s8 =	simm.s32 @!p0 $0x1BF5;
	p2 =	por !p2, p0  }
0x20: {  	[sflag:s8] =	ssyncset.s32 @!p0 $0xFFFFF086;
	s6 =	sadd.s32 @!p0 s3, s7;
	s7 =	simm.s32 @!p0 $0x108  }
0x21: {  	s3 =	sadd.s32 s3, s9;
	s6 =	sadd.s32 @!p0 $0x88, s6;
	s7 =	simm.s32 @p2 $0x1082  }
0x22: {  	[simem:s7], [sflag:s8] =	dma.local @!p0 [hbm:s6], $0xF7A  }
0x23: {  	s9 =	sor.u32 $0xD0000000, s2;
	s6 =	simm.s32 $0x108;
	_ =	swait.ge @!p0 [sflag:s8], $0x0  }
0x24: {  	s3 =	sadd.s32 $0x88, s3;
	s6 =	simm.s32 @!p1 $0x1082;
	[sflag:s4] =	ssyncset.s32 $0xFFFFF086  }
0x25: {  	[simem:s6], [sflag:s4] =	dma.local [hbm:s3], $0xF7A  }
0x26: {  	[smem:$0x3F95] =	sst s1;
	(tag) =	ssettag s2;
	_ =	strace s9  }
0x27: {  	s1 =	sld [smem:$0x3FA5]  }
0x28: {  	s2 =	sld [smem:$0x3FA6]  }
0x29: {  	s4 =	sld [smem:$0x3FA8]  }
0x2a: {  	p0 =	seq.s32 s5, $0x0;
	s5 =	sld [smem:$0x3FA9]  }
0x2b: {  	s6 =	sld [smem:$0x3FAA]  }
0x2c: {  	s7 =	sld [smem:$0x3FAB]  }
0x2d: {  	s3 =	simm.s32 $0x108;
	s8 =	sld [smem:$0x3FAC]  }
0x2e: {  	s3 =	simm.s32 @!p0 $0x1082;
	s9 =	sld [smem:$0x3FAD]  }
0x2f: {  	lr =	sadd.s32 s0, s3;
	s0 =	sld [smem:$0x3FA4]  }
0x30: {  	s3 =	sld [smem:$0x3FA7]  }
0x31: {  	[smem:$0x3FB0] =	sst s10  }
0x32: {  	s10 =	sld [smem:$0x3FAE];
	_ =	sdelay $0x3  }
0x33: {  	p0 =	seq.s32 s10, $0x1;
	s10 =	sld [smem:$0x3FB0];
	_ =	sdelay $0x3  }
0x34: {  	[smem:$0x3FB0] =	sst s10  }
0x35: {  	s10 =	sld [smem:$0x3FAF];
	_ =	sdelay $0x3  }
0x36: {  	p1 =	seq.s32 s10, $0x1;
	s10 =	sld [smem:$0x3FB0];
	_ =	sdelay $0x3  }
0x37: {  	[smem:$0x3FB0] =	sst s10  }
0x38: {  	s10 =	sld [smem:$0x3FB1]  }
0x39: {  	_ = 	snop;
	(pc) =	sbr.ind lr, $3  }
0x3a: {  	_ = 	snop  }
0x3b: {  	_ = 	snop  }
0x3c: {  	p2 =	seq.s32 s10, $0x1;
	s10 =	sld [smem:$0x3FB0]  }
0x3d: {  	_ =	shalt  }
0x3e: {  	_ =	shalt  }
0x3f: {  	_ =	shalt  }
0x40: {  	_ =	shalt  }
0x41: {  	_ =	shalt  }
0x42: {  	_ =	shalt  }
0x43: {  	_ =	shalt  }
0x44: {  	_ =	shalt  }
0x45: {  	_ =	shalt  }
0x46: {  	_ =	shalt  }
0x47: {  	_ =	shalt  }
0x48: {  	_ =	shalt  }
0x49: {  	_ =	shalt  }
0x4a: {  	_ =	shalt  }
0x4b: {  	_ =	shalt  }
0x4c: {  	_ =	shalt  }
0x4d: {  	_ =	shalt  }
0x4e: {  	_ =	shalt  }
0x4f: {  	_ =	shalt  }
0x50: {  	_ =	shalt  }
0x51: {  	_ =	shalt  }
0x52: {  	_ =	shalt  }
0x53: {  	_ =	shalt  }
0x54: {  	_ =	shalt  }
0x55: {  	_ =	shalt  }
0x56: {  	_ =	shalt  }
0x57: {  	_ =	shalt  }
0x58: {  	_ =	shalt  }
0x59: {  	_ =	shalt  }
0x5a: {  	_ =	shalt  }
0x5b: {  	_ =	shalt  }
0x5c: {  	_ =	shalt  }
0x5d: {  	_ =	shalt  }
0x5e: {  	_ =	shalt  }
0x5f: {  	_ =	shalt  }
0x60: {  	_ =	shalt  }
0x61: {  	_ =	shalt  }
0x62: {  	_ =	shalt  }
0x63: {  	_ =	shalt  }
0x64: {  	_ =	shalt  }
0x65: {  	_ =	shalt  }
0x66: {  	_ =	shalt  }
0x67: {  	_ =	shalt  }
0x68: {  	_ =	shalt  }
0x69: {  	_ =	shalt  }
0x6a: {  	_ =	shalt  }
0x6b: {  	_ =	shalt  }
0x6c: {  	_ =	shalt  }
0x6d: {  	_ =	shalt  }
0x6e: {  	_ =	shalt  }
0x6f: {  	_ =	shalt  }
0x70: {  	_ =	shalt  }
0x71: {  	_ =	shalt  }
0x72: {  	_ =	shalt  }
0x73: {  	_ =	shalt  }
0x74: {  	_ =	shalt  }
0x75: {  	_ =	shalt  }
0x76: {  	_ =	shalt  }
0x77: {  	_ =	shalt  }
0x78: {  	_ =	shalt  }
0x79: {  	_ =	shalt  }
0x7a: {  	_ =	shalt  }
0x7b: {  	_ =	shalt  }
0x7c: {  	_ =	shalt  }
0x7d: {  	_ =	shalt  }
0x7e: {  	_ =	shalt  }
0x7f: {  	_ =	shalt  }
0x80: {  	_ =	shalt  }
0x81: {  	_ =	shalt  }
0x82: {  	_ =	shalt  }
0x83: {  	_ =	shalt  }
0x84: {  	_ =	shalt  }
0x85: {  	_ =	shalt  }
0x86: {  	_ =	shalt  }
0x87: {  	_ =	shalt  }
.Lfunc_end0:
.L_simem_size_0:
called_computation.4_lowered:
.L_overlay_start_0:
0x88: {  	s2 =	sld [smem:$0x3FD9]  }
0x89: {  	s3 =	sld [smem:$0x3FFE];
	_ =	sdelay $0x1  }
0x8a: {  	s1 =	srdreg.scid  }
0x8b: {  	s0 =	sand.u32 $0x1, s1  }
0x8c: {  	s14 =	sshll.u32 s0, $0xA;
	s2 =	sadd.s32 s3, s2  }
0x8d: {  	s2 =	sadd.s32 s2, s14  }
0x8e: {  	[smem:$0x3FBC] =	sst s2  }
0x8f: {  	_ = 	snop  }
0x90: {  	s2 =	sld [smem:$0x3FD0];
	_ =	sdelay $0x2  }
0x91: {  	s15 =	simm.s32 $0xB;
	s4 =	simm.s32 $0x10  }
0x92: {  	[smem:s4], [sflag:s15] =	dma.local [hbm:s2], $0x1  }
0x93: {  	_ =	swait.eq [sflag:s15], $0x1  }
0x94: {  	[sflag:s15] =	ssyncset.done $0x0  }
0x95: {  	[sflag:s15] =	ssyncadd.s32 $0xFFFFFFFF  }
0x96: {  	s16 =	sld [smem:$0x11];
	(tm) =	ssettm $0x1  }
0x97: {  	s17 =	sld [smem:$0x3FFB];
	_ =	sdelay $0x3  }
0x98: {  	_ =	strace s17  }
0x99: {  	s3 =	sld [smem:$0x3FFC];
	_ =	sdelay $0x3  }
0x9a: {  	_ =	strace s3  }
0x9b: {  	s3 =	sld [smem:$0x3FFD];
	_ =	sdelay $0x3  }
0x9c: {  	_ =	strace s3  }
0x9d: {  	_ =	strace $0x8FFFFFFF  }
0x9e: {  	s18 =	sld [smem:$0x3FDB];
	_ =	sdelay $0x1  }
0x9f: {  	s19 =	simm.s32 $_scs_section_size  }
0xa0: {  	s5 =	simm.s32 $_size__tile_overlayer_lowered;
	s6 =	simm.s32 $_tile_overlayer_lowered  }
0xa1: {  	s22 =	simm.s32 $0x1BFF;
	s21 =	sshll.u32 s6, $0x1;
	s3 =	sadd.s32 s19, s18  }
0xa2: {  	s7 =	simm.s32 $0x0;
	s20 =	sshll.u32 s5, $0x1;
	s5 =	sadd.s32 s21, s3  }
0xa3: {  	[timem:s7], [sflag:s22] =	dma.local [hbm:s5], s20  }
0xa4: {  	_ =	swait.ge [sflag:s22], s20  }
0xa5: {  	s4 =	ssub.s32 $0x0, s20;
	[sflag:s22] =	ssyncset.done $0x0  }
0xa6: {  	[sflag:s22] =	ssyncadd.s32 s4;
	_ =	sdelay $0x1  }
0xa7: {  	s23 =	simm.s32 $0x1B8B  }
0xa8: {  	_ =	swait.ge [sflag:s23], $0x1  }
0xa9: {  	[sflag:s23] =	ssyncset.done $0x0  }
0xaa: {  	s25 =	simm.s32 $0x1B8E;
	s24 =	sld [smem:$0x3FFE];
	[sflag:s23] =	ssyncadd.s32 $0xFFFFFFFF  }
0xab: {  	s26 =	simm.s32 $execute0_lowered;
	[smem:$0x3FD2] =	sst s25  }
0xac: {  	s5 =	sshll.u32 s26, $0x1;
	_ =	strace $0x80000052;
	[dreg:$0x1] =	wrdreg $0xFFFFFFFF  }
0xad: {  	s28 =	simm.s32 $_size_execute0_lowered;
	s3 =	sadd.s32 s3, s5;
	[dreg:$0x0] =	wrdreg $0x0  }
0xae: {  	s5 =	sshll.u32 s28, $0x1;
	[dreg:$0x2] =	wrdreg s3  }
0xaf: {  	[dreg:$0x3] =	wrdreg s5  }
0xb0: {  	[dreg:$0x4] =	wrdreg $0xC0  }
0xb1: {  	_ =	task [dreg:s7], $0x5FFFF  }
0xb2: {  	[dreg:$0x1] =	wrdreg $0xFFFFFFFF  }
0xb3: {  	[dreg:$0x0] =	wrdreg $0x60  }
0xb4: {  	[dreg:$0x2] =	wrdreg s16  }
0xb5: {  	[dreg:$0x3] =	wrdreg s24  }
0xb6: {  	[dreg:$0x4] =	wrdreg $0x9  }
0xb7: {  	_ =	task.clear_ibuf [dreg:s7], $0x5FFFF;
	_ =	strace $0x90000052  }
0xb8: {  	s29 =	simm.s32 $0x9;
	_ =	strace $0x80000054  }
0xb9: {  	_ =	swait.ge [sflag:s29], $0x1  }
0xba: {  	[sflag:s29] =	ssyncadd.s32 $0xFFFFFFFF  }
0xbb: {  	_ =	strace $0x90000054  }
0xbc: {  	_ =	sfence  }
0xbd: {  	s30 =	sld [smem:$0x0];
	_ =	sdelay $0x2  }
0xbe: {  	s31 =	sshll.u32 s1, $0xD;
	s1 =	sshrl.u32 s1, $0x2  }
0xbf: {  	s3 =	sand.u32 $0x4000, s31;
	s1 =	sadd.s32 s1, s30  }
0xc0: {  	s0 =	sor.u32 s3, s0;
	s1 =	sshll.u32 s1, $0x11  }
0xc1: {  	s0 =	sor.u32 s1, s0  }
0xc2: {  	s0 =	sadd.s32 $0x8F2B, s0  }
0xc3: {  	[sflag:s0] =	ssyncadd.remote.s32 $0x1  }
0xc4: {  	_ =	sfence.sel $0xFFFF  }
0xc5: {  	[dreg:$0x0] =	wrdreg $0xFFFFFFFF;
	(pc) =	sbr.abs _section_cstart, $3  }
0xc6: {  	[dreg:$0x1] =	wrdreg $0xFFFFFFFF  }
0xc7: {  	_ =	task.clear_ibuf [dreg:s7], $0x2FFFF;
	_ =	strace $0x9FFFFFFF  }
0xc8: {  	(tm) =	ssettm $0x7FFFFFFF  }
0xc9: {  	_ =	shalt  }
tec
execute0_lowered:
.L_overlay_start_1:
0x0: {  	(tag) =	ssettag $0x1  }
0x1: {  	s0 =	rddreg [dreg:$0x0];
	s8 =	stileid.u32  }
0x2: {  	s1 =	srdreg.scid;
	s5 =	smul.u32 $0x4E20, s8  }
0x3: {  	s3 =	rddreg [dreg:$0x1];
	s1 =	sand.u32 $0x1, s1;
	s8 =	smul.u32 $0x271000, s8  }
0x4: {  	s2 =	simm.s32 $0x0;
	s28 =	simm.s32 $0x1B620;
	s4 =	smul.u32 $0x4E200, s1  }
0x5: {  	s30 =	simm.s32 $0x1;
	s17 =	smul.u32 $0x28000, s1;
	s6 =	ssub.s32 $0x2, s1  }
0x6: {  	[smem:$0x7FF] =	sst s2;
	s1 =	smul.u32 $0x2710000, s1;
	s7 =	sshrl.u32 s6, $0x1  }
0x7: {  	_ =	strace $0x80000053;
	s4 =	sadd.s32 s5, s4;
	s18 =	ssub.s32 s6, s7  }
0x8: {  	s5 =	sadd.s32 s0, s17;
	s20 =	sadd.s32 s8, s1;
	s0 =	simm.s32 $0x2  }
0x9: {  	s6 =	simm.s32 $0x7;
	s17 =	simm.s32 $0x8;
	s4 =	sshrl.u32 s4, $0x3  }
0xa: {  	s19 =	smax.u32 s18, $0x1;
	s1 =	sadd.s32 $0x16800, s20;
	s21 =	sadd.s32 $0x14000, s20  }
0xb: {  	s22 =	sadd.s32 $0x11800, s20;
	s23 =	sadd.s32 $0xF000, s20;
	s24 =	sadd.s32 $0xC800, s20  }
0xc: {  	s25 =	sadd.s32 $0xA000, s20;
	s26 =	sadd.s32 $0x7800, s20;
	s29 =	sadd.s32 $0x5000, s20  }
0xd: {  	s31 =	sadd.s32 $0x2800, s20;
	s16 =	sshrl.u32 s20, $0x3;
	s18 =	simm.s32 $0x50  }
0xe: {  	s20 =	simm.s32 $0xA;
	s4 =	sadd.s32 s4, s3;
	s3 =	sadd.s32 $0x17A00, s3  }
0xf: {  	[dreg:$0x5] =	wrdreg s19;
	s7 =	sshrl.u32 s1, $0x3;
	s8 =	sshrl.u32 s21, $0x3  }
0x10: {  	s9 =	sshrl.u32 s22, $0x3;
	s10 =	sshrl.u32 s23, $0x3;
	s11 =	sshrl.u32 s24, $0x3  }
.Ltmp0:
0x11: {  	s12 =	sshrl.u32 s25, $0x3;
	s13 =	sshrl.u32 s26, $0x3;
	(pc) =	sbr.rel .LBB2_1-.Ltmp0, $4  }
0x12: {  	s14 =	sshrl.u32 s29, $0x3;
	s15 =	sshrl.u32 s31, $0x3;
	s21 =	simm.s32 $0x3  }
0x13: {  	s25 =	simm.s32 $0x4;
	s19 =	simm.s32 $0x9;
	s22 =	simm.s32 $0x14  }
0x14: {  	s23 =	simm.s32 $0x0;
	[dreg:$0x3] =	wrdreg s3;
	s4 =	sadd.s32 $0x4000, s4  }
0x15: {  	s3 =	simm.s32 $0x6;
	[dreg:$0x4] =	wrdreg s4;
	s4 =	simm.s32 $0x5  }
.LBB2_4:
0x16: {  	s1 =	simm.s32 $0xB  }
0x17: {  	_ =	swait.ge [sflag:s1], $0x2800  }
0x18: {  	[sflag:s1] =	ssyncset.done $0x0  }
0x19: {  	s24 =	simm.s32 $0xC;
	[sflag:s1] =	ssyncadd.s32 $0xFFFFD800  }
0x1a: {  	_ =	swait.ge [sflag:s24], $0x2800  }
0x1b: {  	[sflag:s24] =	ssyncset.done $0x0  }
0x1c: {  	s26 =	simm.s32 $0xD;
	[sflag:s24] =	ssyncadd.s32 $0xFFFFD800  }
0x1d: {  	_ =	swait.ge [sflag:s26], $0x2800  }
0x1e: {  	[sflag:s26] =	ssyncset.done $0x0  }
0x1f: {  	s29 =	simm.s32 $0xE;
	[sflag:s26] =	ssyncadd.s32 $0xFFFFD800  }
0x20: {  	_ =	swait.ge [sflag:s29], $0x2800  }
0x21: {  	[sflag:s29] =	ssyncset.done $0x0  }
0x22: {  	s31 =	simm.s32 $0xF;
	[sflag:s29] =	ssyncadd.s32 $0xFFFFD800  }
0x23: {  	_ =	swait.ge [sflag:s31], $0x2800  }
0x24: {  	[sflag:s31] =	ssyncset.done $0x0  }
0x25: {  	s23 =	simm.s32 $0x10;
	[sflag:s31] =	ssyncadd.s32 $0xFFFFD800  }
0x26: {  	_ =	swait.ge [sflag:s23], $0x2800  }
0x27: {  	[sflag:s23] =	ssyncset.done $0x0  }
0x28: {  	s24 =	simm.s32 $0x11;
	[sflag:s23] =	ssyncadd.s32 $0xFFFFD800  }
0x29: {  	_ =	swait.ge [sflag:s24], $0x2800  }
0x2a: {  	[sflag:s24] =	ssyncset.done $0x0  }
0x2b: {  	s26 =	simm.s32 $0x12;
	[sflag:s24] =	ssyncadd.s32 $0xFFFFD800  }
0x2c: {  	_ =	swait.ge [sflag:s26], $0x2800  }
0x2d: {  	[sflag:s26] =	ssyncset.done $0x0  }
0x2e: {  	s29 =	simm.s32 $0x13;
	[sflag:s26] =	ssyncadd.s32 $0xFFFFD800  }
0x2f: {  	_ =	swait.ge [sflag:s29], $0x2800  }
0x30: {  	[sflag:s29] =	ssyncset.done $0x0  }
0x31: {  	[sflag:s29] =	ssyncadd.s32 $0xFFFFD800  }
0x32: {  	_ =	swait.ge [sflag:s22], $0x2800  }
0x33: {  	s23 =	rddreg [dreg:$0x6]  }
0x34: {  	s31 =	rddreg [dreg:$0x5];
	s23 =	sadd.s32 $0x1, s23  }
0x35: {  	p0 =	sne.s32 s23, s31  }
.Ltmp1:
0x36: {  	_ = 	snop;
	(pc) =	sbr.rel @!p0 .LBB2_5-.Ltmp1, $3  }
0x37: {  	_ =	sdelay $0x1  }
0x38: {  	[sflag:s22] =	ssyncset.done $0x0  }
0x39: {  	[sflag:s22] =	ssyncadd.s32 $0xFFFFD800  }
.LBB2_1:
0x3a: {  	[dreg:$0x6] =	wrdreg s23  }
0x3b: {  	s1 =	rddreg [dreg:$0x4];
	s23 =	simm.s32 $0x15  }
0x3c: {  	[tilespmem:s2], [sflag:$0x15] =	stream.linear.gather [hbm4b:s1+s2], $0x4E20, $0x38;
	[tilespmem:$0x1DE20] =	vst v63  }
0x3d: {  	_ =	swait.ge [sflag:s23], $0x4E20  }
0x3e: {  	[sflag:s23] =	ssyncset.done $0x0  }
0x3f: {  	s24 =	simm.s32 $0x4E20;
	[sflag:s23] =	ssyncadd.s32 $0xFFFFB1E0  }
0x40: {  	[tilespmem:s24], [sflag:$0x1] =	stream.indirect.gather [hbm4b:s5+s18], $0x80, s2, s18, $0xb8;
	[tilespmem:$0x1DE20] =	vst v63  }
0x41: {  	s26 =	simm.s32 $0x7620  }
0x42: {  	[tilespmem:s26], [sflag:$0x2] =	stream.indirect.gather [hbm4b:s5+s18], $0x80, s18, s18, $0xb8;
	[tilespmem:$0x1DE20] =	vst v63  }
0x43: {  	s29 =	simm.s32 $0xA0;
	s31 =	simm.s32 $0x9E20  }
0x44: {  	[tilespmem:s31], [sflag:$0x3] =	stream.indirect.gather [hbm4b:s5+s18], $0x80, s29, s18, $0xb8;
	[tilespmem:$0x1DE20] =	vst v63  }
0x45: {  	s24 =	simm.s32 $0xF0;
	s26 =	simm.s32 $0xC620  }
0x46: {  	[tilespmem:s26], [sflag:$0x4] =	stream.indirect.gather [hbm4b:s5+s18], $0x80, s24, s18, $0xb8;
	[tilespmem:$0x1DE20] =	vst v63  }
0x47: {  	s29 =	simm.s32 $0x140;
	s31 =	simm.s32 $0xEE20  }
0x48: {  	[tilespmem:s31], [sflag:$0x5] =	stream.indirect.gather [hbm4b:s5+s18], $0x80, s29, s18, $0xb8;
	[tilespmem:$0x1DE20] =	vst v63  }
0x49: {  	s24 =	simm.s32 $0x190;
	s26 =	simm.s32 $0x11620  }
0x4a: {  	[tilespmem:s26], [sflag:$0x6] =	stream.indirect.gather [hbm4b:s5+s18], $0x80, s24, s18, $0xb8;
	[tilespmem:$0x1DE20] =	vst v63  }
0x4b: {  	s29 =	simm.s32 $0x1E0;
	s31 =	simm.s32 $0x13E20  }
0x4c: {  	[tilespmem:s31], [sflag:$0x7] =	stream.indirect.gather [hbm4b:s5+s18], $0x80, s29, s18, $0xb8;
	[tilespmem:$0x1DE20] =	vst v63  }
0x4d: {  	s23 =	simm.s32 $0x230;
	s24 =	simm.s32 $0x16620  }
0x4e: {  	[tilespmem:s24], [sflag:$0x8] =	stream.indirect.gather [hbm4b:s5+s18], $0x80, s23, s18, $0xb8;
	[tilespmem:$0x1DE20] =	vst v63  }
0x4f: {  	s26 =	simm.s32 $0x280;
	s29 =	simm.s32 $0x18E20  }
0x50: {  	[tilespmem:s29], [sflag:$0x9] =	stream.indirect.gather [hbm4b:s5+s18], $0x80, s26, s18, $0xb8;
	[tilespmem:$0x1DE20] =	vst v63  }
0x51: {  	s31 =	simm.s32 $0x2D0;
	s24 =	rddreg [dreg:$0x3];
	s26 =	simm.s32 $0x0  }
0x52: {  	[tilespmem:s28], [sflag:$0xA] =	stream.indirect.gather [hbm4b:s5+s18], $0x80, s31, s18, $0xb8;
	[tilespmem:$0x1DE20] =	vst v63  }
.LBB2_2:
0x53: {  	_ =	swait.ge [sflag:s30], $0x2800  }
0x54: {  	s29 =	sadd.s32 s24, s16;
	[sflag:s30] =	ssyncset.done $0x0  }
0x55: {  	s1 =	simm.s32 $0x4E20;
	p0 =	seq.s32 s26, $0x12C00;
	[sflag:s30] =	ssyncadd.s32 $0xFFFFD800  }
0x56: {  	[hbm4b:s29+s2] =	stream.linear.scatter [tilespmem:s1], [sflag:$0xB], $0x2800, $0x38;
	[tilespmem:$0x1DE20] =	vst v63  }
0x57: {  	s29 =	simm.s32 @!p0 $0xB  }
0x58: {  	_ =	swait.ge @!p0 [sflag:s29], $0x2800  }
0x59: {  	[sflag:s29] =	ssyncset.done @!p0 $0x0  }
0x5a: {  	[sflag:s29] =	ssyncadd.s32 @!p0 $0xFFFFD800;
	s29 =	sshra.s32 @!p0 s26, $0x2  }
0x5b: {  	s31 =	simm.s32 @!p0 $0x50;
	s23 =	simm.s32 @!p0 $0x4E20;
	s1 =	sadd.s32 @!p0 $0x320, s29  }
0x5c: {  	[tilespmem:s23], [sflag:$0x1] =	stream.indirect.gather @!p0 [hbm4b:s5+s31], $0x80, s1, s31, $0xb8;
	[tilespmem:$0x1DE20] =	vst v63  }
0x5d: {  	_ =	swait.ge [sflag:s0], $0x2800  }
0x5e: {  	[sflag:s0] =	ssyncset.done $0x0  }
0x5f: {  	s1 =	sadd.s32 s24, s15;
	s23 =	simm.s32 $0x7620;
	[sflag:s0] =	ssyncadd.s32 $0xFFFFD800  }
0x60: {  	[hbm4b:s1+s2] =	stream.linear.scatter [tilespmem:s23], [sflag:$0xC], $0x2800, $0x38;
	[tilespmem:$0x1DE20] =	vst v63  }
0x61: {  	s1 =	simm.s32 @!p0 $0xC  }
0x62: {  	_ =	swait.ge @!p0 [sflag:s1], $0x2800  }
0x63: {  	[sflag:s1] =	ssyncset.done @!p0 $0x0  }
0x64: {  	s23 =	simm.s32 @!p0 $0x7620;
	[sflag:s1] =	ssyncadd.s32 @!p0 $0xFFFFD800;
	s1 =	sadd.s32 @!p0 $0x370, s29  }
0x65: {  	[tilespmem:s23], [sflag:$0x2] =	stream.indirect.gather @!p0 [hbm4b:s5+s31], $0x80, s1, s31, $0xb8;
	[tilespmem:$0x1DE20] =	vst v63  }
0x66: {  	_ =	swait.ge [sflag:s21], $0x2800  }
0x67: {  	[sflag:s21] =	ssyncset.done $0x0  }
0x68: {  	s1 =	sadd.s32 s24, s14;
	s23 =	simm.s32 $0x9E20;
	[sflag:s21] =	ssyncadd.s32 $0xFFFFD800  }
0x69: {  	[hbm4b:s1+s2] =	stream.linear.scatter [tilespmem:s23], [sflag:$0xD], $0x2800, $0x38;
	[tilespmem:$0x1DE20] =	vst v63  }
0x6a: {  	s1 =	simm.s32 @!p0 $0xD  }
0x6b: {  	_ =	swait.ge @!p0 [sflag:s1], $0x2800  }
0x6c: {  	[sflag:s1] =	ssyncset.done @!p0 $0x0  }
0x6d: {  	s23 =	simm.s32 @!p0 $0x9E20;
	[sflag:s1] =	ssyncadd.s32 @!p0 $0xFFFFD800;
	s1 =	sadd.s32 @!p0 $0x3C0, s29  }
0x6e: {  	[tilespmem:s23], [sflag:$0x3] =	stream.indirect.gather @!p0 [hbm4b:s5+s31], $0x80, s1, s31, $0xb8;
	[tilespmem:$0x1DE20] =	vst v63  }
0x6f: {  	_ =	swait.ge [sflag:s25], $0x2800  }
0x70: {  	[sflag:s25] =	ssyncset.done $0x0  }
0x71: {  	s1 =	sadd.s32 s24, s13;
	s23 =	simm.s32 $0xC620;
	[sflag:s25] =	ssyncadd.s32 $0xFFFFD800  }
0x72: {  	[hbm4b:s1+s2] =	stream.linear.scatter [tilespmem:s23], [sflag:$0xE], $0x2800, $0x38;
	[tilespmem:$0x1DE20] =	vst v63  }
0x73: {  	s1 =	simm.s32 @!p0 $0xE  }
0x74: {  	_ =	swait.ge @!p0 [sflag:s1], $0x2800  }
0x75: {  	[sflag:s1] =	ssyncset.done @!p0 $0x0  }
0x76: {  	s23 =	simm.s32 @!p0 $0xC620;
	[sflag:s1] =	ssyncadd.s32 @!p0 $0xFFFFD800;
	s1 =	sadd.s32 @!p0 $0x410, s29  }
0x77: {  	[tilespmem:s23], [sflag:$0x4] =	stream.indirect.gather @!p0 [hbm4b:s5+s31], $0x80, s1, s31, $0xb8;
	[tilespmem:$0x1DE20] =	vst v63  }
0x78: {  	_ =	swait.ge [sflag:s4], $0x2800  }
0x79: {  	[sflag:s4] =	ssyncset.done $0x0  }
0x7a: {  	s1 =	sadd.s32 s24, s12;
	s23 =	simm.s32 $0xEE20;
	[sflag:s4] =	ssyncadd.s32 $0xFFFFD800  }
0x7b: {  	[hbm4b:s1+s2] =	stream.linear.scatter [tilespmem:s23], [sflag:$0xF], $0x2800, $0x38;
	[tilespmem:$0x1DE20] =	vst v63  }
0x7c: {  	s1 =	simm.s32 @!p0 $0xF  }
0x7d: {  	_ =	swait.ge @!p0 [sflag:s1], $0x2800  }
0x7e: {  	[sflag:s1] =	ssyncset.done @!p0 $0x0  }
0x7f: {  	s23 =	simm.s32 @!p0 $0xEE20;
	[sflag:s1] =	ssyncadd.s32 @!p0 $0xFFFFD800;
	s1 =	sadd.s32 @!p0 $0x460, s29  }
0x80: {  	[tilespmem:s23], [sflag:$0x5] =	stream.indirect.gather @!p0 [hbm4b:s5+s31], $0x80, s1, s31, $0xb8;
	[tilespmem:$0x1DE20] =	vst v63  }
0x81: {  	_ =	swait.ge [sflag:s3], $0x2800  }
0x82: {  	[sflag:s3] =	ssyncset.done $0x0  }
0x83: {  	s1 =	sadd.s32 s24, s11;
	s23 =	simm.s32 $0x11620;
	[sflag:s3] =	ssyncadd.s32 $0xFFFFD800  }
0x84: {  	[hbm4b:s1+s2] =	stream.linear.scatter [tilespmem:s23], [sflag:$0x10], $0x2800, $0x38;
	[tilespmem:$0x1DE20] =	vst v63  }
0x85: {  	s1 =	simm.s32 @!p0 $0x10  }
0x86: {  	_ =	swait.ge @!p0 [sflag:s1], $0x2800  }
0x87: {  	[sflag:s1] =	ssyncset.done @!p0 $0x0  }
0x88: {  	s23 =	simm.s32 @!p0 $0x11620;
	[sflag:s1] =	ssyncadd.s32 @!p0 $0xFFFFD800;
	s1 =	sadd.s32 @!p0 $0x4B0, s29  }
0x89: {  	[tilespmem:s23], [sflag:$0x6] =	stream.indirect.gather @!p0 [hbm4b:s5+s31], $0x80, s1, s31, $0xb8;
	[tilespmem:$0x1DE20] =	vst v63  }
0x8a: {  	_ =	swait.ge [sflag:s6], $0x2800  }
0x8b: {  	[sflag:s6] =	ssyncset.done $0x0  }
0x8c: {  	s1 =	sadd.s32 s24, s10;
	s23 =	simm.s32 $0x13E20;
	[sflag:s6] =	ssyncadd.s32 $0xFFFFD800  }
0x8d: {  	[hbm4b:s1+s2] =	stream.linear.scatter [tilespmem:s23], [sflag:$0x11], $0x2800, $0x38;
	[tilespmem:$0x1DE20] =	vst v63  }
0x8e: {  	s1 =	simm.s32 @!p0 $0x11  }
0x8f: {  	_ =	swait.ge @!p0 [sflag:s1], $0x2800  }
0x90: {  	[sflag:s1] =	ssyncset.done @!p0 $0x0  }
0x91: {  	s23 =	simm.s32 @!p0 $0x13E20;
	[sflag:s1] =	ssyncadd.s32 @!p0 $0xFFFFD800;
	s1 =	sadd.s32 @!p0 $0x500, s29  }
0x92: {  	[tilespmem:s23], [sflag:$0x7] =	stream.indirect.gather @!p0 [hbm4b:s5+s31], $0x80, s1, s31, $0xb8;
	[tilespmem:$0x1DE20] =	vst v63  }
0x93: {  	_ =	swait.ge [sflag:s17], $0x2800  }
0x94: {  	[sflag:s17] =	ssyncset.done $0x0  }
0x95: {  	s1 =	sadd.s32 s24, s9;
	s23 =	simm.s32 $0x16620;
	[sflag:s17] =	ssyncadd.s32 $0xFFFFD800  }
0x96: {  	[hbm4b:s1+s2] =	stream.linear.scatter [tilespmem:s23], [sflag:$0x12], $0x2800, $0x38;
	[tilespmem:$0x1DE20] =	vst v63  }
0x97: {  	s1 =	simm.s32 @!p0 $0x12  }
0x98: {  	_ =	swait.ge @!p0 [sflag:s1], $0x2800  }
0x99: {  	[sflag:s1] =	ssyncset.done @!p0 $0x0  }
0x9a: {  	s23 =	simm.s32 @!p0 $0x16620;
	[sflag:s1] =	ssyncadd.s32 @!p0 $0xFFFFD800;
	s1 =	sadd.s32 @!p0 $0x550, s29  }
0x9b: {  	[tilespmem:s23], [sflag:$0x8] =	stream.indirect.gather @!p0 [hbm4b:s5+s31], $0x80, s1, s31, $0xb8;
	[tilespmem:$0x1DE20] =	vst v63  }
0x9c: {  	_ =	swait.ge [sflag:s19], $0x2800  }
0x9d: {  	[sflag:s19] =	ssyncset.done $0x0  }
0x9e: {  	s1 =	sadd.s32 s24, s8;
	s23 =	simm.s32 $0x18E20;
	[sflag:s19] =	ssyncadd.s32 $0xFFFFD800  }
0x9f: {  	[hbm4b:s1+s2] =	stream.linear.scatter [tilespmem:s23], [sflag:$0x13], $0x2800, $0x38;
	[tilespmem:$0x1DE20] =	vst v63  }
0xa0: {  	s1 =	simm.s32 @!p0 $0x13  }
0xa1: {  	_ =	swait.ge @!p0 [sflag:s1], $0x2800  }
0xa2: {  	[sflag:s1] =	ssyncset.done @!p0 $0x0  }
0xa3: {  	s23 =	simm.s32 @!p0 $0x18E20;
	[sflag:s1] =	ssyncadd.s32 @!p0 $0xFFFFD800;
	s1 =	sadd.s32 @!p0 $0x5A0, s29  }
0xa4: {  	[tilespmem:s23], [sflag:$0x9] =	stream.indirect.gather @!p0 [hbm4b:s5+s31], $0x80, s1, s31, $0xb8;
	[tilespmem:$0x1DE20] =	vst v63  }
.Ltmp2:
0xa5: {  	_ = 	snop;
	(pc) =	sbr.rel @p0 .LBB2_4-.Ltmp2, $4  }
0xa6: {  	_ =	swait.ge [sflag:s20], $0x2800  }
0xa7: {  	[sflag:s20] =	ssyncset.done $0x0  }
0xa8: {  	s31 =	sadd.s32 s24, s7;
	[sflag:s20] =	ssyncadd.s32 $0xFFFFD800  }
0xa9: {  	[hbm4b:s31+s2] =	stream.linear.scatter [tilespmem:s28], [sflag:$0x14], $0x2800, $0x38;
	[tilespmem:$0x1DE20] =	vst v63  }
.Ltmp3:
0xaa: {  	(pc) =	sbr.rel .LBB2_2-.Ltmp3, $4  }
0xab: {  	_ =	swait.ge [sflag:s22], $0x2800  }
0xac: {  	s1 =	sshra.s32 s26, $0x2;
	s26 =	sadd.s32 $0xC80, s26;
	[sflag:s22] =	ssyncset.done $0x0  }
0xad: {  	s24 =	sadd.s32 $0x3200, s24;
	s1 =	sadd.s32 $0x5F0, s1;
	[sflag:s22] =	ssyncadd.s32 $0xFFFFD800  }
0xae: {  	[tilespmem:s28], [sflag:$0xA] =	stream.indirect.gather [hbm4b:s5+s18], $0x80, s1, s18, $0xb8;
	[tilespmem:$0x1DE20] =	vst v63  }
.LBB2_5:
0xaf: {  	_ =	sfence.sel $0x180000  }
0xb0: {  	[bflag:$0x0] =	sbarrier.arrive $0xFFFF  }
0xb1: {  	_ =	strace $0x90000053  }
0xb2: {  	s0 =	stileid.u32;
	[bflag:$0x2] =	sbarrier.arrive $0xFFFF  }
0xb3: {  	p0 =	sne.s32 s0, $0x0;
	s0 =	rddreg [dreg:$0x2]  }
0xb4: {  	s0 =	sadd.s32 @!p0 $0x100000, s0  }
0xb5: {  	[sflag:s0] =	ssyncadd.tile.s32 @!p0 $0x1;
	_ =	shalt  }
.Lfunc_end2:
_tile_overlayer_lowered:
.L_overlay_start_2:
0xb6: {  	(tag) =	ssettag $0x2  }
0xb7: {  	s0 =	rddreg [dreg:$0x0];
	s2 =	stileid.u32  }
0xb8: {  	s1 =	rddreg [dreg:$0x1];
	p0 =	sne.s32 s2, $0x0  }
0xb9: {  	s3 =	rddreg [dreg:$0x2];
	[bflag:$0x3] =	sbarrier.arrive $0xFFFF;
	s2 =	simm.s32 @!p0 $0x1C15  }
0xba: {  	[timem:s3], [sflag:s2] =	dma.local @!p0 [hbm:s0], s1  }
0xbb: {  	s0 =	simm.s32 @!p0 $0x15  }
0xbc: {  	_ =	swait.ge @!p0 [sflag:s0], s1  }
0xbd: {  	s1 =	ssub.s32 @!p0 $0x0, s1;
	[sflag:s0] =	ssyncset.done @!p0 $0x0  }
0xbe: {  	[sflag:s0] =	ssyncadd.s32 @!p0 s1  }
0xbf: {  	[bflag:$0x3] =	sbarrier.arrive $0xFFFF  }
0xc0: {  	_ =	shalt  }

</sc_bundles>
